<compile_context>
chip_gen: v7x
topology: tpu7x:2x2x1
jax: 0.10.2.dev20260603
libtpu: 0.0.44.dev20260713+nightly
codegen_flags: <defaults>
</compile_context>

<pallas_src>
import functools

import jax
import jax.numpy as jnp
from jax import lax
from jax.experimental import pallas as pl
from jax.experimental.pallas import tpu as pltpu
from jax.experimental.pallas import tpu_sc as plsc

_B = 4096
_L = 2048

_NC = 2
_NS = 16
_NW = _NC * _NS
_RC = 2
_NBUF = 4
_NSLICE = _L // 16
_RPW = _B // _NW
_NCHUNK = _RPW // _RC


@functools.partial(
    pl.kernel,
    mesh=plsc.VectorSubcoreMesh(core_axis_name="c", subcore_axis_name="s"),
    out_type=jax.ShapeDtypeStruct((_B, 4, _L), jnp.float32),
    scratch_types=[
        pltpu.VMEM((_NBUF, _RC, _L), jnp.int32),
        pltpu.VMEM((_NBUF, _RC, 4, _L), jnp.float32),
    ]
    + [pltpu.SemaphoreType.DMA] * (2 * _NBUF),
)
def _sc_onehot(seq_hbm, out_hbm, seq_v, out_v, *sems):
    wid = lax.axis_index("s") * _NC + lax.axis_index("c")
    base = wid * _RPW
    sins = sems[:_NBUF]
    souts = sems[_NBUF:]

    def start_in(c, b):
        row0 = base + c * _RC
        pltpu.make_async_copy(
            seq_hbm.at[pl.ds(row0, _RC)], seq_v.at[b], sins[b]
        ).start()

    def wait_in(c, b):
        row0 = base + c * _RC
        pltpu.make_async_copy(
            seq_hbm.at[pl.ds(row0, _RC)], seq_v.at[b], sins[b]
        ).wait()

    def start_out(c, b):
        row0 = base + c * _RC
        pltpu.make_async_copy(
            out_v.at[b], out_hbm.at[pl.ds(row0, _RC)], souts[b]
        ).start()

    def wait_out(c, b):
        row0 = base + c * _RC
        pltpu.make_async_copy(
            out_v.at[b], out_hbm.at[pl.ds(row0, _RC)], souts[b]
        ).wait()

    for b in range(_NBUF):
        start_in(b, b)

    def quad_body(cq, carry):
        c0 = cq * _NBUF
        for b in range(_NBUF):
            c = c0 + b
            wait_in(c, b)

            @pl.when(c >= _NBUF)
            def _():
                wait_out(c - _NBUF, b)

            def slice_body(j, carry2):
                off = j * 16
                for r in range(_RC):
                    s = seq_v[b, r, pl.ds(off, 16)]
                    for i in range(4):
                        out_v[b, r, i, pl.ds(off, 16)] = jnp.where(
                            s == i, jnp.float32(1.0), jnp.float32(0.0)
                        )
                return carry2

            lax.fori_loop(0, _NSLICE, slice_body, 0, unroll=4)
            start_out(c, b)

            @pl.when(c + _NBUF < _NCHUNK)
            def _():
                start_in(c + _NBUF, b)

        return carry

    lax.fori_loop(0, _NCHUNK // _NBUF, quad_body, 0, unroll=False)
    for b in range(_NBUF):
        wait_out(_NCHUNK - _NBUF + b, b)


def kernel(sequences):
    seq = sequences.astype(jnp.int32)
    return _sc_onehot(seq)

# --- scband reference (transcript-rebuilt; emitter-appended) ---
"""Pipeline reference for scband-gpuone-hot-encoder-76364518522981 (READ-ONLY COPY).

The authoritative reference and input builder live on the scoring server;
editing this copy changes nothing except your own understanding.
"""

import jax, jax.numpy as jnp
import numpy as np

def setup_inputs(seed: int = 0) -> dict:
    key = jax.random.key(seed)
    sequences = jax.random.randint(key, (4096, 2048), 0, 4, dtype=jnp.int64)
    return {"sequences": sequences}

def reference(sequences):
    # Faithful translation of GPUOneHotEncoder.forward for the torch.Tensor path:
    # one_hot[:, i, :] = (indices == i) for i in 0..3, output (B, 4, L) float32
    one_hot = (sequences[:, None, :] == jnp.arange(4, dtype=sequences.dtype)[None, :, None]).astype(jnp.float32)
    return one_hot

if __name__ == "__main__":
    import jax
    _d = setup_inputs()
    print(jax.jit(kernel)(*tuple(_d.values())))

</pallas_src>

<mosaic_0001>
#map = affine_map<(d0, d1) -> (0, 0)>
#map1 = affine_map<(d0, d1) -> (0, 0, 0)>
module attributes {stable_mosaic.version = 14 : i64} {
  func.func @_sc_onehot(%arg0: i32, %arg1: i32, %arg2: memref<4096x2048xi32, #tpu.memory_space<hbm>>, %arg3: memref<4096x4x2048xf32, #tpu.memory_space<hbm>>, %arg4: memref<4x2x2048xi32, #tpu.memory_space<vmem>>, %arg5: memref<4x2x4x2048xf32, #tpu.memory_space<vmem>>, %arg6: memref<!tpu.dma_semaphore, #tpu.memory_space<semaphore_mem>>, %arg7: memref<!tpu.dma_semaphore, #tpu.memory_space<semaphore_mem>>, %arg8: memref<!tpu.dma_semaphore, #tpu.memory_space<semaphore_mem>>, %arg9: memref<!tpu.dma_semaphore, #tpu.memory_space<semaphore_mem>>, %arg10: memref<!tpu.dma_semaphore, #tpu.memory_space<semaphore_mem>>, %arg11: memref<!tpu.dma_semaphore, #tpu.memory_space<semaphore_mem>>, %arg12: memref<!tpu.dma_semaphore, #tpu.memory_space<semaphore_mem>>, %arg13: memref<!tpu.dma_semaphore, #tpu.memory_space<semaphore_mem>>) attributes {dimension_semantics = [#tpu.dimension_semantics<core_parallel>, #tpu.dimension_semantics<subcore_parallel>], iteration_bounds = array<i64: 2, 16>, scalar_prefetch = 0 : i64, scratch_operands = 10 : i64, tpu.core_type = #tpu.core_type<sc_vector_subcore>, window_params = [{transform_indices = #map}, {transform_indices = #map1}]} {
    %mul3A = arith.constant 2 : i32
    %mul3A_0 = arith.muli %arg1, %mul3A : i32
    %add3A = arith.addi %mul3A_0, %arg0 : i32
    %mul3A_1 = arith.constant 128 : i32
    %mul3A_2 = arith.muli %add3A, %mul3A_1 : i32
    %add3A_3 = arith.constant 0 : i32
    %add3A_4 = arith.addi %mul3A_2, %add3A_3 : i32
    %dma_start3A = arith.constant 0 : i32
    %dma_start3A_5 = arith.constant 0 : i32
    %dma_start3A_6 = arith.constant 0 : i32
    %dma_start3A_7 = tpu.memref_slice %arg4[%dma_start3A, %dma_start3A_5, %dma_start3A_6] : memref<4x2x2048xi32, #tpu.memory_space<vmem>> -> memref<1x2x2048xi32, #tpu.memory_space<vmem>>
    %dma_start3A_8 = tpu.memref_squeeze %dma_start3A_7 : memref<1x2x2048xi32, #tpu.memory_space<vmem>> -> memref<2x2048xi32, #tpu.memory_space<vmem>>
    %dma_start3A_9 = arith.constant 0 : i32
    %dma_start3A_10 = tpu.memref_slice %arg2[%add3A_4, %dma_start3A_9] : memref<4096x2048xi32, #tpu.memory_space<hbm>> -> memref<2x2048xi32, #tpu.memory_space<hbm>>
    %dma_start3A_11 = arith.constant 0 : i32
    %dma_start3A_12 = arith.constant 0 : i32
    %dma_start3A_13 = tpu.memref_slice %arg4[%dma_start3A, %dma_start3A_11, %dma_start3A_12] : memref<4x2x2048xi32, #tpu.memory_space<vmem>> -> memref<1x2x2048xi32, #tpu.memory_space<vmem>>
    %dma_start3A_14 = tpu.memref_squeeze %dma_start3A_13 : memref<1x2x2048xi32, #tpu.memory_space<vmem>> -> memref<2x2048xi32, #tpu.memory_space<vmem>>
    %dma_start3A_15 = arith.constant 0 : i32
    %dma_start3A_16 = tpu.memref_slice %arg2[%add3A_4, %dma_start3A_15] : memref<4096x2048xi32, #tpu.memory_space<hbm>> -> memref<2x2048xi32, #tpu.memory_space<hbm>>
    tpu.enqueue_dma source(%dma_start3A_16 : memref<2x2048xi32, #tpu.memory_space<hbm>>) target(%dma_start3A_14 : memref<2x2048xi32, #tpu.memory_space<vmem>>) target_semaphore(%arg6 : memref<!tpu.dma_semaphore, #tpu.memory_space<semaphore_mem>>)
    %add3A_17 = arith.constant 2 : i32
    %add3A_18 = arith.addi %mul3A_2, %add3A_17 : i32
    %dma_start3A_19 = arith.constant 1 : i32
    %dma_start3A_20 = arith.constant 0 : i32
    %dma_start3A_21 = arith.constant 0 : i32
    %dma_start3A_22 = tpu.memref_slice %arg4[%dma_start3A_19, %dma_start3A_20, %dma_start3A_21] : memref<4x2x2048xi32, #tpu.memory_space<vmem>> -> memref<1x2x2048xi32, #tpu.memory_space<vmem>>
    %dma_start3A_23 = tpu.memref_squeeze %dma_start3A_22 : memref<1x2x2048xi32, #tpu.memory_space<vmem>> -> memref<2x2048xi32, #tpu.memory_space<vmem>>
    %dma_start3A_24 = arith.constant 0 : i32
    %dma_start3A_25 = tpu.memref_slice %arg2[%add3A_18, %dma_start3A_24] : memref<4096x2048xi32, #tpu.memory_space<hbm>> -> memref<2x2048xi32, #tpu.memory_space<hbm>>
    %dma_start3A_26 = arith.constant 0 : i32
    %dma_start3A_27 = arith.constant 0 : i32
    %dma_start3A_28 = tpu.memref_slice %arg4[%dma_start3A_19, %dma_start3A_26, %dma_start3A_27] : memref<4x2x2048xi32, #tpu.memory_space<vmem>> -> memref<1x2x2048xi32, #tpu.memory_space<vmem>>
    %dma_start3A_29 = tpu.memref_squeeze %dma_start3A_28 : memref<1x2x2048xi32, #tpu.memory_space<vmem>> -> memref<2x2048xi32, #tpu.memory_space<vmem>>
    %dma_start3A_30 = arith.constant 0 : i32
    %dma_start3A_31 = tpu.memref_slice %arg2[%add3A_18, %dma_start3A_30] : memref<4096x2048xi32, #tpu.memory_space<hbm>> -> memref<2x2048xi32, #tpu.memory_space<hbm>>
    tpu.enqueue_dma source(%dma_start3A_31 : memref<2x2048xi32, #tpu.memory_space<hbm>>) target(%dma_start3A_29 : memref<2x2048xi32, #tpu.memory_space<vmem>>) target_semaphore(%arg7 : memref<!tpu.dma_semaphore, #tpu.memory_space<semaphore_mem>>)
    %add3A_32 = arith.constant 4 : i32
    %add3A_33 = arith.addi %mul3A_2, %add3A_32 : i32
    %dma_start3A_34 = arith.constant 2 : i32
    %dma_start3A_35 = arith.constant 0 : i32
    %dma_start3A_36 = arith.constant 0 : i32
    %dma_start3A_37 = tpu.memref_slice %arg4[%dma_start3A_34, %dma_start3A_35, %dma_start3A_36] : memref<4x2x2048xi32, #tpu.memory_space<vmem>> -> memref<1x2x2048xi32, #tpu.memory_space<vmem>>
    %dma_start3A_38 = tpu.memref_squeeze %dma_start3A_37 : memref<1x2x2048xi32, #tpu.memory_space<vmem>> -> memref<2x2048xi32, #tpu.memory_space<vmem>>
    %dma_start3A_39 = arith.constant 0 : i32
    %dma_start3A_40 = tpu.memref_slice %arg2[%add3A_33, %dma_start3A_39] : memref<4096x2048xi32, #tpu.memory_space<hbm>> -> memref<2x2048xi32, #tpu.memory_space<hbm>>
    %dma_start3A_41 = arith.constant 0 : i32
    %dma_start3A_42 = arith.constant 0 : i32
    %dma_start3A_43 = tpu.memref_slice %arg4[%dma_start3A_34, %dma_start3A_41, %dma_start3A_42] : memref<4x2x2048xi32, #tpu.memory_space<vmem>> -> memref<1x2x2048xi32, #tpu.memory_space<vmem>>
    %dma_start3A_44 = tpu.memref_squeeze %dma_start3A_43 : memref<1x2x2048xi32, #tpu.memory_space<vmem>> -> memref<2x2048xi32, #tpu.memory_space<vmem>>
    %dma_start3A_45 = arith.constant 0 : i32
    %dma_start3A_46 = tpu.memref_slice %arg2[%add3A_33, %dma_start3A_45] : memref<4096x2048xi32, #tpu.memory_space<hbm>> -> memref<2x2048xi32, #tpu.memory_space<hbm>>
    tpu.enqueue_dma source(%dma_start3A_46 : memref<2x2048xi32, #tpu.memory_space<hbm>>) target(%dma_start3A_44 : memref<2x2048xi32, #tpu.memory_space<vmem>>) target_semaphore(%arg8 : memref<!tpu.dma_semaphore, #tpu.memory_space<semaphore_mem>>)
    %add3A_47 = arith.constant 6 : i32
    %add3A_48 = arith.addi %mul3A_2, %add3A_47 : i32
    %dma_start3A_49 = arith.constant 3 : i32
    %dma_start3A_50 = arith.constant 0 : i32
    %dma_start3A_51 = arith.constant 0 : i32
    %dma_start3A_52 = tpu.memref_slice %arg4[%dma_start3A_49, %dma_start3A_50, %dma_start3A_51] : memref<4x2x2048xi32, #tpu.memory_space<vmem>> -> memref<1x2x2048xi32, #tpu.memory_space<vmem>>
    %dma_start3A_53 = tpu.memref_squeeze %dma_start3A_52 : memref<1x2x2048xi32, #tpu.memory_space<vmem>> -> memref<2x2048xi32, #tpu.memory_space<vmem>>
    %dma_start3A_54 = arith.constant 0 : i32
    %dma_start3A_55 = tpu.memref_slice %arg2[%add3A_48, %dma_start3A_54] : memref<4096x2048xi32, #tpu.memory_space<hbm>> -> memref<2x2048xi32, #tpu.memory_space<hbm>>
    %dma_start3A_56 = arith.constant 0 : i32
    %dma_start3A_57 = arith.constant 0 : i32
    %dma_start3A_58 = tpu.memref_slice %arg4[%dma_start3A_49, %dma_start3A_56, %dma_start3A_57] : memref<4x2x2048xi32, #tpu.memory_space<vmem>> -> memref<1x2x2048xi32, #tpu.memory_space<vmem>>
    %dma_start3A_59 = tpu.memref_squeeze %dma_start3A_58 : memref<1x2x2048xi32, #tpu.memory_space<vmem>> -> memref<2x2048xi32, #tpu.memory_space<vmem>>
    %dma_start3A_60 = arith.constant 0 : i32
    %dma_start3A_61 = tpu.memref_slice %arg2[%add3A_48, %dma_start3A_60] : memref<4096x2048xi32, #tpu.memory_space<hbm>> -> memref<2x2048xi32, #tpu.memory_space<hbm>>
    tpu.enqueue_dma source(%dma_start3A_61 : memref<2x2048xi32, #tpu.memory_space<hbm>>) target(%dma_start3A_59 : memref<2x2048xi32, #tpu.memory_space<vmem>>) target_semaphore(%arg9 : memref<!tpu.dma_semaphore, #tpu.memory_space<semaphore_mem>>)
    %scan3A = arith.constant 0 : i32
    %scan3A_62 = arith.constant 0 : i32
    %scan3A_63 = arith.constant 16 : i32
    %scan3A_64 = arith.addi %scan3A_62, %scan3A_63 : i32
    %scan3A_65 = arith.constant 1 : i32
    scf.for %scan3A_142 = %scan3A_62 to %scan3A_64 step %scan3A_65  : i32 {
      %mul3A_143 = arith.constant 4 : i32
      %mul3A_144 = arith.muli %scan3A_142, %mul3A_143 : i32
      %add3A_145 = arith.constant 0 : i32
      %add3A_146 = arith.addi %mul3A_144, %add3A_145 : i32
      %mul3A_147 = arith.constant 2 : i32
      %mul3A_148 = arith.muli %add3A_146, %mul3A_147 : i32
      %add3A_149 = arith.addi %mul3A_2, %mul3A_148 : i32
      %dma_wait3A_150 = arith.constant 0 : i32
      %dma_wait3A_151 = arith.constant 0 : i32
      %dma_wait3A_152 = arith.constant 0 : i32
      %dma_wait3A_153 = tpu.memref_slice %arg4[%dma_wait3A_150, %dma_wait3A_151, %dma_wait3A_152] : memref<4x2x2048xi32, #tpu.memory_space<vmem>> -> memref<1x2x2048xi32, #tpu.memory_space<vmem>>
      %dma_wait3A_154 = tpu.memref_squeeze %dma_wait3A_153 : memref<1x2x2048xi32, #tpu.memory_space<vmem>> -> memref<2x2048xi32, #tpu.memory_space<vmem>>
      %dma_wait3A_155 = arith.constant 0 : i32
      %dma_wait3A_156 = tpu.memref_slice %arg2[%add3A_149, %dma_wait3A_155] : memref<4096x2048xi32, #tpu.memory_space<hbm>> -> memref<2x2048xi32, #tpu.memory_space<hbm>>
      %dma_wait3A_157 = arith.constant 0 : i32
      %dma_wait3A_158 = arith.constant 0 : i32
      %dma_wait3A_159 = tpu.memref_slice %arg4[%dma_wait3A_150, %dma_wait3A_157, %dma_wait3A_158] : memref<4x2x2048xi32, #tpu.memory_space<vmem>> -> memref<1x2x2048xi32, #tpu.memory_space<vmem>>
      %dma_wait3A_160 = tpu.memref_squeeze %dma_wait3A_159 : memref<1x2x2048xi32, #tpu.memory_space<vmem>> -> memref<2x2048xi32, #tpu.memory_space<vmem>>
      %dma_wait3A_161 = arith.constant 0 : i32
      %dma_wait3A_162 = tpu.memref_slice %arg2[%add3A_149, %dma_wait3A_161] : memref<4096x2048xi32, #tpu.memory_space<hbm>> -> memref<2x2048xi32, #tpu.memory_space<hbm>>
      tpu.wait_dma2 semaphore(%arg6 : memref<!tpu.dma_semaphore, #tpu.memory_space<semaphore_mem>>) src(%dma_wait3A_162 : memref<2x2048xi32, #tpu.memory_space<hbm>>) dst(%dma_wait3A_160 : memref<2x2048xi32, #tpu.memory_space<vmem>>)
      %ge3A = arith.constant 4 : i32
      %ge3A_163 = arith.cmpi sge, %add3A_146, %ge3A : i32
      %convert_element_type3A = arith.extui %ge3A_163 : i1 to i32
      %cond3A = arith.constant 0 : i32
      %cond3A_164 = arith.cmpi ne, %convert_element_type3A, %cond3A : i32
      scf.if %cond3A_164 {
        %sub3A = arith.constant 4 : i32
        %sub3A_365 = arith.subi %add3A_146, %sub3A : i32
        %mul3A_366 = arith.constant 2 : i32
        %mul3A_367 = arith.muli %sub3A_365, %mul3A_366 : i32
        %add3A_368 = arith.addi %mul3A_2, %mul3A_367 : i32
        %dma_wait3A_369 = arith.constant 0 : i32
        %dma_wait3A_370 = arith.constant 0 : i32
        %dma_wait3A_371 = arith.constant 0 : i32
        %dma_wait3A_372 = arith.constant 0 : i32
        %dma_wait3A_373 = tpu.memref_slice %arg5[%dma_wait3A_369, %dma_wait3A_370, %dma_wait3A_371, %dma_wait3A_372] : memref<4x2x4x2048xf32, #tpu.memory_space<vmem>> -> memref<1x2x4x2048xf32, #tpu.memory_space<vmem>>
        %dma_wait3A_374 = tpu.memref_squeeze %dma_wait3A_373 : memref<1x2x4x2048xf32, #tpu.memory_space<vmem>> -> memref<2x4x2048xf32, #tpu.memory_space<vmem>>
        %dma_wait3A_375 = arith.constant 0 : i32
        %dma_wait3A_376 = arith.constant 0 : i32
        %dma_wait3A_377 = tpu.memref_slice %arg3[%add3A_368, %dma_wait3A_375, %dma_wait3A_376] : memref<4096x4x2048xf32, #tpu.memory_space<hbm>> -> memref<2x4x2048xf32, #tpu.memory_space<hbm>>
        %dma_wait3A_378 = arith.constant 0 : i32
        %dma_wait3A_379 = arith.constant 0 : i32
        %dma_wait3A_380 = tpu.memref_slice %arg3[%add3A_368, %dma_wait3A_378, %dma_wait3A_379] : memref<4096x4x2048xf32, #tpu.memory_space<hbm>> -> memref<2x4x2048xf32, #tpu.memory_space<hbm>>
        %dma_wait3A_381 = arith.constant 0 : i32
        %dma_wait3A_382 = arith.constant 0 : i32
        %dma_wait3A_383 = arith.constant 0 : i32
        %dma_wait3A_384 = tpu.memref_slice %arg5[%dma_wait3A_369, %dma_wait3A_381, %dma_wait3A_382, %dma_wait3A_383] : memref<4x2x4x2048xf32, #tpu.memory_space<vmem>> -> memref<1x2x4x2048xf32, #tpu.memory_space<vmem>>
        %dma_wait3A_385 = tpu.memref_squeeze %dma_wait3A_384 : memref<1x2x4x2048xf32, #tpu.memory_space<vmem>> -> memref<2x4x2048xf32, #tpu.memory_space<vmem>>
        tpu.wait_dma2 semaphore(%arg10 : memref<!tpu.dma_semaphore, #tpu.memory_space<semaphore_mem>>) src(%dma_wait3A_385 : memref<2x4x2048xf32, #tpu.memory_space<vmem>>) dst(%dma_wait3A_380 : memref<2x4x2048xf32, #tpu.memory_space<hbm>>)
      } else {
      }
      %scan3A_165 = arith.constant 0 : i32
      %scan3A_166 = arith.constant 0 : i32
      %scan3A_167 = arith.constant 128 : i32
      %scan3A_168 = arith.addi %scan3A_166, %scan3A_167 : i32
      %scan3A_169 = arith.constant 4 : i32
      scf.for %scan3A_365 = %scan3A_166 to %scan3A_168 step %scan3A_169  : i32 {
        %mul3A_366 = arith.constant 16 : i32
        %mul3A_367 = arith.muli %scan3A_365, %mul3A_366 : i32
        %get3A = arith.constant 0 : i32
        %get3A_368 = arith.constant 0 : i32
        %get3A_369 = arith.index_cast %get3A : i32 to index
        %get3A_370 = arith.index_cast %get3A_368 : i32 to index
        %get3A_371 = arith.index_cast %mul3A_367 : i32 to index
        %get3A_372 = tpu.vector_load %arg4[%get3A_369, %get3A_370, %get3A_371] {strides = array<i32>} : memref<4x2x2048xi32, #tpu.memory_space<vmem>>, vector<1x1x16xi32>,
        %get3A_373 = vector.shape_cast %get3A_372 : vector<1x1x16xi32> to vector<16xi32>
        %eq3A = arith.constant 0 : i32
        %eq3A_374 = vector.broadcast %eq3A : i32 to vector<16xi32>
        %eq3A_375 = arith.cmpi eq, %get3A_373, %eq3A_374 : vector<16xi32>
        %jit3A = arith.constant 1.000000e+00 : f32
        %jit3A_376 = arith.constant 0.000000e+00 : f32
        %broadcast_in_dim3A = vector.broadcast %jit3A : f32 to vector<16xf32>
        %broadcast_in_dim3A_377 = vector.broadcast %jit3A_376 : f32 to vector<16xf32>
        %select_n3A = arith.select %eq3A_375, %broadcast_in_dim3A, %broadcast_in_dim3A_377 : vector<16xi1>, vector<16xf32>
        %swap3A = arith.constant 0 : i32
        %swap3A_378 = arith.constant 0 : i32
        %swap3A_379 = arith.constant 0 : i32
        %swap3A_380 = arith.index_cast %swap3A : i32 to index
        %swap3A_381 = arith.index_cast %swap3A_378 : i32 to index
        %swap3A_382 = arith.index_cast %swap3A_379 : i32 to index
        %swap3A_383 = arith.index_cast %mul3A_367 : i32 to index
        %swap3A_384 = tpu.vector_load %arg5[%swap3A_380, %swap3A_381, %swap3A_382, %swap3A_383] {strides = array<i32>} : memref<4x2x4x2048xf32, #tpu.memory_space<vmem>>, vector<1x1x1x16xf32>,
        %swap3A_385 = vector.shape_cast %swap3A_384 : vector<1x1x1x16xf32> to vector<16xf32>
        %swap3A_386 = vector.shape_cast %select_n3A : vector<16xf32> to vector<1x1x1x16xf32>
        tpu.vector_store %arg5[%swap3A_380, %swap3A_381, %swap3A_382, %swap3A_383], %swap3A_386 {strides = array<i32>} : memref<4x2x4x2048xf32, #tpu.memory_space<vmem>>, vector<1x1x1x16xf32>,
        %eq3A_387 = arith.constant 1 : i32
        %eq3A_388 = vector.broadcast %eq3A_387 : i32 to vector<16xi32>
        %eq3A_389 = arith.cmpi eq, %get3A_373, %eq3A_388 : vector<16xi32>
        %jit3A_390 = arith.constant 1.000000e+00 : f32
        %jit3A_391 = arith.constant 0.000000e+00 : f32
        %broadcast_in_dim3A_392 = vector.broadcast %jit3A_390 : f32 to vector<16xf32>
        %broadcast_in_dim3A_393 = vector.broadcast %jit3A_391 : f32 to vector<16xf32>
        %select_n3A_394 = arith.select %eq3A_389, %broadcast_in_dim3A_392, %broadcast_in_dim3A_393 : vector<16xi1>, vector<16xf32>
        %swap3A_395 = arith.constant 0 : i32
        %swap3A_396 = arith.constant 0 : i32
        %swap3A_397 = arith.constant 1 : i32
        %swap3A_398 = arith.index_cast %swap3A_395 : i32 to index
        %swap3A_399 = arith.index_cast %swap3A_396 : i32 to index
        %swap3A_400 = arith.index_cast %swap3A_397 : i32 to index
        %swap3A_401 = arith.index_cast %mul3A_367 : i32 to index
        %swap3A_402 = tpu.vector_load %arg5[%swap3A_398, %swap3A_399, %swap3A_400, %swap3A_401] {strides = array<i32>} : memref<4x2x4x2048xf32, #tpu.memory_space<vmem>>, vector<1x1x1x16xf32>,
        %swap3A_403 = vector.shape_cast %swap3A_402 : vector<1x1x1x16xf32> to vector<16xf32>
        %swap3A_404 = vector.shape_cast %select_n3A_394 : vector<16xf32> to vector<1x1x1x16xf32>
        tpu.vector_store %arg5[%swap3A_398, %swap3A_399, %swap3A_400, %swap3A_401], %swap3A_404 {strides = array<i32>} : memref<4x2x4x2048xf32, #tpu.memory_space<vmem>>, vector<1x1x1x16xf32>,
        %eq3A_405 = arith.constant 2 : i32
        %eq3A_406 = vector.broadcast %eq3A_405 : i32 to vector<16xi32>
        %eq3A_407 = arith.cmpi eq, %get3A_373, %eq3A_406 : vector<16xi32>
        %jit3A_408 = arith.constant 1.000000e+00 : f32
        %jit3A_409 = arith.constant 0.000000e+00 : f32
        %broadcast_in_dim3A_410 = vector.broadcast %jit3A_408 : f32 to vector<16xf32>
        %broadcast_in_dim3A_411 = vector.broadcast %jit3A_409 : f32 to vector<16xf32>
        %select_n3A_412 = arith.select %eq3A_407, %broadcast_in_dim3A_410, %broadcast_in_dim3A_411 : vector<16xi1>, vector<16xf32>
        %swap3A_413 = arith.constant 0 : i32
        %swap3A_414 = arith.constant 0 : i32
        %swap3A_415 = arith.constant 2 : i32
        %swap3A_416 = arith.index_cast %swap3A_413 : i32 to index
        %swap3A_417 = arith.index_cast %swap3A_414 : i32 to index
        %swap3A_418 = arith.index_cast %swap3A_415 : i32 to index
        %swap3A_419 = arith.index_cast %mul3A_367 : i32 to index
        %swap3A_420 = tpu.vector_load %arg5[%swap3A_416, %swap3A_417, %swap3A_418, %swap3A_419] {strides = array<i32>} : memref<4x2x4x2048xf32, #tpu.memory_space<vmem>>, vector<1x1x1x16xf32>,
        %swap3A_421 = vector.shape_cast %swap3A_420 : vector<1x1x1x16xf32> to vector<16xf32>
        %swap3A_422 = vector.shape_cast %select_n3A_412 : vector<16xf32> to vector<1x1x1x16xf32>
        tpu.vector_store %arg5[%swap3A_416, %swap3A_417, %swap3A_418, %swap3A_419], %swap3A_422 {strides = array<i32>} : memref<4x2x4x2048xf32, #tpu.memory_space<vmem>>, vector<1x1x1x16xf32>,
        %eq3A_423 = arith.constant 3 : i32
        %eq3A_424 = vector.broadcast %eq3A_423 : i32 to vector<16xi32>
        %eq3A_425 = arith.cmpi eq, %get3A_373, %eq3A_424 : vector<16xi32>
        %jit3A_426 = arith.constant 1.000000e+00 : f32
        %jit3A_427 = arith.constant 0.000000e+00 : f32
        %broadcast_in_dim3A_428 = vector.broadcast %jit3A_426 : f32 to vector<16xf32>
        %broadcast_in_dim3A_429 = vector.broadcast %jit3A_427 : f32 to vector<16xf32>
        %select_n3A_430 = arith.select %eq3A_425, %broadcast_in_dim3A_428, %broadcast_in_dim3A_429 : vector<16xi1>, vector<16xf32>
        %swap3A_431 = arith.constant 0 : i32
        %swap3A_432 = arith.constant 0 : i32
        %swap3A_433 = arith.constant 3 : i32
        %swap3A_434 = arith.index_cast %swap3A_431 : i32 to index
        %swap3A_435 = arith.index_cast %swap3A_432 : i32 to index
        %swap3A_436 = arith.index_cast %swap3A_433 : i32 to index
        %swap3A_437 = arith.index_cast %mul3A_367 : i32 to index
        %swap3A_438 = tpu.vector_load %arg5[%swap3A_434, %swap3A_435, %swap3A_436, %swap3A_437] {strides = array<i32>} : memref<4x2x4x2048xf32, #tpu.memory_space<vmem>>, vector<1x1x1x16xf32>,
        %swap3A_439 = vector.shape_cast %swap3A_438 : vector<1x1x1x16xf32> to vector<16xf32>
        %swap3A_440 = vector.shape_cast %select_n3A_430 : vector<16xf32> to vector<1x1x1x16xf32>
        tpu.vector_store %arg5[%swap3A_434, %swap3A_435, %swap3A_436, %swap3A_437], %swap3A_440 {strides = array<i32>} : memref<4x2x4x2048xf32, #tpu.memory_space<vmem>>, vector<1x1x1x16xf32>,
        %get3A_441 = arith.constant 0 : i32
        %get3A_442 = arith.constant 1 : i32
        %get3A_443 = arith.index_cast %get3A_441 : i32 to index
        %get3A_444 = arith.index_cast %get3A_442 : i32 to index
        %get3A_445 = arith.index_cast %mul3A_367 : i32 to index
        %get3A_446 = tpu.vector_load %arg4[%get3A_443, %get3A_444, %get3A_445] {strides = array<i32>} : memref<4x2x2048xi32, #tpu.memory_space<vmem>>, vector<1x1x16xi32>,
        %get3A_447 = vector.shape_cast %get3A_446 : vector<1x1x16xi32> to vector<16xi32>
        %eq3A_448 = arith.constant 0 : i32
        %eq3A_449 = vector.broadcast %eq3A_448 : i32 to vector<16xi32>
        %eq3A_450 = arith.cmpi eq, %get3A_447, %eq3A_449 : vector<16xi32>
        %jit3A_451 = arith.constant 1.000000e+00 : f32
        %jit3A_452 = arith.constant 0.000000e+00 : f32
        %broadcast_in_dim3A_453 = vector.broadcast %jit3A_451 : f32 to vector<16xf32>
        %broadcast_in_dim3A_454 = vector.broadcast %jit3A_452 : f32 to vector<16xf32>
        %select_n3A_455 = arith.select %eq3A_450, %broadcast_in_dim3A_453, %broadcast_in_dim3A_454 : vector<16xi1>, vector<16xf32>
        %swap3A_456 = arith.constant 0 : i32
        %swap3A_457 = arith.constant 1 : i32
        %swap3A_458 = arith.constant 0 : i32
        %swap3A_459 = arith.index_cast %swap3A_456 : i32 to index
        %swap3A_460 = arith.index_cast %swap3A_457 : i32 to index
        %swap3A_461 = arith.index_cast %swap3A_458 : i32 to index
        %swap3A_462 = arith.index_cast %mul3A_367 : i32 to index
        %swap3A_463 = tpu.vector_load %arg5[%swap3A_459, %swap3A_460, %swap3A_461, %swap3A_462] {strides = array<i32>} : memref<4x2x4x2048xf32, #tpu.memory_space<vmem>>, vector<1x1x1x16xf32>,
        %swap3A_464 = vector.shape_cast %swap3A_463 : vector<1x1x1x16xf32> to vector<16xf32>
        %swap3A_465 = vector.shape_cast %select_n3A_455 : vector<16xf32> to vector<1x1x1x16xf32>
        tpu.vector_store %arg5[%swap3A_459, %swap3A_460, %swap3A_461, %swap3A_462], %swap3A_465 {strides = array<i32>} : memref<4x2x4x2048xf32, #tpu.memory_space<vmem>>, vector<1x1x1x16xf32>,
        %eq3A_466 = arith.constant 1 : i32
        %eq3A_467 = vector.broadcast %eq3A_466 : i32 to vector<16xi32>
        %eq3A_468 = arith.cmpi eq, %get3A_447, %eq3A_467 : vector<16xi32>
        %jit3A_469 = arith.constant 1.000000e+00 : f32
        %jit3A_470 = arith.constant 0.000000e+00 : f32
        %broadcast_in_dim3A_471 = vector.broadcast %jit3A_469 : f32 to vector<16xf32>
        %broadcast_in_dim3A_472 = vector.broadcast %jit3A_470 : f32 to vector<16xf32>
        %select_n3A_473 = arith.select %eq3A_468, %broadcast_in_dim3A_471, %broadcast_in_dim3A_472 : vector<16xi1>, vector<16xf32>
        %swap3A_474 = arith.constant 0 : i32
        %swap3A_475 = arith.constant 1 : i32
        %swap3A_476 = arith.constant 1 : i32
        %swap3A_477 = arith.index_cast %swap3A_474 : i32 to index
        %swap3A_478 = arith.index_cast %swap3A_475 : i32 to index
        %swap3A_479 = arith.index_cast %swap3A_476 : i32 to index
        %swap3A_480 = arith.index_cast %mul3A_367 : i32 to index
        %swap3A_481 = tpu.vector_load %arg5[%swap3A_477, %swap3A_478, %swap3A_479, %swap3A_480] {strides = array<i32>} : memref<4x2x4x2048xf32, #tpu.memory_space<vmem>>, vector<1x1x1x16xf32>,
        %swap3A_482 = vector.shape_cast %swap3A_481 : vector<1x1x1x16xf32> to vector<16xf32>
        %swap3A_483 = vector.shape_cast %select_n3A_473 : vector<16xf32> to vector<1x1x1x16xf32>
        tpu.vector_store %arg5[%swap3A_477, %swap3A_478, %swap3A_479, %swap3A_480], %swap3A_483 {strides = array<i32>} : memref<4x2x4x2048xf32, #tpu.memory_space<vmem>>, vector<1x1x1x16xf32>,
        %eq3A_484 = arith.constant 2 : i32
        %eq3A_485 = vector.broadcast %eq3A_484 : i32 to vector<16xi32>
        %eq3A_486 = arith.cmpi eq, %get3A_447, %eq3A_485 : vector<16xi32>
        %jit3A_487 = arith.constant 1.000000e+00 : f32
        %jit3A_488 = arith.constant 0.000000e+00 : f32
        %broadcast_in_dim3A_489 = vector.broadcast %jit3A_487 : f32 to vector<16xf32>
        %broadcast_in_dim3A_490 = vector.broadcast %jit3A_488 : f32 to vector<16xf32>
        %select_n3A_491 = arith.select %eq3A_486, %broadcast_in_dim3A_489, %broadcast_in_dim3A_490 : vector<16xi1>, vector<16xf32>
        %swap3A_492 = arith.constant 0 : i32
        %swap3A_493 = arith.constant 1 : i32
        %swap3A_494 = arith.constant 2 : i32
        %swap3A_495 = arith.index_cast %swap3A_492 : i32 to index
        %swap3A_496 = arith.index_cast %swap3A_493 : i32 to index
        %swap3A_497 = arith.index_cast %swap3A_494 : i32 to index
        %swap3A_498 = arith.index_cast %mul3A_367 : i32 to index
        %swap3A_499 = tpu.vector_load %arg5[%swap3A_495, %swap3A_496, %swap3A_497, %swap3A_498] {strides = array<i32>} : memref<4x2x4x2048xf32, #tpu.memory_space<vmem>>, vector<1x1x1x16xf32>,
        %swap3A_500 = vector.shape_cast %swap3A_499 : vector<1x1x1x16xf32> to vector<16xf32>
        %swap3A_501 = vector.shape_cast %select_n3A_491 : vector<16xf32> to vector<1x1x1x16xf32>
        tpu.vector_store %arg5[%swap3A_495, %swap3A_496, %swap3A_497, %swap3A_498], %swap3A_501 {strides = array<i32>} : memref<4x2x4x2048xf32, #tpu.memory_space<vmem>>, vector<1x1x1x16xf32>,
        %eq3A_502 = arith.constant 3 : i32
        %eq3A_503 = vector.broadcast %eq3A_502 : i32 to vector<16xi32>
        %eq3A_504 = arith.cmpi eq, %get3A_447, %eq3A_503 : vector<16xi32>
        %jit3A_505 = arith.constant 1.000000e+00 : f32
        %jit3A_506 = arith.constant 0.000000e+00 : f32
        %broadcast_in_dim3A_507 = vector.broadcast %jit3A_505 : f32 to vector<16xf32>
        %broadcast_in_dim3A_508 = vector.broadcast %jit3A_506 : f32 to vector<16xf32>
        %select_n3A_509 = arith.select %eq3A_504, %broadcast_in_dim3A_507, %broadcast_in_dim3A_508 : vector<16xi1>, vector<16xf32>
        %swap3A_510 = arith.constant 0 : i32
        %swap3A_511 = arith.constant 1 : i32
        %swap3A_512 = arith.constant 3 : i32
        %swap3A_513 = arith.index_cast %swap3A_510 : i32 to index
        %swap3A_514 = arith.index_cast %swap3A_511 : i32 to index
        %swap3A_515 = arith.index_cast %swap3A_512 : i32 to index
        %swap3A_516 = arith.index_cast %mul3A_367 : i32 to index
        %swap3A_517 = tpu.vector_load %arg5[%swap3A_513, %swap3A_514, %swap3A_515, %swap3A_516] {strides = array<i32>} : memref<4x2x4x2048xf32, #tpu.memory_space<vmem>>, vector<1x1x1x16xf32>,
        %swap3A_518 = vector.shape_cast %swap3A_517 : vector<1x1x1x16xf32> to vector<16xf32>
        %swap3A_519 = vector.shape_cast %select_n3A_509 : vector<16xf32> to vector<1x1x1x16xf32>
        tpu.vector_store %arg5[%swap3A_513, %swap3A_514, %swap3A_515, %swap3A_516], %swap3A_519 {strides = array<i32>} : memref<4x2x4x2048xf32, #tpu.memory_space<vmem>>, vector<1x1x1x16xf32>,
        %scan3A_520 = arith.constant 1 : i32
        %scan3A_521 = arith.addi %scan3A_365, %scan3A_520 : i32
        %mul3A_522 = arith.constant 16 : i32
        %mul3A_523 = arith.muli %scan3A_521, %mul3A_522 : i32
        %get3A_524 = arith.constant 0 : i32
        %get3A_525 = arith.constant 0 : i32
        %get3A_526 = arith.index_cast %get3A_524 : i32 to index
        %get3A_527 = arith.index_cast %get3A_525 : i32 to index
        %get3A_528 = arith.index_cast %mul3A_523 : i32 to index
        %get3A_529 = tpu.vector_load %arg4[%get3A_526, %get3A_527, %get3A_528] {strides = array<i32>} : memref<4x2x2048xi32, #tpu.memory_space<vmem>>, vector<1x1x16xi32>,
        %get3A_530 = vector.shape_cast %get3A_529 : vector<1x1x16xi32> to vector<16xi32>
        %eq3A_531 = arith.constant 0 : i32
        %eq3A_532 = vector.broadcast %eq3A_531 : i32 to vector<16xi32>
        %eq3A_533 = arith.cmpi eq, %get3A_530, %eq3A_532 : vector<16xi32>
        %jit3A_534 = arith.constant 1.000000e+00 : f32
        %jit3A_535 = arith.constant 0.000000e+00 : f32
        %broadcast_in_dim3A_536 = vector.broadcast %jit3A_534 : f32 to vector<16xf32>
        %broadcast_in_dim3A_537 = vector.broadcast %jit3A_535 : f32 to vector<16xf32>
        %select_n3A_538 = arith.select %eq3A_533, %broadcast_in_dim3A_536, %broadcast_in_dim3A_537 : vector<16xi1>, vector<16xf32>
        %swap3A_539 = arith.constant 0 : i32
        %swap3A_540 = arith.constant 0 : i32
        %swap3A_541 = arith.constant 0 : i32
        %swap3A_542 = arith.index_cast %swap3A_539 : i32 to index
        %swap3A_543 = arith.index_cast %swap3A_540 : i32 to index
        %swap3A_544 = arith.index_cast %swap3A_541 : i32 to index
        %swap3A_545 = arith.index_cast %mul3A_523 : i32 to index
        %swap3A_546 = tpu.vector_load %arg5[%swap3A_542, %swap3A_543, %swap3A_544, %swap3A_545] {strides = array<i32>} : memref<4x2x4x2048xf32, #tpu.memory_space<vmem>>, vector<1x1x1x16xf32>,
        %swap3A_547 = vector.shape_cast %swap3A_546 : vector<1x1x1x16xf32> to vector<16xf32>
        %swap3A_548 = vector.shape_cast %select_n3A_538 : vector<16xf32> to vector<1x1x1x16xf32>
        tpu.vector_store %arg5[%swap3A_542, %swap3A_543, %swap3A_544, %swap3A_545], %swap3A_548 {strides = array<i32>} : memref<4x2x4x2048xf32, #tpu.memory_space<vmem>>, vector<1x1x1x16xf32>,
        %eq3A_549 = arith.constant 1 : i32
        %eq3A_550 = vector.broadcast %eq3A_549 : i32 to vector<16xi32>
        %eq3A_551 = arith.cmpi eq, %get3A_530, %eq3A_550 : vector<16xi32>
        %jit3A_552 = arith.constant 1.000000e+00 : f32
        %jit3A_553 = arith.constant 0.000000e+00 : f32
        %broadcast_in_dim3A_554 = vector.broadcast %jit3A_552 : f32 to vector<16xf32>
        %broadcast_in_dim3A_555 = vector.broadcast %jit3A_553 : f32 to vector<16xf32>
        %select_n3A_556 = arith.select %eq3A_551, %broadcast_in_dim3A_554, %broadcast_in_dim3A_555 : vector<16xi1>, vector<16xf32>
        %swap3A_557 = arith.constant 0 : i32
        %swap3A_558 = arith.constant 0 : i32
        %swap3A_559 = arith.constant 1 : i32
        %swap3A_560 = arith.index_cast %swap3A_557 : i32 to index
        %swap3A_561 = arith.index_cast %swap3A_558 : i32 to index
        %swap3A_562 = arith.index_cast %swap3A_559 : i32 to index
        %swap3A_563 = arith.index_cast %mul3A_523 : i32 to index
        %swap3A_564 = tpu.vector_load %arg5[%swap3A_560, %swap3A_561, %swap3A_562, %swap3A_563] {strides = array<i32>} : memref<4x2x4x2048xf32, #tpu.memory_space<vmem>>, vector<1x1x1x16xf32>,
        %swap3A_565 = vector.shape_cast %swap3A_564 : vector<1x1x1x16xf32> to vector<16xf32>
        %swap3A_566 = vector.shape_cast %select_n3A_556 : vector<16xf32> to vector<1x1x1x16xf32>
        tpu.vector_store %arg5[%swap3A_560, %swap3A_561, %swap3A_562, %swap3A_563], %swap3A_566 {strides = array<i32>} : memref<4x2x4x2048xf32, #tpu.memory_space<vmem>>, vector<1x1x1x16xf32>,
        %eq3A_567 = arith.constant 2 : i32
        %eq3A_568 = vector.broadcast %eq3A_567 : i32 to vector<16xi32>
        %eq3A_569 = arith.cmpi eq, %get3A_530, %eq3A_568 : vector<16xi32>
        %jit3A_570 = arith.constant 1.000000e+00 : f32
        %jit3A_571 = arith.constant 0.000000e+00 : f32
        %broadcast_in_dim3A_572 = vector.broadcast %jit3A_570 : f32 to vector<16xf32>
        %broadcast_in_dim3A_573 = vector.broadcast %jit3A_571 : f32 to vector<16xf32>
        %select_n3A_574 = arith.select %eq3A_569, %broadcast_in_dim3A_572, %broadcast_in_dim3A_573 : vector<16xi1>, vector<16xf32>
        %swap3A_575 = arith.constant 0 : i32
        %swap3A_576 = arith.constant 0 : i32
        %swap3A_577 = arith.constant 2 : i32
        %swap3A_578 = arith.index_cast %swap3A_575 : i32 to index
        %swap3A_579 = arith.index_cast %swap3A_576 : i32 to index
        %swap3A_580 = arith.index_cast %swap3A_577 : i32 to index
        %swap3A_581 = arith.index_cast %mul3A_523 : i32 to index
        %swap3A_582 = tpu.vector_load %arg5[%swap3A_578, %swap3A_579, %swap3A_580, %swap3A_581] {strides = array<i32>} : memref<4x2x4x2048xf32, #tpu.memory_space<vmem>>, vector<1x1x1x16xf32>,
        %swap3A_583 = vector.shape_cast %swap3A_582 : vector<1x1x1x16xf32> to vector<16xf32>
        %swap3A_584 = vector.shape_cast %select_n3A_574 : vector<16xf32> to vector<1x1x1x16xf32>
        tpu.vector_store %arg5[%swap3A_578, %swap3A_579, %swap3A_580, %swap3A_581], %swap3A_584 {strides = array<i32>} : memref<4x2x4x2048xf32, #tpu.memory_space<vmem>>, vector<1x1x1x16xf32>,
        %eq3A_585 = arith.constant 3 : i32
        %eq3A_586 = vector.broadcast %eq3A_585 : i32 to vector<16xi32>
        %eq3A_587 = arith.cmpi eq, %get3A_530, %eq3A_586 : vector<16xi32>
        %jit3A_588 = arith.constant 1.000000e+00 : f32
        %jit3A_589 = arith.constant 0.000000e+00 : f32
        %broadcast_in_dim3A_590 = vector.broadcast %jit3A_588 : f32 to vector<16xf32>
        %broadcast_in_dim3A_591 = vector.broadcast %jit3A_589 : f32 to vector<16xf32>
        %select_n3A_592 = arith.select %eq3A_587, %broadcast_in_dim3A_590, %broadcast_in_dim3A_591 : vector<16xi1>, vector<16xf32>
        %swap3A_593 = arith.constant 0 : i32
        %swap3A_594 = arith.constant 0 : i32
        %swap3A_595 = arith.constant 3 : i32
        %swap3A_596 = arith.index_cast %swap3A_593 : i32 to index
        %swap3A_597 = arith.index_cast %swap3A_594 : i32 to index
        %swap3A_598 = arith.index_cast %swap3A_595 : i32 to index
        %swap3A_599 = arith.index_cast %mul3A_523 : i32 to index
        %swap3A_600 = tpu.vector_load %arg5[%swap3A_596, %swap3A_597, %swap3A_598, %swap3A_599] {strides = array<i32>} : memref<4x2x4x2048xf32, #tpu.memory_space<vmem>>, vector<1x1x1x16xf32>,
        %swap3A_601 = vector.shape_cast %swap3A_600 : vector<1x1x1x16xf32> to vector<16xf32>
        %swap3A_602 = vector.shape_cast %select_n3A_592 : vector<16xf32> to vector<1x1x1x16xf32>
        tpu.vector_store %arg5[%swap3A_596, %swap3A_597, %swap3A_598, %swap3A_599], %swap3A_602 {strides = array<i32>} : memref<4x2x4x2048xf32, #tpu.memory_space<vmem>>, vector<1x1x1x16xf32>,
        %get3A_603 = arith.constant 0 : i32
        %get3A_604 = arith.constant 1 : i32
        %get3A_605 = arith.index_cast %get3A_603 : i32 to index
        %get3A_606 = arith.index_cast %get3A_604 : i32 to index
        %get3A_607 = arith.index_cast %mul3A_523 : i32 to index
        %get3A_608 = tpu.vector_load %arg4[%get3A_605, %get3A_606, %get3A_607] {strides = array<i32>} : memref<4x2x2048xi32, #tpu.memory_space<vmem>>, vector<1x1x16xi32>,
        %get3A_609 = vector.shape_cast %get3A_608 : vector<1x1x16xi32> to vector<16xi32>
        %eq3A_610 = arith.constant 0 : i32
        %eq3A_611 = vector.broadcast %eq3A_610 : i32 to vector<16xi32>
        %eq3A_612 = arith.cmpi eq, %get3A_609, %eq3A_611 : vector<16xi32>
        %jit3A_613 = arith.constant 1.000000e+00 : f32
        %jit3A_614 = arith.constant 0.000000e+00 : f32
        %broadcast_in_dim3A_615 = vector.broadcast %jit3A_613 : f32 to vector<16xf32>
        %broadcast_in_dim3A_616 = vector.broadcast %jit3A_614 : f32 to vector<16xf32>
        %select_n3A_617 = arith.select %eq3A_612, %broadcast_in_dim3A_615, %broadcast_in_dim3A_616 : vector<16xi1>, vector<16xf32>
        %swap3A_618 = arith.constant 0 : i32
        %swap3A_619 = arith.constant 1 : i32
        %swap3A_620 = arith.constant 0 : i32
        %swap3A_621 = arith.index_cast %swap3A_618 : i32 to index
        %swap3A_622 = arith.index_cast %swap3A_619 : i32 to index
        %swap3A_623 = arith.index_cast %swap3A_620 : i32 to index
        %swap3A_624 = arith.index_cast %mul3A_523 : i32 to index
        %swap3A_625 = tpu.vector_load %arg5[%swap3A_621, %swap3A_622, %swap3A_623, %swap3A_624] {strides = array<i32>} : memref<4x2x4x2048xf32, #tpu.memory_space<vmem>>, vector<1x1x1x16xf32>,
        %swap3A_626 = vector.shape_cast %swap3A_625 : vector<1x1x1x16xf32> to vector<16xf32>
        %swap3A_627 = vector.shape_cast %select_n3A_617 : vector<16xf32> to vector<1x1x1x16xf32>
        tpu.vector_store %arg5[%swap3A_621, %swap3A_622, %swap3A_623, %swap3A_624], %swap3A_627 {strides = array<i32>} : memref<4x2x4x2048xf32, #tpu.memory_space<vmem>>, vector<1x1x1x16xf32>,
        %eq3A_628 = arith.constant 1 : i32
        %eq3A_629 = vector.broadcast %eq3A_628 : i32 to vector<16xi32>
        %eq3A_630 = arith.cmpi eq, %get3A_609, %eq3A_629 : vector<16xi32>
        %jit3A_631 = arith.constant 1.000000e+00 : f32
        %jit3A_632 = arith.constant 0.000000e+00 : f32
        %broadcast_in_dim3A_633 = vector.broadcast %jit3A_631 : f32 to vector<16xf32>
        %broadcast_in_dim3A_634 = vector.broadcast %jit3A_632 : f32 to vector<16xf32>
        %select_n3A_635 = arith.select %eq3A_630, %broadcast_in_dim3A_633, %broadcast_in_dim3A_634 : vector<16xi1>, vector<16xf32>
        %swap3A_636 = arith.constant 0 : i32
        %swap3A_637 = arith.constant 1 : i32
        %swap3A_638 = arith.constant 1 : i32
        %swap3A_639 = arith.index_cast %swap3A_636 : i32 to index
        %swap3A_640 = arith.index_cast %swap3A_637 : i32 to index
        %swap3A_641 = arith.index_cast %swap3A_638 : i32 to index
        %swap3A_642 = arith.index_cast %mul3A_523 : i32 to index
        %swap3A_643 = tpu.vector_load %arg5[%swap3A_639, %swap3A_640, %swap3A_641, %swap3A_642] {strides = array<i32>} : memref<4x2x4x2048xf32, #tpu.memory_space<vmem>>, vector<1x1x1x16xf32>,
        %swap3A_644 = vector.shape_cast %swap3A_643 : vector<1x1x1x16xf32> to vector<16xf32>
        %swap3A_645 = vector.shape_cast %select_n3A_635 : vector<16xf32> to vector<1x1x1x16xf32>
        tpu.vector_store %arg5[%swap3A_639, %swap3A_640, %swap3A_641, %swap3A_642], %swap3A_645 {strides = array<i32>} : memref<4x2x4x2048xf32, #tpu.memory_space<vmem>>, vector<1x1x1x16xf32>,
        %eq3A_646 = arith.constant 2 : i32
        %eq3A_647 = vector.broadcast %eq3A_646 : i32 to vector<16xi32>
        %eq3A_648 = arith.cmpi eq, %get3A_609, %eq3A_647 : vector<16xi32>
        %jit3A_649 = arith.constant 1.000000e+00 : f32
        %jit3A_650 = arith.constant 0.000000e+00 : f32
        %broadcast_in_dim3A_651 = vector.broadcast %jit3A_649 : f32 to vector<16xf32>
        %broadcast_in_dim3A_652 = vector.broadcast %jit3A_650 : f32 to vector<16xf32>
        %select_n3A_653 = arith.select %eq3A_648, %broadcast_in_dim3A_651, %broadcast_in_dim3A_652 : vector<16xi1>, vector<16xf32>
        %swap3A_654 = arith.constant 0 : i32
        %swap3A_655 = arith.constant 1 : i32
        %swap3A_656 = arith.constant 2 : i32
        %swap3A_657 = arith.index_cast %swap3A_654 : i32 to index
        %swap3A_658 = arith.index_cast %swap3A_655 : i32 to index
        %swap3A_659 = arith.index_cast %swap3A_656 : i32 to index
        %swap3A_660 = arith.index_cast %mul3A_523 : i32 to index
        %swap3A_661 = tpu.vector_load %arg5[%swap3A_657, %swap3A_658, %swap3A_659, %swap3A_660] {strides = array<i32>} : memref<4x2x4x2048xf32, #tpu.memory_space<vmem>>, vector<1x1x1x16xf32>,
        %swap3A_662 = vector.shape_cast %swap3A_661 : vector<1x1x1x16xf32> to vector<16xf32>
        %swap3A_663 = vector.shape_cast %select_n3A_653 : vector<16xf32> to vector<1x1x1x16xf32>
        tpu.vector_store %arg5[%swap3A_657, %swap3A_658, %swap3A_659, %swap3A_660], %swap3A_663 {strides = array<i32>} : memref<4x2x4x2048xf32, #tpu.memory_space<vmem>>, vector<1x1x1x16xf32>,
        %eq3A_664 = arith.constant 3 : i32
        %eq3A_665 = vector.broadcast %eq3A_664 : i32 to vector<16xi32>
        %eq3A_666 = arith.cmpi eq, %get3A_609, %eq3A_665 : vector<16xi32>
        %jit3A_667 = arith.constant 1.000000e+00 : f32
        %jit3A_668 = arith.constant 0.000000e+00 : f32
        %broadcast_in_dim3A_669 = vector.broadcast %jit3A_667 : f32 to vector<16xf32>
        %broadcast_in_dim3A_670 = vector.broadcast %jit3A_668 : f32 to vector<16xf32>
        %select_n3A_671 = arith.select %eq3A_666, %broadcast_in_dim3A_669, %broadcast_in_dim3A_670 : vector<16xi1>, vector<16xf32>
        %swap3A_672 = arith.constant 0 : i32
        %swap3A_673 = arith.constant 1 : i32
        %swap3A_674 = arith.constant 3 : i32
        %swap3A_675 = arith.index_cast %swap3A_672 : i32 to index
        %swap3A_676 = arith.index_cast %swap3A_673 : i32 to index
        %swap3A_677 = arith.index_cast %swap3A_674 : i32 to index
        %swap3A_678 = arith.index_cast %mul3A_523 : i32 to index
        %swap3A_679 = tpu.vector_load %arg5[%swap3A_675, %swap3A_676, %swap3A_677, %swap3A_678] {strides = array<i32>} : memref<4x2x4x2048xf32, #tpu.memory_space<vmem>>, vector<1x1x1x16xf32>,
        %swap3A_680 = vector.shape_cast %swap3A_679 : vector<1x1x1x16xf32> to vector<16xf32>
        %swap3A_681 = vector.shape_cast %select_n3A_671 : vector<16xf32> to vector<1x1x1x16xf32>
        tpu.vector_store %arg5[%swap3A_675, %swap3A_676, %swap3A_677, %swap3A_678], %swap3A_681 {strides = array<i32>} : memref<4x2x4x2048xf32, #tpu.memory_space<vmem>>, vector<1x1x1x16xf32>,
        %scan3A_682 = arith.constant 2 : i32
        %scan3A_683 = arith.addi %scan3A_365, %scan3A_682 : i32
        %mul3A_684 = arith.constant 16 : i32
        %mul3A_685 = arith.muli %scan3A_683, %mul3A_684 : i32
        %get3A_686 = arith.constant 0 : i32
        %get3A_687 = arith.constant 0 : i32
        %get3A_688 = arith.index_cast %get3A_686 : i32 to index
        %get3A_689 = arith.index_cast %get3A_687 : i32 to index
        %get3A_690 = arith.index_cast %mul3A_685 : i32 to index
        %get3A_691 = tpu.vector_load %arg4[%get3A_688, %get3A_689, %get3A_690] {strides = array<i32>} : memref<4x2x2048xi32, #tpu.memory_space<vmem>>, vector<1x1x16xi32>,
        %get3A_692 = vector.shape_cast %get3A_691 : vector<1x1x16xi32> to vector<16xi32>
        %eq3A_693 = arith.constant 0 : i32
        %eq3A_694 = vector.broadcast %eq3A_693 : i32 to vector<16xi32>
        %eq3A_695 = arith.cmpi eq, %get3A_692, %eq3A_694 : vector<16xi32>
        %jit3A_696 = arith.constant 1.000000e+00 : f32
        %jit3A_697 = arith.constant 0.000000e+00 : f32
        %broadcast_in_dim3A_698 = vector.broadcast %jit3A_696 : f32 to vector<16xf32>
        %broadcast_in_dim3A_699 = vector.broadcast %jit3A_697 : f32 to vector<16xf32>
        %select_n3A_700 = arith.select %eq3A_695, %broadcast_in_dim3A_698, %broadcast_in_dim3A_699 : vector<16xi1>, vector<16xf32>
        %swap3A_701 = arith.constant 0 : i32
        %swap3A_702 = arith.constant 0 : i32
        %swap3A_703 = arith.constant 0 : i32
        %swap3A_704 = arith.index_cast %swap3A_701 : i32 to index
        %swap3A_705 = arith.index_cast %swap3A_702 : i32 to index
        %swap3A_706 = arith.index_cast %swap3A_703 : i32 to index
        %swap3A_707 = arith.index_cast %mul3A_685 : i32 to index
        %swap3A_708 = tpu.vector_load %arg5[%swap3A_704, %swap3A_705, %swap3A_706, %swap3A_707] {strides = array<i32>} : memref<4x2x4x2048xf32, #tpu.memory_space<vmem>>, vector<1x1x1x16xf32>,
        %swap3A_709 = vector.shape_cast %swap3A_708 : vector<1x1x1x16xf32> to vector<16xf32>
        %swap3A_710 = vector.shape_cast %select_n3A_700 : vector<16xf32> to vector<1x1x1x16xf32>
        tpu.vector_store %arg5[%swap3A_704, %swap3A_705, %swap3A_706, %swap3A_707], %swap3A_710 {strides = array<i32>} : memref<4x2x4x2048xf32, #tpu.memory_space<vmem>>, vector<1x1x1x16xf32>,
        %eq3A_711 = arith.constant 1 : i32
        %eq3A_712 = vector.broadcast %eq3A_711 : i32 to vector<16xi32>
        %eq3A_713 = arith.cmpi eq, %get3A_692, %eq3A_712 : vector<16xi32>
        %jit3A_714 = arith.constant 1.000000e+00 : f32
        %jit3A_715 = arith.constant 0.000000e+00 : f32
        %broadcast_in_dim3A_716 = vector.broadcast %jit3A_714 : f32 to vector<16xf32>
        %broadcast_in_dim3A_717 = vector.broadcast %jit3A_715 : f32 to vector<16xf32>
        %select_n3A_718 = arith.select %eq3A_713, %broadcast_in_dim3A_716, %broadcast_in_dim3A_717 : vector<16xi1>, vector<16xf32>
        %swap3A_719 = arith.constant 0 : i32
        %swap3A_720 = arith.constant 0 : i32
        %swap3A_721 = arith.constant 1 : i32
        %swap3A_722 = arith.index_cast %swap3A_719 : i32 to index
        %swap3A_723 = arith.index_cast %swap3A_720 : i32 to index
        %swap3A_724 = arith.index_cast %swap3A_721 : i32 to index
        %swap3A_725 = arith.index_cast %mul3A_685 : i32 to index
        %swap3A_726 = tpu.vector_load %arg5[%swap3A_722, %swap3A_723, %swap3A_724, %swap3A_725] {strides = array<i32>} : memref<4x2x4x2048xf32, #tpu.memory_space<vmem>>, vector<1x1x1x16xf32>,
        %swap3A_727 = vector.shape_cast %swap3A_726 : vector<1x1x1x16xf32> to vector<16xf32>
        %swap3A_728 = vector.shape_cast %select_n3A_718 : vector<16xf32> to vector<1x1x1x16xf32>
        tpu.vector_store %arg5[%swap3A_722, %swap3A_723, %swap3A_724, %swap3A_725], %swap3A_728 {strides = array<i32>} : memref<4x2x4x2048xf32, #tpu.memory_space<vmem>>, vector<1x1x1x16xf32>,
        %eq3A_729 = arith.constant 2 : i32
        %eq3A_730 = vector.broadcast %eq3A_729 : i32 to vector<16xi32>
        %eq3A_731 = arith.cmpi eq, %get3A_692, %eq3A_730 : vector<16xi32>
        %jit3A_732 = arith.constant 1.000000e+00 : f32
        %jit3A_733 = arith.constant 0.000000e+00 : f32
        %broadcast_in_dim3A_734 = vector.broadcast %jit3A_732 : f32 to vector<16xf32>
        %broadcast_in_dim3A_735 = vector.broadcast %jit3A_733 : f32 to vector<16xf32>
        %select_n3A_736 = arith.select %eq3A_731, %broadcast_in_dim3A_734, %broadcast_in_dim3A_735 : vector<16xi1>, vector<16xf32>
        %swap3A_737 = arith.constant 0 : i32
        %swap3A_738 = arith.constant 0 : i32
        %swap3A_739 = arith.constant 2 : i32
        %swap3A_740 = arith.index_cast %swap3A_737 : i32 to index
        %swap3A_741 = arith.index_cast %swap3A_738 : i32 to index
        %swap3A_742 = arith.index_cast %swap3A_739 : i32 to index
        %swap3A_743 = arith.index_cast %mul3A_685 : i32 to index
        %swap3A_744 = tpu.vector_load %arg5[%swap3A_740, %swap3A_741, %swap3A_742, %swap3A_743] {strides = array<i32>} : memref<4x2x4x2048xf32, #tpu.memory_space<vmem>>, vector<1x1x1x16xf32>,
        %swap3A_745 = vector.shape_cast %swap3A_744 : vector<1x1x1x16xf32> to vector<16xf32>
        %swap3A_746 = vector.shape_cast %select_n3A_736 : vector<16xf32> to vector<1x1x1x16xf32>
        tpu.vector_store %arg5[%swap3A_740, %swap3A_741, %swap3A_742, %swap3A_743], %swap3A_746 {strides = array<i32>} : memref<4x2x4x2048xf32, #tpu.memory_space<vmem>>, vector<1x1x1x16xf32>,
        %eq3A_747 = arith.constant 3 : i32
        %eq3A_748 = vector.broadcast %eq3A_747 : i32 to vector<16xi32>
        %eq3A_749 = arith.cmpi eq, %get3A_692, %eq3A_748 : vector<16xi32>
        %jit3A_750 = arith.constant 1.000000e+00 : f32
        %jit3A_751 = arith.constant 0.000000e+00 : f32
        %broadcast_in_dim3A_752 = vector.broadcast %jit3A_750 : f32 to vector<16xf32>
        %broadcast_in_dim3A_753 = vector.broadcast %jit3A_751 : f32 to vector<16xf32>
        %select_n3A_754 = arith.select %eq3A_749, %broadcast_in_dim3A_752, %broadcast_in_dim3A_753 : vector<16xi1>, vector<16xf32>
        %swap3A_755 = arith.constant 0 : i32
        %swap3A_756 = arith.constant 0 : i32
        %swap3A_757 = arith.constant 3 : i32
        %swap3A_758 = arith.index_cast %swap3A_755 : i32 to index
        %swap3A_759 = arith.index_cast %swap3A_756 : i32 to index
        %swap3A_760 = arith.index_cast %swap3A_757 : i32 to index
        %swap3A_761 = arith.index_cast %mul3A_685 : i32 to index
        %swap3A_762 = tpu.vector_load %arg5[%swap3A_758, %swap3A_759, %swap3A_760, %swap3A_761] {strides = array<i32>} : memref<4x2x4x2048xf32, #tpu.memory_space<vmem>>, vector<1x1x1x16xf32>,
        %swap3A_763 = vector.shape_cast %swap3A_762 : vector<1x1x1x16xf32> to vector<16xf32>
        %swap3A_764 = vector.shape_cast %select_n3A_754 : vector<16xf32> to vector<1x1x1x16xf32>
        tpu.vector_store %arg5[%swap3A_758, %swap3A_759, %swap3A_760, %swap3A_761], %swap3A_764 {strides = array<i32>} : memref<4x2x4x2048xf32, #tpu.memory_space<vmem>>, vector<1x1x1x16xf32>,
        %get3A_765 = arith.constant 0 : i32
        %get3A_766 = arith.constant 1 : i32
        %get3A_767 = arith.index_cast %get3A_765 : i32 to index
        %get3A_768 = arith.index_cast %get3A_766 : i32 to index
        %get3A_769 = arith.index_cast %mul3A_685 : i32 to index
        %get3A_770 = tpu.vector_load %arg4[%get3A_767, %get3A_768, %get3A_769] {strides = array<i32>} : memref<4x2x2048xi32, #tpu.memory_space<vmem>>, vector<1x1x16xi32>,
        %get3A_771 = vector.shape_cast %get3A_770 : vector<1x1x16xi32> to vector<16xi32>
        %eq3A_772 = arith.constant 0 : i32
        %eq3A_773 = vector.broadcast %eq3A_772 : i32 to vector<16xi32>
        %eq3A_774 = arith.cmpi eq, %get3A_771, %eq3A_773 : vector<16xi32>
        %jit3A_775 = arith.constant 1.000000e+00 : f32
        %jit3A_776 = arith.constant 0.000000e+00 : f32
        %broadcast_in_dim3A_777 = vector.broadcast %jit3A_775 : f32 to vector<16xf32>
        %broadcast_in_dim3A_778 = vector.broadcast %jit3A_776 : f32 to vector<16xf32>
        %select_n3A_779 = arith.select %eq3A_774, %broadcast_in_dim3A_777, %broadcast_in_dim3A_778 : vector<16xi1>, vector<16xf32>
        %swap3A_780 = arith.constant 0 : i32
        %swap3A_781 = arith.constant 1 : i32
        %swap3A_782 = arith.constant 0 : i32
        %swap3A_783 = arith.index_cast %swap3A_780 : i32 to index
        %swap3A_784 = arith.index_cast %swap3A_781 : i32 to index
        %swap3A_785 = arith.index_cast %swap3A_782 : i32 to index
        %swap3A_786 = arith.index_cast %mul3A_685 : i32 to index
        %swap3A_787 = tpu.vector_load %arg5[%swap3A_783, %swap3A_784, %swap3A_785, %swap3A_786] {strides = array<i32>} : memref<4x2x4x2048xf32, #tpu.memory_space<vmem>>, vector<1x1x1x16xf32>,
        %swap3A_788 = vector.shape_cast %swap3A_787 : vector<1x1x1x16xf32> to vector<16xf32>
        %swap3A_789 = vector.shape_cast %select_n3A_779 : vector<16xf32> to vector<1x1x1x16xf32>
        tpu.vector_store %arg5[%swap3A_783, %swap3A_784, %swap3A_785, %swap3A_786], %swap3A_789 {strides = array<i32>} : memref<4x2x4x2048xf32, #tpu.memory_space<vmem>>, vector<1x1x1x16xf32>,
        %eq3A_790 = arith.constant 1 : i32
        %eq3A_791 = vector.broadcast %eq3A_790 : i32 to vector<16xi32>
        %eq3A_792 = arith.cmpi eq, %get3A_771, %eq3A_791 : vector<16xi32>
        %jit3A_793 = arith.constant 1.000000e+00 : f32
        %jit3A_794 = arith.constant 0.000000e+00 : f32
        %broadcast_in_dim3A_795 = vector.broadcast %jit3A_793 : f32 to vector<16xf32>
        %broadcast_in_dim3A_796 = vector.broadcast %jit3A_794 : f32 to vector<16xf32>
        %select_n3A_797 = arith.select %eq3A_792, %broadcast_in_dim3A_795, %broadcast_in_dim3A_796 : vector<16xi1>, vector<16xf32>
        %swap3A_798 = arith.constant 0 : i32
        %swap3A_799 = arith.constant 1 : i32
        %swap3A_800 = arith.constant 1 : i32
        %swap3A_801 = arith.index_cast %swap3A_798 : i32 to index
        %swap3A_802 = arith.index_cast %swap3A_799 : i32 to index
        %swap3A_803 = arith.index_cast %swap3A_800 : i32 to index
        %swap3A_804 = arith.index_cast %mul3A_685 : i32 to index
        %swap3A_805 = tpu.vector_load %arg5[%swap3A_801, %swap3A_802, %swap3A_803, %swap3A_804] {strides = array<i32>} : memref<4x2x4x2048xf32, #tpu.memory_space<vmem>>, vector<1x1x1x16xf32>,
        %swap3A_806 = vector.shape_cast %swap3A_805 : vector<1x1x1x16xf32> to vector<16xf32>
        %swap3A_807 = vector.shape_cast %select_n3A_797 : vector<16xf32> to vector<1x1x1x16xf32>
        tpu.vector_store %arg5[%swap3A_801, %swap3A_802, %swap3A_803, %swap3A_804], %swap3A_807 {strides = array<i32>} : memref<4x2x4x2048xf32, #tpu.memory_space<vmem>>, vector<1x1x1x16xf32>,
        %eq3A_808 = arith.constant 2 : i32
        %eq3A_809 = vector.broadcast %eq3A_808 : i32 to vector<16xi32>
        %eq3A_810 = arith.cmpi eq, %get3A_771, %eq3A_809 : vector<16xi32>
        %jit3A_811 = arith.constant 1.000000e+00 : f32
        %jit3A_812 = arith.constant 0.000000e+00 : f32
        %broadcast_in_dim3A_813 = vector.broadcast %jit3A_811 : f32 to vector<16xf32>
        %broadcast_in_dim3A_814 = vector.broadcast %jit3A_812 : f32 to vector<16xf32>
        %select_n3A_815 = arith.select %eq3A_810, %broadcast_in_dim3A_813, %broadcast_in_dim3A_814 : vector<16xi1>, vector<16xf32>
        %swap3A_816 = arith.constant 0 : i32
        %swap3A_817 = arith.constant 1 : i32
        %swap3A_818 = arith.constant 2 : i32
        %swap3A_819 = arith.index_cast %swap3A_816 : i32 to index
        %swap3A_820 = arith.index_cast %swap3A_817 : i32 to index
        %swap3A_821 = arith.index_cast %swap3A_818 : i32 to index
        %swap3A_822 = arith.index_cast %mul3A_685 : i32 to index
        %swap3A_823 = tpu.vector_load %arg5[%swap3A_819, %swap3A_820, %swap3A_821, %swap3A_822] {strides = array<i32>} : memref<4x2x4x2048xf32, #tpu.memory_space<vmem>>, vector<1x1x1x16xf32>,
        %swap3A_824 = vector.shape_cast %swap3A_823 : vector<1x1x1x16xf32> to vector<16xf32>
        %swap3A_825 = vector.shape_cast %select_n3A_815 : vector<16xf32> to vector<1x1x1x16xf32>
        tpu.vector_store %arg5[%swap3A_819, %swap3A_820, %swap3A_821, %swap3A_822], %swap3A_825 {strides = array<i32>} : memref<4x2x4x2048xf32, #tpu.memory_space<vmem>>, vector<1x1x1x16xf32>,
        %eq3A_826 = arith.constant 3 : i32
        %eq3A_827 = vector.broadcast %eq3A_826 : i32 to vector<16xi32>
        %eq3A_828 = arith.cmpi eq, %get3A_771, %eq3A_827 : vector<16xi32>
        %jit3A_829 = arith.constant 1.000000e+00 : f32
        %jit3A_830 = arith.constant 0.000000e+00 : f32
        %broadcast_in_dim3A_831 = vector.broadcast %jit3A_829 : f32 to vector<16xf32>
        %broadcast_in_dim3A_832 = vector.broadcast %jit3A_830 : f32 to vector<16xf32>
        %select_n3A_833 = arith.select %eq3A_828, %broadcast_in_dim3A_831, %broadcast_in_dim3A_832 : vector<16xi1>, vector<16xf32>
        %swap3A_834 = arith.constant 0 : i32
        %swap3A_835 = arith.constant 1 : i32
        %swap3A_836 = arith.constant 3 : i32
        %swap3A_837 = arith.index_cast %swap3A_834 : i32 to index
        %swap3A_838 = arith.index_cast %swap3A_835 : i32 to index
        %swap3A_839 = arith.index_cast %swap3A_836 : i32 to index
        %swap3A_840 = arith.index_cast %mul3A_685 : i32 to index
        %swap3A_841 = tpu.vector_load %arg5[%swap3A_837, %swap3A_838, %swap3A_839, %swap3A_840] {strides = array<i32>} : memref<4x2x4x2048xf32, #tpu.memory_space<vmem>>, vector<1x1x1x16xf32>,
        %swap3A_842 = vector.shape_cast %swap3A_841 : vector<1x1x1x16xf32> to vector<16xf32>
        %swap3A_843 = vector.shape_cast %select_n3A_833 : vector<16xf32> to vector<1x1x1x16xf32>
        tpu.vector_store %arg5[%swap3A_837, %swap3A_838, %swap3A_839, %swap3A_840], %swap3A_843 {strides = array<i32>} : memref<4x2x4x2048xf32, #tpu.memory_space<vmem>>, vector<1x1x1x16xf32>,
        %scan3A_844 = arith.constant 3 : i32
        %scan3A_845 = arith.addi %scan3A_365, %scan3A_844 : i32
        %mul3A_846 = arith.constant 16 : i32
        %mul3A_847 = arith.muli %scan3A_845, %mul3A_846 : i32
        %get3A_848 = arith.constant 0 : i32
        %get3A_849 = arith.constant 0 : i32
        %get3A_850 = arith.index_cast %get3A_848 : i32 to index
        %get3A_851 = arith.index_cast %get3A_849 : i32 to index
        %get3A_852 = arith.index_cast %mul3A_847 : i32 to index
        %get3A_853 = tpu.vector_load %arg4[%get3A_850, %get3A_851, %get3A_852] {strides = array<i32>} : memref<4x2x2048xi32, #tpu.memory_space<vmem>>, vector<1x1x16xi32>,
        %get3A_854 = vector.shape_cast %get3A_853 : vector<1x1x16xi32> to vector<16xi32>
        %eq3A_855 = arith.constant 0 : i32
        %eq3A_856 = vector.broadcast %eq3A_855 : i32 to vector<16xi32>
        %eq3A_857 = arith.cmpi eq, %get3A_854, %eq3A_856 : vector<16xi32>
        %jit3A_858 = arith.constant 1.000000e+00 : f32
        %jit3A_859 = arith.constant 0.000000e+00 : f32
        %broadcast_in_dim3A_860 = vector.broadcast %jit3A_858 : f32 to vector<16xf32>
        %broadcast_in_dim3A_861 = vector.broadcast %jit3A_859 : f32 to vector<16xf32>
        %select_n3A_862 = arith.select %eq3A_857, %broadcast_in_dim3A_860, %broadcast_in_dim3A_861 : vector<16xi1>, vector<16xf32>
        %swap3A_863 = arith.constant 0 : i32
        %swap3A_864 = arith.constant 0 : i32
        %swap3A_865 = arith.constant 0 : i32
        %swap3A_866 = arith.index_cast %swap3A_863 : i32 to index
        %swap3A_867 = arith.index_cast %swap3A_864 : i32 to index
        %swap3A_868 = arith.index_cast %swap3A_865 : i32 to index
        %swap3A_869 = arith.index_cast %mul3A_847 : i32 to index
        %swap3A_870 = tpu.vector_load %arg5[%swap3A_866, %swap3A_867, %swap3A_868, %swap3A_869] {strides = array<i32>} : memref<4x2x4x2048xf32, #tpu.memory_space<vmem>>, vector<1x1x1x16xf32>,
        %swap3A_871 = vector.shape_cast %swap3A_870 : vector<1x1x1x16xf32> to vector<16xf32>
        %swap3A_872 = vector.shape_cast %select_n3A_862 : vector<16xf32> to vector<1x1x1x16xf32>
        tpu.vector_store %arg5[%swap3A_866, %swap3A_867, %swap3A_868, %swap3A_869], %swap3A_872 {strides = array<i32>} : memref<4x2x4x2048xf32, #tpu.memory_space<vmem>>, vector<1x1x1x16xf32>,
        %eq3A_873 = arith.constant 1 : i32
        %eq3A_874 = vector.broadcast %eq3A_873 : i32 to vector<16xi32>
        %eq3A_875 = arith.cmpi eq, %get3A_854, %eq3A_874 : vector<16xi32>
        %jit3A_876 = arith.constant 1.000000e+00 : f32
        %jit3A_877 = arith.constant 0.000000e+00 : f32
        %broadcast_in_dim3A_878 = vector.broadcast %jit3A_876 : f32 to vector<16xf32>
        %broadcast_in_dim3A_879 = vector.broadcast %jit3A_877 : f32 to vector<16xf32>
        %select_n3A_880 = arith.select %eq3A_875, %broadcast_in_dim3A_878, %broadcast_in_dim3A_879 : vector<16xi1>, vector<16xf32>
        %swap3A_881 = arith.constant 0 : i32
        %swap3A_882 = arith.constant 0 : i32
        %swap3A_883 = arith.constant 1 : i32
        %swap3A_884 = arith.index_cast %swap3A_881 : i32 to index
        %swap3A_885 = arith.index_cast %swap3A_882 : i32 to index
        %swap3A_886 = arith.index_cast %swap3A_883 : i32 to index
        %swap3A_887 = arith.index_cast %mul3A_847 : i32 to index
        %swap3A_888 = tpu.vector_load %arg5[%swap3A_884, %swap3A_885, %swap3A_886, %swap3A_887] {strides = array<i32>} : memref<4x2x4x2048xf32, #tpu.memory_space<vmem>>, vector<1x1x1x16xf32>,
        %swap3A_889 = vector.shape_cast %swap3A_888 : vector<1x1x1x16xf32> to vector<16xf32>
        %swap3A_890 = vector.shape_cast %select_n3A_880 : vector<16xf32> to vector<1x1x1x16xf32>
        tpu.vector_store %arg5[%swap3A_884, %swap3A_885, %swap3A_886, %swap3A_887], %swap3A_890 {strides = array<i32>} : memref<4x2x4x2048xf32, #tpu.memory_space<vmem>>, vector<1x1x1x16xf32>,
        %eq3A_891 = arith.constant 2 : i32
        %eq3A_892 = vector.broadcast %eq3A_891 : i32 to vector<16xi32>
        %eq3A_893 = arith.cmpi eq, %get3A_854, %eq3A_892 : vector<16xi32>
        %jit3A_894 = arith.constant 1.000000e+00 : f32
        %jit3A_895 = arith.constant 0.000000e+00 : f32
        %broadcast_in_dim3A_896 = vector.broadcast %jit3A_894 : f32 to vector<16xf32>
        %broadcast_in_dim3A_897 = vector.broadcast %jit3A_895 : f32 to vector<16xf32>
        %select_n3A_898 = arith.select %eq3A_893, %broadcast_in_dim3A_896, %broadcast_in_dim3A_897 : vector<16xi1>, vector<16xf32>
        %swap3A_899 = arith.constant 0 : i32
        %swap3A_900 = arith.constant 0 : i32
        %swap3A_901 = arith.constant 2 : i32
        %swap3A_902 = arith.index_cast %swap3A_899 : i32 to index
        %swap3A_903 = arith.index_cast %swap3A_900 : i32 to index
        %swap3A_904 = arith.index_cast %swap3A_901 : i32 to index
        %swap3A_905 = arith.index_cast %mul3A_847 : i32 to index
        %swap3A_906 = tpu.vector_load %arg5[%swap3A_902, %swap3A_903, %swap3A_904, %swap3A_905] {strides = array<i32>} : memref<4x2x4x2048xf32, #tpu.memory_space<vmem>>, vector<1x1x1x16xf32>,
        %swap3A_907 = vector.shape_cast %swap3A_906 : vector<1x1x1x16xf32> to vector<16xf32>
        %swap3A_908 = vector.shape_cast %select_n3A_898 : vector<16xf32> to vector<1x1x1x16xf32>
        tpu.vector_store %arg5[%swap3A_902, %swap3A_903, %swap3A_904, %swap3A_905], %swap3A_908 {strides = array<i32>} : memref<4x2x4x2048xf32, #tpu.memory_space<vmem>>, vector<1x1x1x16xf32>,
        %eq3A_909 = arith.constant 3 : i32
        %eq3A_910 = vector.broadcast %eq3A_909 : i32 to vector<16xi32>
        %eq3A_911 = arith.cmpi eq, %get3A_854, %eq3A_910 : vector<16xi32>
        %jit3A_912 = arith.constant 1.000000e+00 : f32
        %jit3A_913 = arith.constant 0.000000e+00 : f32
        %broadcast_in_dim3A_914 = vector.broadcast %jit3A_912 : f32 to vector<16xf32>
        %broadcast_in_dim3A_915 = vector.broadcast %jit3A_913 : f32 to vector<16xf32>
        %select_n3A_916 = arith.select %eq3A_911, %broadcast_in_dim3A_914, %broadcast_in_dim3A_915 : vector<16xi1>, vector<16xf32>
        %swap3A_917 = arith.constant 0 : i32
        %swap3A_918 = arith.constant 0 : i32
        %swap3A_919 = arith.constant 3 : i32
        %swap3A_920 = arith.index_cast %swap3A_917 : i32 to index
        %swap3A_921 = arith.index_cast %swap3A_918 : i32 to index
        %swap3A_922 = arith.index_cast %swap3A_919 : i32 to index
        %swap3A_923 = arith.index_cast %mul3A_847 : i32 to index
        %swap3A_924 = tpu.vector_load %arg5[%swap3A_920, %swap3A_921, %swap3A_922, %swap3A_923] {strides = array<i32>} : memref<4x2x4x2048xf32, #tpu.memory_space<vmem>>, vector<1x1x1x16xf32>,
        %swap3A_925 = vector.shape_cast %swap3A_924 : vector<1x1x1x16xf32> to vector<16xf32>
        %swap3A_926 = vector.shape_cast %select_n3A_916 : vector<16xf32> to vector<1x1x1x16xf32>
        tpu.vector_store %arg5[%swap3A_920, %swap3A_921, %swap3A_922, %swap3A_923], %swap3A_926 {strides = array<i32>} : memref<4x2x4x2048xf32, #tpu.memory_space<vmem>>, vector<1x1x1x16xf32>,
        %get3A_927 = arith.constant 0 : i32
        %get3A_928 = arith.constant 1 : i32
        %get3A_929 = arith.index_cast %get3A_927 : i32 to index
        %get3A_930 = arith.index_cast %get3A_928 : i32 to index
        %get3A_931 = arith.index_cast %mul3A_847 : i32 to index
        %get3A_932 = tpu.vector_load %arg4[%get3A_929, %get3A_930, %get3A_931] {strides = array<i32>} : memref<4x2x2048xi32, #tpu.memory_space<vmem>>, vector<1x1x16xi32>,
        %get3A_933 = vector.shape_cast %get3A_932 : vector<1x1x16xi32> to vector<16xi32>
        %eq3A_934 = arith.constant 0 : i32
        %eq3A_935 = vector.broadcast %eq3A_934 : i32 to vector<16xi32>
        %eq3A_936 = arith.cmpi eq, %get3A_933, %eq3A_935 : vector<16xi32>
        %jit3A_937 = arith.constant 1.000000e+00 : f32
        %jit3A_938 = arith.constant 0.000000e+00 : f32
        %broadcast_in_dim3A_939 = vector.broadcast %jit3A_937 : f32 to vector<16xf32>
        %broadcast_in_dim3A_940 = vector.broadcast %jit3A_938 : f32 to vector<16xf32>
        %select_n3A_941 = arith.select %eq3A_936, %broadcast_in_dim3A_939, %broadcast_in_dim3A_940 : vector<16xi1>, vector<16xf32>
        %swap3A_942 = arith.constant 0 : i32
        %swap3A_943 = arith.constant 1 : i32
        %swap3A_944 = arith.constant 0 : i32
        %swap3A_945 = arith.index_cast %swap3A_942 : i32 to index
        %swap3A_946 = arith.index_cast %swap3A_943 : i32 to index
        %swap3A_947 = arith.index_cast %swap3A_944 : i32 to index
        %swap3A_948 = arith.index_cast %mul3A_847 : i32 to index
        %swap3A_949 = tpu.vector_load %arg5[%swap3A_945, %swap3A_946, %swap3A_947, %swap3A_948] {strides = array<i32>} : memref<4x2x4x2048xf32, #tpu.memory_space<vmem>>, vector<1x1x1x16xf32>,
        %swap3A_950 = vector.shape_cast %swap3A_949 : vector<1x1x1x16xf32> to vector<16xf32>
        %swap3A_951 = vector.shape_cast %select_n3A_941 : vector<16xf32> to vector<1x1x1x16xf32>
        tpu.vector_store %arg5[%swap3A_945, %swap3A_946, %swap3A_947, %swap3A_948], %swap3A_951 {strides = array<i32>} : memref<4x2x4x2048xf32, #tpu.memory_space<vmem>>, vector<1x1x1x16xf32>,
        %eq3A_952 = arith.constant 1 : i32
        %eq3A_953 = vector.broadcast %eq3A_952 : i32 to vector<16xi32>
        %eq3A_954 = arith.cmpi eq, %get3A_933, %eq3A_953 : vector<16xi32>
        %jit3A_955 = arith.constant 1.000000e+00 : f32
        %jit3A_956 = arith.constant 0.000000e+00 : f32
        %broadcast_in_dim3A_957 = vector.broadcast %jit3A_955 : f32 to vector<16xf32>
        %broadcast_in_dim3A_958 = vector.broadcast %jit3A_956 : f32 to vector<16xf32>
        %select_n3A_959 = arith.select %eq3A_954, %broadcast_in_dim3A_957, %broadcast_in_dim3A_958 : vector<16xi1>, vector<16xf32>
        %swap3A_960 = arith.constant 0 : i32
        %swap3A_961 = arith.constant 1 : i32
        %swap3A_962 = arith.constant 1 : i32
        %swap3A_963 = arith.index_cast %swap3A_960 : i32 to index
        %swap3A_964 = arith.index_cast %swap3A_961 : i32 to index
        %swap3A_965 = arith.index_cast %swap3A_962 : i32 to index
        %swap3A_966 = arith.index_cast %mul3A_847 : i32 to index
        %swap3A_967 = tpu.vector_load %arg5[%swap3A_963, %swap3A_964, %swap3A_965, %swap3A_966] {strides = array<i32>} : memref<4x2x4x2048xf32, #tpu.memory_space<vmem>>, vector<1x1x1x16xf32>,
        %swap3A_968 = vector.shape_cast %swap3A_967 : vector<1x1x1x16xf32> to vector<16xf32>
        %swap3A_969 = vector.shape_cast %select_n3A_959 : vector<16xf32> to vector<1x1x1x16xf32>
        tpu.vector_store %arg5[%swap3A_963, %swap3A_964, %swap3A_965, %swap3A_966], %swap3A_969 {strides = array<i32>} : memref<4x2x4x2048xf32, #tpu.memory_space<vmem>>, vector<1x1x1x16xf32>,
        %eq3A_970 = arith.constant 2 : i32
        %eq3A_971 = vector.broadcast %eq3A_970 : i32 to vector<16xi32>
        %eq3A_972 = arith.cmpi eq, %get3A_933, %eq3A_971 : vector<16xi32>
        %jit3A_973 = arith.constant 1.000000e+00 : f32
        %jit3A_974 = arith.constant 0.000000e+00 : f32
        %broadcast_in_dim3A_975 = vector.broadcast %jit3A_973 : f32 to vector<16xf32>
        %broadcast_in_dim3A_976 = vector.broadcast %jit3A_974 : f32 to vector<16xf32>
        %select_n3A_977 = arith.select %eq3A_972, %broadcast_in_dim3A_975, %broadcast_in_dim3A_976 : vector<16xi1>, vector<16xf32>
        %swap3A_978 = arith.constant 0 : i32
        %swap3A_979 = arith.constant 1 : i32
        %swap3A_980 = arith.constant 2 : i32
        %swap3A_981 = arith.index_cast %swap3A_978 : i32 to index
        %swap3A_982 = arith.index_cast %swap3A_979 : i32 to index
        %swap3A_983 = arith.index_cast %swap3A_980 : i32 to index
        %swap3A_984 = arith.index_cast %mul3A_847 : i32 to index
        %swap3A_985 = tpu.vector_load %arg5[%swap3A_981, %swap3A_982, %swap3A_983, %swap3A_984] {strides = array<i32>} : memref<4x2x4x2048xf32, #tpu.memory_space<vmem>>, vector<1x1x1x16xf32>,
        %swap3A_986 = vector.shape_cast %swap3A_985 : vector<1x1x1x16xf32> to vector<16xf32>
        %swap3A_987 = vector.shape_cast %select_n3A_977 : vector<16xf32> to vector<1x1x1x16xf32>
        tpu.vector_store %arg5[%swap3A_981, %swap3A_982, %swap3A_983, %swap3A_984], %swap3A_987 {strides = array<i32>} : memref<4x2x4x2048xf32, #tpu.memory_space<vmem>>, vector<1x1x1x16xf32>,
        %eq3A_988 = arith.constant 3 : i32
        %eq3A_989 = vector.broadcast %eq3A_988 : i32 to vector<16xi32>
        %eq3A_990 = arith.cmpi eq, %get3A_933, %eq3A_989 : vector<16xi32>
        %jit3A_991 = arith.constant 1.000000e+00 : f32
        %jit3A_992 = arith.constant 0.000000e+00 : f32
        %broadcast_in_dim3A_993 = vector.broadcast %jit3A_991 : f32 to vector<16xf32>
        %broadcast_in_dim3A_994 = vector.broadcast %jit3A_992 : f32 to vector<16xf32>
        %select_n3A_995 = arith.select %eq3A_990, %broadcast_in_dim3A_993, %broadcast_in_dim3A_994 : vector<16xi1>, vector<16xf32>
        %swap3A_996 = arith.constant 0 : i32
        %swap3A_997 = arith.constant 1 : i32
        %swap3A_998 = arith.constant 3 : i32
        %swap3A_999 = arith.index_cast %swap3A_996 : i32 to index
        %swap3A_1000 = arith.index_cast %swap3A_997 : i32 to index
        %swap3A_1001 = arith.index_cast %swap3A_998 : i32 to index
        %swap3A_1002 = arith.index_cast %mul3A_847 : i32 to index
        %swap3A_1003 = tpu.vector_load %arg5[%swap3A_999, %swap3A_1000, %swap3A_1001, %swap3A_1002] {strides = array<i32>} : memref<4x2x4x2048xf32, #tpu.memory_space<vmem>>, vector<1x1x1x16xf32>,
        %swap3A_1004 = vector.shape_cast %swap3A_1003 : vector<1x1x1x16xf32> to vector<16xf32>
        %swap3A_1005 = vector.shape_cast %select_n3A_995 : vector<16xf32> to vector<1x1x1x16xf32>
        tpu.vector_store %arg5[%swap3A_999, %swap3A_1000, %swap3A_1001, %swap3A_1002], %swap3A_1005 {strides = array<i32>} : memref<4x2x4x2048xf32, #tpu.memory_space<vmem>>, vector<1x1x1x16xf32>,
      }
      %scan3A_170 = arith.constant 128 : i32
      %mul3A_171 = arith.constant 2 : i32
      %mul3A_172 = arith.muli %add3A_146, %mul3A_171 : i32
      %add3A_173 = arith.addi %mul3A_2, %mul3A_172 : i32
      %dma_start3A_174 = arith.constant 0 : i32
      %dma_start3A_175 = arith.constant 0 : i32
      %dma_start3A_176 = arith.constant 0 : i32
      %dma_start3A_177 = arith.constant 0 : i32
      %dma_start3A_178 = tpu.memref_slice %arg5[%dma_start3A_174, %dma_start3A_175, %dma_start3A_176, %dma_start3A_177] : memref<4x2x4x2048xf32, #tpu.memory_space<vmem>> -> memref<1x2x4x2048xf32, #tpu.memory_space<vmem>>
      %dma_start3A_179 = tpu.memref_squeeze %dma_start3A_178 : memref<1x2x4x2048xf32, #tpu.memory_space<vmem>> -> memref<2x4x2048xf32, #tpu.memory_space<vmem>>
      %dma_start3A_180 = arith.constant 0 : i32
      %dma_start3A_181 = arith.constant 0 : i32
      %dma_start3A_182 = tpu.memref_slice %arg3[%add3A_173, %dma_start3A_180, %dma_start3A_181] : memref<4096x4x2048xf32, #tpu.memory_space<hbm>> -> memref<2x4x2048xf32, #tpu.memory_space<hbm>>
      %dma_start3A_183 = arith.constant 0 : i32
      %dma_start3A_184 = arith.constant 0 : i32
      %dma_start3A_185 = tpu.memref_slice %arg3[%add3A_173, %dma_start3A_183, %dma_start3A_184] : memref<4096x4x2048xf32, #tpu.memory_space<hbm>> -> memref<2x4x2048xf32, #tpu.memory_space<hbm>>
      %dma_start3A_186 = arith.constant 0 : i32
      %dma_start3A_187 = arith.constant 0 : i32
      %dma_start3A_188 = arith.constant 0 : i32
      %dma_start3A_189 = tpu.memref_slice %arg5[%dma_start3A_174, %dma_start3A_186, %dma_start3A_187, %dma_start3A_188] : memref<4x2x4x2048xf32, #tpu.memory_space<vmem>> -> memref<1x2x4x2048xf32, #tpu.memory_space<vmem>>
      %dma_start3A_190 = tpu.memref_squeeze %dma_start3A_189 : memref<1x2x4x2048xf32, #tpu.memory_space<vmem>> -> memref<2x4x2048xf32, #tpu.memory_space<vmem>>
      tpu.enqueue_dma source(%dma_start3A_190 : memref<2x4x2048xf32, #tpu.memory_space<vmem>>) target(%dma_start3A_185 : memref<2x4x2048xf32, #tpu.memory_space<hbm>>) target_semaphore(%arg10 : memref<!tpu.dma_semaphore, #tpu.memory_space<semaphore_mem>>)
      %add3A_191 = arith.constant 4 : i32
      %add3A_192 = arith.addi %add3A_146, %add3A_191 : i32
      %lt3A = arith.constant 64 : i32
      %lt3A_193 = arith.cmpi slt, %add3A_192, %lt3A : i32
      %convert_element_type3A_194 = arith.extui %lt3A_193 : i1 to i32
      %cond3A_195 = arith.constant 0 : i32
      %cond3A_196 = arith.cmpi ne, %convert_element_type3A_194, %cond3A_195 : i32
      scf.if %cond3A_196 {
        %add3A_365 = arith.constant 4 : i32
        %add3A_366 = arith.addi %add3A_146, %add3A_365 : i32
        %mul3A_367 = arith.constant 2 : i32
        %mul3A_368 = arith.muli %add3A_366, %mul3A_367 : i32
        %add3A_369 = arith.addi %mul3A_2, %mul3A_368 : i32
        %dma_start3A_370 = arith.constant 0 : i32
        %dma_start3A_371 = arith.constant 0 : i32
        %dma_start3A_372 = arith.constant 0 : i32
        %dma_start3A_373 = tpu.memref_slice %arg4[%dma_start3A_370, %dma_start3A_371, %dma_start3A_372] : memref<4x2x2048xi32, #tpu.memory_space<vmem>> -> memref<1x2x2048xi32, #tpu.memory_space<vmem>>
        %dma_start3A_374 = tpu.memref_squeeze %dma_start3A_373 : memref<1x2x2048xi32, #tpu.memory_space<vmem>> -> memref<2x2048xi32, #tpu.memory_space<vmem>>
        %dma_start3A_375 = arith.constant 0 : i32
        %dma_start3A_376 = tpu.memref_slice %arg2[%add3A_369, %dma_start3A_375] : memref<4096x2048xi32, #tpu.memory_space<hbm>> -> memref<2x2048xi32, #tpu.memory_space<hbm>>
        %dma_start3A_377 = arith.constant 0 : i32
        %dma_start3A_378 = arith.constant 0 : i32
        %dma_start3A_379 = tpu.memref_slice %arg4[%dma_start3A_370, %dma_start3A_377, %dma_start3A_378] : memref<4x2x2048xi32, #tpu.memory_space<vmem>> -> memref<1x2x2048xi32, #tpu.memory_space<vmem>>
        %dma_start3A_380 = tpu.memref_squeeze %dma_start3A_379 : memref<1x2x2048xi32, #tpu.memory_space<vmem>> -> memref<2x2048xi32, #tpu.memory_space<vmem>>
        %dma_start3A_381 = arith.constant 0 : i32
        %dma_start3A_382 = tpu.memref_slice %arg2[%add3A_369, %dma_start3A_381] : memref<4096x2048xi32, #tpu.memory_space<hbm>> -> memref<2x2048xi32, #tpu.memory_space<hbm>>
        tpu.enqueue_dma source(%dma_start3A_382 : memref<2x2048xi32, #tpu.memory_space<hbm>>) target(%dma_start3A_380 : memref<2x2048xi32, #tpu.memory_space<vmem>>) target_semaphore(%arg6 : memref<!tpu.dma_semaphore, #tpu.memory_space<semaphore_mem>>)
      } else {
      }
      %add3A_197 = arith.constant 1 : i32
      %add3A_198 = arith.addi %mul3A_144, %add3A_197 : i32
      %mul3A_199 = arith.constant 2 : i32
      %mul3A_200 = arith.muli %add3A_198, %mul3A_199 : i32
      %add3A_201 = arith.addi %mul3A_2, %mul3A_200 : i32
      %dma_wait3A_202 = arith.constant 1 : i32
      %dma_wait3A_203 = arith.constant 0 : i32
      %dma_wait3A_204 = arith.constant 0 : i32
      %dma_wait3A_205 = tpu.memref_slice %arg4[%dma_wait3A_202, %dma_wait3A_203, %dma_wait3A_204] : memref<4x2x2048xi32, #tpu.memory_space<vmem>> -> memref<1x2x2048xi32, #tpu.memory_space<vmem>>
      %dma_wait3A_206 = tpu.memref_squeeze %dma_wait3A_205 : memref<1x2x2048xi32, #tpu.memory_space<vmem>> -> memref<2x2048xi32, #tpu.memory_space<vmem>>
      %dma_wait3A_207 = arith.constant 0 : i32
      %dma_wait3A_208 = tpu.memref_slice %arg2[%add3A_201, %dma_wait3A_207] : memref<4096x2048xi32, #tpu.memory_space<hbm>> -> memref<2x2048xi32, #tpu.memory_space<hbm>>
      %dma_wait3A_209 = arith.constant 0 : i32
      %dma_wait3A_210 = arith.constant 0 : i32
      %dma_wait3A_211 = tpu.memref_slice %arg4[%dma_wait3A_202, %dma_wait3A_209, %dma_wait3A_210] : memref<4x2x2048xi32, #tpu.memory_space<vmem>> -> memref<1x2x2048xi32, #tpu.memory_space<vmem>>
      %dma_wait3A_212 = tpu.memref_squeeze %dma_wait3A_211 : memref<1x2x2048xi32, #tpu.memory_space<vmem>> -> memref<2x2048xi32, #tpu.memory_space<vmem>>
      %dma_wait3A_213 = arith.constant 0 : i32
      %dma_wait3A_214 = tpu.memref_slice %arg2[%add3A_201, %dma_wait3A_213] : memref<4096x2048xi32, #tpu.memory_space<hbm>> -> memref<2x2048xi32, #tpu.memory_space<hbm>>
      tpu.wait_dma2 semaphore(%arg7 : memref<!tpu.dma_semaphore, #tpu.memory_space<semaphore_mem>>) src(%dma_wait3A_214 : memref<2x2048xi32, #tpu.memory_space<hbm>>) dst(%dma_wait3A_212 : memref<2x2048xi32, #tpu.memory_space<vmem>>)
      %ge3A_215 = arith.constant 4 : i32
      %ge3A_216 = arith.cmpi sge, %add3A_198, %ge3A_215 : i32
      %convert_element_type3A_217 = arith.extui %ge3A_216 : i1 to i32
      %cond3A_218 = arith.constant 0 : i32
      %cond3A_219 = arith.cmpi ne, %convert_element_type3A_217, %cond3A_218 : i32
      scf.if %cond3A_219 {
        %sub3A = arith.constant 4 : i32
        %sub3A_365 = arith.subi %add3A_198, %sub3A : i32
        %mul3A_366 = arith.constant 2 : i32
        %mul3A_367 = arith.muli %sub3A_365, %mul3A_366 : i32
        %add3A_368 = arith.addi %mul3A_2, %mul3A_367 : i32
        %dma_wait3A_369 = arith.constant 1 : i32
        %dma_wait3A_370 = arith.constant 0 : i32
        %dma_wait3A_371 = arith.constant 0 : i32
        %dma_wait3A_372 = arith.constant 0 : i32
        %dma_wait3A_373 = tpu.memref_slice %arg5[%dma_wait3A_369, %dma_wait3A_370, %dma_wait3A_371, %dma_wait3A_372] : memref<4x2x4x2048xf32, #tpu.memory_space<vmem>> -> memref<1x2x4x2048xf32, #tpu.memory_space<vmem>>
        %dma_wait3A_374 = tpu.memref_squeeze %dma_wait3A_373 : memref<1x2x4x2048xf32, #tpu.memory_space<vmem>> -> memref<2x4x2048xf32, #tpu.memory_space<vmem>>
        %dma_wait3A_375 = arith.constant 0 : i32
        %dma_wait3A_376 = arith.constant 0 : i32
        %dma_wait3A_377 = tpu.memref_slice %arg3[%add3A_368, %dma_wait3A_375, %dma_wait3A_376] : memref<4096x4x2048xf32, #tpu.memory_space<hbm>> -> memref<2x4x2048xf32, #tpu.memory_space<hbm>>
        %dma_wait3A_378 = arith.constant 0 : i32
        %dma_wait3A_379 = arith.constant 0 : i32
        %dma_wait3A_380 = tpu.memref_slice %arg3[%add3A_368, %dma_wait3A_378, %dma_wait3A_379] : memref<4096x4x2048xf32, #tpu.memory_space<hbm>> -> memref<2x4x2048xf32, #tpu.memory_space<hbm>>
        %dma_wait3A_381 = arith.constant 0 : i32
        %dma_wait3A_382 = arith.constant 0 : i32
        %dma_wait3A_383 = arith.constant 0 : i32
        %dma_wait3A_384 = tpu.memref_slice %arg5[%dma_wait3A_369, %dma_wait3A_381, %dma_wait3A_382, %dma_wait3A_383] : memref<4x2x4x2048xf32, #tpu.memory_space<vmem>> -> memref<1x2x4x2048xf32, #tpu.memory_space<vmem>>
        %dma_wait3A_385 = tpu.memref_squeeze %dma_wait3A_384 : memref<1x2x4x2048xf32, #tpu.memory_space<vmem>> -> memref<2x4x2048xf32, #tpu.memory_space<vmem>>
        tpu.wait_dma2 semaphore(%arg11 : memref<!tpu.dma_semaphore, #tpu.memory_space<semaphore_mem>>) src(%dma_wait3A_385 : memref<2x4x2048xf32, #tpu.memory_space<vmem>>) dst(%dma_wait3A_380 : memref<2x4x2048xf32, #tpu.memory_space<hbm>>)
      } else {
      }
      %scan3A_220 = arith.constant 0 : i32
      %scan3A_221 = arith.constant 0 : i32
      %scan3A_222 = arith.constant 128 : i32
      %scan3A_223 = arith.addi %scan3A_221, %scan3A_222 : i32
      %scan3A_224 = arith.constant 4 : i32
      scf.for %scan3A_365 = %scan3A_221 to %scan3A_223 step %scan3A_224  : i32 {
        %mul3A_366 = arith.constant 16 : i32
        %mul3A_367 = arith.muli %scan3A_365, %mul3A_366 : i32
        %get3A = arith.constant 1 : i32
        %get3A_368 = arith.constant 0 : i32
        %get3A_369 = arith.index_cast %get3A : i32 to index
        %get3A_370 = arith.index_cast %get3A_368 : i32 to index
        %get3A_371 = arith.index_cast %mul3A_367 : i32 to index
        %get3A_372 = tpu.vector_load %arg4[%get3A_369, %get3A_370, %get3A_371] {strides = array<i32>} : memref<4x2x2048xi32, #tpu.memory_space<vmem>>, vector<1x1x16xi32>,
        %get3A_373 = vector.shape_cast %get3A_372 : vector<1x1x16xi32> to vector<16xi32>
        %eq3A = arith.constant 0 : i32
        %eq3A_374 = vector.broadcast %eq3A : i32 to vector<16xi32>
        %eq3A_375 = arith.cmpi eq, %get3A_373, %eq3A_374 : vector<16xi32>
        %jit3A = arith.constant 1.000000e+00 : f32
        %jit3A_376 = arith.constant 0.000000e+00 : f32
        %broadcast_in_dim3A = vector.broadcast %jit3A : f32 to vector<16xf32>
        %broadcast_in_dim3A_377 = vector.broadcast %jit3A_376 : f32 to vector<16xf32>
        %select_n3A = arith.select %eq3A_375, %broadcast_in_dim3A, %broadcast_in_dim3A_377 : vector<16xi1>, vector<16xf32>
        %swap3A = arith.constant 1 : i32
        %swap3A_378 = arith.constant 0 : i32
        %swap3A_379 = arith.constant 0 : i32
        %swap3A_380 = arith.index_cast %swap3A : i32 to index
        %swap3A_381 = arith.index_cast %swap3A_378 : i32 to index
        %swap3A_382 = arith.index_cast %swap3A_379 : i32 to index
        %swap3A_383 = arith.index_cast %mul3A_367 : i32 to index
        %swap3A_384 = tpu.vector_load %arg5[%swap3A_380, %swap3A_381, %swap3A_382, %swap3A_383] {strides = array<i32>} : memref<4x2x4x2048xf32, #tpu.memory_space<vmem>>, vector<1x1x1x16xf32>,
        %swap3A_385 = vector.shape_cast %swap3A_384 : vector<1x1x1x16xf32> to vector<16xf32>
        %swap3A_386 = vector.shape_cast %select_n3A : vector<16xf32> to vector<1x1x1x16xf32>
        tpu.vector_store %arg5[%swap3A_380, %swap3A_381, %swap3A_382, %swap3A_383], %swap3A_386 {strides = array<i32>} : memref<4x2x4x2048xf32, #tpu.memory_space<vmem>>, vector<1x1x1x16xf32>,
        %eq3A_387 = arith.constant 1 : i32
        %eq3A_388 = vector.broadcast %eq3A_387 : i32 to vector<16xi32>
        %eq3A_389 = arith.cmpi eq, %get3A_373, %eq3A_388 : vector<16xi32>
        %jit3A_390 = arith.constant 1.000000e+00 : f32
        %jit3A_391 = arith.constant 0.000000e+00 : f32
        %broadcast_in_dim3A_392 = vector.broadcast %jit3A_390 : f32 to vector<16xf32>
        %broadcast_in_dim3A_393 = vector.broadcast %jit3A_391 : f32 to vector<16xf32>
        %select_n3A_394 = arith.select %eq3A_389, %broadcast_in_dim3A_392, %broadcast_in_dim3A_393 : vector<16xi1>, vector<16xf32>
        %swap3A_395 = arith.constant 1 : i32
        %swap3A_396 = arith.constant 0 : i32
        %swap3A_397 = arith.constant 1 : i32
        %swap3A_398 = arith.index_cast %swap3A_395 : i32 to index
        %swap3A_399 = arith.index_cast %swap3A_396 : i32 to index
        %swap3A_400 = arith.index_cast %swap3A_397 : i32 to index
        %swap3A_401 = arith.index_cast %mul3A_367 : i32 to index
        %swap3A_402 = tpu.vector_load %arg5[%swap3A_398, %swap3A_399, %swap3A_400, %swap3A_401] {strides = array<i32>} : memref<4x2x4x2048xf32, #tpu.memory_space<vmem>>, vector<1x1x1x16xf32>,
        %swap3A_403 = vector.shape_cast %swap3A_402 : vector<1x1x1x16xf32> to vector<16xf32>
        %swap3A_404 = vector.shape_cast %select_n3A_394 : vector<16xf32> to vector<1x1x1x16xf32>
        tpu.vector_store %arg5[%swap3A_398, %swap3A_399, %swap3A_400, %swap3A_401], %swap3A_404 {strides = array<i32>} : memref<4x2x4x2048xf32, #tpu.memory_space<vmem>>, vector<1x1x1x16xf32>,
        %eq3A_405 = arith.constant 2 : i32
        %eq3A_406 = vector.broadcast %eq3A_405 : i32 to vector<16xi32>
        %eq3A_407 = arith.cmpi eq, %get3A_373, %eq3A_406 : vector<16xi32>
        %jit3A_408 = arith.constant 1.000000e+00 : f32
        %jit3A_409 = arith.constant 0.000000e+00 : f32
        %broadcast_in_dim3A_410 = vector.broadcast %jit3A_408 : f32 to vector<16xf32>
        %broadcast_in_dim3A_411 = vector.broadcast %jit3A_409 : f32 to vector<16xf32>
        %select_n3A_412 = arith.select %eq3A_407, %broadcast_in_dim3A_410, %broadcast_in_dim3A_411 : vector<16xi1>, vector<16xf32>
        %swap3A_413 = arith.constant 1 : i32
        %swap3A_414 = arith.constant 0 : i32
        %swap3A_415 = arith.constant 2 : i32
        %swap3A_416 = arith.index_cast %swap3A_413 : i32 to index
        %swap3A_417 = arith.index_cast %swap3A_414 : i32 to index
        %swap3A_418 = arith.index_cast %swap3A_415 : i32 to index
        %swap3A_419 = arith.index_cast %mul3A_367 : i32 to index
        %swap3A_420 = tpu.vector_load %arg5[%swap3A_416, %swap3A_417, %swap3A_418, %swap3A_419] {strides = array<i32>} : memref<4x2x4x2048xf32, #tpu.memory_space<vmem>>, vector<1x1x1x16xf32>,
        %swap3A_421 = vector.shape_cast %swap3A_420 : vector<1x1x1x16xf32> to vector<16xf32>
        %swap3A_422 = vector.shape_cast %select_n3A_412 : vector<16xf32> to vector<1x1x1x16xf32>
        tpu.vector_store %arg5[%swap3A_416, %swap3A_417, %swap3A_418, %swap3A_419], %swap3A_422 {strides = array<i32>} : memref<4x2x4x2048xf32, #tpu.memory_space<vmem>>, vector<1x1x1x16xf32>,
        %eq3A_423 = arith.constant 3 : i32
        %eq3A_424 = vector.broadcast %eq3A_423 : i32 to vector<16xi32>
        %eq3A_425 = arith.cmpi eq, %get3A_373, %eq3A_424 : vector<16xi32>
        %jit3A_426 = arith.constant 1.000000e+00 : f32
        %jit3A_427 = arith.constant 0.000000e+00 : f32
        %broadcast_in_dim3A_428 = vector.broadcast %jit3A_426 : f32 to vector<16xf32>
        %broadcast_in_dim3A_429 = vector.broadcast %jit3A_427 : f32 to vector<16xf32>
        %select_n3A_430 = arith.select %eq3A_425, %broadcast_in_dim3A_428, %broadcast_in_dim3A_429 : vector<16xi1>, vector<16xf32>
        %swap3A_431 = arith.constant 1 : i32
        %swap3A_432 = arith.constant 0 : i32
        %swap3A_433 = arith.constant 3 : i32
        %swap3A_434 = arith.index_cast %swap3A_431 : i32 to index
        %swap3A_435 = arith.index_cast %swap3A_432 : i32 to index
        %swap3A_436 = arith.index_cast %swap3A_433 : i32 to index
        %swap3A_437 = arith.index_cast %mul3A_367 : i32 to index
        %swap3A_438 = tpu.vector_load %arg5[%swap3A_434, %swap3A_435, %swap3A_436, %swap3A_437] {strides = array<i32>} : memref<4x2x4x2048xf32, #tpu.memory_space<vmem>>, vector<1x1x1x16xf32>,
        %swap3A_439 = vector.shape_cast %swap3A_438 : vector<1x1x1x16xf32> to vector<16xf32>
        %swap3A_440 = vector.shape_cast %select_n3A_430 : vector<16xf32> to vector<1x1x1x16xf32>
        tpu.vector_store %arg5[%swap3A_434, %swap3A_435, %swap3A_436, %swap3A_437], %swap3A_440 {strides = array<i32>} : memref<4x2x4x2048xf32, #tpu.memory_space<vmem>>, vector<1x1x1x16xf32>,
        %get3A_441 = arith.constant 1 : i32
        %get3A_442 = arith.constant 1 : i32
        %get3A_443 = arith.index_cast %get3A_441 : i32 to index
        %get3A_444 = arith.index_cast %get3A_442 : i32 to index
        %get3A_445 = arith.index_cast %mul3A_367 : i32 to index
        %get3A_446 = tpu.vector_load %arg4[%get3A_443, %get3A_444, %get3A_445] {strides = array<i32>} : memref<4x2x2048xi32, #tpu.memory_space<vmem>>, vector<1x1x16xi32>,
        %get3A_447 = vector.shape_cast %get3A_446 : vector<1x1x16xi32> to vector<16xi32>
        %eq3A_448 = arith.constant 0 : i32
        %eq3A_449 = vector.broadcast %eq3A_448 : i32 to vector<16xi32>
        %eq3A_450 = arith.cmpi eq, %get3A_447, %eq3A_449 : vector<16xi32>
        %jit3A_451 = arith.constant 1.000000e+00 : f32
        %jit3A_452 = arith.constant 0.000000e+00 : f32
        %broadcast_in_dim3A_453 = vector.broadcast %jit3A_451 : f32 to vector<16xf32>
        %broadcast_in_dim3A_454 = vector.broadcast %jit3A_452 : f32 to vector<16xf32>
        %select_n3A_455 = arith.select %eq3A_450, %broadcast_in_dim3A_453, %broadcast_in_dim3A_454 : vector<16xi1>, vector<16xf32>
        %swap3A_456 = arith.constant 1 : i32
        %swap3A_457 = arith.constant 1 : i32
        %swap3A_458 = arith.constant 0 : i32
        %swap3A_459 = arith.index_cast %swap3A_456 : i32 to index
        %swap3A_460 = arith.index_cast %swap3A_457 : i32 to index
        %swap3A_461 = arith.index_cast %swap3A_458 : i32 to index
        %swap3A_462 = arith.index_cast %mul3A_367 : i32 to index
        %swap3A_463 = tpu.vector_load %arg5[%swap3A_459, %swap3A_460, %swap3A_461, %swap3A_462] {strides = array<i32>} : memref<4x2x4x2048xf32, #tpu.memory_space<vmem>>, vector<1x1x1x16xf32>,
        %swap3A_464 = vector.shape_cast %swap3A_463 : vector<1x1x1x16xf32> to vector<16xf32>
        %swap3A_465 = vector.shape_cast %select_n3A_455 : vector<16xf32> to vector<1x1x1x16xf32>
        tpu.vector_store %arg5[%swap3A_459, %swap3A_460, %swap3A_461, %swap3A_462], %swap3A_465 {strides = array<i32>} : memref<4x2x4x2048xf32, #tpu.memory_space<vmem>>, vector<1x1x1x16xf32>,
        %eq3A_466 = arith.constant 1 : i32
        %eq3A_467 = vector.broadcast %eq3A_466 : i32 to vector<16xi32>
        %eq3A_468 = arith.cmpi eq, %get3A_447, %eq3A_467 : vector<16xi32>
        %jit3A_469 = arith.constant 1.000000e+00 : f32
        %jit3A_470 = arith.constant 0.000000e+00 : f32
        %broadcast_in_dim3A_471 = vector.broadcast %jit3A_469 : f32 to vector<16xf32>
        %broadcast_in_dim3A_472 = vector.broadcast %jit3A_470 : f32 to vector<16xf32>
        %select_n3A_473 = arith.select %eq3A_468, %broadcast_in_dim3A_471, %broadcast_in_dim3A_472 : vector<16xi1>, vector<16xf32>
        %swap3A_474 = arith.constant 1 : i32
        %swap3A_475 = arith.constant 1 : i32
        %swap3A_476 = arith.constant 1 : i32
        %swap3A_477 = arith.index_cast %swap3A_474 : i32 to index
        %swap3A_478 = arith.index_cast %swap3A_475 : i32 to index
        %swap3A_479 = arith.index_cast %swap3A_476 : i32 to index
        %swap3A_480 = arith.index_cast %mul3A_367 : i32 to index
        %swap3A_481 = tpu.vector_load %arg5[%swap3A_477, %swap3A_478, %swap3A_479, %swap3A_480] {strides = array<i32>} : memref<4x2x4x2048xf32, #tpu.memory_space<vmem>>, vector<1x1x1x16xf32>,
        %swap3A_482 = vector.shape_cast %swap3A_481 : vector<1x1x1x16xf32> to vector<16xf32>
        %swap3A_483 = vector.shape_cast %select_n3A_473 : vector<16xf32> to vector<1x1x1x16xf32>
        tpu.vector_store %arg5[%swap3A_477, %swap3A_478, %swap3A_479, %swap3A_480], %swap3A_483 {strides = array<i32>} : memref<4x2x4x2048xf32, #tpu.memory_space<vmem>>, vector<1x1x1x16xf32>,
        %eq3A_484 = arith.constant 2 : i32
        %eq3A_485 = vector.broadcast %eq3A_484 : i32 to vector<16xi32>
        %eq3A_486 = arith.cmpi eq, %get3A_447, %eq3A_485 : vector<16xi32>
        %jit3A_487 = arith.constant 1.000000e+00 : f32
        %jit3A_488 = arith.constant 0.000000e+00 : f32
        %broadcast_in_dim3A_489 = vector.broadcast %jit3A_487 : f32 to vector<16xf32>
        %broadcast_in_dim3A_490 = vector.broadcast %jit3A_488 : f32 to vector<16xf32>
        %select_n3A_491 = arith.select %eq3A_486, %broadcast_in_dim3A_489, %broadcast_in_dim3A_490 : vector<16xi1>, vector<16xf32>
        %swap3A_492 = arith.constant 1 : i32
        %swap3A_493 = arith.constant 1 : i32
        %swap3A_494 = arith.constant 2 : i32
        %swap3A_495 = arith.index_cast %swap3A_492 : i32 to index
        %swap3A_496 = arith.index_cast %swap3A_493 : i32 to index
        %swap3A_497 = arith.index_cast %swap3A_494 : i32 to index
        %swap3A_498 = arith.index_cast %mul3A_367 : i32 to index
        %swap3A_499 = tpu.vector_load %arg5[%swap3A_495, %swap3A_496, %swap3A_497, %swap3A_498] {strides = array<i32>} : memref<4x2x4x2048xf32, #tpu.memory_space<vmem>>, vector<1x1x1x16xf32>,
        %swap3A_500 = vector.shape_cast %swap3A_499 : vector<1x1x1x16xf32> to vector<16xf32>
        %swap3A_501 = vector.shape_cast %select_n3A_491 : vector<16xf32> to vector<1x1x1x16xf32>
        tpu.vector_store %arg5[%swap3A_495, %swap3A_496, %swap3A_497, %swap3A_498], %swap3A_501 {strides = array<i32>} : memref<4x2x4x2048xf32, #tpu.memory_space<vmem>>, vector<1x1x1x16xf32>,
        %eq3A_502 = arith.constant 3 : i32
        %eq3A_503 = vector.broadcast %eq3A_502 : i32 to vector<16xi32>
        %eq3A_504 = arith.cmpi eq, %get3A_447, %eq3A_503 : vector<16xi32>
        %jit3A_505 = arith.constant 1.000000e+00 : f32
        %jit3A_506 = arith.constant 0.000000e+00 : f32
        %broadcast_in_dim3A_507 = vector.broadcast %jit3A_505 : f32 to vector<16xf32>
        %broadcast_in_dim3A_508 = vector.broadcast %jit3A_506 : f32 to vector<16xf32>
        %select_n3A_509 = arith.select %eq3A_504, %broadcast_in_dim3A_507, %broadcast_in_dim3A_508 : vector<16xi1>, vector<16xf32>
        %swap3A_510 = arith.constant 1 : i32
        %swap3A_511 = arith.constant 1 : i32
        %swap3A_512 = arith.constant 3 : i32
        %swap3A_513 = arith.index_cast %swap3A_510 : i32 to index
        %swap3A_514 = arith.index_cast %swap3A_511 : i32 to index
        %swap3A_515 = arith.index_cast %swap3A_512 : i32 to index
        %swap3A_516 = arith.index_cast %mul3A_367 : i32 to index
        %swap3A_517 = tpu.vector_load %arg5[%swap3A_513, %swap3A_514, %swap3A_515, %swap3A_516] {strides = array<i32>} : memref<4x2x4x2048xf32, #tpu.memory_space<vmem>>, vector<1x1x1x16xf32>,
        %swap3A_518 = vector.shape_cast %swap3A_517 : vector<1x1x1x16xf32> to vector<16xf32>
        %swap3A_519 = vector.shape_cast %select_n3A_509 : vector<16xf32> to vector<1x1x1x16xf32>
        tpu.vector_store %arg5[%swap3A_513, %swap3A_514, %swap3A_515, %swap3A_516], %swap3A_519 {strides = array<i32>} : memref<4x2x4x2048xf32, #tpu.memory_space<vmem>>, vector<1x1x1x16xf32>,
        %scan3A_520 = arith.constant 1 : i32
        %scan3A_521 = arith.addi %scan3A_365, %scan3A_520 : i32
        %mul3A_522 = arith.constant 16 : i32
        %mul3A_523 = arith.muli %scan3A_521, %mul3A_522 : i32
        %get3A_524 = arith.constant 1 : i32
        %get3A_525 = arith.constant 0 : i32
        %get3A_526 = arith.index_cast %get3A_524 : i32 to index
        %get3A_527 = arith.index_cast %get3A_525 : i32 to index
        %get3A_528 = arith.index_cast %mul3A_523 : i32 to index
        %get3A_529 = tpu.vector_load %arg4[%get3A_526, %get3A_527, %get3A_528] {strides = array<i32>} : memref<4x2x2048xi32, #tpu.memory_space<vmem>>, vector<1x1x16xi32>,
        %get3A_530 = vector.shape_cast %get3A_529 : vector<1x1x16xi32> to vector<16xi32>
        %eq3A_531 = arith.constant 0 : i32
        %eq3A_532 = vector.broadcast %eq3A_531 : i32 to vector<16xi32>
        %eq3A_533 = arith.cmpi eq, %get3A_530, %eq3A_532 : vector<16xi32>
        %jit3A_534 = arith.constant 1.000000e+00 : f32
        %jit3A_535 = arith.constant 0.000000e+00 : f32
        %broadcast_in_dim3A_536 = vector.broadcast %jit3A_534 : f32 to vector<16xf32>
        %broadcast_in_dim3A_537 = vector.broadcast %jit3A_535 : f32 to vector<16xf32>
        %select_n3A_538 = arith.select %eq3A_533, %broadcast_in_dim3A_536, %broadcast_in_dim3A_537 : vector<16xi1>, vector<16xf32>
        %swap3A_539 = arith.constant 1 : i32
        %swap3A_540 = arith.constant 0 : i32
        %swap3A_541 = arith.constant 0 : i32
        %swap3A_542 = arith.index_cast %swap3A_539 : i32 to index
        %swap3A_543 = arith.index_cast %swap3A_540 : i32 to index
        %swap3A_544 = arith.index_cast %swap3A_541 : i32 to index
        %swap3A_545 = arith.index_cast %mul3A_523 : i32 to index
        %swap3A_546 = tpu.vector_load %arg5[%swap3A_542, %swap3A_543, %swap3A_544, %swap3A_545] {strides = array<i32>} : memref<4x2x4x2048xf32, #tpu.memory_space<vmem>>, vector<1x1x1x16xf32>,
        %swap3A_547 = vector.shape_cast %swap3A_546 : vector<1x1x1x16xf32> to vector<16xf32>
        %swap3A_548 = vector.shape_cast %select_n3A_538 : vector<16xf32> to vector<1x1x1x16xf32>
        tpu.vector_store %arg5[%swap3A_542, %swap3A_543, %swap3A_544, %swap3A_545], %swap3A_548 {strides = array<i32>} : memref<4x2x4x2048xf32, #tpu.memory_space<vmem>>, vector<1x1x1x16xf32>,
        %eq3A_549 = arith.constant 1 : i32
        %eq3A_550 = vector.broadcast %eq3A_549 : i32 to vector<16xi32>
        %eq3A_551 = arith.cmpi eq, %get3A_530, %eq3A_550 : vector<16xi32>
        %jit3A_552 = arith.constant 1.000000e+00 : f32
        %jit3A_553 = arith.constant 0.000000e+00 : f32
        %broadcast_in_dim3A_554 = vector.broadcast %jit3A_552 : f32 to vector<16xf32>
        %broadcast_in_dim3A_555 = vector.broadcast %jit3A_553 : f32 to vector<16xf32>
        %select_n3A_556 = arith.select %eq3A_551, %broadcast_in_dim3A_554, %broadcast_in_dim3A_555 : vector<16xi1>, vector<16xf32>
        %swap3A_557 = arith.constant 1 : i32
        %swap3A_558 = arith.constant 0 : i32
        %swap3A_559 = arith.constant 1 : i32
        %swap3A_560 = arith.index_cast %swap3A_557 : i32 to index
        %swap3A_561 = arith.index_cast %swap3A_558 : i32 to index
        %swap3A_562 = arith.index_cast %swap3A_559 : i32 to index
        %swap3A_563 = arith.index_cast %mul3A_523 : i32 to index
        %swap3A_564 = tpu.vector_load %arg5[%swap3A_560, %swap3A_561, %swap3A_562, %swap3A_563] {strides = array<i32>} : memref<4x2x4x2048xf32, #tpu.memory_space<vmem>>, vector<1x1x1x16xf32>,
        %swap3A_565 = vector.shape_cast %swap3A_564 : vector<1x1x1x16xf32> to vector<16xf32>
        %swap3A_566 = vector.shape_cast %select_n3A_556 : vector<16xf32> to vector<1x1x1x16xf32>
        tpu.vector_store %arg5[%swap3A_560, %swap3A_561, %swap3A_562, %swap3A_563], %swap3A_566 {strides = array<i32>} : memref<4x2x4x2048xf32, #tpu.memory_space<vmem>>, vector<1x1x1x16xf32>,
        %eq3A_567 = arith.constant 2 : i32
        %eq3A_568 = vector.broadcast %eq3A_567 : i32 to vector<16xi32>
        %eq3A_569 = arith.cmpi eq, %get3A_530, %eq3A_568 : vector<16xi32>
        %jit3A_570 = arith.constant 1.000000e+00 : f32
        %jit3A_571 = arith.constant 0.000000e+00 : f32
        %broadcast_in_dim3A_572 = vector.broadcast %jit3A_570 : f32 to vector<16xf32>
        %broadcast_in_dim3A_573 = vector.broadcast %jit3A_571 : f32 to vector<16xf32>
        %select_n3A_574 = arith.select %eq3A_569, %broadcast_in_dim3A_572, %broadcast_in_dim3A_573 : vector<16xi1>, vector<16xf32>
        %swap3A_575 = arith.constant 1 : i32
        %swap3A_576 = arith.constant 0 : i32
        %swap3A_577 = arith.constant 2 : i32
        %swap3A_578 = arith.index_cast %swap3A_575 : i32 to index
        %swap3A_579 = arith.index_cast %swap3A_576 : i32 to index
        %swap3A_580 = arith.index_cast %swap3A_577 : i32 to index
        %swap3A_581 = arith.index_cast %mul3A_523 : i32 to index
        %swap3A_582 = tpu.vector_load %arg5[%swap3A_578, %swap3A_579, %swap3A_580, %swap3A_581] {strides = array<i32>} : memref<4x2x4x2048xf32, #tpu.memory_space<vmem>>, vector<1x1x1x16xf32>,
        %swap3A_583 = vector.shape_cast %swap3A_582 : vector<1x1x1x16xf32> to vector<16xf32>
        %swap3A_584 = vector.shape_cast %select_n3A_574 : vector<16xf32> to vector<1x1x1x16xf32>
        tpu.vector_store %arg5[%swap3A_578, %swap3A_579, %swap3A_580, %swap3A_581], %swap3A_584 {strides = array<i32>} : memref<4x2x4x2048xf32, #tpu.memory_space<vmem>>, vector<1x1x1x16xf32>,
        %eq3A_585 = arith.constant 3 : i32
        %eq3A_586 = vector.broadcast %eq3A_585 : i32 to vector<16xi32>
        %eq3A_587 = arith.cmpi eq, %get3A_530, %eq3A_586 : vector<16xi32>
        %jit3A_588 = arith.constant 1.000000e+00 : f32
        %jit3A_589 = arith.constant 0.000000e+00 : f32
        %broadcast_in_dim3A_590 = vector.broadcast %jit3A_588 : f32 to vector<16xf32>
        %broadcast_in_dim3A_591 = vector.broadcast %jit3A_589 : f32 to vector<16xf32>
        %select_n3A_592 = arith.select %eq3A_587, %broadcast_in_dim3A_590, %broadcast_in_dim3A_591 : vector<16xi1>, vector<16xf32>
        %swap3A_593 = arith.constant 1 : i32
        %swap3A_594 = arith.constant 0 : i32
        %swap3A_595 = arith.constant 3 : i32
        %swap3A_596 = arith.index_cast %swap3A_593 : i32 to index
        %swap3A_597 = arith.index_cast %swap3A_594 : i32 to index
        %swap3A_598 = arith.index_cast %swap3A_595 : i32 to index
        %swap3A_599 = arith.index_cast %mul3A_523 : i32 to index
        %swap3A_600 = tpu.vector_load %arg5[%swap3A_596, %swap3A_597, %swap3A_598, %swap3A_599] {strides = array<i32>} : memref<4x2x4x2048xf32, #tpu.memory_space<vmem>>, vector<1x1x1x16xf32>,
        %swap3A_601 = vector.shape_cast %swap3A_600 : vector<1x1x1x16xf32> to vector<16xf32>
        %swap3A_602 = vector.shape_cast %select_n3A_592 : vector<16xf32> to vector<1x1x1x16xf32>
        tpu.vector_store %arg5[%swap3A_596, %swap3A_597, %swap3A_598, %swap3A_599], %swap3A_602 {strides = array<i32>} : memref<4x2x4x2048xf32, #tpu.memory_space<vmem>>, vector<1x1x1x16xf32>,
        %get3A_603 = arith.constant 1 : i32
        %get3A_604 = arith.constant 1 : i32
        %get3A_605 = arith.index_cast %get3A_603 : i32 to index
        %get3A_606 = arith.index_cast %get3A_604 : i32 to index
        %get3A_607 = arith.index_cast %mul3A_523 : i32 to index
        %get3A_608 = tpu.vector_load %arg4[%get3A_605, %get3A_606, %get3A_607] {strides = array<i32>} : memref<4x2x2048xi32, #tpu.memory_space<vmem>>, vector<1x1x16xi32>,
        %get3A_609 = vector.shape_cast %get3A_608 : vector<1x1x16xi32> to vector<16xi32>
        %eq3A_610 = arith.constant 0 : i32
        %eq3A_611 = vector.broadcast %eq3A_610 : i32 to vector<16xi32>
        %eq3A_612 = arith.cmpi eq, %get3A_609, %eq3A_611 : vector<16xi32>
        %jit3A_613 = arith.constant 1.000000e+00 : f32
        %jit3A_614 = arith.constant 0.000000e+00 : f32
        %broadcast_in_dim3A_615 = vector.broadcast %jit3A_613 : f32 to vector<16xf32>
        %broadcast_in_dim3A_616 = vector.broadcast %jit3A_614 : f32 to vector<16xf32>
        %select_n3A_617 = arith.select %eq3A_612, %broadcast_in_dim3A_615, %broadcast_in_dim3A_616 : vector<16xi1>, vector<16xf32>
        %swap3A_618 = arith.constant 1 : i32
        %swap3A_619 = arith.constant 1 : i32
        %swap3A_620 = arith.constant 0 : i32
        %swap3A_621 = arith.index_cast %swap3A_618 : i32 to index
        %swap3A_622 = arith.index_cast %swap3A_619 : i32 to index
        %swap3A_623 = arith.index_cast %swap3A_620 : i32 to index
        %swap3A_624 = arith.index_cast %mul3A_523 : i32 to index
        %swap3A_625 = tpu.vector_load %arg5[%swap3A_621, %swap3A_622, %swap3A_623, %swap3A_624] {strides = array<i32>} : memref<4x2x4x2048xf32, #tpu.memory_space<vmem>>, vector<1x1x1x16xf32>,
        %swap3A_626 = vector.shape_cast %swap3A_625 : vector<1x1x1x16xf32> to vector<16xf32>
        %swap3A_627 = vector.shape_cast %select_n3A_617 : vector<16xf32> to vector<1x1x1x16xf32>
        tpu.vector_store %arg5[%swap3A_621, %swap3A_622, %swap3A_623, %swap3A_624], %swap3A_627 {strides = array<i32>} : memref<4x2x4x2048xf32, #tpu.memory_space<vmem>>, vector<1x1x1x16xf32>,
        %eq3A_628 = arith.constant 1 : i32
        %eq3A_629 = vector.broadcast %eq3A_628 : i32 to vector<16xi32>
        %eq3A_630 = arith.cmpi eq, %get3A_609, %eq3A_629 : vector<16xi32>
        %jit3A_631 = arith.constant 1.000000e+00 : f32
        %jit3A_632 = arith.constant 0.000000e+00 : f32
        %broadcast_in_dim3A_633 = vector.broadcast %jit3A_631 : f32 to vector<16xf32>
        %broadcast_in_dim3A_634 = vector.broadcast %jit3A_632 : f32 to vector<16xf32>
        %select_n3A_635 = arith.select %eq3A_630, %broadcast_in_dim3A_633, %broadcast_in_dim3A_634 : vector<16xi1>, vector<16xf32>
        %swap3A_636 = arith.constant 1 : i32
        %swap3A_637 = arith.constant 1 : i32
        %swap3A_638 = arith.constant 1 : i32
        %swap3A_639 = arith.index_cast %swap3A_636 : i32 to index
        %swap3A_640 = arith.index_cast %swap3A_637 : i32 to index
        %swap3A_641 = arith.index_cast %swap3A_638 : i32 to index
        %swap3A_642 = arith.index_cast %mul3A_523 : i32 to index
        %swap3A_643 = tpu.vector_load %arg5[%swap3A_639, %swap3A_640, %swap3A_641, %swap3A_642] {strides = array<i32>} : memref<4x2x4x2048xf32, #tpu.memory_space<vmem>>, vector<1x1x1x16xf32>,
        %swap3A_644 = vector.shape_cast %swap3A_643 : vector<1x1x1x16xf32> to vector<16xf32>
        %swap3A_645 = vector.shape_cast %select_n3A_635 : vector<16xf32> to vector<1x1x1x16xf32>
        tpu.vector_store %arg5[%swap3A_639, %swap3A_640, %swap3A_641, %swap3A_642], %swap3A_645 {strides = array<i32>} : memref<4x2x4x2048xf32, #tpu.memory_space<vmem>>, vector<1x1x1x16xf32>,
        %eq3A_646 = arith.constant 2 : i32
        %eq3A_647 = vector.broadcast %eq3A_646 : i32 to vector<16xi32>
        %eq3A_648 = arith.cmpi eq, %get3A_609, %eq3A_647 : vector<16xi32>
        %jit3A_649 = arith.constant 1.000000e+00 : f32
        %jit3A_650 = arith.constant 0.000000e+00 : f32
        %broadcast_in_dim3A_651 = vector.broadcast %jit3A_649 : f32 to vector<16xf32>
        %broadcast_in_dim3A_652 = vector.broadcast %jit3A_650 : f32 to vector<16xf32>
        %select_n3A_653 = arith.select %eq3A_648, %broadcast_in_dim3A_651, %broadcast_in_dim3A_652 : vector<16xi1>, vector<16xf32>
        %swap3A_654 = arith.constant 1 : i32
        %swap3A_655 = arith.constant 1 : i32
        %swap3A_656 = arith.constant 2 : i32
        %swap3A_657 = arith.index_cast %swap3A_654 : i32 to index
        %swap3A_658 = arith.index_cast %swap3A_655 : i32 to index
        %swap3A_659 = arith.index_cast %swap3A_656 : i32 to index
        %swap3A_660 = arith.index_cast %mul3A_523 : i32 to index
        %swap3A_661 = tpu.vector_load %arg5[%swap3A_657, %swap3A_658, %swap3A_659, %swap3A_660] {strides = array<i32>} : memref<4x2x4x2048xf32, #tpu.memory_space<vmem>>, vector<1x1x1x16xf32>,
        %swap3A_662 = vector.shape_cast %swap3A_661 : vector<1x1x1x16xf32> to vector<16xf32>
        %swap3A_663 = vector.shape_cast %select_n3A_653 : vector<16xf32> to vector<1x1x1x16xf32>
        tpu.vector_store %arg5[%swap3A_657, %swap3A_658, %swap3A_659, %swap3A_660], %swap3A_663 {strides = array<i32>} : memref<4x2x4x2048xf32, #tpu.memory_space<vmem>>, vector<1x1x1x16xf32>,
        %eq3A_664 = arith.constant 3 : i32
        %eq3A_665 = vector.broadcast %eq3A_664 : i32 to vector<16xi32>
        %eq3A_666 = arith.cmpi eq, %get3A_609, %eq3A_665 : vector<16xi32>
        %jit3A_667 = arith.constant 1.000000e+00 : f32
        %jit3A_668 = arith.constant 0.000000e+00 : f32
        %broadcast_in_dim3A_669 = vector.broadcast %jit3A_667 : f32 to vector<16xf32>
        %broadcast_in_dim3A_670 = vector.broadcast %jit3A_668 : f32 to vector<16xf32>
        %select_n3A_671 = arith.select %eq3A_666, %broadcast_in_dim3A_669, %broadcast_in_dim3A_670 : vector<16xi1>, vector<16xf32>
        %swap3A_672 = arith.constant 1 : i32
        %swap3A_673 = arith.constant 1 : i32
        %swap3A_674 = arith.constant 3 : i32
        %swap3A_675 = arith.index_cast %swap3A_672 : i32 to index
        %swap3A_676 = arith.index_cast %swap3A_673 : i32 to index
        %swap3A_677 = arith.index_cast %swap3A_674 : i32 to index
        %swap3A_678 = arith.index_cast %mul3A_523 : i32 to index
        %swap3A_679 = tpu.vector_load %arg5[%swap3A_675, %swap3A_676, %swap3A_677, %swap3A_678] {strides = array<i32>} : memref<4x2x4x2048xf32, #tpu.memory_space<vmem>>, vector<1x1x1x16xf32>,
        %swap3A_680 = vector.shape_cast %swap3A_679 : vector<1x1x1x16xf32> to vector<16xf32>
        %swap3A_681 = vector.shape_cast %select_n3A_671 : vector<16xf32> to vector<1x1x1x16xf32>
        tpu.vector_store %arg5[%swap3A_675, %swap3A_676, %swap3A_677, %swap3A_678], %swap3A_681 {strides = array<i32>} : memref<4x2x4x2048xf32, #tpu.memory_space<vmem>>, vector<1x1x1x16xf32>,
        %scan3A_682 = arith.constant 2 : i32
        %scan3A_683 = arith.addi %scan3A_365, %scan3A_682 : i32
        %mul3A_684 = arith.constant 16 : i32
        %mul3A_685 = arith.muli %scan3A_683, %mul3A_684 : i32
        %get3A_686 = arith.constant 1 : i32
        %get3A_687 = arith.constant 0 : i32
        %get3A_688 = arith.index_cast %get3A_686 : i32 to index
        %get3A_689 = arith.index_cast %get3A_687 : i32 to index
        %get3A_690 = arith.index_cast %mul3A_685 : i32 to index
        %get3A_691 = tpu.vector_load %arg4[%get3A_688, %get3A_689, %get3A_690] {strides = array<i32>} : memref<4x2x2048xi32, #tpu.memory_space<vmem>>, vector<1x1x16xi32>,
        %get3A_692 = vector.shape_cast %get3A_691 : vector<1x1x16xi32> to vector<16xi32>
        %eq3A_693 = arith.constant 0 : i32
        %eq3A_694 = vector.broadcast %eq3A_693 : i32 to vector<16xi32>
        %eq3A_695 = arith.cmpi eq, %get3A_692, %eq3A_694 : vector<16xi32>
        %jit3A_696 = arith.constant 1.000000e+00 : f32
        %jit3A_697 = arith.constant 0.000000e+00 : f32
        %broadcast_in_dim3A_698 = vector.broadcast %jit3A_696 : f32 to vector<16xf32>
        %broadcast_in_dim3A_699 = vector.broadcast %jit3A_697 : f32 to vector<16xf32>
        %select_n3A_700 = arith.select %eq3A_695, %broadcast_in_dim3A_698, %broadcast_in_dim3A_699 : vector<16xi1>, vector<16xf32>
        %swap3A_701 = arith.constant 1 : i32
        %swap3A_702 = arith.constant 0 : i32
        %swap3A_703 = arith.constant 0 : i32
        %swap3A_704 = arith.index_cast %swap3A_701 : i32 to index
        %swap3A_705 = arith.index_cast %swap3A_702 : i32 to index
        %swap3A_706 = arith.index_cast %swap3A_703 : i32 to index
        %swap3A_707 = arith.index_cast %mul3A_685 : i32 to index
        %swap3A_708 = tpu.vector_load %arg5[%swap3A_704, %swap3A_705, %swap3A_706, %swap3A_707] {strides = array<i32>} : memref<4x2x4x2048xf32, #tpu.memory_space<vmem>>, vector<1x1x1x16xf32>,
        %swap3A_709 = vector.shape_cast %swap3A_708 : vector<1x1x1x16xf32> to vector<16xf32>
        %swap3A_710 = vector.shape_cast %select_n3A_700 : vector<16xf32> to vector<1x1x1x16xf32>
        tpu.vector_store %arg5[%swap3A_704, %swap3A_705, %swap3A_706, %swap3A_707], %swap3A_710 {strides = array<i32>} : memref<4x2x4x2048xf32, #tpu.memory_space<vmem>>, vector<1x1x1x16xf32>,
        %eq3A_711 = arith.constant 1 : i32
        %eq3A_712 = vector.broadcast %eq3A_711 : i32 to vector<16xi32>
        %eq3A_713 = arith.cmpi eq, %get3A_692, %eq3A_712 : vector<16xi32>
        %jit3A_714 = arith.constant 1.000000e+00 : f32
        %jit3A_715 = arith.constant 0.000000e+00 : f32
        %broadcast_in_dim3A_716 = vector.broadcast %jit3A_714 : f32 to vector<16xf32>
        %broadcast_in_dim3A_717 = vector.broadcast %jit3A_715 : f32 to vector<16xf32>
        %select_n3A_718 = arith.select %eq3A_713, %broadcast_in_dim3A_716, %broadcast_in_dim3A_717 : vector<16xi1>, vector<16xf32>
        %swap3A_719 = arith.constant 1 : i32
        %swap3A_720 = arith.constant 0 : i32
        %swap3A_721 = arith.constant 1 : i32
        %swap3A_722 = arith.index_cast %swap3A_719 : i32 to index
        %swap3A_723 = arith.index_cast %swap3A_720 : i32 to index
        %swap3A_724 = arith.index_cast %swap3A_721 : i32 to index
        %swap3A_725 = arith.index_cast %mul3A_685 : i32 to index
        %swap3A_726 = tpu.vector_load %arg5[%swap3A_722, %swap3A_723, %swap3A_724, %swap3A_725] {strides = array<i32>} : memref<4x2x4x2048xf32, #tpu.memory_space<vmem>>, vector<1x1x1x16xf32>,
        %swap3A_727 = vector.shape_cast %swap3A_726 : vector<1x1x1x16xf32> to vector<16xf32>
        %swap3A_728 = vector.shape_cast %select_n3A_718 : vector<16xf32> to vector<1x1x1x16xf32>
        tpu.vector_store %arg5[%swap3A_722, %swap3A_723, %swap3A_724, %swap3A_725], %swap3A_728 {strides = array<i32>} : memref<4x2x4x2048xf32, #tpu.memory_space<vmem>>, vector<1x1x1x16xf32>,
        %eq3A_729 = arith.constant 2 : i32
        %eq3A_730 = vector.broadcast %eq3A_729 : i32 to vector<16xi32>
        %eq3A_731 = arith.cmpi eq, %get3A_692, %eq3A_730 : vector<16xi32>
        %jit3A_732 = arith.constant 1.000000e+00 : f32
        %jit3A_733 = arith.constant 0.000000e+00 : f32
        %broadcast_in_dim3A_734 = vector.broadcast %jit3A_732 : f32 to vector<16xf32>
        %broadcast_in_dim3A_735 = vector.broadcast %jit3A_733 : f32 to vector<16xf32>
        %select_n3A_736 = arith.select %eq3A_731, %broadcast_in_dim3A_734, %broadcast_in_dim3A_735 : vector<16xi1>, vector<16xf32>
        %swap3A_737 = arith.constant 1 : i32
        %swap3A_738 = arith.constant 0 : i32
        %swap3A_739 = arith.constant 2 : i32
        %swap3A_740 = arith.index_cast %swap3A_737 : i32 to index
        %swap3A_741 = arith.index_cast %swap3A_738 : i32 to index
        %swap3A_742 = arith.index_cast %swap3A_739 : i32 to index
        %swap3A_743 = arith.index_cast %mul3A_685 : i32 to index
        %swap3A_744 = tpu.vector_load %arg5[%swap3A_740, %swap3A_741, %swap3A_742, %swap3A_743] {strides = array<i32>} : memref<4x2x4x2048xf32, #tpu.memory_space<vmem>>, vector<1x1x1x16xf32>,
        %swap3A_745 = vector.shape_cast %swap3A_744 : vector<1x1x1x16xf32> to vector<16xf32>
        %swap3A_746 = vector.shape_cast %select_n3A_736 : vector<16xf32> to vector<1x1x1x16xf32>
        tpu.vector_store %arg5[%swap3A_740, %swap3A_741, %swap3A_742, %swap3A_743], %swap3A_746 {strides = array<i32>} : memref<4x2x4x2048xf32, #tpu.memory_space<vmem>>, vector<1x1x1x16xf32>,
        %eq3A_747 = arith.constant 3 : i32
        %eq3A_748 = vector.broadcast %eq3A_747 : i32 to vector<16xi32>
        %eq3A_749 = arith.cmpi eq, %get3A_692, %eq3A_748 : vector<16xi32>
        %jit3A_750 = arith.constant 1.000000e+00 : f32
        %jit3A_751 = arith.constant 0.000000e+00 : f32
        %broadcast_in_dim3A_752 = vector.broadcast %jit3A_750 : f32 to vector<16xf32>
        %broadcast_in_dim3A_753 = vector.broadcast %jit3A_751 : f32 to vector<16xf32>
        %select_n3A_754 = arith.select %eq3A_749, %broadcast_in_dim3A_752, %broadcast_in_dim3A_753 : vector<16xi1>, vector<16xf32>
        %swap3A_755 = arith.constant 1 : i32
        %swap3A_756 = arith.constant 0 : i32
        %swap3A_757 = arith.constant 3 : i32
        %swap3A_758 = arith.index_cast %swap3A_755 : i32 to index
        %swap3A_759 = arith.index_cast %swap3A_756 : i32 to index
        %swap3A_760 = arith.index_cast %swap3A_757 : i32 to index
        %swap3A_761 = arith.index_cast %mul3A_685 : i32 to index
        %swap3A_762 = tpu.vector_load %arg5[%swap3A_758, %swap3A_759, %swap3A_760, %swap3A_761] {strides = array<i32>} : memref<4x2x4x2048xf32, #tpu.memory_space<vmem>>, vector<1x1x1x16xf32>,
        %swap3A_763 = vector.shape_cast %swap3A_762 : vector<1x1x1x16xf32> to vector<16xf32>
        %swap3A_764 = vector.shape_cast %select_n3A_754 : vector<16xf32> to vector<1x1x1x16xf32>
        tpu.vector_store %arg5[%swap3A_758, %swap3A_759, %swap3A_760, %swap3A_761], %swap3A_764 {strides = array<i32>} : memref<4x2x4x2048xf32, #tpu.memory_space<vmem>>, vector<1x1x1x16xf32>,
        %get3A_765 = arith.constant 1 : i32
        %get3A_766 = arith.constant 1 : i32
        %get3A_767 = arith.index_cast %get3A_765 : i32 to index
        %get3A_768 = arith.index_cast %get3A_766 : i32 to index
        %get3A_769 = arith.index_cast %mul3A_685 : i32 to index
        %get3A_770 = tpu.vector_load %arg4[%get3A_767, %get3A_768, %get3A_769] {strides = array<i32>} : memref<4x2x2048xi32, #tpu.memory_space<vmem>>, vector<1x1x16xi32>,
        %get3A_771 = vector.shape_cast %get3A_770 : vector<1x1x16xi32> to vector<16xi32>
        %eq3A_772 = arith.constant 0 : i32
        %eq3A_773 = vector.broadcast %eq3A_772 : i32 to vector<16xi32>
        %eq3A_774 = arith.cmpi eq, %get3A_771, %eq3A_773 : vector<16xi32>
        %jit3A_775 = arith.constant 1.000000e+00 : f32
        %jit3A_776 = arith.constant 0.000000e+00 : f32
        %broadcast_in_dim3A_777 = vector.broadcast %jit3A_775 : f32 to vector<16xf32>
        %broadcast_in_dim3A_778 = vector.broadcast %jit3A_776 : f32 to vector<16xf32>
        %select_n3A_779 = arith.select %eq3A_774, %broadcast_in_dim3A_777, %broadcast_in_dim3A_778 : vector<16xi1>, vector<16xf32>
        %swap3A_780 = arith.constant 1 : i32
        %swap3A_781 = arith.constant 1 : i32
        %swap3A_782 = arith.constant 0 : i32
        %swap3A_783 = arith.index_cast %swap3A_780 : i32 to index
        %swap3A_784 = arith.index_cast %swap3A_781 : i32 to index
        %swap3A_785 = arith.index_cast %swap3A_782 : i32 to index
        %swap3A_786 = arith.index_cast %mul3A_685 : i32 to index
        %swap3A_787 = tpu.vector_load %arg5[%swap3A_783, %swap3A_784, %swap3A_785, %swap3A_786] {strides = array<i32>} : memref<4x2x4x2048xf32, #tpu.memory_space<vmem>>, vector<1x1x1x16xf32>,
        %swap3A_788 = vector.shape_cast %swap3A_787 : vector<1x1x1x16xf32> to vector<16xf32>
        %swap3A_789 = vector.shape_cast %select_n3A_779 : vector<16xf32> to vector<1x1x1x16xf32>
        tpu.vector_store %arg5[%swap3A_783, %swap3A_784, %swap3A_785, %swap3A_786], %swap3A_789 {strides = array<i32>} : memref<4x2x4x2048xf32, #tpu.memory_space<vmem>>, vector<1x1x1x16xf32>,
        %eq3A_790 = arith.constant 1 : i32
        %eq3A_791 = vector.broadcast %eq3A_790 : i32 to vector<16xi32>
        %eq3A_792 = arith.cmpi eq, %get3A_771, %eq3A_791 : vector<16xi32>
        %jit3A_793 = arith.constant 1.000000e+00 : f32
        %jit3A_794 = arith.constant 0.000000e+00 : f32
        %broadcast_in_dim3A_795 = vector.broadcast %jit3A_793 : f32 to vector<16xf32>
        %broadcast_in_dim3A_796 = vector.broadcast %jit3A_794 : f32 to vector<16xf32>
        %select_n3A_797 = arith.select %eq3A_792, %broadcast_in_dim3A_795, %broadcast_in_dim3A_796 : vector<16xi1>, vector<16xf32>
        %swap3A_798 = arith.constant 1 : i32
        %swap3A_799 = arith.constant 1 : i32
        %swap3A_800 = arith.constant 1 : i32
        %swap3A_801 = arith.index_cast %swap3A_798 : i32 to index
        %swap3A_802 = arith.index_cast %swap3A_799 : i32 to index
        %swap3A_803 = arith.index_cast %swap3A_800 : i32 to index
        %swap3A_804 = arith.index_cast %mul3A_685 : i32 to index
        %swap3A_805 = tpu.vector_load %arg5[%swap3A_801, %swap3A_802, %swap3A_803, %swap3A_804] {strides = array<i32>} : memref<4x2x4x2048xf32, #tpu.memory_space<vmem>>, vector<1x1x1x16xf32>,
        %swap3A_806 = vector.shape_cast %swap3A_805 : vector<1x1x1x16xf32> to vector<16xf32>
        %swap3A_807 = vector.shape_cast %select_n3A_797 : vector<16xf32> to vector<1x1x1x16xf32>
        tpu.vector_store %arg5[%swap3A_801, %swap3A_802, %swap3A_803, %swap3A_804], %swap3A_807 {strides = array<i32>} : memref<4x2x4x2048xf32, #tpu.memory_space<vmem>>, vector<1x1x1x16xf32>,
        %eq3A_808 = arith.constant 2 : i32
        %eq3A_809 = vector.broadcast %eq3A_808 : i32 to vector<16xi32>
        %eq3A_810 = arith.cmpi eq, %get3A_771, %eq3A_809 : vector<16xi32>
        %jit3A_811 = arith.constant 1.000000e+00 : f32
        %jit3A_812 = arith.constant 0.000000e+00 : f32
        %broadcast_in_dim3A_813 = vector.broadcast %jit3A_811 : f32 to vector<16xf32>
        %broadcast_in_dim3A_814 = vector.broadcast %jit3A_812 : f32 to vector<16xf32>
        %select_n3A_815 = arith.select %eq3A_810, %broadcast_in_dim3A_813, %broadcast_in_dim3A_814 : vector<16xi1>, vector<16xf32>
        %swap3A_816 = arith.constant 1 : i32
        %swap3A_817 = arith.constant 1 : i32
        %swap3A_818 = arith.constant 2 : i32
        %swap3A_819 = arith.index_cast %swap3A_816 : i32 to index
        %swap3A_820 = arith.index_cast %swap3A_817 : i32 to index
        %swap3A_821 = arith.index_cast %swap3A_818 : i32 to index
        %swap3A_822 = arith.index_cast %mul3A_685 : i32 to index
        %swap3A_823 = tpu.vector_load %arg5[%swap3A_819, %swap3A_820, %swap3A_821, %swap3A_822] {strides = array<i32>} : memref<4x2x4x2048xf32, #tpu.memory_space<vmem>>, vector<1x1x1x16xf32>,
        %swap3A_824 = vector.shape_cast %swap3A_823 : vector<1x1x1x16xf32> to vector<16xf32>
        %swap3A_825 = vector.shape_cast %select_n3A_815 : vector<16xf32> to vector<1x1x1x16xf32>
        tpu.vector_store %arg5[%swap3A_819, %swap3A_820, %swap3A_821, %swap3A_822], %swap3A_825 {strides = array<i32>} : memref<4x2x4x2048xf32, #tpu.memory_space<vmem>>, vector<1x1x1x16xf32>,
        %eq3A_826 = arith.constant 3 : i32
        %eq3A_827 = vector.broadcast %eq3A_826 : i32 to vector<16xi32>
        %eq3A_828 = arith.cmpi eq, %get3A_771, %eq3A_827 : vector<16xi32>
        %jit3A_829 = arith.constant 1.000000e+00 : f32
        %jit3A_830 = arith.constant 0.000000e+00 : f32
        %broadcast_in_dim3A_831 = vector.broadcast %jit3A_829 : f32 to vector<16xf32>
        %broadcast_in_dim3A_832 = vector.broadcast %jit3A_830 : f32 to vector<16xf32>
        %select_n3A_833 = arith.select %eq3A_828, %broadcast_in_dim3A_831, %broadcast_in_dim3A_832 : vector<16xi1>, vector<16xf32>
        %swap3A_834 = arith.constant 1 : i32
        %swap3A_835 = arith.constant 1 : i32
        %swap3A_836 = arith.constant 3 : i32
        %swap3A_837 = arith.index_cast %swap3A_834 : i32 to index
        %swap3A_838 = arith.index_cast %swap3A_835 : i32 to index
        %swap3A_839 = arith.index_cast %swap3A_836 : i32 to index
        %swap3A_840 = arith.index_cast %mul3A_685 : i32 to index
        %swap3A_841 = tpu.vector_load %arg5[%swap3A_837, %swap3A_838, %swap3A_839, %swap3A_840] {strides = array<i32>} : memref<4x2x4x2048xf32, #tpu.memory_space<vmem>>, vector<1x1x1x16xf32>,
        %swap3A_842 = vector.shape_cast %swap3A_841 : vector<1x1x1x16xf32> to vector<16xf32>
        %swap3A_843 = vector.shape_cast %select_n3A_833 : vector<16xf32> to vector<1x1x1x16xf32>
        tpu.vector_store %arg5[%swap3A_837, %swap3A_838, %swap3A_839, %swap3A_840], %swap3A_843 {strides = array<i32>} : memref<4x2x4x2048xf32, #tpu.memory_space<vmem>>, vector<1x1x1x16xf32>,
        %scan3A_844 = arith.constant 3 : i32
        %scan3A_845 = arith.addi %scan3A_365, %scan3A_844 : i32
        %mul3A_846 = arith.constant 16 : i32
        %mul3A_847 = arith.muli %scan3A_845, %mul3A_846 : i32
        %get3A_848 = arith.constant 1 : i32
        %get3A_849 = arith.constant 0 : i32
        %get3A_850 = arith.index_cast %get3A_848 : i32 to index
        %get3A_851 = arith.index_cast %get3A_849 : i32 to index
        %get3A_852 = arith.index_cast %mul3A_847 : i32 to index
        %get3A_853 = tpu.vector_load %arg4[%get3A_850, %get3A_851, %get3A_852] {strides = array<i32>} : memref<4x2x2048xi32, #tpu.memory_space<vmem>>, vector<1x1x16xi32>,
        %get3A_854 = vector.shape_cast %get3A_853 : vector<1x1x16xi32> to vector<16xi32>
        %eq3A_855 = arith.constant 0 : i32
        %eq3A_856 = vector.broadcast %eq3A_855 : i32 to vector<16xi32>
        %eq3A_857 = arith.cmpi eq, %get3A_854, %eq3A_856 : vector<16xi32>
        %jit3A_858 = arith.constant 1.000000e+00 : f32
        %jit3A_859 = arith.constant 0.000000e+00 : f32
        %broadcast_in_dim3A_860 = vector.broadcast %jit3A_858 : f32 to vector<16xf32>
        %broadcast_in_dim3A_861 = vector.broadcast %jit3A_859 : f32 to vector<16xf32>
        %select_n3A_862 = arith.select %eq3A_857, %broadcast_in_dim3A_860, %broadcast_in_dim3A_861 : vector<16xi1>, vector<16xf32>
        %swap3A_863 = arith.constant 1 : i32
        %swap3A_864 = arith.constant 0 : i32
        %swap3A_865 = arith.constant 0 : i32
        %swap3A_866 = arith.index_cast %swap3A_863 : i32 to index
        %swap3A_867 = arith.index_cast %swap3A_864 : i32 to index
        %swap3A_868 = arith.index_cast %swap3A_865 : i32 to index
        %swap3A_869 = arith.index_cast %mul3A_847 : i32 to index
        %swap3A_870 = tpu.vector_load %arg5[%swap3A_866, %swap3A_867, %swap3A_868, %swap3A_869] {strides = array<i32>} : memref<4x2x4x2048xf32, #tpu.memory_space<vmem>>, vector<1x1x1x16xf32>,
        %swap3A_871 = vector.shape_cast %swap3A_870 : vector<1x1x1x16xf32> to vector<16xf32>
        %swap3A_872 = vector.shape_cast %select_n3A_862 : vector<16xf32> to vector<1x1x1x16xf32>
        tpu.vector_store %arg5[%swap3A_866, %swap3A_867, %swap3A_868, %swap3A_869], %swap3A_872 {strides = array<i32>} : memref<4x2x4x2048xf32, #tpu.memory_space<vmem>>, vector<1x1x1x16xf32>,
        %eq3A_873 = arith.constant 1 : i32
        %eq3A_874 = vector.broadcast %eq3A_873 : i32 to vector<16xi32>
        %eq3A_875 = arith.cmpi eq, %get3A_854, %eq3A_874 : vector<16xi32>
        %jit3A_876 = arith.constant 1.000000e+00 : f32
        %jit3A_877 = arith.constant 0.000000e+00 : f32
        %broadcast_in_dim3A_878 = vector.broadcast %jit3A_876 : f32 to vector<16xf32>
        %broadcast_in_dim3A_879 = vector.broadcast %jit3A_877 : f32 to vector<16xf32>
        %select_n3A_880 = arith.select %eq3A_875, %broadcast_in_dim3A_878, %broadcast_in_dim3A_879 : vector<16xi1>, vector<16xf32>
        %swap3A_881 = arith.constant 1 : i32
        %swap3A_882 = arith.constant 0 : i32
        %swap3A_883 = arith.constant 1 : i32
        %swap3A_884 = arith.index_cast %swap3A_881 : i32 to index
        %swap3A_885 = arith.index_cast %swap3A_882 : i32 to index
        %swap3A_886 = arith.index_cast %swap3A_883 : i32 to index
        %swap3A_887 = arith.index_cast %mul3A_847 : i32 to index
        %swap3A_888 = tpu.vector_load %arg5[%swap3A_884, %swap3A_885, %swap3A_886, %swap3A_887] {strides = array<i32>} : memref<4x2x4x2048xf32, #tpu.memory_space<vmem>>, vector<1x1x1x16xf32>,
        %swap3A_889 = vector.shape_cast %swap3A_888 : vector<1x1x1x16xf32> to vector<16xf32>
        %swap3A_890 = vector.shape_cast %select_n3A_880 : vector<16xf32> to vector<1x1x1x16xf32>
        tpu.vector_store %arg5[%swap3A_884, %swap3A_885, %swap3A_886, %swap3A_887], %swap3A_890 {strides = array<i32>} : memref<4x2x4x2048xf32, #tpu.memory_space<vmem>>, vector<1x1x1x16xf32>,
        %eq3A_891 = arith.constant 2 : i32
        %eq3A_892 = vector.broadcast %eq3A_891 : i32 to vector<16xi32>
        %eq3A_893 = arith.cmpi eq, %get3A_854, %eq3A_892 : vector<16xi32>
        %jit3A_894 = arith.constant 1.000000e+00 : f32
        %jit3A_895 = arith.constant 0.000000e+00 : f32
        %broadcast_in_dim3A_896 = vector.broadcast %jit3A_894 : f32 to vector<16xf32>
        %broadcast_in_dim3A_897 = vector.broadcast %jit3A_895 : f32 to vector<16xf32>
        %select_n3A_898 = arith.select %eq3A_893, %broadcast_in_dim3A_896, %broadcast_in_dim3A_897 : vector<16xi1>, vector<16xf32>
        %swap3A_899 = arith.constant 1 : i32
        %swap3A_900 = arith.constant 0 : i32
        %swap3A_901 = arith.constant 2 : i32
        %swap3A_902 = arith.index_cast %swap3A_899 : i32 to index
        %swap3A_903 = arith.index_cast %swap3A_900 : i32 to index
        %swap3A_904 = arith.index_cast %swap3A_901 : i32 to index
        %swap3A_905 = arith.index_cast %mul3A_847 : i32 to index
        %swap3A_906 = tpu.vector_load %arg5[%swap3A_902, %swap3A_903, %swap3A_904, %swap3A_905] {strides = array<i32>} : memref<4x2x4x2048xf32, #tpu.memory_space<vmem>>, vector<1x1x1x16xf32>,
        %swap3A_907 = vector.shape_cast %swap3A_906 : vector<1x1x1x16xf32> to vector<16xf32>
        %swap3A_908 = vector.shape_cast %select_n3A_898 : vector<16xf32> to vector<1x1x1x16xf32>
        tpu.vector_store %arg5[%swap3A_902, %swap3A_903, %swap3A_904, %swap3A_905], %swap3A_908 {strides = array<i32>} : memref<4x2x4x2048xf32, #tpu.memory_space<vmem>>, vector<1x1x1x16xf32>,
        %eq3A_909 = arith.constant 3 : i32
        %eq3A_910 = vector.broadcast %eq3A_909 : i32 to vector<16xi32>
        %eq3A_911 = arith.cmpi eq, %get3A_854, %eq3A_910 : vector<16xi32>
        %jit3A_912 = arith.constant 1.000000e+00 : f32
        %jit3A_913 = arith.constant 0.000000e+00 : f32
        %broadcast_in_dim3A_914 = vector.broadcast %jit3A_912 : f32 to vector<16xf32>
        %broadcast_in_dim3A_915 = vector.broadcast %jit3A_913 : f32 to vector<16xf32>
        %select_n3A_916 = arith.select %eq3A_911, %broadcast_in_dim3A_914, %broadcast_in_dim3A_915 : vector<16xi1>, vector<16xf32>
        %swap3A_917 = arith.constant 1 : i32
        %swap3A_918 = arith.constant 0 : i32
        %swap3A_919 = arith.constant 3 : i32
        %swap3A_920 = arith.index_cast %swap3A_917 : i32 to index
        %swap3A_921 = arith.index_cast %swap3A_918 : i32 to index
        %swap3A_922 = arith.index_cast %swap3A_919 : i32 to index
        %swap3A_923 = arith.index_cast %mul3A_847 : i32 to index
        %swap3A_924 = tpu.vector_load %arg5[%swap3A_920, %swap3A_921, %swap3A_922, %swap3A_923] {strides = array<i32>} : memref<4x2x4x2048xf32, #tpu.memory_space<vmem>>, vector<1x1x1x16xf32>,
        %swap3A_925 = vector.shape_cast %swap3A_924 : vector<1x1x1x16xf32> to vector<16xf32>
        %swap3A_926 = vector.shape_cast %select_n3A_916 : vector<16xf32> to vector<1x1x1x16xf32>
        tpu.vector_store %arg5[%swap3A_920, %swap3A_921, %swap3A_922, %swap3A_923], %swap3A_926 {strides = array<i32>} : memref<4x2x4x2048xf32, #tpu.memory_space<vmem>>, vector<1x1x1x16xf32>,
        %get3A_927 = arith.constant 1 : i32
        %get3A_928 = arith.constant 1 : i32
        %get3A_929 = arith.index_cast %get3A_927 : i32 to index
        %get3A_930 = arith.index_cast %get3A_928 : i32 to index
        %get3A_931 = arith.index_cast %mul3A_847 : i32 to index
        %get3A_932 = tpu.vector_load %arg4[%get3A_929, %get3A_930, %get3A_931] {strides = array<i32>} : memref<4x2x2048xi32, #tpu.memory_space<vmem>>, vector<1x1x16xi32>,
        %get3A_933 = vector.shape_cast %get3A_932 : vector<1x1x16xi32> to vector<16xi32>
        %eq3A_934 = arith.constant 0 : i32
        %eq3A_935 = vector.broadcast %eq3A_934 : i32 to vector<16xi32>
        %eq3A_936 = arith.cmpi eq, %get3A_933, %eq3A_935 : vector<16xi32>
        %jit3A_937 = arith.constant 1.000000e+00 : f32
        %jit3A_938 = arith.constant 0.000000e+00 : f32
        %broadcast_in_dim3A_939 = vector.broadcast %jit3A_937 : f32 to vector<16xf32>
        %broadcast_in_dim3A_940 = vector.broadcast %jit3A_938 : f32 to vector<16xf32>
        %select_n3A_941 = arith.select %eq3A_936, %broadcast_in_dim3A_939, %broadcast_in_dim3A_940 : vector<16xi1>, vector<16xf32>
        %swap3A_942 = arith.constant 1 : i32
        %swap3A_943 = arith.constant 1 : i32
        %swap3A_944 = arith.constant 0 : i32
        %swap3A_945 = arith.index_cast %swap3A_942 : i32 to index
        %swap3A_946 = arith.index_cast %swap3A_943 : i32 to index
        %swap3A_947 = arith.index_cast %swap3A_944 : i32 to index
        %swap3A_948 = arith.index_cast %mul3A_847 : i32 to index
        %swap3A_949 = tpu.vector_load %arg5[%swap3A_945, %swap3A_946, %swap3A_947, %swap3A_948] {strides = array<i32>} : memref<4x2x4x2048xf32, #tpu.memory_space<vmem>>, vector<1x1x1x16xf32>,
        %swap3A_950 = vector.shape_cast %swap3A_949 : vector<1x1x1x16xf32> to vector<16xf32>
        %swap3A_951 = vector.shape_cast %select_n3A_941 : vector<16xf32> to vector<1x1x1x16xf32>
        tpu.vector_store %arg5[%swap3A_945, %swap3A_946, %swap3A_947, %swap3A_948], %swap3A_951 {strides = array<i32>} : memref<4x2x4x2048xf32, #tpu.memory_space<vmem>>, vector<1x1x1x16xf32>,
        %eq3A_952 = arith.constant 1 : i32
        %eq3A_953 = vector.broadcast %eq3A_952 : i32 to vector<16xi32>
        %eq3A_954 = arith.cmpi eq, %get3A_933, %eq3A_953 : vector<16xi32>
        %jit3A_955 = arith.constant 1.000000e+00 : f32
        %jit3A_956 = arith.constant 0.000000e+00 : f32
        %broadcast_in_dim3A_957 = vector.broadcast %jit3A_955 : f32 to vector<16xf32>
        %broadcast_in_dim3A_958 = vector.broadcast %jit3A_956 : f32 to vector<16xf32>
        %select_n3A_959 = arith.select %eq3A_954, %broadcast_in_dim3A_957, %broadcast_in_dim3A_958 : vector<16xi1>, vector<16xf32>
        %swap3A_960 = arith.constant 1 : i32
        %swap3A_961 = arith.constant 1 : i32
        %swap3A_962 = arith.constant 1 : i32
        %swap3A_963 = arith.index_cast %swap3A_960 : i32 to index
        %swap3A_964 = arith.index_cast %swap3A_961 : i32 to index
        %swap3A_965 = arith.index_cast %swap3A_962 : i32 to index
        %swap3A_966 = arith.index_cast %mul3A_847 : i32 to index
        %swap3A_967 = tpu.vector_load %arg5[%swap3A_963, %swap3A_964, %swap3A_965, %swap3A_966] {strides = array<i32>} : memref<4x2x4x2048xf32, #tpu.memory_space<vmem>>, vector<1x1x1x16xf32>,
        %swap3A_968 = vector.shape_cast %swap3A_967 : vector<1x1x1x16xf32> to vector<16xf32>
        %swap3A_969 = vector.shape_cast %select_n3A_959 : vector<16xf32> to vector<1x1x1x16xf32>
        tpu.vector_store %arg5[%swap3A_963, %swap3A_964, %swap3A_965, %swap3A_966], %swap3A_969 {strides = array<i32>} : memref<4x2x4x2048xf32, #tpu.memory_space<vmem>>, vector<1x1x1x16xf32>,
        %eq3A_970 = arith.constant 2 : i32
        %eq3A_971 = vector.broadcast %eq3A_970 : i32 to vector<16xi32>
        %eq3A_972 = arith.cmpi eq, %get3A_933, %eq3A_971 : vector<16xi32>
        %jit3A_973 = arith.constant 1.000000e+00 : f32
        %jit3A_974 = arith.constant 0.000000e+00 : f32
        %broadcast_in_dim3A_975 = vector.broadcast %jit3A_973 : f32 to vector<16xf32>
        %broadcast_in_dim3A_976 = vector.broadcast %jit3A_974 : f32 to vector<16xf32>
        %select_n3A_977 = arith.select %eq3A_972, %broadcast_in_dim3A_975, %broadcast_in_dim3A_976 : vector<16xi1>, vector<16xf32>
        %swap3A_978 = arith.constant 1 : i32
        %swap3A_979 = arith.constant 1 : i32
        %swap3A_980 = arith.constant 2 : i32
        %swap3A_981 = arith.index_cast %swap3A_978 : i32 to index
        %swap3A_982 = arith.index_cast %swap3A_979 : i32 to index
        %swap3A_983 = arith.index_cast %swap3A_980 : i32 to index
        %swap3A_984 = arith.index_cast %mul3A_847 : i32 to index
        %swap3A_985 = tpu.vector_load %arg5[%swap3A_981, %swap3A_982, %swap3A_983, %swap3A_984] {strides = array<i32>} : memref<4x2x4x2048xf32, #tpu.memory_space<vmem>>, vector<1x1x1x16xf32>,
        %swap3A_986 = vector.shape_cast %swap3A_985 : vector<1x1x1x16xf32> to vector<16xf32>
        %swap3A_987 = vector.shape_cast %select_n3A_977 : vector<16xf32> to vector<1x1x1x16xf32>
        tpu.vector_store %arg5[%swap3A_981, %swap3A_982, %swap3A_983, %swap3A_984], %swap3A_987 {strides = array<i32>} : memref<4x2x4x2048xf32, #tpu.memory_space<vmem>>, vector<1x1x1x16xf32>,
        %eq3A_988 = arith.constant 3 : i32
        %eq3A_989 = vector.broadcast %eq3A_988 : i32 to vector<16xi32>
        %eq3A_990 = arith.cmpi eq, %get3A_933, %eq3A_989 : vector<16xi32>
        %jit3A_991 = arith.constant 1.000000e+00 : f32
        %jit3A_992 = arith.constant 0.000000e+00 : f32
        %broadcast_in_dim3A_993 = vector.broadcast %jit3A_991 : f32 to vector<16xf32>
        %broadcast_in_dim3A_994 = vector.broadcast %jit3A_992 : f32 to vector<16xf32>
        %select_n3A_995 = arith.select %eq3A_990, %broadcast_in_dim3A_993, %broadcast_in_dim3A_994 : vector<16xi1>, vector<16xf32>
        %swap3A_996 = arith.constant 1 : i32
        %swap3A_997 = arith.constant 1 : i32
        %swap3A_998 = arith.constant 3 : i32
        %swap3A_999 = arith.index_cast %swap3A_996 : i32 to index
        %swap3A_1000 = arith.index_cast %swap3A_997 : i32 to index
        %swap3A_1001 = arith.index_cast %swap3A_998 : i32 to index
        %swap3A_1002 = arith.index_cast %mul3A_847 : i32 to index
        %swap3A_1003 = tpu.vector_load %arg5[%swap3A_999, %swap3A_1000, %swap3A_1001, %swap3A_1002] {strides = array<i32>} : memref<4x2x4x2048xf32, #tpu.memory_space<vmem>>, vector<1x1x1x16xf32>,
        %swap3A_1004 = vector.shape_cast %swap3A_1003 : vector<1x1x1x16xf32> to vector<16xf32>
        %swap3A_1005 = vector.shape_cast %select_n3A_995 : vector<16xf32> to vector<1x1x1x16xf32>
        tpu.vector_store %arg5[%swap3A_999, %swap3A_1000, %swap3A_1001, %swap3A_1002], %swap3A_1005 {strides = array<i32>} : memref<4x2x4x2048xf32, #tpu.memory_space<vmem>>, vector<1x1x1x16xf32>,
      }
      %scan3A_225 = arith.constant 128 : i32
      %mul3A_226 = arith.constant 2 : i32
      %mul3A_227 = arith.muli %add3A_198, %mul3A_226 : i32
      %add3A_228 = arith.addi %mul3A_2, %mul3A_227 : i32
      %dma_start3A_229 = arith.constant 1 : i32
      %dma_start3A_230 = arith.constant 0 : i32
      %dma_start3A_231 = arith.constant 0 : i32
      %dma_start3A_232 = arith.constant 0 : i32
      %dma_start3A_233 = tpu.memref_slice %arg5[%dma_start3A_229, %dma_start3A_230, %dma_start3A_231, %dma_start3A_232] : memref<4x2x4x2048xf32, #tpu.memory_space<vmem>> -> memref<1x2x4x2048xf32, #tpu.memory_space<vmem>>
      %dma_start3A_234 = tpu.memref_squeeze %dma_start3A_233 : memref<1x2x4x2048xf32, #tpu.memory_space<vmem>> -> memref<2x4x2048xf32, #tpu.memory_space<vmem>>
      %dma_start3A_235 = arith.constant 0 : i32
      %dma_start3A_236 = arith.constant 0 : i32
      %dma_start3A_237 = tpu.memref_slice %arg3[%add3A_228, %dma_start3A_235, %dma_start3A_236] : memref<4096x4x2048xf32, #tpu.memory_space<hbm>> -> memref<2x4x2048xf32, #tpu.memory_space<hbm>>
      %dma_start3A_238 = arith.constant 0 : i32
      %dma_start3A_239 = arith.constant 0 : i32
      %dma_start3A_240 = tpu.memref_slice %arg3[%add3A_228, %dma_start3A_238, %dma_start3A_239] : memref<4096x4x2048xf32, #tpu.memory_space<hbm>> -> memref<2x4x2048xf32, #tpu.memory_space<hbm>>
      %dma_start3A_241 = arith.constant 0 : i32
      %dma_start3A_242 = arith.constant 0 : i32
      %dma_start3A_243 = arith.constant 0 : i32
      %dma_start3A_244 = tpu.memref_slice %arg5[%dma_start3A_229, %dma_start3A_241, %dma_start3A_242, %dma_start3A_243] : memref<4x2x4x2048xf32, #tpu.memory_space<vmem>> -> memref<1x2x4x2048xf32, #tpu.memory_space<vmem>>
      %dma_start3A_245 = tpu.memref_squeeze %dma_start3A_244 : memref<1x2x4x2048xf32, #tpu.memory_space<vmem>> -> memref<2x4x2048xf32, #tpu.memory_space<vmem>>
      tpu.enqueue_dma source(%dma_start3A_245 : memref<2x4x2048xf32, #tpu.memory_space<vmem>>) target(%dma_start3A_240 : memref<2x4x2048xf32, #tpu.memory_space<hbm>>) target_semaphore(%arg11 : memref<!tpu.dma_semaphore, #tpu.memory_space<semaphore_mem>>)
      %add3A_246 = arith.constant 4 : i32
      %add3A_247 = arith.addi %add3A_198, %add3A_246 : i32
      %lt3A_248 = arith.constant 64 : i32
      %lt3A_249 = arith.cmpi slt, %add3A_247, %lt3A_248 : i32
      %convert_element_type3A_250 = arith.extui %lt3A_249 : i1 to i32
      %cond3A_251 = arith.constant 0 : i32
      %cond3A_252 = arith.cmpi ne, %convert_element_type3A_250, %cond3A_251 : i32
      scf.if %cond3A_252 {
        %add3A_365 = arith.constant 4 : i32
        %add3A_366 = arith.addi %add3A_198, %add3A_365 : i32
        %mul3A_367 = arith.constant 2 : i32
        %mul3A_368 = arith.muli %add3A_366, %mul3A_367 : i32
        %add3A_369 = arith.addi %mul3A_2, %mul3A_368 : i32
        %dma_start3A_370 = arith.constant 1 : i32
        %dma_start3A_371 = arith.constant 0 : i32
        %dma_start3A_372 = arith.constant 0 : i32
        %dma_start3A_373 = tpu.memref_slice %arg4[%dma_start3A_370, %dma_start3A_371, %dma_start3A_372] : memref<4x2x2048xi32, #tpu.memory_space<vmem>> -> memref<1x2x2048xi32, #tpu.memory_space<vmem>>
        %dma_start3A_374 = tpu.memref_squeeze %dma_start3A_373 : memref<1x2x2048xi32, #tpu.memory_space<vmem>> -> memref<2x2048xi32, #tpu.memory_space<vmem>>
        %dma_start3A_375 = arith.constant 0 : i32
        %dma_start3A_376 = tpu.memref_slice %arg2[%add3A_369, %dma_start3A_375] : memref<4096x2048xi32, #tpu.memory_space<hbm>> -> memref<2x2048xi32, #tpu.memory_space<hbm>>
        %dma_start3A_377 = arith.constant 0 : i32
        %dma_start3A_378 = arith.constant 0 : i32
        %dma_start3A_379 = tpu.memref_slice %arg4[%dma_start3A_370, %dma_start3A_377, %dma_start3A_378] : memref<4x2x2048xi32, #tpu.memory_space<vmem>> -> memref<1x2x2048xi32, #tpu.memory_space<vmem>>
        %dma_start3A_380 = tpu.memref_squeeze %dma_start3A_379 : memref<1x2x2048xi32, #tpu.memory_space<vmem>> -> memref<2x2048xi32, #tpu.memory_space<vmem>>
        %dma_start3A_381 = arith.constant 0 : i32
        %dma_start3A_382 = tpu.memref_slice %arg2[%add3A_369, %dma_start3A_381] : memref<4096x2048xi32, #tpu.memory_space<hbm>> -> memref<2x2048xi32, #tpu.memory_space<hbm>>
        tpu.enqueue_dma source(%dma_start3A_382 : memref<2x2048xi32, #tpu.memory_space<hbm>>) target(%dma_start3A_380 : memref<2x2048xi32, #tpu.memory_space<vmem>>) target_semaphore(%arg7 : memref<!tpu.dma_semaphore, #tpu.memory_space<semaphore_mem>>)
      } else {
      }
      %add3A_253 = arith.constant 2 : i32
      %add3A_254 = arith.addi %mul3A_144, %add3A_253 : i32
      %mul3A_255 = arith.constant 2 : i32
      %mul3A_256 = arith.muli %add3A_254, %mul3A_255 : i32
      %add3A_257 = arith.addi %mul3A_2, %mul3A_256 : i32
      %dma_wait3A_258 = arith.constant 2 : i32
      %dma_wait3A_259 = arith.constant 0 : i32
      %dma_wait3A_260 = arith.constant 0 : i32
      %dma_wait3A_261 = tpu.memref_slice %arg4[%dma_wait3A_258, %dma_wait3A_259, %dma_wait3A_260] : memref<4x2x2048xi32, #tpu.memory_space<vmem>> -> memref<1x2x2048xi32, #tpu.memory_space<vmem>>
      %dma_wait3A_262 = tpu.memref_squeeze %dma_wait3A_261 : memref<1x2x2048xi32, #tpu.memory_space<vmem>> -> memref<2x2048xi32, #tpu.memory_space<vmem>>
      %dma_wait3A_263 = arith.constant 0 : i32
      %dma_wait3A_264 = tpu.memref_slice %arg2[%add3A_257, %dma_wait3A_263] : memref<4096x2048xi32, #tpu.memory_space<hbm>> -> memref<2x2048xi32, #tpu.memory_space<hbm>>
      %dma_wait3A_265 = arith.constant 0 : i32
      %dma_wait3A_266 = arith.constant 0 : i32
      %dma_wait3A_267 = tpu.memref_slice %arg4[%dma_wait3A_258, %dma_wait3A_265, %dma_wait3A_266] : memref<4x2x2048xi32, #tpu.memory_space<vmem>> -> memref<1x2x2048xi32, #tpu.memory_space<vmem>>
      %dma_wait3A_268 = tpu.memref_squeeze %dma_wait3A_267 : memref<1x2x2048xi32, #tpu.memory_space<vmem>> -> memref<2x2048xi32, #tpu.memory_space<vmem>>
      %dma_wait3A_269 = arith.constant 0 : i32
      %dma_wait3A_270 = tpu.memref_slice %arg2[%add3A_257, %dma_wait3A_269] : memref<4096x2048xi32, #tpu.memory_space<hbm>> -> memref<2x2048xi32, #tpu.memory_space<hbm>>
      tpu.wait_dma2 semaphore(%arg8 : memref<!tpu.dma_semaphore, #tpu.memory_space<semaphore_mem>>) src(%dma_wait3A_270 : memref<2x2048xi32, #tpu.memory_space<hbm>>) dst(%dma_wait3A_268 : memref<2x2048xi32, #tpu.memory_space<vmem>>)
      %ge3A_271 = arith.constant 4 : i32
      %ge3A_272 = arith.cmpi sge, %add3A_254, %ge3A_271 : i32
      %convert_element_type3A_273 = arith.extui %ge3A_272 : i1 to i32
      %cond3A_274 = arith.constant 0 : i32
      %cond3A_275 = arith.cmpi ne, %convert_element_type3A_273, %cond3A_274 : i32
      scf.if %cond3A_275 {
        %sub3A = arith.constant 4 : i32
        %sub3A_365 = arith.subi %add3A_254, %sub3A : i32
        %mul3A_366 = arith.constant 2 : i32
        %mul3A_367 = arith.muli %sub3A_365, %mul3A_366 : i32
        %add3A_368 = arith.addi %mul3A_2, %mul3A_367 : i32
        %dma_wait3A_369 = arith.constant 2 : i32
        %dma_wait3A_370 = arith.constant 0 : i32
        %dma_wait3A_371 = arith.constant 0 : i32
        %dma_wait3A_372 = arith.constant 0 : i32
        %dma_wait3A_373 = tpu.memref_slice %arg5[%dma_wait3A_369, %dma_wait3A_370, %dma_wait3A_371, %dma_wait3A_372] : memref<4x2x4x2048xf32, #tpu.memory_space<vmem>> -> memref<1x2x4x2048xf32, #tpu.memory_space<vmem>>
        %dma_wait3A_374 = tpu.memref_squeeze %dma_wait3A_373 : memref<1x2x4x2048xf32, #tpu.memory_space<vmem>> -> memref<2x4x2048xf32, #tpu.memory_space<vmem>>
        %dma_wait3A_375 = arith.constant 0 : i32
        %dma_wait3A_376 = arith.constant 0 : i32
        %dma_wait3A_377 = tpu.memref_slice %arg3[%add3A_368, %dma_wait3A_375, %dma_wait3A_376] : memref<4096x4x2048xf32, #tpu.memory_space<hbm>> -> memref<2x4x2048xf32, #tpu.memory_space<hbm>>
        %dma_wait3A_378 = arith.constant 0 : i32
        %dma_wait3A_379 = arith.constant 0 : i32
        %dma_wait3A_380 = tpu.memref_slice %arg3[%add3A_368, %dma_wait3A_378, %dma_wait3A_379] : memref<4096x4x2048xf32, #tpu.memory_space<hbm>> -> memref<2x4x2048xf32, #tpu.memory_space<hbm>>
        %dma_wait3A_381 = arith.constant 0 : i32
        %dma_wait3A_382 = arith.constant 0 : i32
        %dma_wait3A_383 = arith.constant 0 : i32
        %dma_wait3A_384 = tpu.memref_slice %arg5[%dma_wait3A_369, %dma_wait3A_381, %dma_wait3A_382, %dma_wait3A_383] : memref<4x2x4x2048xf32, #tpu.memory_space<vmem>> -> memref<1x2x4x2048xf32, #tpu.memory_space<vmem>>
        %dma_wait3A_385 = tpu.memref_squeeze %dma_wait3A_384 : memref<1x2x4x2048xf32, #tpu.memory_space<vmem>> -> memref<2x4x2048xf32, #tpu.memory_space<vmem>>
        tpu.wait_dma2 semaphore(%arg12 : memref<!tpu.dma_semaphore, #tpu.memory_space<semaphore_mem>>) src(%dma_wait3A_385 : memref<2x4x2048xf32, #tpu.memory_space<vmem>>) dst(%dma_wait3A_380 : memref<2x4x2048xf32, #tpu.memory_space<hbm>>)
      } else {
      }
      %scan3A_276 = arith.constant 0 : i32
      %scan3A_277 = arith.constant 0 : i32
      %scan3A_278 = arith.constant 128 : i32
      %scan3A_279 = arith.addi %scan3A_277, %scan3A_278 : i32
      %scan3A_280 = arith.constant 4 : i32
      scf.for %scan3A_365 = %scan3A_277 to %scan3A_279 step %scan3A_280  : i32 {
        %mul3A_366 = arith.constant 16 : i32
        %mul3A_367 = arith.muli %scan3A_365, %mul3A_366 : i32
        %get3A = arith.constant 2 : i32
        %get3A_368 = arith.constant 0 : i32
        %get3A_369 = arith.index_cast %get3A : i32 to index
        %get3A_370 = arith.index_cast %get3A_368 : i32 to index
        %get3A_371 = arith.index_cast %mul3A_367 : i32 to index
        %get3A_372 = tpu.vector_load %arg4[%get3A_369, %get3A_370, %get3A_371] {strides = array<i32>} : memref<4x2x2048xi32, #tpu.memory_space<vmem>>, vector<1x1x16xi32>,
        %get3A_373 = vector.shape_cast %get3A_372 : vector<1x1x16xi32> to vector<16xi32>
        %eq3A = arith.constant 0 : i32
        %eq3A_374 = vector.broadcast %eq3A : i32 to vector<16xi32>
        %eq3A_375 = arith.cmpi eq, %get3A_373, %eq3A_374 : vector<16xi32>
        %jit3A = arith.constant 1.000000e+00 : f32
        %jit3A_376 = arith.constant 0.000000e+00 : f32
        %broadcast_in_dim3A = vector.broadcast %jit3A : f32 to vector<16xf32>
        %broadcast_in_dim3A_377 = vector.broadcast %jit3A_376 : f32 to vector<16xf32>
        %select_n3A = arith.select %eq3A_375, %broadcast_in_dim3A, %broadcast_in_dim3A_377 : vector<16xi1>, vector<16xf32>
        %swap3A = arith.constant 2 : i32
        %swap3A_378 = arith.constant 0 : i32
        %swap3A_379 = arith.constant 0 : i32
        %swap3A_380 = arith.index_cast %swap3A : i32 to index
        %swap3A_381 = arith.index_cast %swap3A_378 : i32 to index
        %swap3A_382 = arith.index_cast %swap3A_379 : i32 to index
        %swap3A_383 = arith.index_cast %mul3A_367 : i32 to index
        %swap3A_384 = tpu.vector_load %arg5[%swap3A_380, %swap3A_381, %swap3A_382, %swap3A_383] {strides = array<i32>} : memref<4x2x4x2048xf32, #tpu.memory_space<vmem>>, vector<1x1x1x16xf32>,
        %swap3A_385 = vector.shape_cast %swap3A_384 : vector<1x1x1x16xf32> to vector<16xf32>
        %swap3A_386 = vector.shape_cast %select_n3A : vector<16xf32> to vector<1x1x1x16xf32>
        tpu.vector_store %arg5[%swap3A_380, %swap3A_381, %swap3A_382, %swap3A_383], %swap3A_386 {strides = array<i32>} : memref<4x2x4x2048xf32, #tpu.memory_space<vmem>>, vector<1x1x1x16xf32>,
        %eq3A_387 = arith.constant 1 : i32
        %eq3A_388 = vector.broadcast %eq3A_387 : i32 to vector<16xi32>
        %eq3A_389 = arith.cmpi eq, %get3A_373, %eq3A_388 : vector<16xi32>
        %jit3A_390 = arith.constant 1.000000e+00 : f32
        %jit3A_391 = arith.constant 0.000000e+00 : f32
        %broadcast_in_dim3A_392 = vector.broadcast %jit3A_390 : f32 to vector<16xf32>
        %broadcast_in_dim3A_393 = vector.broadcast %jit3A_391 : f32 to vector<16xf32>
        %select_n3A_394 = arith.select %eq3A_389, %broadcast_in_dim3A_392, %broadcast_in_dim3A_393 : vector<16xi1>, vector<16xf32>
        %swap3A_395 = arith.constant 2 : i32
        %swap3A_396 = arith.constant 0 : i32
        %swap3A_397 = arith.constant 1 : i32
        %swap3A_398 = arith.index_cast %swap3A_395 : i32 to index
        %swap3A_399 = arith.index_cast %swap3A_396 : i32 to index
        %swap3A_400 = arith.index_cast %swap3A_397 : i32 to index
        %swap3A_401 = arith.index_cast %mul3A_367 : i32 to index
        %swap3A_402 = tpu.vector_load %arg5[%swap3A_398, %swap3A_399, %swap3A_400, %swap3A_401] {strides = array<i32>} : memref<4x2x4x2048xf32, #tpu.memory_space<vmem>>, vector<1x1x1x16xf32>,
        %swap3A_403 = vector.shape_cast %swap3A_402 : vector<1x1x1x16xf32> to vector<16xf32>
        %swap3A_404 = vector.shape_cast %select_n3A_394 : vector<16xf32> to vector<1x1x1x16xf32>
        tpu.vector_store %arg5[%swap3A_398, %swap3A_399, %swap3A_400, %swap3A_401], %swap3A_404 {strides = array<i32>} : memref<4x2x4x2048xf32, #tpu.memory_space<vmem>>, vector<1x1x1x16xf32>,
        %eq3A_405 = arith.constant 2 : i32
        %eq3A_406 = vector.broadcast %eq3A_405 : i32 to vector<16xi32>
        %eq3A_407 = arith.cmpi eq, %get3A_373, %eq3A_406 : vector<16xi32>
        %jit3A_408 = arith.constant 1.000000e+00 : f32
        %jit3A_409 = arith.constant 0.000000e+00 : f32
        %broadcast_in_dim3A_410 = vector.broadcast %jit3A_408 : f32 to vector<16xf32>
        %broadcast_in_dim3A_411 = vector.broadcast %jit3A_409 : f32 to vector<16xf32>
        %select_n3A_412 = arith.select %eq3A_407, %broadcast_in_dim3A_410, %broadcast_in_dim3A_411 : vector<16xi1>, vector<16xf32>
        %swap3A_413 = arith.constant 2 : i32
        %swap3A_414 = arith.constant 0 : i32
        %swap3A_415 = arith.constant 2 : i32
        %swap3A_416 = arith.index_cast %swap3A_413 : i32 to index
        %swap3A_417 = arith.index_cast %swap3A_414 : i32 to index
        %swap3A_418 = arith.index_cast %swap3A_415 : i32 to index
        %swap3A_419 = arith.index_cast %mul3A_367 : i32 to index
        %swap3A_420 = tpu.vector_load %arg5[%swap3A_416, %swap3A_417, %swap3A_418, %swap3A_419] {strides = array<i32>} : memref<4x2x4x2048xf32, #tpu.memory_space<vmem>>, vector<1x1x1x16xf32>,
        %swap3A_421 = vector.shape_cast %swap3A_420 : vector<1x1x1x16xf32> to vector<16xf32>
        %swap3A_422 = vector.shape_cast %select_n3A_412 : vector<16xf32> to vector<1x1x1x16xf32>
        tpu.vector_store %arg5[%swap3A_416, %swap3A_417, %swap3A_418, %swap3A_419], %swap3A_422 {strides = array<i32>} : memref<4x2x4x2048xf32, #tpu.memory_space<vmem>>, vector<1x1x1x16xf32>,
        %eq3A_423 = arith.constant 3 : i32
        %eq3A_424 = vector.broadcast %eq3A_423 : i32 to vector<16xi32>
        %eq3A_425 = arith.cmpi eq, %get3A_373, %eq3A_424 : vector<16xi32>
        %jit3A_426 = arith.constant 1.000000e+00 : f32
        %jit3A_427 = arith.constant 0.000000e+00 : f32
        %broadcast_in_dim3A_428 = vector.broadcast %jit3A_426 : f32 to vector<16xf32>
        %broadcast_in_dim3A_429 = vector.broadcast %jit3A_427 : f32 to vector<16xf32>
        %select_n3A_430 = arith.select %eq3A_425, %broadcast_in_dim3A_428, %broadcast_in_dim3A_429 : vector<16xi1>, vector<16xf32>
        %swap3A_431 = arith.constant 2 : i32
        %swap3A_432 = arith.constant 0 : i32
        %swap3A_433 = arith.constant 3 : i32
        %swap3A_434 = arith.index_cast %swap3A_431 : i32 to index
        %swap3A_435 = arith.index_cast %swap3A_432 : i32 to index
        %swap3A_436 = arith.index_cast %swap3A_433 : i32 to index
        %swap3A_437 = arith.index_cast %mul3A_367 : i32 to index
        %swap3A_438 = tpu.vector_load %arg5[%swap3A_434, %swap3A_435, %swap3A_436, %swap3A_437] {strides = array<i32>} : memref<4x2x4x2048xf32, #tpu.memory_space<vmem>>, vector<1x1x1x16xf32>,
        %swap3A_439 = vector.shape_cast %swap3A_438 : vector<1x1x1x16xf32> to vector<16xf32>
        %swap3A_440 = vector.shape_cast %select_n3A_430 : vector<16xf32> to vector<1x1x1x16xf32>
        tpu.vector_store %arg5[%swap3A_434, %swap3A_435, %swap3A_436, %swap3A_437], %swap3A_440 {strides = array<i32>} : memref<4x2x4x2048xf32, #tpu.memory_space<vmem>>, vector<1x1x1x16xf32>,
        %get3A_441 = arith.constant 2 : i32
        %get3A_442 = arith.constant 1 : i32
        %get3A_443 = arith.index_cast %get3A_441 : i32 to index
        %get3A_444 = arith.index_cast %get3A_442 : i32 to index
        %get3A_445 = arith.index_cast %mul3A_367 : i32 to index
        %get3A_446 = tpu.vector_load %arg4[%get3A_443, %get3A_444, %get3A_445] {strides = array<i32>} : memref<4x2x2048xi32, #tpu.memory_space<vmem>>, vector<1x1x16xi32>,
        %get3A_447 = vector.shape_cast %get3A_446 : vector<1x1x16xi32> to vector<16xi32>
        %eq3A_448 = arith.constant 0 : i32
        %eq3A_449 = vector.broadcast %eq3A_448 : i32 to vector<16xi32>
        %eq3A_450 = arith.cmpi eq, %get3A_447, %eq3A_449 : vector<16xi32>
        %jit3A_451 = arith.constant 1.000000e+00 : f32
        %jit3A_452 = arith.constant 0.000000e+00 : f32
        %broadcast_in_dim3A_453 = vector.broadcast %jit3A_451 : f32 to vector<16xf32>
        %broadcast_in_dim3A_454 = vector.broadcast %jit3A_452 : f32 to vector<16xf32>
        %select_n3A_455 = arith.select %eq3A_450, %broadcast_in_dim3A_453, %broadcast_in_dim3A_454 : vector<16xi1>, vector<16xf32>
        %swap3A_456 = arith.constant 2 : i32
        %swap3A_457 = arith.constant 1 : i32
        %swap3A_458 = arith.constant 0 : i32
        %swap3A_459 = arith.index_cast %swap3A_456 : i32 to index
        %swap3A_460 = arith.index_cast %swap3A_457 : i32 to index
        %swap3A_461 = arith.index_cast %swap3A_458 : i32 to index
        %swap3A_462 = arith.index_cast %mul3A_367 : i32 to index
        %swap3A_463 = tpu.vector_load %arg5[%swap3A_459, %swap3A_460, %swap3A_461, %swap3A_462] {strides = array<i32>} : memref<4x2x4x2048xf32, #tpu.memory_space<vmem>>, vector<1x1x1x16xf32>,
        %swap3A_464 = vector.shape_cast %swap3A_463 : vector<1x1x1x16xf32> to vector<16xf32>
        %swap3A_465 = vector.shape_cast %select_n3A_455 : vector<16xf32> to vector<1x1x1x16xf32>
        tpu.vector_store %arg5[%swap3A_459, %swap3A_460, %swap3A_461, %swap3A_462], %swap3A_465 {strides = array<i32>} : memref<4x2x4x2048xf32, #tpu.memory_space<vmem>>, vector<1x1x1x16xf32>,
        %eq3A_466 = arith.constant 1 : i32
        %eq3A_467 = vector.broadcast %eq3A_466 : i32 to vector<16xi32>
        %eq3A_468 = arith.cmpi eq, %get3A_447, %eq3A_467 : vector<16xi32>
        %jit3A_469 = arith.constant 1.000000e+00 : f32
        %jit3A_470 = arith.constant 0.000000e+00 : f32
        %broadcast_in_dim3A_471 = vector.broadcast %jit3A_469 : f32 to vector<16xf32>
        %broadcast_in_dim3A_472 = vector.broadcast %jit3A_470 : f32 to vector<16xf32>
        %select_n3A_473 = arith.select %eq3A_468, %broadcast_in_dim3A_471, %broadcast_in_dim3A_472 : vector<16xi1>, vector<16xf32>
        %swap3A_474 = arith.constant 2 : i32
        %swap3A_475 = arith.constant 1 : i32
        %swap3A_476 = arith.constant 1 : i32
        %swap3A_477 = arith.index_cast %swap3A_474 : i32 to index
        %swap3A_478 = arith.index_cast %swap3A_475 : i32 to index
        %swap3A_479 = arith.index_cast %swap3A_476 : i32 to index
        %swap3A_480 = arith.index_cast %mul3A_367 : i32 to index
        %swap3A_481 = tpu.vector_load %arg5[%swap3A_477, %swap3A_478, %swap3A_479, %swap3A_480] {strides = array<i32>} : memref<4x2x4x2048xf32, #tpu.memory_space<vmem>>, vector<1x1x1x16xf32>,
        %swap3A_482 = vector.shape_cast %swap3A_481 : vector<1x1x1x16xf32> to vector<16xf32>
        %swap3A_483 = vector.shape_cast %select_n3A_473 : vector<16xf32> to vector<1x1x1x16xf32>
        tpu.vector_store %arg5[%swap3A_477, %swap3A_478, %swap3A_479, %swap3A_480], %swap3A_483 {strides = array<i32>} : memref<4x2x4x2048xf32, #tpu.memory_space<vmem>>, vector<1x1x1x16xf32>,
        %eq3A_484 = arith.constant 2 : i32
        %eq3A_485 = vector.broadcast %eq3A_484 : i32 to vector<16xi32>
        %eq3A_486 = arith.cmpi eq, %get3A_447, %eq3A_485 : vector<16xi32>
        %jit3A_487 = arith.constant 1.000000e+00 : f32
        %jit3A_488 = arith.constant 0.000000e+00 : f32
        %broadcast_in_dim3A_489 = vector.broadcast %jit3A_487 : f32 to vector<16xf32>
        %broadcast_in_dim3A_490 = vector.broadcast %jit3A_488 : f32 to vector<16xf32>
        %select_n3A_491 = arith.select %eq3A_486, %broadcast_in_dim3A_489, %broadcast_in_dim3A_490 : vector<16xi1>, vector<16xf32>
        %swap3A_492 = arith.constant 2 : i32
        %swap3A_493 = arith.constant 1 : i32
        %swap3A_494 = arith.constant 2 : i32
        %swap3A_495 = arith.index_cast %swap3A_492 : i32 to index
        %swap3A_496 = arith.index_cast %swap3A_493 : i32 to index
        %swap3A_497 = arith.index_cast %swap3A_494 : i32 to index
        %swap3A_498 = arith.index_cast %mul3A_367 : i32 to index
        %swap3A_499 = tpu.vector_load %arg5[%swap3A_495, %swap3A_496, %swap3A_497, %swap3A_498] {strides = array<i32>} : memref<4x2x4x2048xf32, #tpu.memory_space<vmem>>, vector<1x1x1x16xf32>,
        %swap3A_500 = vector.shape_cast %swap3A_499 : vector<1x1x1x16xf32> to vector<16xf32>
        %swap3A_501 = vector.shape_cast %select_n3A_491 : vector<16xf32> to vector<1x1x1x16xf32>
        tpu.vector_store %arg5[%swap3A_495, %swap3A_496, %swap3A_497, %swap3A_498], %swap3A_501 {strides = array<i32>} : memref<4x2x4x2048xf32, #tpu.memory_space<vmem>>, vector<1x1x1x16xf32>,
        %eq3A_502 = arith.constant 3 : i32
        %eq3A_503 = vector.broadcast %eq3A_502 : i32 to vector<16xi32>
        %eq3A_504 = arith.cmpi eq, %get3A_447, %eq3A_503 : vector<16xi32>
        %jit3A_505 = arith.constant 1.000000e+00 : f32
        %jit3A_506 = arith.constant 0.000000e+00 : f32
        %broadcast_in_dim3A_507 = vector.broadcast %jit3A_505 : f32 to vector<16xf32>
        %broadcast_in_dim3A_508 = vector.broadcast %jit3A_506 : f32 to vector<16xf32>
        %select_n3A_509 = arith.select %eq3A_504, %broadcast_in_dim3A_507, %broadcast_in_dim3A_508 : vector<16xi1>, vector<16xf32>
        %swap3A_510 = arith.constant 2 : i32
        %swap3A_511 = arith.constant 1 : i32
        %swap3A_512 = arith.constant 3 : i32
        %swap3A_513 = arith.index_cast %swap3A_510 : i32 to index
        %swap3A_514 = arith.index_cast %swap3A_511 : i32 to index
        %swap3A_515 = arith.index_cast %swap3A_512 : i32 to index
        %swap3A_516 = arith.index_cast %mul3A_367 : i32 to index
        %swap3A_517 = tpu.vector_load %arg5[%swap3A_513, %swap3A_514, %swap3A_515, %swap3A_516] {strides = array<i32>} : memref<4x2x4x2048xf32, #tpu.memory_space<vmem>>, vector<1x1x1x16xf32>,
        %swap3A_518 = vector.shape_cast %swap3A_517 : vector<1x1x1x16xf32> to vector<16xf32>
        %swap3A_519 = vector.shape_cast %select_n3A_509 : vector<16xf32> to vector<1x1x1x16xf32>
        tpu.vector_store %arg5[%swap3A_513, %swap3A_514, %swap3A_515, %swap3A_516], %swap3A_519 {strides = array<i32>} : memref<4x2x4x2048xf32, #tpu.memory_space<vmem>>, vector<1x1x1x16xf32>,
        %scan3A_520 = arith.constant 1 : i32
        %scan3A_521 = arith.addi %scan3A_365, %scan3A_520 : i32
        %mul3A_522 = arith.constant 16 : i32
        %mul3A_523 = arith.muli %scan3A_521, %mul3A_522 : i32
        %get3A_524 = arith.constant 2 : i32
        %get3A_525 = arith.constant 0 : i32
        %get3A_526 = arith.index_cast %get3A_524 : i32 to index
        %get3A_527 = arith.index_cast %get3A_525 : i32 to index
        %get3A_528 = arith.index_cast %mul3A_523 : i32 to index
        %get3A_529 = tpu.vector_load %arg4[%get3A_526, %get3A_527, %get3A_528] {strides = array<i32>} : memref<4x2x2048xi32, #tpu.memory_space<vmem>>, vector<1x1x16xi32>,
        %get3A_530 = vector.shape_cast %get3A_529 : vector<1x1x16xi32> to vector<16xi32>
        %eq3A_531 = arith.constant 0 : i32
        %eq3A_532 = vector.broadcast %eq3A_531 : i32 to vector<16xi32>
        %eq3A_533 = arith.cmpi eq, %get3A_530, %eq3A_532 : vector<16xi32>
        %jit3A_534 = arith.constant 1.000000e+00 : f32
        %jit3A_535 = arith.constant 0.000000e+00 : f32
        %broadcast_in_dim3A_536 = vector.broadcast %jit3A_534 : f32 to vector<16xf32>
        %broadcast_in_dim3A_537 = vector.broadcast %jit3A_535 : f32 to vector<16xf32>
        %select_n3A_538 = arith.select %eq3A_533, %broadcast_in_dim3A_536, %broadcast_in_dim3A_537 : vector<16xi1>, vector<16xf32>
        %swap3A_539 = arith.constant 2 : i32
        %swap3A_540 = arith.constant 0 : i32
        %swap3A_541 = arith.constant 0 : i32
        %swap3A_542 = arith.index_cast %swap3A_539 : i32 to index
        %swap3A_543 = arith.index_cast %swap3A_540 : i32 to index
        %swap3A_544 = arith.index_cast %swap3A_541 : i32 to index
        %swap3A_545 = arith.index_cast %mul3A_523 : i32 to index
        %swap3A_546 = tpu.vector_load %arg5[%swap3A_542, %swap3A_543, %swap3A_544, %swap3A_545] {strides = array<i32>} : memref<4x2x4x2048xf32, #tpu.memory_space<vmem>>, vector<1x1x1x16xf32>,
        %swap3A_547 = vector.shape_cast %swap3A_546 : vector<1x1x1x16xf32> to vector<16xf32>
        %swap3A_548 = vector.shape_cast %select_n3A_538 : vector<16xf32> to vector<1x1x1x16xf32>
        tpu.vector_store %arg5[%swap3A_542, %swap3A_543, %swap3A_544, %swap3A_545], %swap3A_548 {strides = array<i32>} : memref<4x2x4x2048xf32, #tpu.memory_space<vmem>>, vector<1x1x1x16xf32>,
        %eq3A_549 = arith.constant 1 : i32
        %eq3A_550 = vector.broadcast %eq3A_549 : i32 to vector<16xi32>
        %eq3A_551 = arith.cmpi eq, %get3A_530, %eq3A_550 : vector<16xi32>
        %jit3A_552 = arith.constant 1.000000e+00 : f32
        %jit3A_553 = arith.constant 0.000000e+00 : f32
        %broadcast_in_dim3A_554 = vector.broadcast %jit3A_552 : f32 to vector<16xf32>
        %broadcast_in_dim3A_555 = vector.broadcast %jit3A_553 : f32 to vector<16xf32>
        %select_n3A_556 = arith.select %eq3A_551, %broadcast_in_dim3A_554, %broadcast_in_dim3A_555 : vector<16xi1>, vector<16xf32>
        %swap3A_557 = arith.constant 2 : i32
        %swap3A_558 = arith.constant 0 : i32
        %swap3A_559 = arith.constant 1 : i32
        %swap3A_560 = arith.index_cast %swap3A_557 : i32 to index
        %swap3A_561 = arith.index_cast %swap3A_558 : i32 to index
        %swap3A_562 = arith.index_cast %swap3A_559 : i32 to index
        %swap3A_563 = arith.index_cast %mul3A_523 : i32 to index
        %swap3A_564 = tpu.vector_load %arg5[%swap3A_560, %swap3A_561, %swap3A_562, %swap3A_563] {strides = array<i32>} : memref<4x2x4x2048xf32, #tpu.memory_space<vmem>>, vector<1x1x1x16xf32>,
        %swap3A_565 = vector.shape_cast %swap3A_564 : vector<1x1x1x16xf32> to vector<16xf32>
        %swap3A_566 = vector.shape_cast %select_n3A_556 : vector<16xf32> to vector<1x1x1x16xf32>
        tpu.vector_store %arg5[%swap3A_560, %swap3A_561, %swap3A_562, %swap3A_563], %swap3A_566 {strides = array<i32>} : memref<4x2x4x2048xf32, #tpu.memory_space<vmem>>, vector<1x1x1x16xf32>,
        %eq3A_567 = arith.constant 2 : i32
        %eq3A_568 = vector.broadcast %eq3A_567 : i32 to vector<16xi32>
        %eq3A_569 = arith.cmpi eq, %get3A_530, %eq3A_568 : vector<16xi32>
        %jit3A_570 = arith.constant 1.000000e+00 : f32
        %jit3A_571 = arith.constant 0.000000e+00 : f32
        %broadcast_in_dim3A_572 = vector.broadcast %jit3A_570 : f32 to vector<16xf32>
        %broadcast_in_dim3A_573 = vector.broadcast %jit3A_571 : f32 to vector<16xf32>
        %select_n3A_574 = arith.select %eq3A_569, %broadcast_in_dim3A_572, %broadcast_in_dim3A_573 : vector<16xi1>, vector<16xf32>
        %swap3A_575 = arith.constant 2 : i32
        %swap3A_576 = arith.constant 0 : i32
        %swap3A_577 = arith.constant 2 : i32
        %swap3A_578 = arith.index_cast %swap3A_575 : i32 to index
        %swap3A_579 = arith.index_cast %swap3A_576 : i32 to index
        %swap3A_580 = arith.index_cast %swap3A_577 : i32 to index
        %swap3A_581 = arith.index_cast %mul3A_523 : i32 to index
        %swap3A_582 = tpu.vector_load %arg5[%swap3A_578, %swap3A_579, %swap3A_580, %swap3A_581] {strides = array<i32>} : memref<4x2x4x2048xf32, #tpu.memory_space<vmem>>, vector<1x1x1x16xf32>,
        %swap3A_583 = vector.shape_cast %swap3A_582 : vector<1x1x1x16xf32> to vector<16xf32>
        %swap3A_584 = vector.shape_cast %select_n3A_574 : vector<16xf32> to vector<1x1x1x16xf32>
        tpu.vector_store %arg5[%swap3A_578, %swap3A_579, %swap3A_580, %swap3A_581], %swap3A_584 {strides = array<i32>} : memref<4x2x4x2048xf32, #tpu.memory_space<vmem>>, vector<1x1x1x16xf32>,
        %eq3A_585 = arith.constant 3 : i32
        %eq3A_586 = vector.broadcast %eq3A_585 : i32 to vector<16xi32>
        %eq3A_587 = arith.cmpi eq, %get3A_530, %eq3A_586 : vector<16xi32>
        %jit3A_588 = arith.constant 1.000000e+00 : f32
        %jit3A_589 = arith.constant 0.000000e+00 : f32
        %broadcast_in_dim3A_590 = vector.broadcast %jit3A_588 : f32 to vector<16xf32>
        %broadcast_in_dim3A_591 = vector.broadcast %jit3A_589 : f32 to vector<16xf32>
        %select_n3A_592 = arith.select %eq3A_587, %broadcast_in_dim3A_590, %broadcast_in_dim3A_591 : vector<16xi1>, vector<16xf32>
        %swap3A_593 = arith.constant 2 : i32
        %swap3A_594 = arith.constant 0 : i32
        %swap3A_595 = arith.constant 3 : i32
        %swap3A_596 = arith.index_cast %swap3A_593 : i32 to index
        %swap3A_597 = arith.index_cast %swap3A_594 : i32 to index
        %swap3A_598 = arith.index_cast %swap3A_595 : i32 to index
        %swap3A_599 = arith.index_cast %mul3A_523 : i32 to index
        %swap3A_600 = tpu.vector_load %arg5[%swap3A_596, %swap3A_597, %swap3A_598, %swap3A_599] {strides = array<i32>} : memref<4x2x4x2048xf32, #tpu.memory_space<vmem>>, vector<1x1x1x16xf32>,
        %swap3A_601 = vector.shape_cast %swap3A_600 : vector<1x1x1x16xf32> to vector<16xf32>
        %swap3A_602 = vector.shape_cast %select_n3A_592 : vector<16xf32> to vector<1x1x1x16xf32>
        tpu.vector_store %arg5[%swap3A_596, %swap3A_597, %swap3A_598, %swap3A_599], %swap3A_602 {strides = array<i32>} : memref<4x2x4x2048xf32, #tpu.memory_space<vmem>>, vector<1x1x1x16xf32>,
        %get3A_603 = arith.constant 2 : i32
        %get3A_604 = arith.constant 1 : i32
        %get3A_605 = arith.index_cast %get3A_603 : i32 to index
        %get3A_606 = arith.index_cast %get3A_604 : i32 to index
        %get3A_607 = arith.index_cast %mul3A_523 : i32 to index
        %get3A_608 = tpu.vector_load %arg4[%get3A_605, %get3A_606, %get3A_607] {strides = array<i32>} : memref<4x2x2048xi32, #tpu.memory_space<vmem>>, vector<1x1x16xi32>,
        %get3A_609 = vector.shape_cast %get3A_608 : vector<1x1x16xi32> to vector<16xi32>
        %eq3A_610 = arith.constant 0 : i32
        %eq3A_611 = vector.broadcast %eq3A_610 : i32 to vector<16xi32>
        %eq3A_612 = arith.cmpi eq, %get3A_609, %eq3A_611 : vector<16xi32>
        %jit3A_613 = arith.constant 1.000000e+00 : f32
        %jit3A_614 = arith.constant 0.000000e+00 : f32
        %broadcast_in_dim3A_615 = vector.broadcast %jit3A_613 : f32 to vector<16xf32>
        %broadcast_in_dim3A_616 = vector.broadcast %jit3A_614 : f32 to vector<16xf32>
        %select_n3A_617 = arith.select %eq3A_612, %broadcast_in_dim3A_615, %broadcast_in_dim3A_616 : vector<16xi1>, vector<16xf32>
        %swap3A_618 = arith.constant 2 : i32
        %swap3A_619 = arith.constant 1 : i32
        %swap3A_620 = arith.constant 0 : i32
        %swap3A_621 = arith.index_cast %swap3A_618 : i32 to index
        %swap3A_622 = arith.index_cast %swap3A_619 : i32 to index
        %swap3A_623 = arith.index_cast %swap3A_620 : i32 to index
        %swap3A_624 = arith.index_cast %mul3A_523 : i32 to index
        %swap3A_625 = tpu.vector_load %arg5[%swap3A_621, %swap3A_622, %swap3A_623, %swap3A_624] {strides = array<i32>} : memref<4x2x4x2048xf32, #tpu.memory_space<vmem>>, vector<1x1x1x16xf32>,
        %swap3A_626 = vector.shape_cast %swap3A_625 : vector<1x1x1x16xf32> to vector<16xf32>
        %swap3A_627 = vector.shape_cast %select_n3A_617 : vector<16xf32> to vector<1x1x1x16xf32>
        tpu.vector_store %arg5[%swap3A_621, %swap3A_622, %swap3A_623, %swap3A_624], %swap3A_627 {strides = array<i32>} : memref<4x2x4x2048xf32, #tpu.memory_space<vmem>>, vector<1x1x1x16xf32>,
        %eq3A_628 = arith.constant 1 : i32
        %eq3A_629 = vector.broadcast %eq3A_628 : i32 to vector<16xi32>
        %eq3A_630 = arith.cmpi eq, %get3A_609, %eq3A_629 : vector<16xi32>
        %jit3A_631 = arith.constant 1.000000e+00 : f32
        %jit3A_632 = arith.constant 0.000000e+00 : f32
        %broadcast_in_dim3A_633 = vector.broadcast %jit3A_631 : f32 to vector<16xf32>
        %broadcast_in_dim3A_634 = vector.broadcast %jit3A_632 : f32 to vector<16xf32>
        %select_n3A_635 = arith.select %eq3A_630, %broadcast_in_dim3A_633, %broadcast_in_dim3A_634 : vector<16xi1>, vector<16xf32>
        %swap3A_636 = arith.constant 2 : i32
        %swap3A_637 = arith.constant 1 : i32
        %swap3A_638 = arith.constant 1 : i32
        %swap3A_639 = arith.index_cast %swap3A_636 : i32 to index
        %swap3A_640 = arith.index_cast %swap3A_637 : i32 to index
        %swap3A_641 = arith.index_cast %swap3A_638 : i32 to index
        %swap3A_642 = arith.index_cast %mul3A_523 : i32 to index
        %swap3A_643 = tpu.vector_load %arg5[%swap3A_639, %swap3A_640, %swap3A_641, %swap3A_642] {strides = array<i32>} : memref<4x2x4x2048xf32, #tpu.memory_space<vmem>>, vector<1x1x1x16xf32>,
        %swap3A_644 = vector.shape_cast %swap3A_643 : vector<1x1x1x16xf32> to vector<16xf32>
        %swap3A_645 = vector.shape_cast %select_n3A_635 : vector<16xf32> to vector<1x1x1x16xf32>
        tpu.vector_store %arg5[%swap3A_639, %swap3A_640, %swap3A_641, %swap3A_642], %swap3A_645 {strides = array<i32>} : memref<4x2x4x2048xf32, #tpu.memory_space<vmem>>, vector<1x1x1x16xf32>,
        %eq3A_646 = arith.constant 2 : i32
        %eq3A_647 = vector.broadcast %eq3A_646 : i32 to vector<16xi32>
        %eq3A_648 = arith.cmpi eq, %get3A_609, %eq3A_647 : vector<16xi32>
        %jit3A_649 = arith.constant 1.000000e+00 : f32
        %jit3A_650 = arith.constant 0.000000e+00 : f32
        %broadcast_in_dim3A_651 = vector.broadcast %jit3A_649 : f32 to vector<16xf32>
        %broadcast_in_dim3A_652 = vector.broadcast %jit3A_650 : f32 to vector<16xf32>
        %select_n3A_653 = arith.select %eq3A_648, %broadcast_in_dim3A_651, %broadcast_in_dim3A_652 : vector<16xi1>, vector<16xf32>
        %swap3A_654 = arith.constant 2 : i32
        %swap3A_655 = arith.constant 1 : i32
        %swap3A_656 = arith.constant 2 : i32
        %swap3A_657 = arith.index_cast %swap3A_654 : i32 to index
        %swap3A_658 = arith.index_cast %swap3A_655 : i32 to index
        %swap3A_659 = arith.index_cast %swap3A_656 : i32 to index
        %swap3A_660 = arith.index_cast %mul3A_523 : i32 to index
        %swap3A_661 = tpu.vector_load %arg5[%swap3A_657, %swap3A_658, %swap3A_659, %swap3A_660] {strides = array<i32>} : memref<4x2x4x2048xf32, #tpu.memory_space<vmem>>, vector<1x1x1x16xf32>,
        %swap3A_662 = vector.shape_cast %swap3A_661 : vector<1x1x1x16xf32> to vector<16xf32>
        %swap3A_663 = vector.shape_cast %select_n3A_653 : vector<16xf32> to vector<1x1x1x16xf32>
        tpu.vector_store %arg5[%swap3A_657, %swap3A_658, %swap3A_659, %swap3A_660], %swap3A_663 {strides = array<i32>} : memref<4x2x4x2048xf32, #tpu.memory_space<vmem>>, vector<1x1x1x16xf32>,
        %eq3A_664 = arith.constant 3 : i32
        %eq3A_665 = vector.broadcast %eq3A_664 : i32 to vector<16xi32>
        %eq3A_666 = arith.cmpi eq, %get3A_609, %eq3A_665 : vector<16xi32>
        %jit3A_667 = arith.constant 1.000000e+00 : f32
        %jit3A_668 = arith.constant 0.000000e+00 : f32
        %broadcast_in_dim3A_669 = vector.broadcast %jit3A_667 : f32 to vector<16xf32>
        %broadcast_in_dim3A_670 = vector.broadcast %jit3A_668 : f32 to vector<16xf32>
        %select_n3A_671 = arith.select %eq3A_666, %broadcast_in_dim3A_669, %broadcast_in_dim3A_670 : vector<16xi1>, vector<16xf32>
        %swap3A_672 = arith.constant 2 : i32
        %swap3A_673 = arith.constant 1 : i32
        %swap3A_674 = arith.constant 3 : i32
        %swap3A_675 = arith.index_cast %swap3A_672 : i32 to index
        %swap3A_676 = arith.index_cast %swap3A_673 : i32 to index
        %swap3A_677 = arith.index_cast %swap3A_674 : i32 to index
        %swap3A_678 = arith.index_cast %mul3A_523 : i32 to index
        %swap3A_679 = tpu.vector_load %arg5[%swap3A_675, %swap3A_676, %swap3A_677, %swap3A_678] {strides = array<i32>} : memref<4x2x4x2048xf32, #tpu.memory_space<vmem>>, vector<1x1x1x16xf32>,
        %swap3A_680 = vector.shape_cast %swap3A_679 : vector<1x1x1x16xf32> to vector<16xf32>
        %swap3A_681 = vector.shape_cast %select_n3A_671 : vector<16xf32> to vector<1x1x1x16xf32>
        tpu.vector_store %arg5[%swap3A_675, %swap3A_676, %swap3A_677, %swap3A_678], %swap3A_681 {strides = array<i32>} : memref<4x2x4x2048xf32, #tpu.memory_space<vmem>>, vector<1x1x1x16xf32>,
        %scan3A_682 = arith.constant 2 : i32
        %scan3A_683 = arith.addi %scan3A_365, %scan3A_682 : i32
        %mul3A_684 = arith.constant 16 : i32
        %mul3A_685 = arith.muli %scan3A_683, %mul3A_684 : i32
        %get3A_686 = arith.constant 2 : i32
        %get3A_687 = arith.constant 0 : i32
        %get3A_688 = arith.index_cast %get3A_686 : i32 to index
        %get3A_689 = arith.index_cast %get3A_687 : i32 to index
        %get3A_690 = arith.index_cast %mul3A_685 : i32 to index
        %get3A_691 = tpu.vector_load %arg4[%get3A_688, %get3A_689, %get3A_690] {strides = array<i32>} : memref<4x2x2048xi32, #tpu.memory_space<vmem>>, vector<1x1x16xi32>,
        %get3A_692 = vector.shape_cast %get3A_691 : vector<1x1x16xi32> to vector<16xi32>
        %eq3A_693 = arith.constant 0 : i32
        %eq3A_694 = vector.broadcast %eq3A_693 : i32 to vector<16xi32>
        %eq3A_695 = arith.cmpi eq, %get3A_692, %eq3A_694 : vector<16xi32>
        %jit3A_696 = arith.constant 1.000000e+00 : f32
        %jit3A_697 = arith.constant 0.000000e+00 : f32
        %broadcast_in_dim3A_698 = vector.broadcast %jit3A_696 : f32 to vector<16xf32>
        %broadcast_in_dim3A_699 = vector.broadcast %jit3A_697 : f32 to vector<16xf32>
        %select_n3A_700 = arith.select %eq3A_695, %broadcast_in_dim3A_698, %broadcast_in_dim3A_699 : vector<16xi1>, vector<16xf32>
        %swap3A_701 = arith.constant 2 : i32
        %swap3A_702 = arith.constant 0 : i32
        %swap3A_703 = arith.constant 0 : i32
        %swap3A_704 = arith.index_cast %swap3A_701 : i32 to index
        %swap3A_705 = arith.index_cast %swap3A_702 : i32 to index
        %swap3A_706 = arith.index_cast %swap3A_703 : i32 to index
        %swap3A_707 = arith.index_cast %mul3A_685 : i32 to index
        %swap3A_708 = tpu.vector_load %arg5[%swap3A_704, %swap3A_705, %swap3A_706, %swap3A_707] {strides = array<i32>} : memref<4x2x4x2048xf32, #tpu.memory_space<vmem>>, vector<1x1x1x16xf32>,
        %swap3A_709 = vector.shape_cast %swap3A_708 : vector<1x1x1x16xf32> to vector<16xf32>
        %swap3A_710 = vector.shape_cast %select_n3A_700 : vector<16xf32> to vector<1x1x1x16xf32>
        tpu.vector_store %arg5[%swap3A_704, %swap3A_705, %swap3A_706, %swap3A_707], %swap3A_710 {strides = array<i32>} : memref<4x2x4x2048xf32, #tpu.memory_space<vmem>>, vector<1x1x1x16xf32>,
        %eq3A_711 = arith.constant 1 : i32
        %eq3A_712 = vector.broadcast %eq3A_711 : i32 to vector<16xi32>
        %eq3A_713 = arith.cmpi eq, %get3A_692, %eq3A_712 : vector<16xi32>
        %jit3A_714 = arith.constant 1.000000e+00 : f32
        %jit3A_715 = arith.constant 0.000000e+00 : f32
        %broadcast_in_dim3A_716 = vector.broadcast %jit3A_714 : f32 to vector<16xf32>
        %broadcast_in_dim3A_717 = vector.broadcast %jit3A_715 : f32 to vector<16xf32>
        %select_n3A_718 = arith.select %eq3A_713, %broadcast_in_dim3A_716, %broadcast_in_dim3A_717 : vector<16xi1>, vector<16xf32>
        %swap3A_719 = arith.constant 2 : i32
        %swap3A_720 = arith.constant 0 : i32
        %swap3A_721 = arith.constant 1 : i32
        %swap3A_722 = arith.index_cast %swap3A_719 : i32 to index
        %swap3A_723 = arith.index_cast %swap3A_720 : i32 to index
        %swap3A_724 = arith.index_cast %swap3A_721 : i32 to index
        %swap3A_725 = arith.index_cast %mul3A_685 : i32 to index
        %swap3A_726 = tpu.vector_load %arg5[%swap3A_722, %swap3A_723, %swap3A_724, %swap3A_725] {strides = array<i32>} : memref<4x2x4x2048xf32, #tpu.memory_space<vmem>>, vector<1x1x1x16xf32>,
        %swap3A_727 = vector.shape_cast %swap3A_726 : vector<1x1x1x16xf32> to vector<16xf32>
        %swap3A_728 = vector.shape_cast %select_n3A_718 : vector<16xf32> to vector<1x1x1x16xf32>
        tpu.vector_store %arg5[%swap3A_722, %swap3A_723, %swap3A_724, %swap3A_725], %swap3A_728 {strides = array<i32>} : memref<4x2x4x2048xf32, #tpu.memory_space<vmem>>, vector<1x1x1x16xf32>,
        %eq3A_729 = arith.constant 2 : i32
        %eq3A_730 = vector.broadcast %eq3A_729 : i32 to vector<16xi32>
        %eq3A_731 = arith.cmpi eq, %get3A_692, %eq3A_730 : vector<16xi32>
        %jit3A_732 = arith.constant 1.000000e+00 : f32
        %jit3A_733 = arith.constant 0.000000e+00 : f32
        %broadcast_in_dim3A_734 = vector.broadcast %jit3A_732 : f32 to vector<16xf32>
        %broadcast_in_dim3A_735 = vector.broadcast %jit3A_733 : f32 to vector<16xf32>
        %select_n3A_736 = arith.select %eq3A_731, %broadcast_in_dim3A_734, %broadcast_in_dim3A_735 : vector<16xi1>, vector<16xf32>
        %swap3A_737 = arith.constant 2 : i32
        %swap3A_738 = arith.constant 0 : i32
        %swap3A_739 = arith.constant 2 : i32
        %swap3A_740 = arith.index_cast %swap3A_737 : i32 to index
        %swap3A_741 = arith.index_cast %swap3A_738 : i32 to index
        %swap3A_742 = arith.index_cast %swap3A_739 : i32 to index
        %swap3A_743 = arith.index_cast %mul3A_685 : i32 to index
        %swap3A_744 = tpu.vector_load %arg5[%swap3A_740, %swap3A_741, %swap3A_742, %swap3A_743] {strides = array<i32>} : memref<4x2x4x2048xf32, #tpu.memory_space<vmem>>, vector<1x1x1x16xf32>,
        %swap3A_745 = vector.shape_cast %swap3A_744 : vector<1x1x1x16xf32> to vector<16xf32>
        %swap3A_746 = vector.shape_cast %select_n3A_736 : vector<16xf32> to vector<1x1x1x16xf32>
        tpu.vector_store %arg5[%swap3A_740, %swap3A_741, %swap3A_742, %swap3A_743], %swap3A_746 {strides = array<i32>} : memref<4x2x4x2048xf32, #tpu.memory_space<vmem>>, vector<1x1x1x16xf32>,
        %eq3A_747 = arith.constant 3 : i32
        %eq3A_748 = vector.broadcast %eq3A_747 : i32 to vector<16xi32>
        %eq3A_749 = arith.cmpi eq, %get3A_692, %eq3A_748 : vector<16xi32>
        %jit3A_750 = arith.constant 1.000000e+00 : f32
        %jit3A_751 = arith.constant 0.000000e+00 : f32
        %broadcast_in_dim3A_752 = vector.broadcast %jit3A_750 : f32 to vector<16xf32>
        %broadcast_in_dim3A_753 = vector.broadcast %jit3A_751 : f32 to vector<16xf32>
        %select_n3A_754 = arith.select %eq3A_749, %broadcast_in_dim3A_752, %broadcast_in_dim3A_753 : vector<16xi1>, vector<16xf32>
        %swap3A_755 = arith.constant 2 : i32
        %swap3A_756 = arith.constant 0 : i32
        %swap3A_757 = arith.constant 3 : i32
        %swap3A_758 = arith.index_cast %swap3A_755 : i32 to index
        %swap3A_759 = arith.index_cast %swap3A_756 : i32 to index
        %swap3A_760 = arith.index_cast %swap3A_757 : i32 to index
        %swap3A_761 = arith.index_cast %mul3A_685 : i32 to index
        %swap3A_762 = tpu.vector_load %arg5[%swap3A_758, %swap3A_759, %swap3A_760, %swap3A_761] {strides = array<i32>} : memref<4x2x4x2048xf32, #tpu.memory_space<vmem>>, vector<1x1x1x16xf32>,
        %swap3A_763 = vector.shape_cast %swap3A_762 : vector<1x1x1x16xf32> to vector<16xf32>
        %swap3A_764 = vector.shape_cast %select_n3A_754 : vector<16xf32> to vector<1x1x1x16xf32>
        tpu.vector_store %arg5[%swap3A_758, %swap3A_759, %swap3A_760, %swap3A_761], %swap3A_764 {strides = array<i32>} : memref<4x2x4x2048xf32, #tpu.memory_space<vmem>>, vector<1x1x1x16xf32>,
        %get3A_765 = arith.constant 2 : i32
        %get3A_766 = arith.constant 1 : i32
        %get3A_767 = arith.index_cast %get3A_765 : i32 to index
        %get3A_768 = arith.index_cast %get3A_766 : i32 to index
        %get3A_769 = arith.index_cast %mul3A_685 : i32 to index
        %get3A_770 = tpu.vector_load %arg4[%get3A_767, %get3A_768, %get3A_769] {strides = array<i32>} : memref<4x2x2048xi32, #tpu.memory_space<vmem>>, vector<1x1x16xi32>,
        %get3A_771 = vector.shape_cast %get3A_770 : vector<1x1x16xi32> to vector<16xi32>
        %eq3A_772 = arith.constant 0 : i32
        %eq3A_773 = vector.broadcast %eq3A_772 : i32 to vector<16xi32>
        %eq3A_774 = arith.cmpi eq, %get3A_771, %eq3A_773 : vector<16xi32>
        %jit3A_775 = arith.constant 1.000000e+00 : f32
        %jit3A_776 = arith.constant 0.000000e+00 : f32
        %broadcast_in_dim3A_777 = vector.broadcast %jit3A_775 : f32 to vector<16xf32>
        %broadcast_in_dim3A_778 = vector.broadcast %jit3A_776 : f32 to vector<16xf32>
        %select_n3A_779 = arith.select %eq3A_774, %broadcast_in_dim3A_777, %broadcast_in_dim3A_778 : vector<16xi1>, vector<16xf32>
        %swap3A_780 = arith.constant 2 : i32
        %swap3A_781 = arith.constant 1 : i32
        %swap3A_782 = arith.constant 0 : i32
        %swap3A_783 = arith.index_cast %swap3A_780 : i32 to index
        %swap3A_784 = arith.index_cast %swap3A_781 : i32 to index
        %swap3A_785 = arith.index_cast %swap3A_782 : i32 to index
        %swap3A_786 = arith.index_cast %mul3A_685 : i32 to index
        %swap3A_787 = tpu.vector_load %arg5[%swap3A_783, %swap3A_784, %swap3A_785, %swap3A_786] {strides = array<i32>} : memref<4x2x4x2048xf32, #tpu.memory_space<vmem>>, vector<1x1x1x16xf32>,
        %swap3A_788 = vector.shape_cast %swap3A_787 : vector<1x1x1x16xf32> to vector<16xf32>
        %swap3A_789 = vector.shape_cast %select_n3A_779 : vector<16xf32> to vector<1x1x1x16xf32>
        tpu.vector_store %arg5[%swap3A_783, %swap3A_784, %swap3A_785, %swap3A_786], %swap3A_789 {strides = array<i32>} : memref<4x2x4x2048xf32, #tpu.memory_space<vmem>>, vector<1x1x1x16xf32>,
        %eq3A_790 = arith.constant 1 : i32
        %eq3A_791 = vector.broadcast %eq3A_790 : i32 to vector<16xi32>
        %eq3A_792 = arith.cmpi eq, %get3A_771, %eq3A_791 : vector<16xi32>
        %jit3A_793 = arith.constant 1.000000e+00 : f32
        %jit3A_794 = arith.constant 0.000000e+00 : f32
        %broadcast_in_dim3A_795 = vector.broadcast %jit3A_793 : f32 to vector<16xf32>
        %broadcast_in_dim3A_796 = vector.broadcast %jit3A_794 : f32 to vector<16xf32>
        %select_n3A_797 = arith.select %eq3A_792, %broadcast_in_dim3A_795, %broadcast_in_dim3A_796 : vector<16xi1>, vector<16xf32>
        %swap3A_798 = arith.constant 2 : i32
        %swap3A_799 = arith.constant 1 : i32
        %swap3A_800 = arith.constant 1 : i32
        %swap3A_801 = arith.index_cast %swap3A_798 : i32 to index
        %swap3A_802 = arith.index_cast %swap3A_799 : i32 to index
        %swap3A_803 = arith.index_cast %swap3A_800 : i32 to index
        %swap3A_804 = arith.index_cast %mul3A_685 : i32 to index
        %swap3A_805 = tpu.vector_load %arg5[%swap3A_801, %swap3A_802, %swap3A_803, %swap3A_804] {strides = array<i32>} : memref<4x2x4x2048xf32, #tpu.memory_space<vmem>>, vector<1x1x1x16xf32>,
        %swap3A_806 = vector.shape_cast %swap3A_805 : vector<1x1x1x16xf32> to vector<16xf32>
        %swap3A_807 = vector.shape_cast %select_n3A_797 : vector<16xf32> to vector<1x1x1x16xf32>
        tpu.vector_store %arg5[%swap3A_801, %swap3A_802, %swap3A_803, %swap3A_804], %swap3A_807 {strides = array<i32>} : memref<4x2x4x2048xf32, #tpu.memory_space<vmem>>, vector<1x1x1x16xf32>,
        %eq3A_808 = arith.constant 2 : i32
        %eq3A_809 = vector.broadcast %eq3A_808 : i32 to vector<16xi32>
        %eq3A_810 = arith.cmpi eq, %get3A_771, %eq3A_809 : vector<16xi32>
        %jit3A_811 = arith.constant 1.000000e+00 : f32
        %jit3A_812 = arith.constant 0.000000e+00 : f32
        %broadcast_in_dim3A_813 = vector.broadcast %jit3A_811 : f32 to vector<16xf32>
        %broadcast_in_dim3A_814 = vector.broadcast %jit3A_812 : f32 to vector<16xf32>
        %select_n3A_815 = arith.select %eq3A_810, %broadcast_in_dim3A_813, %broadcast_in_dim3A_814 : vector<16xi1>, vector<16xf32>
        %swap3A_816 = arith.constant 2 : i32
        %swap3A_817 = arith.constant 1 : i32
        %swap3A_818 = arith.constant 2 : i32
        %swap3A_819 = arith.index_cast %swap3A_816 : i32 to index
        %swap3A_820 = arith.index_cast %swap3A_817 : i32 to index
        %swap3A_821 = arith.index_cast %swap3A_818 : i32 to index
        %swap3A_822 = arith.index_cast %mul3A_685 : i32 to index
        %swap3A_823 = tpu.vector_load %arg5[%swap3A_819, %swap3A_820, %swap3A_821, %swap3A_822] {strides = array<i32>} : memref<4x2x4x2048xf32, #tpu.memory_space<vmem>>, vector<1x1x1x16xf32>,
        %swap3A_824 = vector.shape_cast %swap3A_823 : vector<1x1x1x16xf32> to vector<16xf32>
        %swap3A_825 = vector.shape_cast %select_n3A_815 : vector<16xf32> to vector<1x1x1x16xf32>
        tpu.vector_store %arg5[%swap3A_819, %swap3A_820, %swap3A_821, %swap3A_822], %swap3A_825 {strides = array<i32>} : memref<4x2x4x2048xf32, #tpu.memory_space<vmem>>, vector<1x1x1x16xf32>,
        %eq3A_826 = arith.constant 3 : i32
        %eq3A_827 = vector.broadcast %eq3A_826 : i32 to vector<16xi32>
        %eq3A_828 = arith.cmpi eq, %get3A_771, %eq3A_827 : vector<16xi32>
        %jit3A_829 = arith.constant 1.000000e+00 : f32
        %jit3A_830 = arith.constant 0.000000e+00 : f32
        %broadcast_in_dim3A_831 = vector.broadcast %jit3A_829 : f32 to vector<16xf32>
        %broadcast_in_dim3A_832 = vector.broadcast %jit3A_830 : f32 to vector<16xf32>
        %select_n3A_833 = arith.select %eq3A_828, %broadcast_in_dim3A_831, %broadcast_in_dim3A_832 : vector<16xi1>, vector<16xf32>
        %swap3A_834 = arith.constant 2 : i32
        %swap3A_835 = arith.constant 1 : i32
        %swap3A_836 = arith.constant 3 : i32
        %swap3A_837 = arith.index_cast %swap3A_834 : i32 to index
        %swap3A_838 = arith.index_cast %swap3A_835 : i32 to index
        %swap3A_839 = arith.index_cast %swap3A_836 : i32 to index
        %swap3A_840 = arith.index_cast %mul3A_685 : i32 to index
        %swap3A_841 = tpu.vector_load %arg5[%swap3A_837, %swap3A_838, %swap3A_839, %swap3A_840] {strides = array<i32>} : memref<4x2x4x2048xf32, #tpu.memory_space<vmem>>, vector<1x1x1x16xf32>,
        %swap3A_842 = vector.shape_cast %swap3A_841 : vector<1x1x1x16xf32> to vector<16xf32>
        %swap3A_843 = vector.shape_cast %select_n3A_833 : vector<16xf32> to vector<1x1x1x16xf32>
        tpu.vector_store %arg5[%swap3A_837, %swap3A_838, %swap3A_839, %swap3A_840], %swap3A_843 {strides = array<i32>} : memref<4x2x4x2048xf32, #tpu.memory_space<vmem>>, vector<1x1x1x16xf32>,
        %scan3A_844 = arith.constant 3 : i32
        %scan3A_845 = arith.addi %scan3A_365, %scan3A_844 : i32
        %mul3A_846 = arith.constant 16 : i32
        %mul3A_847 = arith.muli %scan3A_845, %mul3A_846 : i32
        %get3A_848 = arith.constant 2 : i32
        %get3A_849 = arith.constant 0 : i32
        %get3A_850 = arith.index_cast %get3A_848 : i32 to index
        %get3A_851 = arith.index_cast %get3A_849 : i32 to index
        %get3A_852 = arith.index_cast %mul3A_847 : i32 to index
        %get3A_853 = tpu.vector_load %arg4[%get3A_850, %get3A_851, %get3A_852] {strides = array<i32>} : memref<4x2x2048xi32, #tpu.memory_space<vmem>>, vector<1x1x16xi32>,
        %get3A_854 = vector.shape_cast %get3A_853 : vector<1x1x16xi32> to vector<16xi32>
        %eq3A_855 = arith.constant 0 : i32
        %eq3A_856 = vector.broadcast %eq3A_855 : i32 to vector<16xi32>
        %eq3A_857 = arith.cmpi eq, %get3A_854, %eq3A_856 : vector<16xi32>
        %jit3A_858 = arith.constant 1.000000e+00 : f32
        %jit3A_859 = arith.constant 0.000000e+00 : f32
        %broadcast_in_dim3A_860 = vector.broadcast %jit3A_858 : f32 to vector<16xf32>
        %broadcast_in_dim3A_861 = vector.broadcast %jit3A_859 : f32 to vector<16xf32>
        %select_n3A_862 = arith.select %eq3A_857, %broadcast_in_dim3A_860, %broadcast_in_dim3A_861 : vector<16xi1>, vector<16xf32>
        %swap3A_863 = arith.constant 2 : i32
        %swap3A_864 = arith.constant 0 : i32
        %swap3A_865 = arith.constant 0 : i32
        %swap3A_866 = arith.index_cast %swap3A_863 : i32 to index
        %swap3A_867 = arith.index_cast %swap3A_864 : i32 to index
        %swap3A_868 = arith.index_cast %swap3A_865 : i32 to index
        %swap3A_869 = arith.index_cast %mul3A_847 : i32 to index
        %swap3A_870 = tpu.vector_load %arg5[%swap3A_866, %swap3A_867, %swap3A_868, %swap3A_869] {strides = array<i32>} : memref<4x2x4x2048xf32, #tpu.memory_space<vmem>>, vector<1x1x1x16xf32>,
        %swap3A_871 = vector.shape_cast %swap3A_870 : vector<1x1x1x16xf32> to vector<16xf32>
        %swap3A_872 = vector.shape_cast %select_n3A_862 : vector<16xf32> to vector<1x1x1x16xf32>
        tpu.vector_store %arg5[%swap3A_866, %swap3A_867, %swap3A_868, %swap3A_869], %swap3A_872 {strides = array<i32>} : memref<4x2x4x2048xf32, #tpu.memory_space<vmem>>, vector<1x1x1x16xf32>,
        %eq3A_873 = arith.constant 1 : i32
        %eq3A_874 = vector.broadcast %eq3A_873 : i32 to vector<16xi32>
        %eq3A_875 = arith.cmpi eq, %get3A_854, %eq3A_874 : vector<16xi32>
        %jit3A_876 = arith.constant 1.000000e+00 : f32
        %jit3A_877 = arith.constant 0.000000e+00 : f32
        %broadcast_in_dim3A_878 = vector.broadcast %jit3A_876 : f32 to vector<16xf32>
        %broadcast_in_dim3A_879 = vector.broadcast %jit3A_877 : f32 to vector<16xf32>
        %select_n3A_880 = arith.select %eq3A_875, %broadcast_in_dim3A_878, %broadcast_in_dim3A_879 : vector<16xi1>, vector<16xf32>
        %swap3A_881 = arith.constant 2 : i32
        %swap3A_882 = arith.constant 0 : i32
        %swap3A_883 = arith.constant 1 : i32
        %swap3A_884 = arith.index_cast %swap3A_881 : i32 to index
        %swap3A_885 = arith.index_cast %swap3A_882 : i32 to index
        %swap3A_886 = arith.index_cast %swap3A_883 : i32 to index
        %swap3A_887 = arith.index_cast %mul3A_847 : i32 to index
        %swap3A_888 = tpu.vector_load %arg5[%swap3A_884, %swap3A_885, %swap3A_886, %swap3A_887] {strides = array<i32>} : memref<4x2x4x2048xf32, #tpu.memory_space<vmem>>, vector<1x1x1x16xf32>,
        %swap3A_889 = vector.shape_cast %swap3A_888 : vector<1x1x1x16xf32> to vector<16xf32>
        %swap3A_890 = vector.shape_cast %select_n3A_880 : vector<16xf32> to vector<1x1x1x16xf32>
        tpu.vector_store %arg5[%swap3A_884, %swap3A_885, %swap3A_886, %swap3A_887], %swap3A_890 {strides = array<i32>} : memref<4x2x4x2048xf32, #tpu.memory_space<vmem>>, vector<1x1x1x16xf32>,
        %eq3A_891 = arith.constant 2 : i32
        %eq3A_892 = vector.broadcast %eq3A_891 : i32 to vector<16xi32>
        %eq3A_893 = arith.cmpi eq, %get3A_854, %eq3A_892 : vector<16xi32>
        %jit3A_894 = arith.constant 1.000000e+00 : f32
        %jit3A_895 = arith.constant 0.000000e+00 : f32
        %broadcast_in_dim3A_896 = vector.broadcast %jit3A_894 : f32 to vector<16xf32>
        %broadcast_in_dim3A_897 = vector.broadcast %jit3A_895 : f32 to vector<16xf32>
        %select_n3A_898 = arith.select %eq3A_893, %broadcast_in_dim3A_896, %broadcast_in_dim3A_897 : vector<16xi1>, vector<16xf32>
        %swap3A_899 = arith.constant 2 : i32
        %swap3A_900 = arith.constant 0 : i32
        %swap3A_901 = arith.constant 2 : i32
        %swap3A_902 = arith.index_cast %swap3A_899 : i32 to index
        %swap3A_903 = arith.index_cast %swap3A_900 : i32 to index
        %swap3A_904 = arith.index_cast %swap3A_901 : i32 to index
        %swap3A_905 = arith.index_cast %mul3A_847 : i32 to index
        %swap3A_906 = tpu.vector_load %arg5[%swap3A_902, %swap3A_903, %swap3A_904, %swap3A_905] {strides = array<i32>} : memref<4x2x4x2048xf32, #tpu.memory_space<vmem>>, vector<1x1x1x16xf32>,
        %swap3A_907 = vector.shape_cast %swap3A_906 : vector<1x1x1x16xf32> to vector<16xf32>
        %swap3A_908 = vector.shape_cast %select_n3A_898 : vector<16xf32> to vector<1x1x1x16xf32>
        tpu.vector_store %arg5[%swap3A_902, %swap3A_903, %swap3A_904, %swap3A_905], %swap3A_908 {strides = array<i32>} : memref<4x2x4x2048xf32, #tpu.memory_space<vmem>>, vector<1x1x1x16xf32>,
        %eq3A_909 = arith.constant 3 : i32
        %eq3A_910 = vector.broadcast %eq3A_909 : i32 to vector<16xi32>
        %eq3A_911 = arith.cmpi eq, %get3A_854, %eq3A_910 : vector<16xi32>
        %jit3A_912 = arith.constant 1.000000e+00 : f32
        %jit3A_913 = arith.constant 0.000000e+00 : f32
        %broadcast_in_dim3A_914 = vector.broadcast %jit3A_912 : f32 to vector<16xf32>
        %broadcast_in_dim3A_915 = vector.broadcast %jit3A_913 : f32 to vector<16xf32>
        %select_n3A_916 = arith.select %eq3A_911, %broadcast_in_dim3A_914, %broadcast_in_dim3A_915 : vector<16xi1>, vector<16xf32>
        %swap3A_917 = arith.constant 2 : i32
        %swap3A_918 = arith.constant 0 : i32
        %swap3A_919 = arith.constant 3 : i32
        %swap3A_920 = arith.index_cast %swap3A_917 : i32 to index
        %swap3A_921 = arith.index_cast %swap3A_918 : i32 to index
        %swap3A_922 = arith.index_cast %swap3A_919 : i32 to index
        %swap3A_923 = arith.index_cast %mul3A_847 : i32 to index
        %swap3A_924 = tpu.vector_load %arg5[%swap3A_920, %swap3A_921, %swap3A_922, %swap3A_923] {strides = array<i32>} : memref<4x2x4x2048xf32, #tpu.memory_space<vmem>>, vector<1x1x1x16xf32>,
        %swap3A_925 = vector.shape_cast %swap3A_924 : vector<1x1x1x16xf32> to vector<16xf32>
        %swap3A_926 = vector.shape_cast %select_n3A_916 : vector<16xf32> to vector<1x1x1x16xf32>
        tpu.vector_store %arg5[%swap3A_920, %swap3A_921, %swap3A_922, %swap3A_923], %swap3A_926 {strides = array<i32>} : memref<4x2x4x2048xf32, #tpu.memory_space<vmem>>, vector<1x1x1x16xf32>,
        %get3A_927 = arith.constant 2 : i32
        %get3A_928 = arith.constant 1 : i32
        %get3A_929 = arith.index_cast %get3A_927 : i32 to index
        %get3A_930 = arith.index_cast %get3A_928 : i32 to index
        %get3A_931 = arith.index_cast %mul3A_847 : i32 to index
        %get3A_932 = tpu.vector_load %arg4[%get3A_929, %get3A_930, %get3A_931] {strides = array<i32>} : memref<4x2x2048xi32, #tpu.memory_space<vmem>>, vector<1x1x16xi32>,
        %get3A_933 = vector.shape_cast %get3A_932 : vector<1x1x16xi32> to vector<16xi32>
        %eq3A_934 = arith.constant 0 : i32
        %eq3A_935 = vector.broadcast %eq3A_934 : i32 to vector<16xi32>
        %eq3A_936 = arith.cmpi eq, %get3A_933, %eq3A_935 : vector<16xi32>
        %jit3A_937 = arith.constant 1.000000e+00 : f32
        %jit3A_938 = arith.constant 0.000000e+00 : f32
        %broadcast_in_dim3A_939 = vector.broadcast %jit3A_937 : f32 to vector<16xf32>
        %broadcast_in_dim3A_940 = vector.broadcast %jit3A_938 : f32 to vector<16xf32>
        %select_n3A_941 = arith.select %eq3A_936, %broadcast_in_dim3A_939, %broadcast_in_dim3A_940 : vector<16xi1>, vector<16xf32>
        %swap3A_942 = arith.constant 2 : i32
        %swap3A_943 = arith.constant 1 : i32
        %swap3A_944 = arith.constant 0 : i32
        %swap3A_945 = arith.index_cast %swap3A_942 : i32 to index
        %swap3A_946 = arith.index_cast %swap3A_943 : i32 to index
        %swap3A_947 = arith.index_cast %swap3A_944 : i32 to index
        %swap3A_948 = arith.index_cast %mul3A_847 : i32 to index
        %swap3A_949 = tpu.vector_load %arg5[%swap3A_945, %swap3A_946, %swap3A_947, %swap3A_948] {strides = array<i32>} : memref<4x2x4x2048xf32, #tpu.memory_space<vmem>>, vector<1x1x1x16xf32>,
        %swap3A_950 = vector.shape_cast %swap3A_949 : vector<1x1x1x16xf32> to vector<16xf32>
        %swap3A_951 = vector.shape_cast %select_n3A_941 : vector<16xf32> to vector<1x1x1x16xf32>
        tpu.vector_store %arg5[%swap3A_945, %swap3A_946, %swap3A_947, %swap3A_948], %swap3A_951 {strides = array<i32>} : memref<4x2x4x2048xf32, #tpu.memory_space<vmem>>, vector<1x1x1x16xf32>,
        %eq3A_952 = arith.constant 1 : i32
        %eq3A_953 = vector.broadcast %eq3A_952 : i32 to vector<16xi32>
        %eq3A_954 = arith.cmpi eq, %get3A_933, %eq3A_953 : vector<16xi32>
        %jit3A_955 = arith.constant 1.000000e+00 : f32
        %jit3A_956 = arith.constant 0.000000e+00 : f32
        %broadcast_in_dim3A_957 = vector.broadcast %jit3A_955 : f32 to vector<16xf32>
        %broadcast_in_dim3A_958 = vector.broadcast %jit3A_956 : f32 to vector<16xf32>
        %select_n3A_959 = arith.select %eq3A_954, %broadcast_in_dim3A_957, %broadcast_in_dim3A_958 : vector<16xi1>, vector<16xf32>
        %swap3A_960 = arith.constant 2 : i32
        %swap3A_961 = arith.constant 1 : i32
        %swap3A_962 = arith.constant 1 : i32
        %swap3A_963 = arith.index_cast %swap3A_960 : i32 to index
        %swap3A_964 = arith.index_cast %swap3A_961 : i32 to index
        %swap3A_965 = arith.index_cast %swap3A_962 : i32 to index
        %swap3A_966 = arith.index_cast %mul3A_847 : i32 to index
        %swap3A_967 = tpu.vector_load %arg5[%swap3A_963, %swap3A_964, %swap3A_965, %swap3A_966] {strides = array<i32>} : memref<4x2x4x2048xf32, #tpu.memory_space<vmem>>, vector<1x1x1x16xf32>,
        %swap3A_968 = vector.shape_cast %swap3A_967 : vector<1x1x1x16xf32> to vector<16xf32>
        %swap3A_969 = vector.shape_cast %select_n3A_959 : vector<16xf32> to vector<1x1x1x16xf32>
        tpu.vector_store %arg5[%swap3A_963, %swap3A_964, %swap3A_965, %swap3A_966], %swap3A_969 {strides = array<i32>} : memref<4x2x4x2048xf32, #tpu.memory_space<vmem>>, vector<1x1x1x16xf32>,
        %eq3A_970 = arith.constant 2 : i32
        %eq3A_971 = vector.broadcast %eq3A_970 : i32 to vector<16xi32>
        %eq3A_972 = arith.cmpi eq, %get3A_933, %eq3A_971 : vector<16xi32>
        %jit3A_973 = arith.constant 1.000000e+00 : f32
        %jit3A_974 = arith.constant 0.000000e+00 : f32
        %broadcast_in_dim3A_975 = vector.broadcast %jit3A_973 : f32 to vector<16xf32>
        %broadcast_in_dim3A_976 = vector.broadcast %jit3A_974 : f32 to vector<16xf32>
        %select_n3A_977 = arith.select %eq3A_972, %broadcast_in_dim3A_975, %broadcast_in_dim3A_976 : vector<16xi1>, vector<16xf32>
        %swap3A_978 = arith.constant 2 : i32
        %swap3A_979 = arith.constant 1 : i32
        %swap3A_980 = arith.constant 2 : i32
        %swap3A_981 = arith.index_cast %swap3A_978 : i32 to index
        %swap3A_982 = arith.index_cast %swap3A_979 : i32 to index
        %swap3A_983 = arith.index_cast %swap3A_980 : i32 to index
        %swap3A_984 = arith.index_cast %mul3A_847 : i32 to index
        %swap3A_985 = tpu.vector_load %arg5[%swap3A_981, %swap3A_982, %swap3A_983, %swap3A_984] {strides = array<i32>} : memref<4x2x4x2048xf32, #tpu.memory_space<vmem>>, vector<1x1x1x16xf32>,
        %swap3A_986 = vector.shape_cast %swap3A_985 : vector<1x1x1x16xf32> to vector<16xf32>
        %swap3A_987 = vector.shape_cast %select_n3A_977 : vector<16xf32> to vector<1x1x1x16xf32>
        tpu.vector_store %arg5[%swap3A_981, %swap3A_982, %swap3A_983, %swap3A_984], %swap3A_987 {strides = array<i32>} : memref<4x2x4x2048xf32, #tpu.memory_space<vmem>>, vector<1x1x1x16xf32>,
        %eq3A_988 = arith.constant 3 : i32
        %eq3A_989 = vector.broadcast %eq3A_988 : i32 to vector<16xi32>
        %eq3A_990 = arith.cmpi eq, %get3A_933, %eq3A_989 : vector<16xi32>
        %jit3A_991 = arith.constant 1.000000e+00 : f32
        %jit3A_992 = arith.constant 0.000000e+00 : f32
        %broadcast_in_dim3A_993 = vector.broadcast %jit3A_991 : f32 to vector<16xf32>
        %broadcast_in_dim3A_994 = vector.broadcast %jit3A_992 : f32 to vector<16xf32>
        %select_n3A_995 = arith.select %eq3A_990, %broadcast_in_dim3A_993, %broadcast_in_dim3A_994 : vector<16xi1>, vector<16xf32>
        %swap3A_996 = arith.constant 2 : i32
        %swap3A_997 = arith.constant 1 : i32
        %swap3A_998 = arith.constant 3 : i32
        %swap3A_999 = arith.index_cast %swap3A_996 : i32 to index
        %swap3A_1000 = arith.index_cast %swap3A_997 : i32 to index
        %swap3A_1001 = arith.index_cast %swap3A_998 : i32 to index
        %swap3A_1002 = arith.index_cast %mul3A_847 : i32 to index
        %swap3A_1003 = tpu.vector_load %arg5[%swap3A_999, %swap3A_1000, %swap3A_1001, %swap3A_1002] {strides = array<i32>} : memref<4x2x4x2048xf32, #tpu.memory_space<vmem>>, vector<1x1x1x16xf32>,
        %swap3A_1004 = vector.shape_cast %swap3A_1003 : vector<1x1x1x16xf32> to vector<16xf32>
        %swap3A_1005 = vector.shape_cast %select_n3A_995 : vector<16xf32> to vector<1x1x1x16xf32>
        tpu.vector_store %arg5[%swap3A_999, %swap3A_1000, %swap3A_1001, %swap3A_1002], %swap3A_1005 {strides = array<i32>} : memref<4x2x4x2048xf32, #tpu.memory_space<vmem>>, vector<1x1x1x16xf32>,
      }
      %scan3A_281 = arith.constant 128 : i32
      %mul3A_282 = arith.constant 2 : i32
      %mul3A_283 = arith.muli %add3A_254, %mul3A_282 : i32
      %add3A_284 = arith.addi %mul3A_2, %mul3A_283 : i32
      %dma_start3A_285 = arith.constant 2 : i32
      %dma_start3A_286 = arith.constant 0 : i32
      %dma_start3A_287 = arith.constant 0 : i32
      %dma_start3A_288 = arith.constant 0 : i32
      %dma_start3A_289 = tpu.memref_slice %arg5[%dma_start3A_285, %dma_start3A_286, %dma_start3A_287, %dma_start3A_288] : memref<4x2x4x2048xf32, #tpu.memory_space<vmem>> -> memref<1x2x4x2048xf32, #tpu.memory_space<vmem>>
      %dma_start3A_290 = tpu.memref_squeeze %dma_start3A_289 : memref<1x2x4x2048xf32, #tpu.memory_space<vmem>> -> memref<2x4x2048xf32, #tpu.memory_space<vmem>>
      %dma_start3A_291 = arith.constant 0 : i32
      %dma_start3A_292 = arith.constant 0 : i32
      %dma_start3A_293 = tpu.memref_slice %arg3[%add3A_284, %dma_start3A_291, %dma_start3A_292] : memref<4096x4x2048xf32, #tpu.memory_space<hbm>> -> memref<2x4x2048xf32, #tpu.memory_space<hbm>>
      %dma_start3A_294 = arith.constant 0 : i32
      %dma_start3A_295 = arith.constant 0 : i32
      %dma_start3A_296 = tpu.memref_slice %arg3[%add3A_284, %dma_start3A_294, %dma_start3A_295] : memref<4096x4x2048xf32, #tpu.memory_space<hbm>> -> memref<2x4x2048xf32, #tpu.memory_space<hbm>>
      %dma_start3A_297 = arith.constant 0 : i32
      %dma_start3A_298 = arith.constant 0 : i32
      %dma_start3A_299 = arith.constant 0 : i32
      %dma_start3A_300 = tpu.memref_slice %arg5[%dma_start3A_285, %dma_start3A_297, %dma_start3A_298, %dma_start3A_299] : memref<4x2x4x2048xf32, #tpu.memory_space<vmem>> -> memref<1x2x4x2048xf32, #tpu.memory_space<vmem>>
      %dma_start3A_301 = tpu.memref_squeeze %dma_start3A_300 : memref<1x2x4x2048xf32, #tpu.memory_space<vmem>> -> memref<2x4x2048xf32, #tpu.memory_space<vmem>>
      tpu.enqueue_dma source(%dma_start3A_301 : memref<2x4x2048xf32, #tpu.memory_space<vmem>>) target(%dma_start3A_296 : memref<2x4x2048xf32, #tpu.memory_space<hbm>>) target_semaphore(%arg12 : memref<!tpu.dma_semaphore, #tpu.memory_space<semaphore_mem>>)
      %add3A_302 = arith.constant 4 : i32
      %add3A_303 = arith.addi %add3A_254, %add3A_302 : i32
      %lt3A_304 = arith.constant 64 : i32
      %lt3A_305 = arith.cmpi slt, %add3A_303, %lt3A_304 : i32
      %convert_element_type3A_306 = arith.extui %lt3A_305 : i1 to i32
      %cond3A_307 = arith.constant 0 : i32
      %cond3A_308 = arith.cmpi ne, %convert_element_type3A_306, %cond3A_307 : i32
      scf.if %cond3A_308 {
        %add3A_365 = arith.constant 4 : i32
        %add3A_366 = arith.addi %add3A_254, %add3A_365 : i32
        %mul3A_367 = arith.constant 2 : i32
        %mul3A_368 = arith.muli %add3A_366, %mul3A_367 : i32
        %add3A_369 = arith.addi %mul3A_2, %mul3A_368 : i32
        %dma_start3A_370 = arith.constant 2 : i32
        %dma_start3A_371 = arith.constant 0 : i32
        %dma_start3A_372 = arith.constant 0 : i32
        %dma_start3A_373 = tpu.memref_slice %arg4[%dma_start3A_370, %dma_start3A_371, %dma_start3A_372] : memref<4x2x2048xi32, #tpu.memory_space<vmem>> -> memref<1x2x2048xi32, #tpu.memory_space<vmem>>
        %dma_start3A_374 = tpu.memref_squeeze %dma_start3A_373 : memref<1x2x2048xi32, #tpu.memory_space<vmem>> -> memref<2x2048xi32, #tpu.memory_space<vmem>>
        %dma_start3A_375 = arith.constant 0 : i32
        %dma_start3A_376 = tpu.memref_slice %arg2[%add3A_369, %dma_start3A_375] : memref<4096x2048xi32, #tpu.memory_space<hbm>> -> memref<2x2048xi32, #tpu.memory_space<hbm>>
        %dma_start3A_377 = arith.constant 0 : i32
        %dma_start3A_378 = arith.constant 0 : i32
        %dma_start3A_379 = tpu.memref_slice %arg4[%dma_start3A_370, %dma_start3A_377, %dma_start3A_378] : memref<4x2x2048xi32, #tpu.memory_space<vmem>> -> memref<1x2x2048xi32, #tpu.memory_space<vmem>>
        %dma_start3A_380 = tpu.memref_squeeze %dma_start3A_379 : memref<1x2x2048xi32, #tpu.memory_space<vmem>> -> memref<2x2048xi32, #tpu.memory_space<vmem>>
        %dma_start3A_381 = arith.constant 0 : i32
        %dma_start3A_382 = tpu.memref_slice %arg2[%add3A_369, %dma_start3A_381] : memref<4096x2048xi32, #tpu.memory_space<hbm>> -> memref<2x2048xi32, #tpu.memory_space<hbm>>
        tpu.enqueue_dma source(%dma_start3A_382 : memref<2x2048xi32, #tpu.memory_space<hbm>>) target(%dma_start3A_380 : memref<2x2048xi32, #tpu.memory_space<vmem>>) target_semaphore(%arg8 : memref<!tpu.dma_semaphore, #tpu.memory_space<semaphore_mem>>)
      } else {
      }
      %add3A_309 = arith.constant 3 : i32
      %add3A_310 = arith.addi %mul3A_144, %add3A_309 : i32
      %mul3A_311 = arith.constant 2 : i32
      %mul3A_312 = arith.muli %add3A_310, %mul3A_311 : i32
      %add3A_313 = arith.addi %mul3A_2, %mul3A_312 : i32
      %dma_wait3A_314 = arith.constant 3 : i32
      %dma_wait3A_315 = arith.constant 0 : i32
      %dma_wait3A_316 = arith.constant 0 : i32
      %dma_wait3A_317 = tpu.memref_slice %arg4[%dma_wait3A_314, %dma_wait3A_315, %dma_wait3A_316] : memref<4x2x2048xi32, #tpu.memory_space<vmem>> -> memref<1x2x2048xi32, #tpu.memory_space<vmem>>
      %dma_wait3A_318 = tpu.memref_squeeze %dma_wait3A_317 : memref<1x2x2048xi32, #tpu.memory_space<vmem>> -> memref<2x2048xi32, #tpu.memory_space<vmem>>
      %dma_wait3A_319 = arith.constant 0 : i32
      %dma_wait3A_320 = tpu.memref_slice %arg2[%add3A_313, %dma_wait3A_319] : memref<4096x2048xi32, #tpu.memory_space<hbm>> -> memref<2x2048xi32, #tpu.memory_space<hbm>>
      %dma_wait3A_321 = arith.constant 0 : i32
      %dma_wait3A_322 = arith.constant 0 : i32
      %dma_wait3A_323 = tpu.memref_slice %arg4[%dma_wait3A_314, %dma_wait3A_321, %dma_wait3A_322] : memref<4x2x2048xi32, #tpu.memory_space<vmem>> -> memref<1x2x2048xi32, #tpu.memory_space<vmem>>
      %dma_wait3A_324 = tpu.memref_squeeze %dma_wait3A_323 : memref<1x2x2048xi32, #tpu.memory_space<vmem>> -> memref<2x2048xi32, #tpu.memory_space<vmem>>
      %dma_wait3A_325 = arith.constant 0 : i32
      %dma_wait3A_326 = tpu.memref_slice %arg2[%add3A_313, %dma_wait3A_325] : memref<4096x2048xi32, #tpu.memory_space<hbm>> -> memref<2x2048xi32, #tpu.memory_space<hbm>>
      tpu.wait_dma2 semaphore(%arg9 : memref<!tpu.dma_semaphore, #tpu.memory_space<semaphore_mem>>) src(%dma_wait3A_326 : memref<2x2048xi32, #tpu.memory_space<hbm>>) dst(%dma_wait3A_324 : memref<2x2048xi32, #tpu.memory_space<vmem>>)
      %ge3A_327 = arith.constant 4 : i32
      %ge3A_328 = arith.cmpi sge, %add3A_310, %ge3A_327 : i32
      %convert_element_type3A_329 = arith.extui %ge3A_328 : i1 to i32
      %cond3A_330 = arith.constant 0 : i32
      %cond3A_331 = arith.cmpi ne, %convert_element_type3A_329, %cond3A_330 : i32
      scf.if %cond3A_331 {
        %sub3A = arith.constant 4 : i32
        %sub3A_365 = arith.subi %add3A_310, %sub3A : i32
        %mul3A_366 = arith.constant 2 : i32
        %mul3A_367 = arith.muli %sub3A_365, %mul3A_366 : i32
        %add3A_368 = arith.addi %mul3A_2, %mul3A_367 : i32
        %dma_wait3A_369 = arith.constant 3 : i32
        %dma_wait3A_370 = arith.constant 0 : i32
        %dma_wait3A_371 = arith.constant 0 : i32
        %dma_wait3A_372 = arith.constant 0 : i32
        %dma_wait3A_373 = tpu.memref_slice %arg5[%dma_wait3A_369, %dma_wait3A_370, %dma_wait3A_371, %dma_wait3A_372] : memref<4x2x4x2048xf32, #tpu.memory_space<vmem>> -> memref<1x2x4x2048xf32, #tpu.memory_space<vmem>>
        %dma_wait3A_374 = tpu.memref_squeeze %dma_wait3A_373 : memref<1x2x4x2048xf32, #tpu.memory_space<vmem>> -> memref<2x4x2048xf32, #tpu.memory_space<vmem>>
        %dma_wait3A_375 = arith.constant 0 : i32
        %dma_wait3A_376 = arith.constant 0 : i32
        %dma_wait3A_377 = tpu.memref_slice %arg3[%add3A_368, %dma_wait3A_375, %dma_wait3A_376] : memref<4096x4x2048xf32, #tpu.memory_space<hbm>> -> memref<2x4x2048xf32, #tpu.memory_space<hbm>>
        %dma_wait3A_378 = arith.constant 0 : i32
        %dma_wait3A_379 = arith.constant 0 : i32
        %dma_wait3A_380 = tpu.memref_slice %arg3[%add3A_368, %dma_wait3A_378, %dma_wait3A_379] : memref<4096x4x2048xf32, #tpu.memory_space<hbm>> -> memref<2x4x2048xf32, #tpu.memory_space<hbm>>
        %dma_wait3A_381 = arith.constant 0 : i32
        %dma_wait3A_382 = arith.constant 0 : i32
        %dma_wait3A_383 = arith.constant 0 : i32
        %dma_wait3A_384 = tpu.memref_slice %arg5[%dma_wait3A_369, %dma_wait3A_381, %dma_wait3A_382, %dma_wait3A_383] : memref<4x2x4x2048xf32, #tpu.memory_space<vmem>> -> memref<1x2x4x2048xf32, #tpu.memory_space<vmem>>
        %dma_wait3A_385 = tpu.memref_squeeze %dma_wait3A_384 : memref<1x2x4x2048xf32, #tpu.memory_space<vmem>> -> memref<2x4x2048xf32, #tpu.memory_space<vmem>>
        tpu.wait_dma2 semaphore(%arg13 : memref<!tpu.dma_semaphore, #tpu.memory_space<semaphore_mem>>) src(%dma_wait3A_385 : memref<2x4x2048xf32, #tpu.memory_space<vmem>>) dst(%dma_wait3A_380 : memref<2x4x2048xf32, #tpu.memory_space<hbm>>)
      } else {
      }
      %scan3A_332 = arith.constant 0 : i32
      %scan3A_333 = arith.constant 0 : i32
      %scan3A_334 = arith.constant 128 : i32
      %scan3A_335 = arith.addi %scan3A_333, %scan3A_334 : i32
      %scan3A_336 = arith.constant 4 : i32
      scf.for %scan3A_365 = %scan3A_333 to %scan3A_335 step %scan3A_336  : i32 {
        %mul3A_366 = arith.constant 16 : i32
        %mul3A_367 = arith.muli %scan3A_365, %mul3A_366 : i32
        %get3A = arith.constant 3 : i32
        %get3A_368 = arith.constant 0 : i32
        %get3A_369 = arith.index_cast %get3A : i32 to index
        %get3A_370 = arith.index_cast %get3A_368 : i32 to index
        %get3A_371 = arith.index_cast %mul3A_367 : i32 to index
        %get3A_372 = tpu.vector_load %arg4[%get3A_369, %get3A_370, %get3A_371] {strides = array<i32>} : memref<4x2x2048xi32, #tpu.memory_space<vmem>>, vector<1x1x16xi32>,
        %get3A_373 = vector.shape_cast %get3A_372 : vector<1x1x16xi32> to vector<16xi32>
        %eq3A = arith.constant 0 : i32
        %eq3A_374 = vector.broadcast %eq3A : i32 to vector<16xi32>
        %eq3A_375 = arith.cmpi eq, %get3A_373, %eq3A_374 : vector<16xi32>
        %jit3A = arith.constant 1.000000e+00 : f32
        %jit3A_376 = arith.constant 0.000000e+00 : f32
        %broadcast_in_dim3A = vector.broadcast %jit3A : f32 to vector<16xf32>
        %broadcast_in_dim3A_377 = vector.broadcast %jit3A_376 : f32 to vector<16xf32>
        %select_n3A = arith.select %eq3A_375, %broadcast_in_dim3A, %broadcast_in_dim3A_377 : vector<16xi1>, vector<16xf32>
        %swap3A = arith.constant 3 : i32
        %swap3A_378 = arith.constant 0 : i32
        %swap3A_379 = arith.constant 0 : i32
        %swap3A_380 = arith.index_cast %swap3A : i32 to index
        %swap3A_381 = arith.index_cast %swap3A_378 : i32 to index
        %swap3A_382 = arith.index_cast %swap3A_379 : i32 to index
        %swap3A_383 = arith.index_cast %mul3A_367 : i32 to index
        %swap3A_384 = tpu.vector_load %arg5[%swap3A_380, %swap3A_381, %swap3A_382, %swap3A_383] {strides = array<i32>} : memref<4x2x4x2048xf32, #tpu.memory_space<vmem>>, vector<1x1x1x16xf32>,
        %swap3A_385 = vector.shape_cast %swap3A_384 : vector<1x1x1x16xf32> to vector<16xf32>
        %swap3A_386 = vector.shape_cast %select_n3A : vector<16xf32> to vector<1x1x1x16xf32>
        tpu.vector_store %arg5[%swap3A_380, %swap3A_381, %swap3A_382, %swap3A_383], %swap3A_386 {strides = array<i32>} : memref<4x2x4x2048xf32, #tpu.memory_space<vmem>>, vector<1x1x1x16xf32>,
        %eq3A_387 = arith.constant 1 : i32
        %eq3A_388 = vector.broadcast %eq3A_387 : i32 to vector<16xi32>
        %eq3A_389 = arith.cmpi eq, %get3A_373, %eq3A_388 : vector<16xi32>
        %jit3A_390 = arith.constant 1.000000e+00 : f32
        %jit3A_391 = arith.constant 0.000000e+00 : f32
        %broadcast_in_dim3A_392 = vector.broadcast %jit3A_390 : f32 to vector<16xf32>
        %broadcast_in_dim3A_393 = vector.broadcast %jit3A_391 : f32 to vector<16xf32>
        %select_n3A_394 = arith.select %eq3A_389, %broadcast_in_dim3A_392, %broadcast_in_dim3A_393 : vector<16xi1>, vector<16xf32>
        %swap3A_395 = arith.constant 3 : i32
        %swap3A_396 = arith.constant 0 : i32
        %swap3A_397 = arith.constant 1 : i32
        %swap3A_398 = arith.index_cast %swap3A_395 : i32 to index
        %swap3A_399 = arith.index_cast %swap3A_396 : i32 to index
        %swap3A_400 = arith.index_cast %swap3A_397 : i32 to index
        %swap3A_401 = arith.index_cast %mul3A_367 : i32 to index
        %swap3A_402 = tpu.vector_load %arg5[%swap3A_398, %swap3A_399, %swap3A_400, %swap3A_401] {strides = array<i32>} : memref<4x2x4x2048xf32, #tpu.memory_space<vmem>>, vector<1x1x1x16xf32>,
        %swap3A_403 = vector.shape_cast %swap3A_402 : vector<1x1x1x16xf32> to vector<16xf32>
        %swap3A_404 = vector.shape_cast %select_n3A_394 : vector<16xf32> to vector<1x1x1x16xf32>
        tpu.vector_store %arg5[%swap3A_398, %swap3A_399, %swap3A_400, %swap3A_401], %swap3A_404 {strides = array<i32>} : memref<4x2x4x2048xf32, #tpu.memory_space<vmem>>, vector<1x1x1x16xf32>,
        %eq3A_405 = arith.constant 2 : i32
        %eq3A_406 = vector.broadcast %eq3A_405 : i32 to vector<16xi32>
        %eq3A_407 = arith.cmpi eq, %get3A_373, %eq3A_406 : vector<16xi32>
        %jit3A_408 = arith.constant 1.000000e+00 : f32
        %jit3A_409 = arith.constant 0.000000e+00 : f32
        %broadcast_in_dim3A_410 = vector.broadcast %jit3A_408 : f32 to vector<16xf32>
        %broadcast_in_dim3A_411 = vector.broadcast %jit3A_409 : f32 to vector<16xf32>
        %select_n3A_412 = arith.select %eq3A_407, %broadcast_in_dim3A_410, %broadcast_in_dim3A_411 : vector<16xi1>, vector<16xf32>
        %swap3A_413 = arith.constant 3 : i32
        %swap3A_414 = arith.constant 0 : i32
        %swap3A_415 = arith.constant 2 : i32
        %swap3A_416 = arith.index_cast %swap3A_413 : i32 to index
        %swap3A_417 = arith.index_cast %swap3A_414 : i32 to index
        %swap3A_418 = arith.index_cast %swap3A_415 : i32 to index
        %swap3A_419 = arith.index_cast %mul3A_367 : i32 to index
        %swap3A_420 = tpu.vector_load %arg5[%swap3A_416, %swap3A_417, %swap3A_418, %swap3A_419] {strides = array<i32>} : memref<4x2x4x2048xf32, #tpu.memory_space<vmem>>, vector<1x1x1x16xf32>,
        %swap3A_421 = vector.shape_cast %swap3A_420 : vector<1x1x1x16xf32> to vector<16xf32>
        %swap3A_422 = vector.shape_cast %select_n3A_412 : vector<16xf32> to vector<1x1x1x16xf32>
        tpu.vector_store %arg5[%swap3A_416, %swap3A_417, %swap3A_418, %swap3A_419], %swap3A_422 {strides = array<i32>} : memref<4x2x4x2048xf32, #tpu.memory_space<vmem>>, vector<1x1x1x16xf32>,
        %eq3A_423 = arith.constant 3 : i32
        %eq3A_424 = vector.broadcast %eq3A_423 : i32 to vector<16xi32>
        %eq3A_425 = arith.cmpi eq, %get3A_373, %eq3A_424 : vector<16xi32>
        %jit3A_426 = arith.constant 1.000000e+00 : f32
        %jit3A_427 = arith.constant 0.000000e+00 : f32
        %broadcast_in_dim3A_428 = vector.broadcast %jit3A_426 : f32 to vector<16xf32>
        %broadcast_in_dim3A_429 = vector.broadcast %jit3A_427 : f32 to vector<16xf32>
        %select_n3A_430 = arith.select %eq3A_425, %broadcast_in_dim3A_428, %broadcast_in_dim3A_429 : vector<16xi1>, vector<16xf32>
        %swap3A_431 = arith.constant 3 : i32
        %swap3A_432 = arith.constant 0 : i32
        %swap3A_433 = arith.constant 3 : i32
        %swap3A_434 = arith.index_cast %swap3A_431 : i32 to index
        %swap3A_435 = arith.index_cast %swap3A_432 : i32 to index
        %swap3A_436 = arith.index_cast %swap3A_433 : i32 to index
        %swap3A_437 = arith.index_cast %mul3A_367 : i32 to index
        %swap3A_438 = tpu.vector_load %arg5[%swap3A_434, %swap3A_435, %swap3A_436, %swap3A_437] {strides = array<i32>} : memref<4x2x4x2048xf32, #tpu.memory_space<vmem>>, vector<1x1x1x16xf32>,
        %swap3A_439 = vector.shape_cast %swap3A_438 : vector<1x1x1x16xf32> to vector<16xf32>
        %swap3A_440 = vector.shape_cast %select_n3A_430 : vector<16xf32> to vector<1x1x1x16xf32>
        tpu.vector_store %arg5[%swap3A_434, %swap3A_435, %swap3A_436, %swap3A_437], %swap3A_440 {strides = array<i32>} : memref<4x2x4x2048xf32, #tpu.memory_space<vmem>>, vector<1x1x1x16xf32>,
        %get3A_441 = arith.constant 3 : i32
        %get3A_442 = arith.constant 1 : i32
        %get3A_443 = arith.index_cast %get3A_441 : i32 to index
        %get3A_444 = arith.index_cast %get3A_442 : i32 to index
        %get3A_445 = arith.index_cast %mul3A_367 : i32 to index
        %get3A_446 = tpu.vector_load %arg4[%get3A_443, %get3A_444, %get3A_445] {strides = array<i32>} : memref<4x2x2048xi32, #tpu.memory_space<vmem>>, vector<1x1x16xi32>,
        %get3A_447 = vector.shape_cast %get3A_446 : vector<1x1x16xi32> to vector<16xi32>
        %eq3A_448 = arith.constant 0 : i32
        %eq3A_449 = vector.broadcast %eq3A_448 : i32 to vector<16xi32>
        %eq3A_450 = arith.cmpi eq, %get3A_447, %eq3A_449 : vector<16xi32>
        %jit3A_451 = arith.constant 1.000000e+00 : f32
        %jit3A_452 = arith.constant 0.000000e+00 : f32
        %broadcast_in_dim3A_453 = vector.broadcast %jit3A_451 : f32 to vector<16xf32>
        %broadcast_in_dim3A_454 = vector.broadcast %jit3A_452 : f32 to vector<16xf32>
        %select_n3A_455 = arith.select %eq3A_450, %broadcast_in_dim3A_453, %broadcast_in_dim3A_454 : vector<16xi1>, vector<16xf32>
        %swap3A_456 = arith.constant 3 : i32
        %swap3A_457 = arith.constant 1 : i32
        %swap3A_458 = arith.constant 0 : i32
        %swap3A_459 = arith.index_cast %swap3A_456 : i32 to index
        %swap3A_460 = arith.index_cast %swap3A_457 : i32 to index
        %swap3A_461 = arith.index_cast %swap3A_458 : i32 to index
        %swap3A_462 = arith.index_cast %mul3A_367 : i32 to index
        %swap3A_463 = tpu.vector_load %arg5[%swap3A_459, %swap3A_460, %swap3A_461, %swap3A_462] {strides = array<i32>} : memref<4x2x4x2048xf32, #tpu.memory_space<vmem>>, vector<1x1x1x16xf32>,
        %swap3A_464 = vector.shape_cast %swap3A_463 : vector<1x1x1x16xf32> to vector<16xf32>
        %swap3A_465 = vector.shape_cast %select_n3A_455 : vector<16xf32> to vector<1x1x1x16xf32>
        tpu.vector_store %arg5[%swap3A_459, %swap3A_460, %swap3A_461, %swap3A_462], %swap3A_465 {strides = array<i32>} : memref<4x2x4x2048xf32, #tpu.memory_space<vmem>>, vector<1x1x1x16xf32>,
        %eq3A_466 = arith.constant 1 : i32
        %eq3A_467 = vector.broadcast %eq3A_466 : i32 to vector<16xi32>
        %eq3A_468 = arith.cmpi eq, %get3A_447, %eq3A_467 : vector<16xi32>
        %jit3A_469 = arith.constant 1.000000e+00 : f32
        %jit3A_470 = arith.constant 0.000000e+00 : f32
        %broadcast_in_dim3A_471 = vector.broadcast %jit3A_469 : f32 to vector<16xf32>
        %broadcast_in_dim3A_472 = vector.broadcast %jit3A_470 : f32 to vector<16xf32>
        %select_n3A_473 = arith.select %eq3A_468, %broadcast_in_dim3A_471, %broadcast_in_dim3A_472 : vector<16xi1>, vector<16xf32>
        %swap3A_474 = arith.constant 3 : i32
        %swap3A_475 = arith.constant 1 : i32
        %swap3A_476 = arith.constant 1 : i32
        %swap3A_477 = arith.index_cast %swap3A_474 : i32 to index
        %swap3A_478 = arith.index_cast %swap3A_475 : i32 to index
        %swap3A_479 = arith.index_cast %swap3A_476 : i32 to index
        %swap3A_480 = arith.index_cast %mul3A_367 : i32 to index
        %swap3A_481 = tpu.vector_load %arg5[%swap3A_477, %swap3A_478, %swap3A_479, %swap3A_480] {strides = array<i32>} : memref<4x2x4x2048xf32, #tpu.memory_space<vmem>>, vector<1x1x1x16xf32>,
        %swap3A_482 = vector.shape_cast %swap3A_481 : vector<1x1x1x16xf32> to vector<16xf32>
        %swap3A_483 = vector.shape_cast %select_n3A_473 : vector<16xf32> to vector<1x1x1x16xf32>
        tpu.vector_store %arg5[%swap3A_477, %swap3A_478, %swap3A_479, %swap3A_480], %swap3A_483 {strides = array<i32>} : memref<4x2x4x2048xf32, #tpu.memory_space<vmem>>, vector<1x1x1x16xf32>,
        %eq3A_484 = arith.constant 2 : i32
        %eq3A_485 = vector.broadcast %eq3A_484 : i32 to vector<16xi32>
        %eq3A_486 = arith.cmpi eq, %get3A_447, %eq3A_485 : vector<16xi32>
        %jit3A_487 = arith.constant 1.000000e+00 : f32
        %jit3A_488 = arith.constant 0.000000e+00 : f32
        %broadcast_in_dim3A_489 = vector.broadcast %jit3A_487 : f32 to vector<16xf32>
        %broadcast_in_dim3A_490 = vector.broadcast %jit3A_488 : f32 to vector<16xf32>
        %select_n3A_491 = arith.select %eq3A_486, %broadcast_in_dim3A_489, %broadcast_in_dim3A_490 : vector<16xi1>, vector<16xf32>
        %swap3A_492 = arith.constant 3 : i32
        %swap3A_493 = arith.constant 1 : i32
        %swap3A_494 = arith.constant 2 : i32
        %swap3A_495 = arith.index_cast %swap3A_492 : i32 to index
        %swap3A_496 = arith.index_cast %swap3A_493 : i32 to index
        %swap3A_497 = arith.index_cast %swap3A_494 : i32 to index
        %swap3A_498 = arith.index_cast %mul3A_367 : i32 to index
        %swap3A_499 = tpu.vector_load %arg5[%swap3A_495, %swap3A_496, %swap3A_497, %swap3A_498] {strides = array<i32>} : memref<4x2x4x2048xf32, #tpu.memory_space<vmem>>, vector<1x1x1x16xf32>,
        %swap3A_500 = vector.shape_cast %swap3A_499 : vector<1x1x1x16xf32> to vector<16xf32>
        %swap3A_501 = vector.shape_cast %select_n3A_491 : vector<16xf32> to vector<1x1x1x16xf32>
        tpu.vector_store %arg5[%swap3A_495, %swap3A_496, %swap3A_497, %swap3A_498], %swap3A_501 {strides = array<i32>} : memref<4x2x4x2048xf32, #tpu.memory_space<vmem>>, vector<1x1x1x16xf32>,
        %eq3A_502 = arith.constant 3 : i32
        %eq3A_503 = vector.broadcast %eq3A_502 : i32 to vector<16xi32>
        %eq3A_504 = arith.cmpi eq, %get3A_447, %eq3A_503 : vector<16xi32>
        %jit3A_505 = arith.constant 1.000000e+00 : f32
        %jit3A_506 = arith.constant 0.000000e+00 : f32
        %broadcast_in_dim3A_507 = vector.broadcast %jit3A_505 : f32 to vector<16xf32>
        %broadcast_in_dim3A_508 = vector.broadcast %jit3A_506 : f32 to vector<16xf32>
        %select_n3A_509 = arith.select %eq3A_504, %broadcast_in_dim3A_507, %broadcast_in_dim3A_508 : vector<16xi1>, vector<16xf32>
        %swap3A_510 = arith.constant 3 : i32
        %swap3A_511 = arith.constant 1 : i32
        %swap3A_512 = arith.constant 3 : i32
        %swap3A_513 = arith.index_cast %swap3A_510 : i32 to index
        %swap3A_514 = arith.index_cast %swap3A_511 : i32 to index
        %swap3A_515 = arith.index_cast %swap3A_512 : i32 to index
        %swap3A_516 = arith.index_cast %mul3A_367 : i32 to index
        %swap3A_517 = tpu.vector_load %arg5[%swap3A_513, %swap3A_514, %swap3A_515, %swap3A_516] {strides = array<i32>} : memref<4x2x4x2048xf32, #tpu.memory_space<vmem>>, vector<1x1x1x16xf32>,
        %swap3A_518 = vector.shape_cast %swap3A_517 : vector<1x1x1x16xf32> to vector<16xf32>
        %swap3A_519 = vector.shape_cast %select_n3A_509 : vector<16xf32> to vector<1x1x1x16xf32>
        tpu.vector_store %arg5[%swap3A_513, %swap3A_514, %swap3A_515, %swap3A_516], %swap3A_519 {strides = array<i32>} : memref<4x2x4x2048xf32, #tpu.memory_space<vmem>>, vector<1x1x1x16xf32>,
        %scan3A_520 = arith.constant 1 : i32
        %scan3A_521 = arith.addi %scan3A_365, %scan3A_520 : i32
        %mul3A_522 = arith.constant 16 : i32
        %mul3A_523 = arith.muli %scan3A_521, %mul3A_522 : i32
        %get3A_524 = arith.constant 3 : i32
        %get3A_525 = arith.constant 0 : i32
        %get3A_526 = arith.index_cast %get3A_524 : i32 to index
        %get3A_527 = arith.index_cast %get3A_525 : i32 to index
        %get3A_528 = arith.index_cast %mul3A_523 : i32 to index
        %get3A_529 = tpu.vector_load %arg4[%get3A_526, %get3A_527, %get3A_528] {strides = array<i32>} : memref<4x2x2048xi32, #tpu.memory_space<vmem>>, vector<1x1x16xi32>,
        %get3A_530 = vector.shape_cast %get3A_529 : vector<1x1x16xi32> to vector<16xi32>
        %eq3A_531 = arith.constant 0 : i32
        %eq3A_532 = vector.broadcast %eq3A_531 : i32 to vector<16xi32>
        %eq3A_533 = arith.cmpi eq, %get3A_530, %eq3A_532 : vector<16xi32>
        %jit3A_534 = arith.constant 1.000000e+00 : f32
        %jit3A_535 = arith.constant 0.000000e+00 : f32
        %broadcast_in_dim3A_536 = vector.broadcast %jit3A_534 : f32 to vector<16xf32>
        %broadcast_in_dim3A_537 = vector.broadcast %jit3A_535 : f32 to vector<16xf32>
        %select_n3A_538 = arith.select %eq3A_533, %broadcast_in_dim3A_536, %broadcast_in_dim3A_537 : vector<16xi1>, vector<16xf32>
        %swap3A_539 = arith.constant 3 : i32
        %swap3A_540 = arith.constant 0 : i32
        %swap3A_541 = arith.constant 0 : i32
        %swap3A_542 = arith.index_cast %swap3A_539 : i32 to index
        %swap3A_543 = arith.index_cast %swap3A_540 : i32 to index
        %swap3A_544 = arith.index_cast %swap3A_541 : i32 to index
        %swap3A_545 = arith.index_cast %mul3A_523 : i32 to index
        %swap3A_546 = tpu.vector_load %arg5[%swap3A_542, %swap3A_543, %swap3A_544, %swap3A_545] {strides = array<i32>} : memref<4x2x4x2048xf32, #tpu.memory_space<vmem>>, vector<1x1x1x16xf32>,
        %swap3A_547 = vector.shape_cast %swap3A_546 : vector<1x1x1x16xf32> to vector<16xf32>
        %swap3A_548 = vector.shape_cast %select_n3A_538 : vector<16xf32> to vector<1x1x1x16xf32>
        tpu.vector_store %arg5[%swap3A_542, %swap3A_543, %swap3A_544, %swap3A_545], %swap3A_548 {strides = array<i32>} : memref<4x2x4x2048xf32, #tpu.memory_space<vmem>>, vector<1x1x1x16xf32>,
        %eq3A_549 = arith.constant 1 : i32
        %eq3A_550 = vector.broadcast %eq3A_549 : i32 to vector<16xi32>
        %eq3A_551 = arith.cmpi eq, %get3A_530, %eq3A_550 : vector<16xi32>
        %jit3A_552 = arith.constant 1.000000e+00 : f32
        %jit3A_553 = arith.constant 0.000000e+00 : f32
        %broadcast_in_dim3A_554 = vector.broadcast %jit3A_552 : f32 to vector<16xf32>
        %broadcast_in_dim3A_555 = vector.broadcast %jit3A_553 : f32 to vector<16xf32>
        %select_n3A_556 = arith.select %eq3A_551, %broadcast_in_dim3A_554, %broadcast_in_dim3A_555 : vector<16xi1>, vector<16xf32>
        %swap3A_557 = arith.constant 3 : i32
        %swap3A_558 = arith.constant 0 : i32
        %swap3A_559 = arith.constant 1 : i32
        %swap3A_560 = arith.index_cast %swap3A_557 : i32 to index
        %swap3A_561 = arith.index_cast %swap3A_558 : i32 to index
        %swap3A_562 = arith.index_cast %swap3A_559 : i32 to index
        %swap3A_563 = arith.index_cast %mul3A_523 : i32 to index
        %swap3A_564 = tpu.vector_load %arg5[%swap3A_560, %swap3A_561, %swap3A_562, %swap3A_563] {strides = array<i32>} : memref<4x2x4x2048xf32, #tpu.memory_space<vmem>>, vector<1x1x1x16xf32>,
        %swap3A_565 = vector.shape_cast %swap3A_564 : vector<1x1x1x16xf32> to vector<16xf32>
        %swap3A_566 = vector.shape_cast %select_n3A_556 : vector<16xf32> to vector<1x1x1x16xf32>
        tpu.vector_store %arg5[%swap3A_560, %swap3A_561, %swap3A_562, %swap3A_563], %swap3A_566 {strides = array<i32>} : memref<4x2x4x2048xf32, #tpu.memory_space<vmem>>, vector<1x1x1x16xf32>,
        %eq3A_567 = arith.constant 2 : i32
        %eq3A_568 = vector.broadcast %eq3A_567 : i32 to vector<16xi32>
        %eq3A_569 = arith.cmpi eq, %get3A_530, %eq3A_568 : vector<16xi32>
        %jit3A_570 = arith.constant 1.000000e+00 : f32
        %jit3A_571 = arith.constant 0.000000e+00 : f32
        %broadcast_in_dim3A_572 = vector.broadcast %jit3A_570 : f32 to vector<16xf32>
        %broadcast_in_dim3A_573 = vector.broadcast %jit3A_571 : f32 to vector<16xf32>
        %select_n3A_574 = arith.select %eq3A_569, %broadcast_in_dim3A_572, %broadcast_in_dim3A_573 : vector<16xi1>, vector<16xf32>
        %swap3A_575 = arith.constant 3 : i32
        %swap3A_576 = arith.constant 0 : i32
        %swap3A_577 = arith.constant 2 : i32
        %swap3A_578 = arith.index_cast %swap3A_575 : i32 to index
        %swap3A_579 = arith.index_cast %swap3A_576 : i32 to index
        %swap3A_580 = arith.index_cast %swap3A_577 : i32 to index
        %swap3A_581 = arith.index_cast %mul3A_523 : i32 to index
        %swap3A_582 = tpu.vector_load %arg5[%swap3A_578, %swap3A_579, %swap3A_580, %swap3A_581] {strides = array<i32>} : memref<4x2x4x2048xf32, #tpu.memory_space<vmem>>, vector<1x1x1x16xf32>,
        %swap3A_583 = vector.shape_cast %swap3A_582 : vector<1x1x1x16xf32> to vector<16xf32>
        %swap3A_584 = vector.shape_cast %select_n3A_574 : vector<16xf32> to vector<1x1x1x16xf32>
        tpu.vector_store %arg5[%swap3A_578, %swap3A_579, %swap3A_580, %swap3A_581], %swap3A_584 {strides = array<i32>} : memref<4x2x4x2048xf32, #tpu.memory_space<vmem>>, vector<1x1x1x16xf32>,
        %eq3A_585 = arith.constant 3 : i32
        %eq3A_586 = vector.broadcast %eq3A_585 : i32 to vector<16xi32>
        %eq3A_587 = arith.cmpi eq, %get3A_530, %eq3A_586 : vector<16xi32>
        %jit3A_588 = arith.constant 1.000000e+00 : f32
        %jit3A_589 = arith.constant 0.000000e+00 : f32
        %broadcast_in_dim3A_590 = vector.broadcast %jit3A_588 : f32 to vector<16xf32>
        %broadcast_in_dim3A_591 = vector.broadcast %jit3A_589 : f32 to vector<16xf32>
        %select_n3A_592 = arith.select %eq3A_587, %broadcast_in_dim3A_590, %broadcast_in_dim3A_591 : vector<16xi1>, vector<16xf32>
        %swap3A_593 = arith.constant 3 : i32
        %swap3A_594 = arith.constant 0 : i32
        %swap3A_595 = arith.constant 3 : i32
        %swap3A_596 = arith.index_cast %swap3A_593 : i32 to index
        %swap3A_597 = arith.index_cast %swap3A_594 : i32 to index
        %swap3A_598 = arith.index_cast %swap3A_595 : i32 to index
        %swap3A_599 = arith.index_cast %mul3A_523 : i32 to index
        %swap3A_600 = tpu.vector_load %arg5[%swap3A_596, %swap3A_597, %swap3A_598, %swap3A_599] {strides = array<i32>} : memref<4x2x4x2048xf32, #tpu.memory_space<vmem>>, vector<1x1x1x16xf32>,
        %swap3A_601 = vector.shape_cast %swap3A_600 : vector<1x1x1x16xf32> to vector<16xf32>
        %swap3A_602 = vector.shape_cast %select_n3A_592 : vector<16xf32> to vector<1x1x1x16xf32>
        tpu.vector_store %arg5[%swap3A_596, %swap3A_597, %swap3A_598, %swap3A_599], %swap3A_602 {strides = array<i32>} : memref<4x2x4x2048xf32, #tpu.memory_space<vmem>>, vector<1x1x1x16xf32>,
        %get3A_603 = arith.constant 3 : i32
        %get3A_604 = arith.constant 1 : i32
        %get3A_605 = arith.index_cast %get3A_603 : i32 to index
        %get3A_606 = arith.index_cast %get3A_604 : i32 to index
        %get3A_607 = arith.index_cast %mul3A_523 : i32 to index
        %get3A_608 = tpu.vector_load %arg4[%get3A_605, %get3A_606, %get3A_607] {strides = array<i32>} : memref<4x2x2048xi32, #tpu.memory_space<vmem>>, vector<1x1x16xi32>,
        %get3A_609 = vector.shape_cast %get3A_608 : vector<1x1x16xi32> to vector<16xi32>
        %eq3A_610 = arith.constant 0 : i32
        %eq3A_611 = vector.broadcast %eq3A_610 : i32 to vector<16xi32>
        %eq3A_612 = arith.cmpi eq, %get3A_609, %eq3A_611 : vector<16xi32>
        %jit3A_613 = arith.constant 1.000000e+00 : f32
        %jit3A_614 = arith.constant 0.000000e+00 : f32
        %broadcast_in_dim3A_615 = vector.broadcast %jit3A_613 : f32 to vector<16xf32>
        %broadcast_in_dim3A_616 = vector.broadcast %jit3A_614 : f32 to vector<16xf32>
        %select_n3A_617 = arith.select %eq3A_612, %broadcast_in_dim3A_615, %broadcast_in_dim3A_616 : vector<16xi1>, vector<16xf32>
        %swap3A_618 = arith.constant 3 : i32
        %swap3A_619 = arith.constant 1 : i32
        %swap3A_620 = arith.constant 0 : i32
        %swap3A_621 = arith.index_cast %swap3A_618 : i32 to index
        %swap3A_622 = arith.index_cast %swap3A_619 : i32 to index
        %swap3A_623 = arith.index_cast %swap3A_620 : i32 to index
        %swap3A_624 = arith.index_cast %mul3A_523 : i32 to index
        %swap3A_625 = tpu.vector_load %arg5[%swap3A_621, %swap3A_622, %swap3A_623, %swap3A_624] {strides = array<i32>} : memref<4x2x4x2048xf32, #tpu.memory_space<vmem>>, vector<1x1x1x16xf32>,
        %swap3A_626 = vector.shape_cast %swap3A_625 : vector<1x1x1x16xf32> to vector<16xf32>
        %swap3A_627 = vector.shape_cast %select_n3A_617 : vector<16xf32> to vector<1x1x1x16xf32>
        tpu.vector_store %arg5[%swap3A_621, %swap3A_622, %swap3A_623, %swap3A_624], %swap3A_627 {strides = array<i32>} : memref<4x2x4x2048xf32, #tpu.memory_space<vmem>>, vector<1x1x1x16xf32>,
        %eq3A_628 = arith.constant 1 : i32
        %eq3A_629 = vector.broadcast %eq3A_628 : i32 to vector<16xi32>
        %eq3A_630 = arith.cmpi eq, %get3A_609, %eq3A_629 : vector<16xi32>
        %jit3A_631 = arith.constant 1.000000e+00 : f32
        %jit3A_632 = arith.constant 0.000000e+00 : f32
        %broadcast_in_dim3A_633 = vector.broadcast %jit3A_631 : f32 to vector<16xf32>
        %broadcast_in_dim3A_634 = vector.broadcast %jit3A_632 : f32 to vector<16xf32>
        %select_n3A_635 = arith.select %eq3A_630, %broadcast_in_dim3A_633, %broadcast_in_dim3A_634 : vector<16xi1>, vector<16xf32>
        %swap3A_636 = arith.constant 3 : i32
        %swap3A_637 = arith.constant 1 : i32
        %swap3A_638 = arith.constant 1 : i32
        %swap3A_639 = arith.index_cast %swap3A_636 : i32 to index
        %swap3A_640 = arith.index_cast %swap3A_637 : i32 to index
        %swap3A_641 = arith.index_cast %swap3A_638 : i32 to index
        %swap3A_642 = arith.index_cast %mul3A_523 : i32 to index
        %swap3A_643 = tpu.vector_load %arg5[%swap3A_639, %swap3A_640, %swap3A_641, %swap3A_642] {strides = array<i32>} : memref<4x2x4x2048xf32, #tpu.memory_space<vmem>>, vector<1x1x1x16xf32>,
        %swap3A_644 = vector.shape_cast %swap3A_643 : vector<1x1x1x16xf32> to vector<16xf32>
        %swap3A_645 = vector.shape_cast %select_n3A_635 : vector<16xf32> to vector<1x1x1x16xf32>
        tpu.vector_store %arg5[%swap3A_639, %swap3A_640, %swap3A_641, %swap3A_642], %swap3A_645 {strides = array<i32>} : memref<4x2x4x2048xf32, #tpu.memory_space<vmem>>, vector<1x1x1x16xf32>,
        %eq3A_646 = arith.constant 2 : i32
        %eq3A_647 = vector.broadcast %eq3A_646 : i32 to vector<16xi32>
        %eq3A_648 = arith.cmpi eq, %get3A_609, %eq3A_647 : vector<16xi32>
        %jit3A_649 = arith.constant 1.000000e+00 : f32
        %jit3A_650 = arith.constant 0.000000e+00 : f32
        %broadcast_in_dim3A_651 = vector.broadcast %jit3A_649 : f32 to vector<16xf32>
        %broadcast_in_dim3A_652 = vector.broadcast %jit3A_650 : f32 to vector<16xf32>
        %select_n3A_653 = arith.select %eq3A_648, %broadcast_in_dim3A_651, %broadcast_in_dim3A_652 : vector<16xi1>, vector<16xf32>
        %swap3A_654 = arith.constant 3 : i32
        %swap3A_655 = arith.constant 1 : i32
        %swap3A_656 = arith.constant 2 : i32
        %swap3A_657 = arith.index_cast %swap3A_654 : i32 to index
        %swap3A_658 = arith.index_cast %swap3A_655 : i32 to index
        %swap3A_659 = arith.index_cast %swap3A_656 : i32 to index
        %swap3A_660 = arith.index_cast %mul3A_523 : i32 to index
        %swap3A_661 = tpu.vector_load %arg5[%swap3A_657, %swap3A_658, %swap3A_659, %swap3A_660] {strides = array<i32>} : memref<4x2x4x2048xf32, #tpu.memory_space<vmem>>, vector<1x1x1x16xf32>,
        %swap3A_662 = vector.shape_cast %swap3A_661 : vector<1x1x1x16xf32> to vector<16xf32>
        %swap3A_663 = vector.shape_cast %select_n3A_653 : vector<16xf32> to vector<1x1x1x16xf32>
        tpu.vector_store %arg5[%swap3A_657, %swap3A_658, %swap3A_659, %swap3A_660], %swap3A_663 {strides = array<i32>} : memref<4x2x4x2048xf32, #tpu.memory_space<vmem>>, vector<1x1x1x16xf32>,
        %eq3A_664 = arith.constant 3 : i32
        %eq3A_665 = vector.broadcast %eq3A_664 : i32 to vector<16xi32>
        %eq3A_666 = arith.cmpi eq, %get3A_609, %eq3A_665 : vector<16xi32>
        %jit3A_667 = arith.constant 1.000000e+00 : f32
        %jit3A_668 = arith.constant 0.000000e+00 : f32
        %broadcast_in_dim3A_669 = vector.broadcast %jit3A_667 : f32 to vector<16xf32>
        %broadcast_in_dim3A_670 = vector.broadcast %jit3A_668 : f32 to vector<16xf32>
        %select_n3A_671 = arith.select %eq3A_666, %broadcast_in_dim3A_669, %broadcast_in_dim3A_670 : vector<16xi1>, vector<16xf32>
        %swap3A_672 = arith.constant 3 : i32
        %swap3A_673 = arith.constant 1 : i32
        %swap3A_674 = arith.constant 3 : i32
        %swap3A_675 = arith.index_cast %swap3A_672 : i32 to index
        %swap3A_676 = arith.index_cast %swap3A_673 : i32 to index
        %swap3A_677 = arith.index_cast %swap3A_674 : i32 to index
        %swap3A_678 = arith.index_cast %mul3A_523 : i32 to index
        %swap3A_679 = tpu.vector_load %arg5[%swap3A_675, %swap3A_676, %swap3A_677, %swap3A_678] {strides = array<i32>} : memref<4x2x4x2048xf32, #tpu.memory_space<vmem>>, vector<1x1x1x16xf32>,
        %swap3A_680 = vector.shape_cast %swap3A_679 : vector<1x1x1x16xf32> to vector<16xf32>
        %swap3A_681 = vector.shape_cast %select_n3A_671 : vector<16xf32> to vector<1x1x1x16xf32>
        tpu.vector_store %arg5[%swap3A_675, %swap3A_676, %swap3A_677, %swap3A_678], %swap3A_681 {strides = array<i32>} : memref<4x2x4x2048xf32, #tpu.memory_space<vmem>>, vector<1x1x1x16xf32>,
        %scan3A_682 = arith.constant 2 : i32
        %scan3A_683 = arith.addi %scan3A_365, %scan3A_682 : i32
        %mul3A_684 = arith.constant 16 : i32
        %mul3A_685 = arith.muli %scan3A_683, %mul3A_684 : i32
        %get3A_686 = arith.constant 3 : i32
        %get3A_687 = arith.constant 0 : i32
        %get3A_688 = arith.index_cast %get3A_686 : i32 to index
        %get3A_689 = arith.index_cast %get3A_687 : i32 to index
        %get3A_690 = arith.index_cast %mul3A_685 : i32 to index
        %get3A_691 = tpu.vector_load %arg4[%get3A_688, %get3A_689, %get3A_690] {strides = array<i32>} : memref<4x2x2048xi32, #tpu.memory_space<vmem>>, vector<1x1x16xi32>,
        %get3A_692 = vector.shape_cast %get3A_691 : vector<1x1x16xi32> to vector<16xi32>
        %eq3A_693 = arith.constant 0 : i32
        %eq3A_694 = vector.broadcast %eq3A_693 : i32 to vector<16xi32>
        %eq3A_695 = arith.cmpi eq, %get3A_692, %eq3A_694 : vector<16xi32>
        %jit3A_696 = arith.constant 1.000000e+00 : f32
        %jit3A_697 = arith.constant 0.000000e+00 : f32
        %broadcast_in_dim3A_698 = vector.broadcast %jit3A_696 : f32 to vector<16xf32>
        %broadcast_in_dim3A_699 = vector.broadcast %jit3A_697 : f32 to vector<16xf32>
        %select_n3A_700 = arith.select %eq3A_695, %broadcast_in_dim3A_698, %broadcast_in_dim3A_699 : vector<16xi1>, vector<16xf32>
        %swap3A_701 = arith.constant 3 : i32
        %swap3A_702 = arith.constant 0 : i32
        %swap3A_703 = arith.constant 0 : i32
        %swap3A_704 = arith.index_cast %swap3A_701 : i32 to index
        %swap3A_705 = arith.index_cast %swap3A_702 : i32 to index
        %swap3A_706 = arith.index_cast %swap3A_703 : i32 to index
        %swap3A_707 = arith.index_cast %mul3A_685 : i32 to index
        %swap3A_708 = tpu.vector_load %arg5[%swap3A_704, %swap3A_705, %swap3A_706, %swap3A_707] {strides = array<i32>} : memref<4x2x4x2048xf32, #tpu.memory_space<vmem>>, vector<1x1x1x16xf32>,
        %swap3A_709 = vector.shape_cast %swap3A_708 : vector<1x1x1x16xf32> to vector<16xf32>
        %swap3A_710 = vector.shape_cast %select_n3A_700 : vector<16xf32> to vector<1x1x1x16xf32>
        tpu.vector_store %arg5[%swap3A_704, %swap3A_705, %swap3A_706, %swap3A_707], %swap3A_710 {strides = array<i32>} : memref<4x2x4x2048xf32, #tpu.memory_space<vmem>>, vector<1x1x1x16xf32>,
        %eq3A_711 = arith.constant 1 : i32
        %eq3A_712 = vector.broadcast %eq3A_711 : i32 to vector<16xi32>
        %eq3A_713 = arith.cmpi eq, %get3A_692, %eq3A_712 : vector<16xi32>
        %jit3A_714 = arith.constant 1.000000e+00 : f32
        %jit3A_715 = arith.constant 0.000000e+00 : f32
        %broadcast_in_dim3A_716 = vector.broadcast %jit3A_714 : f32 to vector<16xf32>
        %broadcast_in_dim3A_717 = vector.broadcast %jit3A_715 : f32 to vector<16xf32>
        %select_n3A_718 = arith.select %eq3A_713, %broadcast_in_dim3A_716, %broadcast_in_dim3A_717 : vector<16xi1>, vector<16xf32>
        %swap3A_719 = arith.constant 3 : i32
        %swap3A_720 = arith.constant 0 : i32
        %swap3A_721 = arith.constant 1 : i32
        %swap3A_722 = arith.index_cast %swap3A_719 : i32 to index
        %swap3A_723 = arith.index_cast %swap3A_720 : i32 to index
        %swap3A_724 = arith.index_cast %swap3A_721 : i32 to index
        %swap3A_725 = arith.index_cast %mul3A_685 : i32 to index
        %swap3A_726 = tpu.vector_load %arg5[%swap3A_722, %swap3A_723, %swap3A_724, %swap3A_725] {strides = array<i32>} : memref<4x2x4x2048xf32, #tpu.memory_space<vmem>>, vector<1x1x1x16xf32>,
        %swap3A_727 = vector.shape_cast %swap3A_726 : vector<1x1x1x16xf32> to vector<16xf32>
        %swap3A_728 = vector.shape_cast %select_n3A_718 : vector<16xf32> to vector<1x1x1x16xf32>
        tpu.vector_store %arg5[%swap3A_722, %swap3A_723, %swap3A_724, %swap3A_725], %swap3A_728 {strides = array<i32>} : memref<4x2x4x2048xf32, #tpu.memory_space<vmem>>, vector<1x1x1x16xf32>,
        %eq3A_729 = arith.constant 2 : i32
        %eq3A_730 = vector.broadcast %eq3A_729 : i32 to vector<16xi32>
        %eq3A_731 = arith.cmpi eq, %get3A_692, %eq3A_730 : vector<16xi32>
        %jit3A_732 = arith.constant 1.000000e+00 : f32
        %jit3A_733 = arith.constant 0.000000e+00 : f32
        %broadcast_in_dim3A_734 = vector.broadcast %jit3A_732 : f32 to vector<16xf32>
        %broadcast_in_dim3A_735 = vector.broadcast %jit3A_733 : f32 to vector<16xf32>
        %select_n3A_736 = arith.select %eq3A_731, %broadcast_in_dim3A_734, %broadcast_in_dim3A_735 : vector<16xi1>, vector<16xf32>
        %swap3A_737 = arith.constant 3 : i32
        %swap3A_738 = arith.constant 0 : i32
        %swap3A_739 = arith.constant 2 : i32
        %swap3A_740 = arith.index_cast %swap3A_737 : i32 to index
        %swap3A_741 = arith.index_cast %swap3A_738 : i32 to index
        %swap3A_742 = arith.index_cast %swap3A_739 : i32 to index
        %swap3A_743 = arith.index_cast %mul3A_685 : i32 to index
        %swap3A_744 = tpu.vector_load %arg5[%swap3A_740, %swap3A_741, %swap3A_742, %swap3A_743] {strides = array<i32>} : memref<4x2x4x2048xf32, #tpu.memory_space<vmem>>, vector<1x1x1x16xf32>,
        %swap3A_745 = vector.shape_cast %swap3A_744 : vector<1x1x1x16xf32> to vector<16xf32>
        %swap3A_746 = vector.shape_cast %select_n3A_736 : vector<16xf32> to vector<1x1x1x16xf32>
        tpu.vector_store %arg5[%swap3A_740, %swap3A_741, %swap3A_742, %swap3A_743], %swap3A_746 {strides = array<i32>} : memref<4x2x4x2048xf32, #tpu.memory_space<vmem>>, vector<1x1x1x16xf32>,
        %eq3A_747 = arith.constant 3 : i32
        %eq3A_748 = vector.broadcast %eq3A_747 : i32 to vector<16xi32>
        %eq3A_749 = arith.cmpi eq, %get3A_692, %eq3A_748 : vector<16xi32>
        %jit3A_750 = arith.constant 1.000000e+00 : f32
        %jit3A_751 = arith.constant 0.000000e+00 : f32
        %broadcast_in_dim3A_752 = vector.broadcast %jit3A_750 : f32 to vector<16xf32>
        %broadcast_in_dim3A_753 = vector.broadcast %jit3A_751 : f32 to vector<16xf32>
        %select_n3A_754 = arith.select %eq3A_749, %broadcast_in_dim3A_752, %broadcast_in_dim3A_753 : vector<16xi1>, vector<16xf32>
        %swap3A_755 = arith.constant 3 : i32
        %swap3A_756 = arith.constant 0 : i32
        %swap3A_757 = arith.constant 3 : i32
        %swap3A_758 = arith.index_cast %swap3A_755 : i32 to index
        %swap3A_759 = arith.index_cast %swap3A_756 : i32 to index
        %swap3A_760 = arith.index_cast %swap3A_757 : i32 to index
        %swap3A_761 = arith.index_cast %mul3A_685 : i32 to index
        %swap3A_762 = tpu.vector_load %arg5[%swap3A_758, %swap3A_759, %swap3A_760, %swap3A_761] {strides = array<i32>} : memref<4x2x4x2048xf32, #tpu.memory_space<vmem>>, vector<1x1x1x16xf32>,
        %swap3A_763 = vector.shape_cast %swap3A_762 : vector<1x1x1x16xf32> to vector<16xf32>
        %swap3A_764 = vector.shape_cast %select_n3A_754 : vector<16xf32> to vector<1x1x1x16xf32>
        tpu.vector_store %arg5[%swap3A_758, %swap3A_759, %swap3A_760, %swap3A_761], %swap3A_764 {strides = array<i32>} : memref<4x2x4x2048xf32, #tpu.memory_space<vmem>>, vector<1x1x1x16xf32>,
        %get3A_765 = arith.constant 3 : i32
        %get3A_766 = arith.constant 1 : i32
        %get3A_767 = arith.index_cast %get3A_765 : i32 to index
        %get3A_768 = arith.index_cast %get3A_766 : i32 to index
        %get3A_769 = arith.index_cast %mul3A_685 : i32 to index
        %get3A_770 = tpu.vector_load %arg4[%get3A_767, %get3A_768, %get3A_769] {strides = array<i32>} : memref<4x2x2048xi32, #tpu.memory_space<vmem>>, vector<1x1x16xi32>,
        %get3A_771 = vector.shape_cast %get3A_770 : vector<1x1x16xi32> to vector<16xi32>
        %eq3A_772 = arith.constant 0 : i32
        %eq3A_773 = vector.broadcast %eq3A_772 : i32 to vector<16xi32>
        %eq3A_774 = arith.cmpi eq, %get3A_771, %eq3A_773 : vector<16xi32>
        %jit3A_775 = arith.constant 1.000000e+00 : f32
        %jit3A_776 = arith.constant 0.000000e+00 : f32
        %broadcast_in_dim3A_777 = vector.broadcast %jit3A_775 : f32 to vector<16xf32>
        %broadcast_in_dim3A_778 = vector.broadcast %jit3A_776 : f32 to vector<16xf32>
        %select_n3A_779 = arith.select %eq3A_774, %broadcast_in_dim3A_777, %broadcast_in_dim3A_778 : vector<16xi1>, vector<16xf32>
        %swap3A_780 = arith.constant 3 : i32
        %swap3A_781 = arith.constant 1 : i32
        %swap3A_782 = arith.constant 0 : i32
        %swap3A_783 = arith.index_cast %swap3A_780 : i32 to index
        %swap3A_784 = arith.index_cast %swap3A_781 : i32 to index
        %swap3A_785 = arith.index_cast %swap3A_782 : i32 to index
        %swap3A_786 = arith.index_cast %mul3A_685 : i32 to index
        %swap3A_787 = tpu.vector_load %arg5[%swap3A_783, %swap3A_784, %swap3A_785, %swap3A_786] {strides = array<i32>} : memref<4x2x4x2048xf32, #tpu.memory_space<vmem>>, vector<1x1x1x16xf32>,
        %swap3A_788 = vector.shape_cast %swap3A_787 : vector<1x1x1x16xf32> to vector<16xf32>
        %swap3A_789 = vector.shape_cast %select_n3A_779 : vector<16xf32> to vector<1x1x1x16xf32>
        tpu.vector_store %arg5[%swap3A_783, %swap3A_784, %swap3A_785, %swap3A_786], %swap3A_789 {strides = array<i32>} : memref<4x2x4x2048xf32, #tpu.memory_space<vmem>>, vector<1x1x1x16xf32>,
        %eq3A_790 = arith.constant 1 : i32
        %eq3A_791 = vector.broadcast %eq3A_790 : i32 to vector<16xi32>
        %eq3A_792 = arith.cmpi eq, %get3A_771, %eq3A_791 : vector<16xi32>
        %jit3A_793 = arith.constant 1.000000e+00 : f32
        %jit3A_794 = arith.constant 0.000000e+00 : f32
        %broadcast_in_dim3A_795 = vector.broadcast %jit3A_793 : f32 to vector<16xf32>
        %broadcast_in_dim3A_796 = vector.broadcast %jit3A_794 : f32 to vector<16xf32>
        %select_n3A_797 = arith.select %eq3A_792, %broadcast_in_dim3A_795, %broadcast_in_dim3A_796 : vector<16xi1>, vector<16xf32>
        %swap3A_798 = arith.constant 3 : i32
        %swap3A_799 = arith.constant 1 : i32
        %swap3A_800 = arith.constant 1 : i32
        %swap3A_801 = arith.index_cast %swap3A_798 : i32 to index
        %swap3A_802 = arith.index_cast %swap3A_799 : i32 to index
        %swap3A_803 = arith.index_cast %swap3A_800 : i32 to index
        %swap3A_804 = arith.index_cast %mul3A_685 : i32 to index
        %swap3A_805 = tpu.vector_load %arg5[%swap3A_801, %swap3A_802, %swap3A_803, %swap3A_804] {strides = array<i32>} : memref<4x2x4x2048xf32, #tpu.memory_space<vmem>>, vector<1x1x1x16xf32>,
        %swap3A_806 = vector.shape_cast %swap3A_805 : vector<1x1x1x16xf32> to vector<16xf32>
        %swap3A_807 = vector.shape_cast %select_n3A_797 : vector<16xf32> to vector<1x1x1x16xf32>
        tpu.vector_store %arg5[%swap3A_801, %swap3A_802, %swap3A_803, %swap3A_804], %swap3A_807 {strides = array<i32>} : memref<4x2x4x2048xf32, #tpu.memory_space<vmem>>, vector<1x1x1x16xf32>,
        %eq3A_808 = arith.constant 2 : i32
        %eq3A_809 = vector.broadcast %eq3A_808 : i32 to vector<16xi32>
        %eq3A_810 = arith.cmpi eq, %get3A_771, %eq3A_809 : vector<16xi32>
        %jit3A_811 = arith.constant 1.000000e+00 : f32
        %jit3A_812 = arith.constant 0.000000e+00 : f32
        %broadcast_in_dim3A_813 = vector.broadcast %jit3A_811 : f32 to vector<16xf32>
        %broadcast_in_dim3A_814 = vector.broadcast %jit3A_812 : f32 to vector<16xf32>
        %select_n3A_815 = arith.select %eq3A_810, %broadcast_in_dim3A_813, %broadcast_in_dim3A_814 : vector<16xi1>, vector<16xf32>
        %swap3A_816 = arith.constant 3 : i32
        %swap3A_817 = arith.constant 1 : i32
        %swap3A_818 = arith.constant 2 : i32
        %swap3A_819 = arith.index_cast %swap3A_816 : i32 to index
        %swap3A_820 = arith.index_cast %swap3A_817 : i32 to index
        %swap3A_821 = arith.index_cast %swap3A_818 : i32 to index
        %swap3A_822 = arith.index_cast %mul3A_685 : i32 to index
        %swap3A_823 = tpu.vector_load %arg5[%swap3A_819, %swap3A_820, %swap3A_821, %swap3A_822] {strides = array<i32>} : memref<4x2x4x2048xf32, #tpu.memory_space<vmem>>, vector<1x1x1x16xf32>,
        %swap3A_824 = vector.shape_cast %swap3A_823 : vector<1x1x1x16xf32> to vector<16xf32>
        %swap3A_825 = vector.shape_cast %select_n3A_815 : vector<16xf32> to vector<1x1x1x16xf32>
        tpu.vector_store %arg5[%swap3A_819, %swap3A_820, %swap3A_821, %swap3A_822], %swap3A_825 {strides = array<i32>} : memref<4x2x4x2048xf32, #tpu.memory_space<vmem>>, vector<1x1x1x16xf32>,
        %eq3A_826 = arith.constant 3 : i32
        %eq3A_827 = vector.broadcast %eq3A_826 : i32 to vector<16xi32>
        %eq3A_828 = arith.cmpi eq, %get3A_771, %eq3A_827 : vector<16xi32>
        %jit3A_829 = arith.constant 1.000000e+00 : f32
        %jit3A_830 = arith.constant 0.000000e+00 : f32
        %broadcast_in_dim3A_831 = vector.broadcast %jit3A_829 : f32 to vector<16xf32>
        %broadcast_in_dim3A_832 = vector.broadcast %jit3A_830 : f32 to vector<16xf32>
        %select_n3A_833 = arith.select %eq3A_828, %broadcast_in_dim3A_831, %broadcast_in_dim3A_832 : vector<16xi1>, vector<16xf32>
        %swap3A_834 = arith.constant 3 : i32
        %swap3A_835 = arith.constant 1 : i32
        %swap3A_836 = arith.constant 3 : i32
        %swap3A_837 = arith.index_cast %swap3A_834 : i32 to index
        %swap3A_838 = arith.index_cast %swap3A_835 : i32 to index
        %swap3A_839 = arith.index_cast %swap3A_836 : i32 to index
        %swap3A_840 = arith.index_cast %mul3A_685 : i32 to index
        %swap3A_841 = tpu.vector_load %arg5[%swap3A_837, %swap3A_838, %swap3A_839, %swap3A_840] {strides = array<i32>} : memref<4x2x4x2048xf32, #tpu.memory_space<vmem>>, vector<1x1x1x16xf32>,
        %swap3A_842 = vector.shape_cast %swap3A_841 : vector<1x1x1x16xf32> to vector<16xf32>
        %swap3A_843 = vector.shape_cast %select_n3A_833 : vector<16xf32> to vector<1x1x1x16xf32>
        tpu.vector_store %arg5[%swap3A_837, %swap3A_838, %swap3A_839, %swap3A_840], %swap3A_843 {strides = array<i32>} : memref<4x2x4x2048xf32, #tpu.memory_space<vmem>>, vector<1x1x1x16xf32>,
        %scan3A_844 = arith.constant 3 : i32
        %scan3A_845 = arith.addi %scan3A_365, %scan3A_844 : i32
        %mul3A_846 = arith.constant 16 : i32
        %mul3A_847 = arith.muli %scan3A_845, %mul3A_846 : i32
        %get3A_848 = arith.constant 3 : i32
        %get3A_849 = arith.constant 0 : i32
        %get3A_850 = arith.index_cast %get3A_848 : i32 to index
        %get3A_851 = arith.index_cast %get3A_849 : i32 to index
        %get3A_852 = arith.index_cast %mul3A_847 : i32 to index
        %get3A_853 = tpu.vector_load %arg4[%get3A_850, %get3A_851, %get3A_852] {strides = array<i32>} : memref<4x2x2048xi32, #tpu.memory_space<vmem>>, vector<1x1x16xi32>,
        %get3A_854 = vector.shape_cast %get3A_853 : vector<1x1x16xi32> to vector<16xi32>
        %eq3A_855 = arith.constant 0 : i32
        %eq3A_856 = vector.broadcast %eq3A_855 : i32 to vector<16xi32>
        %eq3A_857 = arith.cmpi eq, %get3A_854, %eq3A_856 : vector<16xi32>
        %jit3A_858 = arith.constant 1.000000e+00 : f32
        %jit3A_859 = arith.constant 0.000000e+00 : f32
        %broadcast_in_dim3A_860 = vector.broadcast %jit3A_858 : f32 to vector<16xf32>
        %broadcast_in_dim3A_861 = vector.broadcast %jit3A_859 : f32 to vector<16xf32>
        %select_n3A_862 = arith.select %eq3A_857, %broadcast_in_dim3A_860, %broadcast_in_dim3A_861 : vector<16xi1>, vector<16xf32>
        %swap3A_863 = arith.constant 3 : i32
        %swap3A_864 = arith.constant 0 : i32
        %swap3A_865 = arith.constant 0 : i32
        %swap3A_866 = arith.index_cast %swap3A_863 : i32 to index
        %swap3A_867 = arith.index_cast %swap3A_864 : i32 to index
        %swap3A_868 = arith.index_cast %swap3A_865 : i32 to index
        %swap3A_869 = arith.index_cast %mul3A_847 : i32 to index
        %swap3A_870 = tpu.vector_load %arg5[%swap3A_866, %swap3A_867, %swap3A_868, %swap3A_869] {strides = array<i32>} : memref<4x2x4x2048xf32, #tpu.memory_space<vmem>>, vector<1x1x1x16xf32>,
        %swap3A_871 = vector.shape_cast %swap3A_870 : vector<1x1x1x16xf32> to vector<16xf32>
        %swap3A_872 = vector.shape_cast %select_n3A_862 : vector<16xf32> to vector<1x1x1x16xf32>
        tpu.vector_store %arg5[%swap3A_866, %swap3A_867, %swap3A_868, %swap3A_869], %swap3A_872 {strides = array<i32>} : memref<4x2x4x2048xf32, #tpu.memory_space<vmem>>, vector<1x1x1x16xf32>,
        %eq3A_873 = arith.constant 1 : i32
        %eq3A_874 = vector.broadcast %eq3A_873 : i32 to vector<16xi32>
        %eq3A_875 = arith.cmpi eq, %get3A_854, %eq3A_874 : vector<16xi32>
        %jit3A_876 = arith.constant 1.000000e+00 : f32
        %jit3A_877 = arith.constant 0.000000e+00 : f32
        %broadcast_in_dim3A_878 = vector.broadcast %jit3A_876 : f32 to vector<16xf32>
        %broadcast_in_dim3A_879 = vector.broadcast %jit3A_877 : f32 to vector<16xf32>
        %select_n3A_880 = arith.select %eq3A_875, %broadcast_in_dim3A_878, %broadcast_in_dim3A_879 : vector<16xi1>, vector<16xf32>
        %swap3A_881 = arith.constant 3 : i32
        %swap3A_882 = arith.constant 0 : i32
        %swap3A_883 = arith.constant 1 : i32
        %swap3A_884 = arith.index_cast %swap3A_881 : i32 to index
        %swap3A_885 = arith.index_cast %swap3A_882 : i32 to index
        %swap3A_886 = arith.index_cast %swap3A_883 : i32 to index
        %swap3A_887 = arith.index_cast %mul3A_847 : i32 to index
        %swap3A_888 = tpu.vector_load %arg5[%swap3A_884, %swap3A_885, %swap3A_886, %swap3A_887] {strides = array<i32>} : memref<4x2x4x2048xf32, #tpu.memory_space<vmem>>, vector<1x1x1x16xf32>,
        %swap3A_889 = vector.shape_cast %swap3A_888 : vector<1x1x1x16xf32> to vector<16xf32>
        %swap3A_890 = vector.shape_cast %select_n3A_880 : vector<16xf32> to vector<1x1x1x16xf32>
        tpu.vector_store %arg5[%swap3A_884, %swap3A_885, %swap3A_886, %swap3A_887], %swap3A_890 {strides = array<i32>} : memref<4x2x4x2048xf32, #tpu.memory_space<vmem>>, vector<1x1x1x16xf32>,
        %eq3A_891 = arith.constant 2 : i32
        %eq3A_892 = vector.broadcast %eq3A_891 : i32 to vector<16xi32>
        %eq3A_893 = arith.cmpi eq, %get3A_854, %eq3A_892 : vector<16xi32>
        %jit3A_894 = arith.constant 1.000000e+00 : f32
        %jit3A_895 = arith.constant 0.000000e+00 : f32
        %broadcast_in_dim3A_896 = vector.broadcast %jit3A_894 : f32 to vector<16xf32>
        %broadcast_in_dim3A_897 = vector.broadcast %jit3A_895 : f32 to vector<16xf32>
        %select_n3A_898 = arith.select %eq3A_893, %broadcast_in_dim3A_896, %broadcast_in_dim3A_897 : vector<16xi1>, vector<16xf32>
        %swap3A_899 = arith.constant 3 : i32
        %swap3A_900 = arith.constant 0 : i32
        %swap3A_901 = arith.constant 2 : i32
        %swap3A_902 = arith.index_cast %swap3A_899 : i32 to index
        %swap3A_903 = arith.index_cast %swap3A_900 : i32 to index
        %swap3A_904 = arith.index_cast %swap3A_901 : i32 to index
        %swap3A_905 = arith.index_cast %mul3A_847 : i32 to index
        %swap3A_906 = tpu.vector_load %arg5[%swap3A_902, %swap3A_903, %swap3A_904, %swap3A_905] {strides = array<i32>} : memref<4x2x4x2048xf32, #tpu.memory_space<vmem>>, vector<1x1x1x16xf32>,
        %swap3A_907 = vector.shape_cast %swap3A_906 : vector<1x1x1x16xf32> to vector<16xf32>
        %swap3A_908 = vector.shape_cast %select_n3A_898 : vector<16xf32> to vector<1x1x1x16xf32>
        tpu.vector_store %arg5[%swap3A_902, %swap3A_903, %swap3A_904, %swap3A_905], %swap3A_908 {strides = array<i32>} : memref<4x2x4x2048xf32, #tpu.memory_space<vmem>>, vector<1x1x1x16xf32>,
        %eq3A_909 = arith.constant 3 : i32
        %eq3A_910 = vector.broadcast %eq3A_909 : i32 to vector<16xi32>
        %eq3A_911 = arith.cmpi eq, %get3A_854, %eq3A_910 : vector<16xi32>
        %jit3A_912 = arith.constant 1.000000e+00 : f32
        %jit3A_913 = arith.constant 0.000000e+00 : f32
        %broadcast_in_dim3A_914 = vector.broadcast %jit3A_912 : f32 to vector<16xf32>
        %broadcast_in_dim3A_915 = vector.broadcast %jit3A_913 : f32 to vector<16xf32>
        %select_n3A_916 = arith.select %eq3A_911, %broadcast_in_dim3A_914, %broadcast_in_dim3A_915 : vector<16xi1>, vector<16xf32>
        %swap3A_917 = arith.constant 3 : i32
        %swap3A_918 = arith.constant 0 : i32
        %swap3A_919 = arith.constant 3 : i32
        %swap3A_920 = arith.index_cast %swap3A_917 : i32 to index
        %swap3A_921 = arith.index_cast %swap3A_918 : i32 to index
        %swap3A_922 = arith.index_cast %swap3A_919 : i32 to index
        %swap3A_923 = arith.index_cast %mul3A_847 : i32 to index
        %swap3A_924 = tpu.vector_load %arg5[%swap3A_920, %swap3A_921, %swap3A_922, %swap3A_923] {strides = array<i32>} : memref<4x2x4x2048xf32, #tpu.memory_space<vmem>>, vector<1x1x1x16xf32>,
        %swap3A_925 = vector.shape_cast %swap3A_924 : vector<1x1x1x16xf32> to vector<16xf32>
        %swap3A_926 = vector.shape_cast %select_n3A_916 : vector<16xf32> to vector<1x1x1x16xf32>
        tpu.vector_store %arg5[%swap3A_920, %swap3A_921, %swap3A_922, %swap3A_923], %swap3A_926 {strides = array<i32>} : memref<4x2x4x2048xf32, #tpu.memory_space<vmem>>, vector<1x1x1x16xf32>,
        %get3A_927 = arith.constant 3 : i32
        %get3A_928 = arith.constant 1 : i32
        %get3A_929 = arith.index_cast %get3A_927 : i32 to index
        %get3A_930 = arith.index_cast %get3A_928 : i32 to index
        %get3A_931 = arith.index_cast %mul3A_847 : i32 to index
        %get3A_932 = tpu.vector_load %arg4[%get3A_929, %get3A_930, %get3A_931] {strides = array<i32>} : memref<4x2x2048xi32, #tpu.memory_space<vmem>>, vector<1x1x16xi32>,
        %get3A_933 = vector.shape_cast %get3A_932 : vector<1x1x16xi32> to vector<16xi32>
        %eq3A_934 = arith.constant 0 : i32
        %eq3A_935 = vector.broadcast %eq3A_934 : i32 to vector<16xi32>
        %eq3A_936 = arith.cmpi eq, %get3A_933, %eq3A_935 : vector<16xi32>
        %jit3A_937 = arith.constant 1.000000e+00 : f32
        %jit3A_938 = arith.constant 0.000000e+00 : f32
        %broadcast_in_dim3A_939 = vector.broadcast %jit3A_937 : f32 to vector<16xf32>
        %broadcast_in_dim3A_940 = vector.broadcast %jit3A_938 : f32 to vector<16xf32>
        %select_n3A_941 = arith.select %eq3A_936, %broadcast_in_dim3A_939, %broadcast_in_dim3A_940 : vector<16xi1>, vector<16xf32>
        %swap3A_942 = arith.constant 3 : i32
        %swap3A_943 = arith.constant 1 : i32
        %swap3A_944 = arith.constant 0 : i32
        %swap3A_945 = arith.index_cast %swap3A_942 : i32 to index
        %swap3A_946 = arith.index_cast %swap3A_943 : i32 to index
        %swap3A_947 = arith.index_cast %swap3A_944 : i32 to index
        %swap3A_948 = arith.index_cast %mul3A_847 : i32 to index
        %swap3A_949 = tpu.vector_load %arg5[%swap3A_945, %swap3A_946, %swap3A_947, %swap3A_948] {strides = array<i32>} : memref<4x2x4x2048xf32, #tpu.memory_space<vmem>>, vector<1x1x1x16xf32>,
        %swap3A_950 = vector.shape_cast %swap3A_949 : vector<1x1x1x16xf32> to vector<16xf32>
        %swap3A_951 = vector.shape_cast %select_n3A_941 : vector<16xf32> to vector<1x1x1x16xf32>
        tpu.vector_store %arg5[%swap3A_945, %swap3A_946, %swap3A_947, %swap3A_948], %swap3A_951 {strides = array<i32>} : memref<4x2x4x2048xf32, #tpu.memory_space<vmem>>, vector<1x1x1x16xf32>,
        %eq3A_952 = arith.constant 1 : i32
        %eq3A_953 = vector.broadcast %eq3A_952 : i32 to vector<16xi32>
        %eq3A_954 = arith.cmpi eq, %get3A_933, %eq3A_953 : vector<16xi32>
        %jit3A_955 = arith.constant 1.000000e+00 : f32
        %jit3A_956 = arith.constant 0.000000e+00 : f32
        %broadcast_in_dim3A_957 = vector.broadcast %jit3A_955 : f32 to vector<16xf32>
        %broadcast_in_dim3A_958 = vector.broadcast %jit3A_956 : f32 to vector<16xf32>
        %select_n3A_959 = arith.select %eq3A_954, %broadcast_in_dim3A_957, %broadcast_in_dim3A_958 : vector<16xi1>, vector<16xf32>
        %swap3A_960 = arith.constant 3 : i32
        %swap3A_961 = arith.constant 1 : i32
        %swap3A_962 = arith.constant 1 : i32
        %swap3A_963 = arith.index_cast %swap3A_960 : i32 to index
        %swap3A_964 = arith.index_cast %swap3A_961 : i32 to index
        %swap3A_965 = arith.index_cast %swap3A_962 : i32 to index
        %swap3A_966 = arith.index_cast %mul3A_847 : i32 to index
        %swap3A_967 = tpu.vector_load %arg5[%swap3A_963, %swap3A_964, %swap3A_965, %swap3A_966] {strides = array<i32>} : memref<4x2x4x2048xf32, #tpu.memory_space<vmem>>, vector<1x1x1x16xf32>,
        %swap3A_968 = vector.shape_cast %swap3A_967 : vector<1x1x1x16xf32> to vector<16xf32>
        %swap3A_969 = vector.shape_cast %select_n3A_959 : vector<16xf32> to vector<1x1x1x16xf32>
        tpu.vector_store %arg5[%swap3A_963, %swap3A_964, %swap3A_965, %swap3A_966], %swap3A_969 {strides = array<i32>} : memref<4x2x4x2048xf32, #tpu.memory_space<vmem>>, vector<1x1x1x16xf32>,
        %eq3A_970 = arith.constant 2 : i32
        %eq3A_971 = vector.broadcast %eq3A_970 : i32 to vector<16xi32>
        %eq3A_972 = arith.cmpi eq, %get3A_933, %eq3A_971 : vector<16xi32>
        %jit3A_973 = arith.constant 1.000000e+00 : f32
        %jit3A_974 = arith.constant 0.000000e+00 : f32
        %broadcast_in_dim3A_975 = vector.broadcast %jit3A_973 : f32 to vector<16xf32>
        %broadcast_in_dim3A_976 = vector.broadcast %jit3A_974 : f32 to vector<16xf32>
        %select_n3A_977 = arith.select %eq3A_972, %broadcast_in_dim3A_975, %broadcast_in_dim3A_976 : vector<16xi1>, vector<16xf32>
        %swap3A_978 = arith.constant 3 : i32
        %swap3A_979 = arith.constant 1 : i32
        %swap3A_980 = arith.constant 2 : i32
        %swap3A_981 = arith.index_cast %swap3A_978 : i32 to index
        %swap3A_982 = arith.index_cast %swap3A_979 : i32 to index
        %swap3A_983 = arith.index_cast %swap3A_980 : i32 to index
        %swap3A_984 = arith.index_cast %mul3A_847 : i32 to index
        %swap3A_985 = tpu.vector_load %arg5[%swap3A_981, %swap3A_982, %swap3A_983, %swap3A_984] {strides = array<i32>} : memref<4x2x4x2048xf32, #tpu.memory_space<vmem>>, vector<1x1x1x16xf32>,
        %swap3A_986 = vector.shape_cast %swap3A_985 : vector<1x1x1x16xf32> to vector<16xf32>
        %swap3A_987 = vector.shape_cast %select_n3A_977 : vector<16xf32> to vector<1x1x1x16xf32>
        tpu.vector_store %arg5[%swap3A_981, %swap3A_982, %swap3A_983, %swap3A_984], %swap3A_987 {strides = array<i32>} : memref<4x2x4x2048xf32, #tpu.memory_space<vmem>>, vector<1x1x1x16xf32>,
        %eq3A_988 = arith.constant 3 : i32
        %eq3A_989 = vector.broadcast %eq3A_988 : i32 to vector<16xi32>
        %eq3A_990 = arith.cmpi eq, %get3A_933, %eq3A_989 : vector<16xi32>
        %jit3A_991 = arith.constant 1.000000e+00 : f32
        %jit3A_992 = arith.constant 0.000000e+00 : f32
        %broadcast_in_dim3A_993 = vector.broadcast %jit3A_991 : f32 to vector<16xf32>
        %broadcast_in_dim3A_994 = vector.broadcast %jit3A_992 : f32 to vector<16xf32>
        %select_n3A_995 = arith.select %eq3A_990, %broadcast_in_dim3A_993, %broadcast_in_dim3A_994 : vector<16xi1>, vector<16xf32>
        %swap3A_996 = arith.constant 3 : i32
        %swap3A_997 = arith.constant 1 : i32
        %swap3A_998 = arith.constant 3 : i32
        %swap3A_999 = arith.index_cast %swap3A_996 : i32 to index
        %swap3A_1000 = arith.index_cast %swap3A_997 : i32 to index
        %swap3A_1001 = arith.index_cast %swap3A_998 : i32 to index
        %swap3A_1002 = arith.index_cast %mul3A_847 : i32 to index
        %swap3A_1003 = tpu.vector_load %arg5[%swap3A_999, %swap3A_1000, %swap3A_1001, %swap3A_1002] {strides = array<i32>} : memref<4x2x4x2048xf32, #tpu.memory_space<vmem>>, vector<1x1x1x16xf32>,
        %swap3A_1004 = vector.shape_cast %swap3A_1003 : vector<1x1x1x16xf32> to vector<16xf32>
        %swap3A_1005 = vector.shape_cast %select_n3A_995 : vector<16xf32> to vector<1x1x1x16xf32>
        tpu.vector_store %arg5[%swap3A_999, %swap3A_1000, %swap3A_1001, %swap3A_1002], %swap3A_1005 {strides = array<i32>} : memref<4x2x4x2048xf32, #tpu.memory_space<vmem>>, vector<1x1x1x16xf32>,
      }
      %scan3A_337 = arith.constant 128 : i32
      %mul3A_338 = arith.constant 2 : i32
      %mul3A_339 = arith.muli %add3A_310, %mul3A_338 : i32
      %add3A_340 = arith.addi %mul3A_2, %mul3A_339 : i32
      %dma_start3A_341 = arith.constant 3 : i32
      %dma_start3A_342 = arith.constant 0 : i32
      %dma_start3A_343 = arith.constant 0 : i32
      %dma_start3A_344 = arith.constant 0 : i32
      %dma_start3A_345 = tpu.memref_slice %arg5[%dma_start3A_341, %dma_start3A_342, %dma_start3A_343, %dma_start3A_344] : memref<4x2x4x2048xf32, #tpu.memory_space<vmem>> -> memref<1x2x4x2048xf32, #tpu.memory_space<vmem>>
      %dma_start3A_346 = tpu.memref_squeeze %dma_start3A_345 : memref<1x2x4x2048xf32, #tpu.memory_space<vmem>> -> memref<2x4x2048xf32, #tpu.memory_space<vmem>>
      %dma_start3A_347 = arith.constant 0 : i32
      %dma_start3A_348 = arith.constant 0 : i32
      %dma_start3A_349 = tpu.memref_slice %arg3[%add3A_340, %dma_start3A_347, %dma_start3A_348] : memref<4096x4x2048xf32, #tpu.memory_space<hbm>> -> memref<2x4x2048xf32, #tpu.memory_space<hbm>>
      %dma_start3A_350 = arith.constant 0 : i32
      %dma_start3A_351 = arith.constant 0 : i32
      %dma_start3A_352 = tpu.memref_slice %arg3[%add3A_340, %dma_start3A_350, %dma_start3A_351] : memref<4096x4x2048xf32, #tpu.memory_space<hbm>> -> memref<2x4x2048xf32, #tpu.memory_space<hbm>>
      %dma_start3A_353 = arith.constant 0 : i32
      %dma_start3A_354 = arith.constant 0 : i32
      %dma_start3A_355 = arith.constant 0 : i32
      %dma_start3A_356 = tpu.memref_slice %arg5[%dma_start3A_341, %dma_start3A_353, %dma_start3A_354, %dma_start3A_355] : memref<4x2x4x2048xf32, #tpu.memory_space<vmem>> -> memref<1x2x4x2048xf32, #tpu.memory_space<vmem>>
      %dma_start3A_357 = tpu.memref_squeeze %dma_start3A_356 : memref<1x2x4x2048xf32, #tpu.memory_space<vmem>> -> memref<2x4x2048xf32, #tpu.memory_space<vmem>>
      tpu.enqueue_dma source(%dma_start3A_357 : memref<2x4x2048xf32, #tpu.memory_space<vmem>>) target(%dma_start3A_352 : memref<2x4x2048xf32, #tpu.memory_space<hbm>>) target_semaphore(%arg13 : memref<!tpu.dma_semaphore, #tpu.memory_space<semaphore_mem>>)
      %add3A_358 = arith.constant 4 : i32
      %add3A_359 = arith.addi %add3A_310, %add3A_358 : i32
      %lt3A_360 = arith.constant 64 : i32
      %lt3A_361 = arith.cmpi slt, %add3A_359, %lt3A_360 : i32
      %convert_element_type3A_362 = arith.extui %lt3A_361 : i1 to i32
      %cond3A_363 = arith.constant 0 : i32
      %cond3A_364 = arith.cmpi ne, %convert_element_type3A_362, %cond3A_363 : i32
      scf.if %cond3A_364 {
        %add3A_365 = arith.constant 4 : i32
        %add3A_366 = arith.addi %add3A_310, %add3A_365 : i32
        %mul3A_367 = arith.constant 2 : i32
        %mul3A_368 = arith.muli %add3A_366, %mul3A_367 : i32
        %add3A_369 = arith.addi %mul3A_2, %mul3A_368 : i32
        %dma_start3A_370 = arith.constant 3 : i32
        %dma_start3A_371 = arith.constant 0 : i32
        %dma_start3A_372 = arith.constant 0 : i32
        %dma_start3A_373 = tpu.memref_slice %arg4[%dma_start3A_370, %dma_start3A_371, %dma_start3A_372] : memref<4x2x2048xi32, #tpu.memory_space<vmem>> -> memref<1x2x2048xi32, #tpu.memory_space<vmem>>
        %dma_start3A_374 = tpu.memref_squeeze %dma_start3A_373 : memref<1x2x2048xi32, #tpu.memory_space<vmem>> -> memref<2x2048xi32, #tpu.memory_space<vmem>>
        %dma_start3A_375 = arith.constant 0 : i32
        %dma_start3A_376 = tpu.memref_slice %arg2[%add3A_369, %dma_start3A_375] : memref<4096x2048xi32, #tpu.memory_space<hbm>> -> memref<2x2048xi32, #tpu.memory_space<hbm>>
        %dma_start3A_377 = arith.constant 0 : i32
        %dma_start3A_378 = arith.constant 0 : i32
        %dma_start3A_379 = tpu.memref_slice %arg4[%dma_start3A_370, %dma_start3A_377, %dma_start3A_378] : memref<4x2x2048xi32, #tpu.memory_space<vmem>> -> memref<1x2x2048xi32, #tpu.memory_space<vmem>>
        %dma_start3A_380 = tpu.memref_squeeze %dma_start3A_379 : memref<1x2x2048xi32, #tpu.memory_space<vmem>> -> memref<2x2048xi32, #tpu.memory_space<vmem>>
        %dma_start3A_381 = arith.constant 0 : i32
        %dma_start3A_382 = tpu.memref_slice %arg2[%add3A_369, %dma_start3A_381] : memref<4096x2048xi32, #tpu.memory_space<hbm>> -> memref<2x2048xi32, #tpu.memory_space<hbm>>
        tpu.enqueue_dma source(%dma_start3A_382 : memref<2x2048xi32, #tpu.memory_space<hbm>>) target(%dma_start3A_380 : memref<2x2048xi32, #tpu.memory_space<vmem>>) target_semaphore(%arg9 : memref<!tpu.dma_semaphore, #tpu.memory_space<semaphore_mem>>)
      } else {
      }
    }
    %scan3A_66 = arith.constant 16 : i32
    %add3A_67 = arith.constant 120 : i32
    %add3A_68 = arith.addi %mul3A_2, %add3A_67 : i32
    %dma_wait3A = arith.constant 0 : i32
    %dma_wait3A_69 = arith.constant 0 : i32
    %dma_wait3A_70 = arith.constant 0 : i32
    %dma_wait3A_71 = arith.constant 0 : i32
    %dma_wait3A_72 = tpu.memref_slice %arg5[%dma_wait3A, %dma_wait3A_69, %dma_wait3A_70, %dma_wait3A_71] : memref<4x2x4x2048xf32, #tpu.memory_space<vmem>> -> memref<1x2x4x2048xf32, #tpu.memory_space<vmem>>
    %dma_wait3A_73 = tpu.memref_squeeze %dma_wait3A_72 : memref<1x2x4x2048xf32, #tpu.memory_space<vmem>> -> memref<2x4x2048xf32, #tpu.memory_space<vmem>>
    %dma_wait3A_74 = arith.constant 0 : i32
    %dma_wait3A_75 = arith.constant 0 : i32
    %dma_wait3A_76 = tpu.memref_slice %arg3[%add3A_68, %dma_wait3A_74, %dma_wait3A_75] : memref<4096x4x2048xf32, #tpu.memory_space<hbm>> -> memref<2x4x2048xf32, #tpu.memory_space<hbm>>
    %dma_wait3A_77 = arith.constant 0 : i32
    %dma_wait3A_78 = arith.constant 0 : i32
    %dma_wait3A_79 = tpu.memref_slice %arg3[%add3A_68, %dma_wait3A_77, %dma_wait3A_78] : memref<4096x4x2048xf32, #tpu.memory_space<hbm>> -> memref<2x4x2048xf32, #tpu.memory_space<hbm>>
    %dma_wait3A_80 = arith.constant 0 : i32
    %dma_wait3A_81 = arith.constant 0 : i32
    %dma_wait3A_82 = arith.constant 0 : i32
    %dma_wait3A_83 = tpu.memref_slice %arg5[%dma_wait3A, %dma_wait3A_80, %dma_wait3A_81, %dma_wait3A_82] : memref<4x2x4x2048xf32, #tpu.memory_space<vmem>> -> memref<1x2x4x2048xf32, #tpu.memory_space<vmem>>
    %dma_wait3A_84 = tpu.memref_squeeze %dma_wait3A_83 : memref<1x2x4x2048xf32, #tpu.memory_space<vmem>> -> memref<2x4x2048xf32, #tpu.memory_space<vmem>>
    tpu.wait_dma2 semaphore(%arg10 : memref<!tpu.dma_semaphore, #tpu.memory_space<semaphore_mem>>) src(%dma_wait3A_84 : memref<2x4x2048xf32, #tpu.memory_space<vmem>>) dst(%dma_wait3A_79 : memref<2x4x2048xf32, #tpu.memory_space<hbm>>)
    %add3A_85 = arith.constant 122 : i32
    %add3A_86 = arith.addi %mul3A_2, %add3A_85 : i32
    %dma_wait3A_87 = arith.constant 1 : i32
    %dma_wait3A_88 = arith.constant 0 : i32
    %dma_wait3A_89 = arith.constant 0 : i32
    %dma_wait3A_90 = arith.constant 0 : i32
    %dma_wait3A_91 = tpu.memref_slice %arg5[%dma_wait3A_87, %dma_wait3A_88, %dma_wait3A_89, %dma_wait3A_90] : memref<4x2x4x2048xf32, #tpu.memory_space<vmem>> -> memref<1x2x4x2048xf32, #tpu.memory_space<vmem>>
    %dma_wait3A_92 = tpu.memref_squeeze %dma_wait3A_91 : memref<1x2x4x2048xf32, #tpu.memory_space<vmem>> -> memref<2x4x2048xf32, #tpu.memory_space<vmem>>
    %dma_wait3A_93 = arith.constant 0 : i32
    %dma_wait3A_94 = arith.constant 0 : i32
    %dma_wait3A_95 = tpu.memref_slice %arg3[%add3A_86, %dma_wait3A_93, %dma_wait3A_94] : memref<4096x4x2048xf32, #tpu.memory_space<hbm>> -> memref<2x4x2048xf32, #tpu.memory_space<hbm>>
    %dma_wait3A_96 = arith.constant 0 : i32
    %dma_wait3A_97 = arith.constant 0 : i32
    %dma_wait3A_98 = tpu.memref_slice %arg3[%add3A_86, %dma_wait3A_96, %dma_wait3A_97] : memref<4096x4x2048xf32, #tpu.memory_space<hbm>> -> memref<2x4x2048xf32, #tpu.memory_space<hbm>>
    %dma_wait3A_99 = arith.constant 0 : i32
    %dma_wait3A_100 = arith.constant 0 : i32
    %dma_wait3A_101 = arith.constant 0 : i32
    %dma_wait3A_102 = tpu.memref_slice %arg5[%dma_wait3A_87, %dma_wait3A_99, %dma_wait3A_100, %dma_wait3A_101] : memref<4x2x4x2048xf32, #tpu.memory_space<vmem>> -> memref<1x2x4x2048xf32, #tpu.memory_space<vmem>>
    %dma_wait3A_103 = tpu.memref_squeeze %dma_wait3A_102 : memref<1x2x4x2048xf32, #tpu.memory_space<vmem>> -> memref<2x4x2048xf32, #tpu.memory_space<vmem>>
    tpu.wait_dma2 semaphore(%arg11 : memref<!tpu.dma_semaphore, #tpu.memory_space<semaphore_mem>>) src(%dma_wait3A_103 : memref<2x4x2048xf32, #tpu.memory_space<vmem>>) dst(%dma_wait3A_98 : memref<2x4x2048xf32, #tpu.memory_space<hbm>>)
    %add3A_104 = arith.constant 124 : i32
    %add3A_105 = arith.addi %mul3A_2, %add3A_104 : i32
    %dma_wait3A_106 = arith.constant 2 : i32
    %dma_wait3A_107 = arith.constant 0 : i32
    %dma_wait3A_108 = arith.constant 0 : i32
    %dma_wait3A_109 = arith.constant 0 : i32
    %dma_wait3A_110 = tpu.memref_slice %arg5[%dma_wait3A_106, %dma_wait3A_107, %dma_wait3A_108, %dma_wait3A_109] : memref<4x2x4x2048xf32, #tpu.memory_space<vmem>> -> memref<1x2x4x2048xf32, #tpu.memory_space<vmem>>
    %dma_wait3A_111 = tpu.memref_squeeze %dma_wait3A_110 : memref<1x2x4x2048xf32, #tpu.memory_space<vmem>> -> memref<2x4x2048xf32, #tpu.memory_space<vmem>>
    %dma_wait3A_112 = arith.constant 0 : i32
    %dma_wait3A_113 = arith.constant 0 : i32
    %dma_wait3A_114 = tpu.memref_slice %arg3[%add3A_105, %dma_wait3A_112, %dma_wait3A_113] : memref<4096x4x2048xf32, #tpu.memory_space<hbm>> -> memref<2x4x2048xf32, #tpu.memory_space<hbm>>
    %dma_wait3A_115 = arith.constant 0 : i32
    %dma_wait3A_116 = arith.constant 0 : i32
    %dma_wait3A_117 = tpu.memref_slice %arg3[%add3A_105, %dma_wait3A_115, %dma_wait3A_116] : memref<4096x4x2048xf32, #tpu.memory_space<hbm>> -> memref<2x4x2048xf32, #tpu.memory_space<hbm>>
    %dma_wait3A_118 = arith.constant 0 : i32
    %dma_wait3A_119 = arith.constant 0 : i32
    %dma_wait3A_120 = arith.constant 0 : i32
    %dma_wait3A_121 = tpu.memref_slice %arg5[%dma_wait3A_106, %dma_wait3A_118, %dma_wait3A_119, %dma_wait3A_120] : memref<4x2x4x2048xf32, #tpu.memory_space<vmem>> -> memref<1x2x4x2048xf32, #tpu.memory_space<vmem>>
    %dma_wait3A_122 = tpu.memref_squeeze %dma_wait3A_121 : memref<1x2x4x2048xf32, #tpu.memory_space<vmem>> -> memref<2x4x2048xf32, #tpu.memory_space<vmem>>
    tpu.wait_dma2 semaphore(%arg12 : memref<!tpu.dma_semaphore, #tpu.memory_space<semaphore_mem>>) src(%dma_wait3A_122 : memref<2x4x2048xf32, #tpu.memory_space<vmem>>) dst(%dma_wait3A_117 : memref<2x4x2048xf32, #tpu.memory_space<hbm>>)
    %add3A_123 = arith.constant 126 : i32
    %add3A_124 = arith.addi %mul3A_2, %add3A_123 : i32
    %dma_wait3A_125 = arith.constant 3 : i32
    %dma_wait3A_126 = arith.constant 0 : i32
    %dma_wait3A_127 = arith.constant 0 : i32
    %dma_wait3A_128 = arith.constant 0 : i32
    %dma_wait3A_129 = tpu.memref_slice %arg5[%dma_wait3A_125, %dma_wait3A_126, %dma_wait3A_127, %dma_wait3A_128] : memref<4x2x4x2048xf32, #tpu.memory_space<vmem>> -> memref<1x2x4x2048xf32, #tpu.memory_space<vmem>>
    %dma_wait3A_130 = tpu.memref_squeeze %dma_wait3A_129 : memref<1x2x4x2048xf32, #tpu.memory_space<vmem>> -> memref<2x4x2048xf32, #tpu.memory_space<vmem>>
    %dma_wait3A_131 = arith.constant 0 : i32
    %dma_wait3A_132 = arith.constant 0 : i32
    %dma_wait3A_133 = tpu.memref_slice %arg3[%add3A_124, %dma_wait3A_131, %dma_wait3A_132] : memref<4096x4x2048xf32, #tpu.memory_space<hbm>> -> memref<2x4x2048xf32, #tpu.memory_space<hbm>>
    %dma_wait3A_134 = arith.constant 0 : i32
    %dma_wait3A_135 = arith.constant 0 : i32
    %dma_wait3A_136 = tpu.memref_slice %arg3[%add3A_124, %dma_wait3A_134, %dma_wait3A_135] : memref<4096x4x2048xf32, #tpu.memory_space<hbm>> -> memref<2x4x2048xf32, #tpu.memory_space<hbm>>
    %dma_wait3A_137 = arith.constant 0 : i32
    %dma_wait3A_138 = arith.constant 0 : i32
    %dma_wait3A_139 = arith.constant 0 : i32
    %dma_wait3A_140 = tpu.memref_slice %arg5[%dma_wait3A_125, %dma_wait3A_137, %dma_wait3A_138, %dma_wait3A_139] : memref<4x2x4x2048xf32, #tpu.memory_space<vmem>> -> memref<1x2x4x2048xf32, #tpu.memory_space<vmem>>
    %dma_wait3A_141 = tpu.memref_squeeze %dma_wait3A_140 : memref<1x2x4x2048xf32, #tpu.memory_space<vmem>> -> memref<2x4x2048xf32, #tpu.memory_space<vmem>>
    tpu.wait_dma2 semaphore(%arg13 : memref<!tpu.dma_semaphore, #tpu.memory_space<semaphore_mem>>) src(%dma_wait3A_141 : memref<2x4x2048xf32, #tpu.memory_space<vmem>>) dst(%dma_wait3A_136 : memref<2x4x2048xf32, #tpu.memory_space<hbm>>)
    return
  }
}

</mosaic_0001>

<sc_bundles>
// kernel: kernel.3.cloned.1.call-start
scs
__scs_entry_jumppad:
0x0: {  	(pc) =	sbr.rel $0x88, $3  }
0x1: {  	(tag) =	ssettag $0x0;
	lr =	simm.s32 $0x1  }
0x2: {  	[smem:$0x3FA0] =	sst lr;
	_ =	strace $0xD0000000  }
0x3: {  	_ = 	snop  }
0x4: {  	_ = 	snop  }
0x5: {  	_ = 	snop  }
0x6: {  	_ = 	snop  }
0x7: {  	_ = 	snop  }
__scs_overlays_trampoline_lowered:
0x8: {  	[smem:$0x3FAF] =	sst s0  }
0x9: {  	[smem:$0x3FB0] =	sst s1  }
0xa: {  	[smem:$0x3FB1] =	sst s2  }
0xb: {  	[smem:$0x3FB2] =	sst s3  }
0xc: {  	[smem:$0x3FB3] =	sst s4  }
0xd: {  	[smem:$0x3FB4] =	sst s5  }
0xe: {  	[smem:$0x3FB5] =	sst s6  }
0xf: {  	[smem:$0x3FB6] =	sst s7  }
0x10: {  	[smem:$0x3FB7] =	sst s8  }
0x11: {  	[smem:$0x3FB8] =	sst s9;
	s0 =	simm.s32 @!p0 $0x0  }
0x12: {  	s1 =	sld [smem:$0x3F9E];
	s0 =	simm.s32 @p0 $0x1  }
0x13: {  	[smem:$0x3FB9] =	sst s0;
	s0 =	simm.s32 @!p1 $0x0  }
0x14: {  	s2 =	sld [smem:$0x3F9D];
	s0 =	simm.s32 @p1 $0x1  }
0x15: {  	[smem:$0x3FBA] =	sst s0;
	s0 =	simm.s32 @!p2 $0x0  }
0x16: {  	s3 =	sld [smem:$0x3FDB];
	s0 =	simm.s32 @p2 $0x1  }
0x17: {  	s4 =	simm.s32 $0x1BF5;
	[smem:$0x3FBC] =	sst s0  }
0x18: {  	s0 =	sld [smem:$0x3F9F];
	_ =	swait.ge [sflag:s4], $0x0  }
0x19: {  	s7 =	sld [smem:$0x3FA0]  }
0x1a: {  	s8 =	sadd.s32 $0xFFFFE003, lr  }
0x1b: {  	s9 =	sadd.s32 $0xFFFFFEF7, lr;
	s5 =	simm.s32 $0xFFFFFFFF;
	p2 =	slt.u32 s8, $0xFFFFF086  }
0x1c: {  	p1 =	slt.u32 s9, $0xF7A;
	s5 =	simm.s32 @!p2 $0x0  }
0x1d: {  	s5 =	simm.s32 @p1 $0x1;
	p0 =	seq.s32 s7, s2  }
0x1e: {  	s7 =	smul.u32 @!p0 $0xF7A, s2;
	p2 =	seq.s32 @!p0 s5, $0x0  }
0x1f: {  	s9 =	smul.u32 $0xF7A, s1;
	s8 =	simm.s32 @!p0 $0x1BF5;
	p2 =	por !p2, p0  }
0x20: {  	[sflag:s8] =	ssyncset.s32 @!p0 $0xFFFFF086;
	s6 =	sadd.s32 @!p0 s3, s7;
	s7 =	simm.s32 @!p0 $0x108  }
0x21: {  	s3 =	sadd.s32 s3, s9;
	s6 =	sadd.s32 @!p0 $0x88, s6;
	s7 =	simm.s32 @p2 $0x1082  }
0x22: {  	[simem:s7], [sflag:s8] =	dma.local @!p0 [hbm:s6], $0xF7A  }
0x23: {  	s9 =	sor.u32 $0xD0000000, s2;
	s6 =	simm.s32 $0x108;
	_ =	swait.ge @!p0 [sflag:s8], $0x0  }
0x24: {  	s3 =	sadd.s32 $0x88, s3;
	s6 =	simm.s32 @!p1 $0x1082;
	[sflag:s4] =	ssyncset.s32 $0xFFFFF086  }
0x25: {  	[simem:s6], [sflag:s4] =	dma.local [hbm:s3], $0xF7A  }
0x26: {  	[smem:$0x3FA0] =	sst s1;
	(tag) =	ssettag s2;
	_ =	strace s9  }
0x27: {  	s1 =	sld [smem:$0x3FB0]  }
0x28: {  	s2 =	sld [smem:$0x3FB1]  }
0x29: {  	s4 =	sld [smem:$0x3FB3]  }
0x2a: {  	p0 =	seq.s32 s5, $0x0;
	s5 =	sld [smem:$0x3FB4]  }
0x2b: {  	s6 =	sld [smem:$0x3FB5]  }
0x2c: {  	s7 =	sld [smem:$0x3FB6]  }
0x2d: {  	s3 =	simm.s32 $0x108;
	s8 =	sld [smem:$0x3FB7]  }
0x2e: {  	s3 =	simm.s32 @!p0 $0x1082;
	s9 =	sld [smem:$0x3FB8]  }
0x2f: {  	lr =	sadd.s32 s0, s3;
	s0 =	sld [smem:$0x3FAF]  }
0x30: {  	s3 =	sld [smem:$0x3FB2]  }
0x31: {  	[smem:$0x3FBB] =	sst s10  }
0x32: {  	s10 =	sld [smem:$0x3FB9];
	_ =	sdelay $0x3  }
0x33: {  	p0 =	seq.s32 s10, $0x1;
	s10 =	sld [smem:$0x3FBB];
	_ =	sdelay $0x3  }
0x34: {  	[smem:$0x3FBB] =	sst s10  }
0x35: {  	s10 =	sld [smem:$0x3FBA];
	_ =	sdelay $0x3  }
0x36: {  	p1 =	seq.s32 s10, $0x1;
	s10 =	sld [smem:$0x3FBB];
	_ =	sdelay $0x3  }
0x37: {  	[smem:$0x3FBB] =	sst s10  }
0x38: {  	s10 =	sld [smem:$0x3FBC]  }
0x39: {  	_ = 	snop;
	(pc) =	sbr.ind lr, $3  }
0x3a: {  	_ = 	snop  }
0x3b: {  	_ = 	snop  }
0x3c: {  	p2 =	seq.s32 s10, $0x1;
	s10 =	sld [smem:$0x3FBB]  }
0x3d: {  	_ =	shalt  }
0x3e: {  	_ =	shalt  }
0x3f: {  	_ =	shalt  }
0x40: {  	_ =	shalt  }
0x41: {  	_ =	shalt  }
0x42: {  	_ =	shalt  }
0x43: {  	_ =	shalt  }
0x44: {  	_ =	shalt  }
0x45: {  	_ =	shalt  }
0x46: {  	_ =	shalt  }
0x47: {  	_ =	shalt  }
0x48: {  	_ =	shalt  }
0x49: {  	_ =	shalt  }
0x4a: {  	_ =	shalt  }
0x4b: {  	_ =	shalt  }
0x4c: {  	_ =	shalt  }
0x4d: {  	_ =	shalt  }
0x4e: {  	_ =	shalt  }
0x4f: {  	_ =	shalt  }
0x50: {  	_ =	shalt  }
0x51: {  	_ =	shalt  }
0x52: {  	_ =	shalt  }
0x53: {  	_ =	shalt  }
0x54: {  	_ =	shalt  }
0x55: {  	_ =	shalt  }
0x56: {  	_ =	shalt  }
0x57: {  	_ =	shalt  }
0x58: {  	_ =	shalt  }
0x59: {  	_ =	shalt  }
0x5a: {  	_ =	shalt  }
0x5b: {  	_ =	shalt  }
0x5c: {  	_ =	shalt  }
0x5d: {  	_ =	shalt  }
0x5e: {  	_ =	shalt  }
0x5f: {  	_ =	shalt  }
0x60: {  	_ =	shalt  }
0x61: {  	_ =	shalt  }
0x62: {  	_ =	shalt  }
0x63: {  	_ =	shalt  }
0x64: {  	_ =	shalt  }
0x65: {  	_ =	shalt  }
0x66: {  	_ =	shalt  }
0x67: {  	_ =	shalt  }
0x68: {  	_ =	shalt  }
0x69: {  	_ =	shalt  }
0x6a: {  	_ =	shalt  }
0x6b: {  	_ =	shalt  }
0x6c: {  	_ =	shalt  }
0x6d: {  	_ =	shalt  }
0x6e: {  	_ =	shalt  }
0x6f: {  	_ =	shalt  }
0x70: {  	_ =	shalt  }
0x71: {  	_ =	shalt  }
0x72: {  	_ =	shalt  }
0x73: {  	_ =	shalt  }
0x74: {  	_ =	shalt  }
0x75: {  	_ =	shalt  }
0x76: {  	_ =	shalt  }
0x77: {  	_ =	shalt  }
0x78: {  	_ =	shalt  }
0x79: {  	_ =	shalt  }
0x7a: {  	_ =	shalt  }
0x7b: {  	_ =	shalt  }
0x7c: {  	_ =	shalt  }
0x7d: {  	_ =	shalt  }
0x7e: {  	_ =	shalt  }
0x7f: {  	_ =	shalt  }
0x80: {  	_ =	shalt  }
0x81: {  	_ =	shalt  }
0x82: {  	_ =	shalt  }
0x83: {  	_ =	shalt  }
0x84: {  	_ =	shalt  }
0x85: {  	_ =	shalt  }
0x86: {  	_ =	shalt  }
0x87: {  	_ =	shalt  }
.Lfunc_end0:
.L_simem_size_0:
called_computation_lowered:
.L_overlay_start_0:
0x88: {  	s2 =	sld [smem:$0x3FD9]  }
0x89: {  	s3 =	sld [smem:$0x3FFE];
	_ =	sdelay $0x1  }
0x8a: {  	s1 =	srdreg.scid  }
0x8b: {  	s0 =	sand.u32 $0x1, s1  }
0x8c: {  	s18 =	sshll.u32 s0, $0xA;
	s2 =	sadd.s32 s3, s2  }
0x8d: {  	s2 =	sadd.s32 s2, s18  }
0x8e: {  	[smem:$0x3FC7] =	sst s2  }
0x8f: {  	_ = 	snop  }
0x90: {  	s2 =	sld [smem:$0x3FC9]  }
0x91: {  	s19 =	sld [smem:$0x3FD0];
	(tm) =	ssettm $0x1  }
0x92: {  	s4 =	sld [smem:$0x3FFB];
	_ =	sdelay $0x3  }
0x93: {  	_ =	strace s4  }
0x94: {  	s4 =	sld [smem:$0x3FFC];
	_ =	sdelay $0x3  }
0x95: {  	_ =	strace s4  }
0x96: {  	s4 =	sld [smem:$0x3FFD];
	_ =	sdelay $0x3  }
0x97: {  	_ =	strace s4  }
0x98: {  	_ =	strace $0x8FFFFFFF  }
0x99: {  	s20 =	sld [smem:$0x3FDB];
	_ =	sdelay $0x1  }
0x9a: {  	s5 =	simm.s32 $_scs_section_size  }
0x9b: {  	s6 =	simm.s32 $_size__tile_overlayer_lowered;
	s7 =	simm.s32 $_tile_overlayer_lowered  }
0x9c: {  	s23 =	simm.s32 $0x1BFF;
	s22 =	sshll.u32 s7, $0x1;
	s4 =	sadd.s32 s5, s20  }
0x9d: {  	s8 =	simm.s32 $0x0;
	s21 =	sshll.u32 s6, $0x1;
	s6 =	sadd.s32 s22, s4  }
0x9e: {  	[timem:s8], [sflag:s23] =	dma.local [hbm:s6], s21  }
0x9f: {  	_ =	swait.ge [sflag:s23], s21  }
0xa0: {  	s5 =	ssub.s32 $0x0, s21;
	[sflag:s23] =	ssyncset.done $0x0  }
0xa1: {  	[sflag:s23] =	ssyncadd.s32 s5;
	_ =	sdelay $0x1  }
0xa2: {  	s24 =	simm.s32 $0x1B8B  }
0xa3: {  	_ =	swait.ge [sflag:s24], $0x1  }
0xa4: {  	[sflag:s24] =	ssyncset.done $0x0  }
0xa5: {  	s25 =	simm.s32 $0x1B8E;
	[sflag:s24] =	ssyncadd.s32 $0xFFFFFFFF  }
0xa6: {  	s26 =	simm.s32 $execute0_lowered;
	[smem:$0x3FD2] =	sst s25  }
0xa7: {  	s5 =	sshll.u32 s26, $0x1;
	_ =	strace $0x80000046;
	[dreg:$0x1] =	wrdreg $0xFFFFFFFF  }
0xa8: {  	s28 =	simm.s32 $_size_execute0_lowered;
	s4 =	sadd.s32 s4, s5;
	[dreg:$0x0] =	wrdreg $0x0  }
0xa9: {  	s5 =	sshll.u32 s28, $0x1;
	[dreg:$0x2] =	wrdreg s4  }
0xaa: {  	[dreg:$0x3] =	wrdreg s5  }
0xab: {  	[dreg:$0x4] =	wrdreg $0xC0  }
0xac: {  	_ =	task [dreg:s8], $0x5FFFF  }
0xad: {  	[dreg:$0x1] =	wrdreg $0xFFFFFFFF  }
0xae: {  	[dreg:$0x0] =	wrdreg $0x60  }
0xaf: {  	[dreg:$0x2] =	wrdreg s2  }
0xb0: {  	[dreg:$0x3] =	wrdreg s19  }
0xb1: {  	[dreg:$0x4] =	wrdreg $0x9  }
0xb2: {  	_ =	task.clear_ibuf [dreg:s8], $0x5FFFF;
	_ =	strace $0x90000046  }
0xb3: {  	s29 =	simm.s32 $0x9;
	_ =	strace $0x80000048  }
0xb4: {  	_ =	swait.ge [sflag:s29], $0x1  }
0xb5: {  	[sflag:s29] =	ssyncadd.s32 $0xFFFFFFFF  }
0xb6: {  	_ =	strace $0x90000048  }
0xb7: {  	_ =	sfence  }
0xb8: {  	s30 =	sld [smem:$0x0];
	_ =	sdelay $0x2  }
0xb9: {  	s31 =	sshll.u32 s1, $0xD;
	s1 =	sshrl.u32 s1, $0x2  }
0xba: {  	s3 =	sand.u32 $0x4000, s31;
	s1 =	sadd.s32 s1, s30  }
0xbb: {  	s0 =	sor.u32 s3, s0;
	s1 =	sshll.u32 s1, $0x11  }
0xbc: {  	s0 =	sor.u32 s1, s0  }
0xbd: {  	s0 =	sadd.s32 $0x8F2B, s0  }
0xbe: {  	[sflag:s0] =	ssyncadd.remote.s32 $0x1  }
0xbf: {  	_ =	sfence.sel $0xFFFF  }
0xc0: {  	[dreg:$0x0] =	wrdreg $0xFFFFFFFF;
	(pc) =	sbr.abs _section_cstart, $3  }
0xc1: {  	[dreg:$0x1] =	wrdreg $0xFFFFFFFF  }
0xc2: {  	_ =	task.clear_ibuf [dreg:s8], $0x2FFFF;
	_ =	strace $0x9FFFFFFF  }
0xc3: {  	(tm) =	ssettm $0x7FFFFFFF  }
tec
execute0_lowered:
.L_overlay_start_1:
0x0: {  	(tag) =	ssettag $0x1  }
0x1: {  	s0 =	srdreg.scid  }
0x2: {  	s1 =	rddreg [dreg:$0x0];
	s2 =	stileid.u32  }
0x3: {  	s4 =	rddreg [dreg:$0x1];
	s22 =	simm.s32 $0x0;
	s0 =	sand.u32 $0x1, s0  }
0x4: {  	s2 =	sshll.u32 s2, $0x8;
	[smem:$0x7FF] =	sst s22;
	s30 =	sadd.s32 $0x1000, s4  }
0x5: {  	s3 =	sshll.u32 s0, $0x7;
	s0 =	ssub.s32 $0x2, s0;
	_ =	strace $0x80000047  }
0x6: {  	[smem:$0x7F9] =	sst s30;
	s5 =	sor.u32 s3, s2;
	s23 =	sshrl.u32 s0, $0x1  }
0x7: {  	s2 =	sshll.u32 s5, $0x8;
	[smem:$0x7F5] =	sst s5;
	s26 =	sshll.u32 s5, $0xA  }
0x8: {  	s0 =	ssub.s32 s0, s23;
	s1 =	sadd.s32 s1, s2;
	[smem:$0x7F6] =	sst s26  }
0x9: {  	s0 =	smax.u32 s0, $0x1;
	[smem:$0x7FB] =	sst s1  }
0xa: {  	s2 =	sadd.s32 $0x20, s1;
	[smem:$0x7FD] =	sst s0  }
0xb: {  	s24 =	sadd.s32 $0x40, s1;
	[smem:$0x7F2] =	sst s2  }
0xc: {  	s25 =	sadd.s32 $0x60, s1;
	[smem:$0x7F3] =	sst s24  }
.Ltmp0:
0xd: {  	s28 =	sadd.s32 $0x800, s1;
	[smem:$0x7F4] =	sst s25;
	(pc) =	sbr.rel .LBB2_1-.Ltmp0, $4  }
0xe: {  	s29 =	sadd.s32 $0x820, s1;
	[smem:$0x7F7] =	sst s28  }
0xf: {  	s31 =	sadd.s32 $0x840, s1;
	[smem:$0x7F8] =	sst s29  }
0x10: {  	s1 =	sadd.s32 $0x860, s1;
	[smem:$0x7FA] =	sst s31  }
0x11: {  	v0 =	vimm.f32 $0.0e+00;
	[smem:$0x7FC] =	sst s1;
	s2 =	simm.s32 $0x0  }
.LBB2_16:
0x12: {  	s0 =	simm.s32 $0x5  }
0x13: {  	_ =	swait.ge [sflag:s0], $0x4000  }
0x14: {  	[sflag:s0] =	ssyncset.done $0x0  }
0x15: {  	s29 =	simm.s32 $0x6;
	[sflag:s0] =	ssyncadd.s32 $0xFFFFC000  }
0x16: {  	_ =	swait.ge [sflag:s29], $0x4000  }
0x17: {  	[sflag:s29] =	ssyncset.done $0x0  }
0x18: {  	s30 =	simm.s32 $0x7;
	[sflag:s29] =	ssyncadd.s32 $0xFFFFC000  }
0x19: {  	_ =	swait.ge [sflag:s30], $0x4000  }
0x1a: {  	[sflag:s30] =	ssyncset.done $0x0  }
0x1b: {  	s1 =	simm.s32 $0x8;
	[sflag:s30] =	ssyncadd.s32 $0xFFFFC000  }
0x1c: {  	_ =	swait.ge [sflag:s1], $0x4000  }
0x1d: {  	s2 =	sld [smem:$0x7F1]  }
0x1e: {  	s31 =	sld [smem:$0x7FD];
	_ =	sdelay $0x1  }
0x1f: {  	s2 =	sadd.s32 $0x1, s2  }
0x20: {  	p0 =	sne.s32 s2, s31  }
.Ltmp1:
0x21: {  	_ = 	snop;
	(pc) =	sbr.rel @!p0 .LBB2_17-.Ltmp1, $3  }
0x22: {  	_ =	sdelay $0x1  }
0x23: {  	[sflag:s1] =	ssyncset.done $0x0  }
0x24: {  	[sflag:s1] =	ssyncadd.s32 $0xFFFFC000  }
.LBB2_1:
0x25: {  	s1 =	sld [smem:$0x7FB]  }
0x26: {  	s0 =	simm.s32 $0x0  }
0x27: {  	s24 =	simm.s32 $0x100;
	s3 =	simm.s32 $0x400;
	s25 =	sld [smem:$0x7F2]  }
0x28: {  	[tilespmem:s0], [sflag:$0x1] =	stream.strided.gather [hbm4b:s1+s24], $0x1000, s3, s24, $0x38;
	[tilespmem:$0x14000] =	vst v63  }
0x29: {  	s26 =	simm.s32 $0x1000;
	s28 =	sld [smem:$0x7F3]  }
0x2a: {  	[tilespmem:s26], [sflag:$0x2] =	stream.strided.gather [hbm4b:s25+s24], $0x1000, s3, s24, $0x38;
	[tilespmem:$0x14000] =	vst v63  }
0x2b: {  	s29 =	simm.s32 $0x2000;
	s30 =	sld [smem:$0x7F4]  }
0x2c: {  	[tilespmem:s29], [sflag:$0x3] =	stream.strided.gather [hbm4b:s28+s24], $0x1000, s3, s24, $0x38;
	[tilespmem:$0x14000] =	vst v63  }
0x2d: {  	[smem:$0x7F1] =	sst s2;
	s31 =	simm.s32 $0x3000;
	s25 =	simm.s32 $0x0  }
0x2e: {  	[tilespmem:s31], [sflag:$0x4] =	stream.strided.gather [hbm4b:s30+s24], $0x1000, s3, s24, $0x38;
	[tilespmem:$0x14000] =	vst v63  }
.LBB2_2:
0x2f: {  	s0 =	simm.s32 $0x1  }
0x30: {  	_ =	swait.ge [sflag:s0], $0x1000  }
0x31: {  	p1 =	seq.s32 s25, $0x0;
	[sflag:s0] =	ssyncset.done $0x0  }
0x32: {  	s1 =	simm.s32 @!p1 $0x5;
	[sflag:s0] =	ssyncadd.s32 $0xFFFFF000  }
0x33: {  	s5 =	simm.s32 $0x0;
	s10 =	simm.s32 $0x0;
	_ =	swait.ge @!p1 [sflag:s1], $0x4000  }
0x34: {  	s2 =	sand.u32 $0x40, s5;
	s0 =	sand.u32 $0x3FFFFF00, s10;
	[sflag:s1] =	ssyncset.done @!p1 $0x0  }
0x35: {  	s3 =	sor.u32 s2, s0;
	[sflag:s1] =	ssyncadd.s32 @!p1 $0xFFFFC000  }
0x36: {  	v1 =	vld [tilespmem:s3+$0x0];
	_ =	sdelay $0x2  }
0x37: {  	s11 =	simm.s32 $0x0  }
0x38: {  	s4 =	sand.u32 $0x3FFFFE00, s11  }
0x39: {  	s1 =	sadd.s32 $0x4000, s4;
	vm0 =	veq.s32 v1, $0x0  }
0x3a: {  	s6 =	sor.u32 s2, s1;
	vm1 =	veq.s32 v1, $0x1;
	v2 =	vsel vm0, $0x3F800000, v0  }
0x3b: {  	vm12 =	veq.s32 v1, $0x3;
	v3 =	vsel vm1, $0x3F800000, v0;
	[tilespmem:s6+$0x0] =	vst v2  }
0x3c: {  	vm13 =	veq.s32 v1, $0x2;
	v1 =	vsel vm12, $0x3F800000, v0;
	[tilespmem:s6+$0x80] =	vst v3  }
0x3d: {  	v2 =	vsel vm13, $0x3F800000, v0;
	[tilespmem:s6+$0x180] =	vst v1  }
0x3e: {  	[tilespmem:s6+$0x100] =	vst v2  }
0x3f: {  	v1 =	vld [tilespmem:s3+$0x80];
	_ =	sdelay $0x4  }
0x40: {  	s12 =	sadd.s32 $0x6000, s4;
	vm14 =	veq.s32 v1, $0x0  }
0x41: {  	s8 =	sadd.s32 $0x6080, s4;
	s13 =	sor.u32 s2, s12;
	vm15 =	veq.s32 v1, $0x1;
	v2 =	vsel vm14, $0x3F800000, v0  }
0x42: {  	s9 =	sadd.s32 $0x6100, s4;
	s7 =	sor.u32 s2, s8;
	vm4 =	veq.s32 v1, $0x2;
	[tilespmem:s13+$0x0] =	vst v2;
	v2 =	vsel vm15, $0x3F800000, v0  }
0x43: {  	s14 =	sor.u32 s2, s9;
	s10 =	sadd.s32 $0x6180, s4;
	vm5 =	veq.s32 v1, $0x3;
	v1 =	vsel vm4, $0x3F800000, v0;
	[tilespmem:s7+$0x0] =	vst v2  }
0x44: {  	s15 =	sor.u32 $0x10, s2;
	s4 =	sor.u32 s2, s10;
	[tilespmem:s14+$0x0] =	vst v1;
	v1 =	vsel vm5, $0x3F800000, v0  }
0x45: {  	s16 =	sor.u32 s15, s0;
	[tilespmem:s4+$0x0] =	vst v1  }
0x46: {  	v1 =	vld [tilespmem:s16+$0x0];
	_ =	sdelay $0x4  }
0x47: {  	vm6 =	veq.s32 v1, $0x0  }
0x48: {  	s17 =	sor.u32 s15, s1;
	vm8 =	veq.s32 v1, $0x2;
	v2 =	vsel vm6, $0x3F800000, v0  }
0x49: {  	vm7 =	veq.s32 v1, $0x3;
	vm9 =	veq.s32 v1, $0x1;
	v1 =	vsel vm8, $0x3F800000, v0;
	[tilespmem:s17+$0x0] =	vst v2  }
0x4a: {  	v2 =	vsel vm7, $0x3F800000, v0;
	[tilespmem:s17+$0x100] =	vst v1  }
0x4b: {  	[tilespmem:s17+$0x180] =	vst v2;
	v2 =	vsel vm9, $0x3F800000, v0  }
0x4c: {  	[tilespmem:s17+$0x80] =	vst v2  }
0x4d: {  	v1 =	vld [tilespmem:s16+$0x80];
	_ =	sdelay $0x4  }
0x4e: {  	vm10 =	veq.s32 v1, $0x0  }
0x4f: {  	s18 =	sor.u32 s15, s12;
	vm11 =	veq.s32 v1, $0x1;
	v2 =	vsel vm10, $0x3F800000, v0  }
0x50: {  	s19 =	sor.u32 s15, s8;
	vm12 =	veq.s32 v1, $0x2;
	[tilespmem:s18+$0x0] =	vst v2;
	v2 =	vsel vm11, $0x3F800000, v0  }
0x51: {  	s20 =	sor.u32 s15, s9;
	vm13 =	veq.s32 v1, $0x3;
	v1 =	vsel vm12, $0x3F800000, v0;
	[tilespmem:s19+$0x0] =	vst v2  }
0x52: {  	s21 =	sor.u32 $0x20, s2;
	s7 =	sor.u32 s15, s10;
	[tilespmem:s20+$0x0] =	vst v1;
	v1 =	vsel vm13, $0x3F800000, v0  }
0x53: {  	s22 =	sor.u32 s21, s0;
	[tilespmem:s7+$0x0] =	vst v1  }
0x54: {  	v1 =	vld [tilespmem:s22+$0x0];
	_ =	sdelay $0x4  }
0x55: {  	vm14 =	veq.s32 v1, $0x0  }
0x56: {  	s23 =	sor.u32 s21, s1;
	vm4 =	veq.s32 v1, $0x1;
	v2 =	vsel vm14, $0x3F800000, v0  }
0x57: {  	vm15 =	veq.s32 v1, $0x3;
	vm5 =	veq.s32 v1, $0x2;
	v1 =	vsel vm4, $0x3F800000, v0;
	[tilespmem:s23+$0x0] =	vst v2  }
0x58: {  	v2 =	vsel vm15, $0x3F800000, v0;
	[tilespmem:s23+$0x80] =	vst v1  }
0x59: {  	[tilespmem:s23+$0x180] =	vst v2;
	v2 =	vsel vm5, $0x3F800000, v0  }
0x5a: {  	[tilespmem:s23+$0x100] =	vst v2  }
0x5b: {  	v1 =	vld [tilespmem:s22+$0x80];
	_ =	sdelay $0x4  }
0x5c: {  	vm6 =	veq.s32 v1, $0x0  }
0x5d: {  	s24 =	sor.u32 s21, s12;
	vm7 =	veq.s32 v1, $0x1;
	v2 =	vsel vm6, $0x3F800000, v0  }
0x5e: {  	s26 =	sor.u32 s21, s8;
	vm8 =	veq.s32 v1, $0x2;
	[tilespmem:s24+$0x0] =	vst v2;
	v2 =	vsel vm7, $0x3F800000, v0  }
0x5f: {  	s28 =	sor.u32 s21, s9;
	vm9 =	veq.s32 v1, $0x3;
	v1 =	vsel vm8, $0x3F800000, v0;
	[tilespmem:s26+$0x0] =	vst v2  }
0x60: {  	s29 =	sor.u32 s21, s10;
	s2 =	sor.u32 $0x30, s2;
	[tilespmem:s28+$0x0] =	vst v1;
	v1 =	vsel vm9, $0x3F800000, v0  }
0x61: {  	s0 =	sor.u32 s2, s0;
	[tilespmem:s29+$0x0] =	vst v1  }
0x62: {  	v1 =	vld [tilespmem:s0+$0x0];
	_ =	sdelay $0x4  }
0x63: {  	vm10 =	veq.s32 v1, $0x0  }
0x64: {  	s1 =	sor.u32 s2, s1;
	vm11 =	veq.s32 v1, $0x1;
	v2 =	vsel vm10, $0x3F800000, v0  }
0x65: {  	vm12 =	veq.s32 v1, $0x3;
	v3 =	vsel vm11, $0x3F800000, v0;
	[tilespmem:s1+$0x0] =	vst v2  }
0x66: {  	vm13 =	veq.s32 v1, $0x2;
	v1 =	vsel vm12, $0x3F800000, v0;
	[tilespmem:s1+$0x80] =	vst v3  }
0x67: {  	v2 =	vsel vm13, $0x3F800000, v0;
	[tilespmem:s1+$0x180] =	vst v1  }
0x68: {  	[tilespmem:s1+$0x100] =	vst v2  }
0x69: {  	v1 =	vld [tilespmem:s0+$0x80];
	_ =	sdelay $0x3  }
0x6a: {  	s30 =	sshll.u32 s25, $0xB  }
0x6b: {  	[smem:$0x7F0] =	sst s30;
	s8 =	sor.u32 s2, s8;
	s31 =	sor.u32 s2, s9;
	vm14 =	veq.s32 v1, $0x0;
	vm15 =	veq.s32 v1, $0x1;
	vm2 =	veq.s32 v1, $0x2  }
0x6c: {  	s15 =	sor.u32 s2, s10;
	s1 =	simm.s32 $0x0;
	s0 =	sor.u32 s2, s12;
	v4 =	vsel vm14, $0x3F800000, v0;
	v3 =	vsel vm15, $0x3F800000, v0;
	v2 =	vsel vm2, $0x3F800000, v0  }
.LBB2_3:
0x6d: {  	s1 =	sadd.s32 $0x4, s1;
	[tilespmem:s0+$0x0] =	vst v4;
	vm0 =	veq.s32 v1, $0x3;
	s5 =	sadd.s32 $0x40, s5  }
0x6e: {  	s0 =	sshll.u32 s1, $0x5;
	s2 =	sshll.u32 s1, $0x6;
	p0 =	slt.u32 s1, $0x7C;
	[tilespmem:s8+$0x0] =	vst v3;
	v1 =	vsel vm0, $0x3F800000, v0  }
0x6f: {  	s6 =	sand.u32 $0x40, s5;
	s18 =	sand.u32 $0x3FFFFF00, s0;
	s0 =	sand.u32 $0x3FFFFE00, s2;
	[tilespmem:s31+$0x0] =	vst v2  }
0x70: {  	s7 =	sor.u32 s6, s18;
	s19 =	sadd.s32 $0x4000, s0;
	s8 =	sadd.s32 $0x6000, s0;
	[tilespmem:s15+$0x0] =	vst v1  }
0x71: {  	s14 =	sadd.s32 $0x6080, s0;
	s15 =	sadd.s32 $0x6100, s0;
	v1 =	vld [tilespmem:s7+$0x0];
	s13 =	sor.u32 s6, s8  }
0x72: {  	s21 =	sadd.s32 $0x6180, s0;
	s16 =	sor.u32 s6, s14;
	s17 =	sor.u32 s6, s15  }
0x73: {  	s4 =	sor.u32 $0x10, s6;
	s3 =	sor.u32 $0x20, s6;
	s23 =	sor.u32 s6, s21  }
0x74: {  	s12 =	sor.u32 s4, s8;
	s10 =	sor.u32 s4, s14;
	s9 =	sor.u32 s4, s15  }
0x75: {  	s2 =	sor.u32 s4, s21;
	s24 =	sor.u32 s3, s8;
	s20 =	sor.u32 s3, s14  }
0x76: {  	s11 =	sor.u32 $0x30, s6;
	s28 =	sor.u32 s3, s15;
	s22 =	sor.u32 s3, s21;
	vm0 =	veq.s32 v1, $0x0;
	vm1 =	veq.s32 v1, $0x1;
	vm2 =	veq.s32 v1, $0x2  }
0x77: {  	s6 =	sor.u32 s6, s19;
	s0 =	sor.u32 s11, s8;
	s8 =	sor.u32 s11, s14;
	v2 =	vsel vm0, $0x3F800000, v0;
	v3 =	vsel vm1, $0x3F800000, v0;
	vm0 =	veq.s32 v1, $0x3  }
0x78: {  	s31 =	sor.u32 s11, s15;
	s15 =	sor.u32 s11, s21;
	v1 =	vsel vm2, $0x3F800000, v0;
	[tilespmem:s6+$0x0] =	vst v2;
	v2 =	vsel vm0, $0x3F800000, v0  }
0x79: {  	[tilespmem:s6+$0x80] =	vst v3  }
0x7a: {  	[tilespmem:s6+$0x180] =	vst v2  }
0x7b: {  	[tilespmem:s6+$0x100] =	vst v1  }
0x7c: {  	v1 =	vld [tilespmem:s7+$0x80];
	_ =	sdelay $0x4  }
0x7d: {  	vm0 =	veq.s32 v1, $0x0;
	vm1 =	veq.s32 v1, $0x1;
	vm2 =	veq.s32 v1, $0x2  }
0x7e: {  	v2 =	vsel vm0, $0x3F800000, v0;
	vm0 =	veq.s32 v1, $0x3  }
0x7f: {  	v1 =	vsel vm1, $0x3F800000, v0;
	[tilespmem:s13+$0x0] =	vst v2  }
0x80: {  	[tilespmem:s16+$0x0] =	vst v1;
	v1 =	vsel vm2, $0x3F800000, v0  }
0x81: {  	[tilespmem:s17+$0x0] =	vst v1;
	v1 =	vsel vm0, $0x3F800000, v0  }
0x82: {  	s6 =	sor.u32 s4, s18;
	[tilespmem:s23+$0x0] =	vst v1  }
0x83: {  	v1 =	vld [tilespmem:s6+$0x0];
	_ =	sdelay $0x4  }
0x84: {  	vm0 =	veq.s32 v1, $0x0;
	vm1 =	veq.s32 v1, $0x1;
	vm2 =	veq.s32 v1, $0x2  }
0x85: {  	s4 =	sor.u32 s4, s19;
	v2 =	vsel vm0, $0x3F800000, v0;
	v3 =	vsel vm2, $0x3F800000, v0;
	vm0 =	veq.s32 v1, $0x3  }
0x86: {  	v1 =	vsel vm1, $0x3F800000, v0;
	[tilespmem:s4+$0x0] =	vst v2;
	v2 =	vsel vm0, $0x3F800000, v0  }
0x87: {  	[tilespmem:s4+$0x180] =	vst v2  }
0x88: {  	[tilespmem:s4+$0x100] =	vst v3  }
0x89: {  	[tilespmem:s4+$0x80] =	vst v1  }
0x8a: {  	v1 =	vld [tilespmem:s6+$0x80];
	_ =	sdelay $0x4  }
0x8b: {  	vm0 =	veq.s32 v1, $0x0;
	vm1 =	veq.s32 v1, $0x1;
	vm2 =	veq.s32 v1, $0x3  }
0x8c: {  	v2 =	vsel vm0, $0x3F800000, v0  }
0x8d: {  	vm0 =	veq.s32 v1, $0x2;
	[tilespmem:s12+$0x0] =	vst v2;
	v2 =	vsel vm1, $0x3F800000, v0  }
0x8e: {  	v1 =	vsel vm0, $0x3F800000, v0;
	[tilespmem:s10+$0x0] =	vst v2  }
0x8f: {  	[tilespmem:s9+$0x0] =	vst v1;
	v1 =	vsel vm2, $0x3F800000, v0  }
0x90: {  	[tilespmem:s2+$0x0] =	vst v1;
	s2 =	sor.u32 s3, s18  }
0x91: {  	v1 =	vld [tilespmem:s2+$0x0];
	_ =	sdelay $0x4  }
0x92: {  	vm0 =	veq.s32 v1, $0x0;
	vm1 =	veq.s32 v1, $0x1;
	vm2 =	veq.s32 v1, $0x2  }
0x93: {  	s3 =	sor.u32 s3, s19;
	v2 =	vsel vm0, $0x3F800000, v0;
	v3 =	vsel vm1, $0x3F800000, v0;
	vm0 =	veq.s32 v1, $0x3  }
0x94: {  	v1 =	vsel vm2, $0x3F800000, v0;
	[tilespmem:s3+$0x0] =	vst v2;
	v2 =	vsel vm0, $0x3F800000, v0  }
0x95: {  	[tilespmem:s3+$0x180] =	vst v2  }
0x96: {  	[tilespmem:s3+$0x80] =	vst v3  }
0x97: {  	[tilespmem:s3+$0x100] =	vst v1  }
0x98: {  	v1 =	vld [tilespmem:s2+$0x80];
	_ =	sdelay $0x4  }
0x99: {  	vm0 =	veq.s32 v1, $0x0;
	vm1 =	veq.s32 v1, $0x1;
	vm2 =	veq.s32 v1, $0x2  }
0x9a: {  	v2 =	vsel vm0, $0x3F800000, v0;
	vm0 =	veq.s32 v1, $0x3  }
0x9b: {  	v1 =	vsel vm1, $0x3F800000, v0;
	[tilespmem:s24+$0x0] =	vst v2  }
0x9c: {  	[tilespmem:s20+$0x0] =	vst v1;
	v1 =	vsel vm2, $0x3F800000, v0  }
0x9d: {  	[tilespmem:s28+$0x0] =	vst v1;
	v1 =	vsel vm0, $0x3F800000, v0  }
0x9e: {  	s2 =	sor.u32 s11, s18;
	[tilespmem:s22+$0x0] =	vst v1  }
0x9f: {  	v1 =	vld [tilespmem:s2+$0x0];
	_ =	sdelay $0x4  }
0xa0: {  	vm0 =	veq.s32 v1, $0x0;
	vm1 =	veq.s32 v1, $0x1;
	vm2 =	veq.s32 v1, $0x2  }
0xa1: {  	s3 =	sor.u32 s11, s19;
	v2 =	vsel vm0, $0x3F800000, v0;
	v3 =	vsel vm1, $0x3F800000, v0;
	vm0 =	veq.s32 v1, $0x3  }
0xa2: {  	v1 =	vsel vm2, $0x3F800000, v0;
	[tilespmem:s3+$0x0] =	vst v2;
	v2 =	vsel vm0, $0x3F800000, v0  }
0xa3: {  	[tilespmem:s3+$0x80] =	vst v3  }
0xa4: {  	[tilespmem:s3+$0x180] =	vst v2  }
0xa5: {  	[tilespmem:s3+$0x100] =	vst v1  }
0xa6: {  	v1 =	vld [tilespmem:s2+$0x80];
	_ =	sdelay $0x1  }
.Ltmp2:
0xa7: {  	(pc) =	sbr.rel @p0 .LBB2_3-.Ltmp2, $3  }
0xa8: {  	_ =	sdelay $0x1  }
0xa9: {  	vm0 =	veq.s32 v1, $0x0;
	vm1 =	veq.s32 v1, $0x1;
	vm2 =	veq.s32 v1, $0x2  }
0xaa: {  	v4 =	vsel vm0, $0x3F800000, v0;
	v3 =	vsel vm1, $0x3F800000, v0;
	v2 =	vsel vm2, $0x3F800000, v0  }
0xab: {  	s1 =	sld [smem:$0x7F6];
	_ =	sdelay $0x1  }
0xac: {  	[tilespmem:s0+$0x0] =	vst v4;
	s21 =	sshll.u32 s25, $0xD  }
0xad: {  	vm0 =	veq.s32 v1, $0x3;
	s22 =	rddreg [dreg:$0x1];
	[tilespmem:s8+$0x0] =	vst v3;
	s1 =	sadd.s32 s1, s21  }
0xae: {  	s23 =	simm.s32 $0x0;
	v1 =	vsel vm0, $0x3F800000, v0;
	[tilespmem:s31+$0x0] =	vst v2;
	[smem:$0x7EC] =	sst s1  }
0xaf: {  	s2 =	simm.s32 $0x4000;
	[tilespmem:s15+$0x0] =	vst v1;
	s0 =	sadd.s32 s22, s1;
	s1 =	sld [smem:$0x7F0]  }
0xb0: {  	[hbm4b:s0+s23] =	stream.linear.scatter [tilespmem:s2], [sflag:$0x5], $0x4000, $0x38;
	[tilespmem:$0x14000] =	vst v63  }
0xb1: {  	s0 =	sld [smem:$0x7F7]  }
0xb2: {  	p0 =	seq.s32 s25, $0xF  }
0xb3: {  	s24 =	simm.s32 $0x2;
	s3 =	simm.s32 @!p0 $0x0  }
0xb4: {  	s2 =	simm.s32 @!p0 $0x400;
	s0 =	sadd.s32 @!p0 s1, s0;
	s1 =	simm.s32 @!p0 $0x100  }
0xb5: {  	[tilespmem:s3], [sflag:$0x1] =	stream.strided.gather @!p0 [hbm4b:s0+s1], $0x1000, s2, s1, $0x38;
	[tilespmem:$0x14000] =	vst v63  }
0xb6: {  	_ =	swait.ge [sflag:s24], $0x1000  }
0xb7: {  	[sflag:s24] =	ssyncset.done $0x0  }
0xb8: {  	s26 =	simm.s32 $0x0;
	s2 =	simm.s32 @!p1 $0x6;
	[sflag:s24] =	ssyncadd.s32 $0xFFFFF000  }
0xb9: {  	s9 =	simm.s32 $0x0;
	s4 =	sand.u32 $0x3FFFFF00, s26;
	_ =	swait.ge @!p1 [sflag:s2], $0x4000  }
0xba: {  	s1 =	sand.u32 $0x40, s9;
	s0 =	sadd.s32 $0x1000, s4;
	[sflag:s2] =	ssyncset.done @!p1 $0x0  }
0xbb: {  	s28 =	sor.u32 s1, s0;
	[sflag:s2] =	ssyncadd.s32 @!p1 $0xFFFFC000  }
0xbc: {  	v1 =	vld [tilespmem:s28+$0x0];
	_ =	sdelay $0x2  }
0xbd: {  	s29 =	simm.s32 $0x0  }
0xbe: {  	s6 =	sand.u32 $0x3FFFFE00, s29  }
0xbf: {  	s14 =	sadd.s32 $0x8000, s6;
	vm0 =	veq.s32 v1, $0x0  }
0xc0: {  	s5 =	sadd.s32 $0x8080, s6;
	s30 =	sor.u32 s1, s14;
	vm1 =	veq.s32 v1, $0x1;
	v2 =	vsel vm0, $0x3F800000, v0  }
0xc1: {  	s3 =	sadd.s32 $0x8100, s6;
	s7 =	sor.u32 s1, s5;
	vm0 =	veq.s32 v1, $0x2;
	[tilespmem:s30+$0x0] =	vst v2;
	v2 =	vsel vm1, $0x3F800000, v0  }
0xc2: {  	s11 =	sadd.s32 $0x8180, s6;
	s31 =	sor.u32 s1, s3;
	vm1 =	veq.s32 v1, $0x3;
	v1 =	vsel vm0, $0x3F800000, v0;
	[tilespmem:s7+$0x0] =	vst v2  }
0xc3: {  	s15 =	sadd.s32 $0x1080, s4;
	s8 =	sor.u32 s1, s11;
	[tilespmem:s31+$0x0] =	vst v1;
	v1 =	vsel vm1, $0x3F800000, v0  }
0xc4: {  	s10 =	sor.u32 s1, s15;
	[tilespmem:s8+$0x0] =	vst v1  }
0xc5: {  	v1 =	vld [tilespmem:s10+$0x0];
	_ =	sdelay $0x4  }
0xc6: {  	s2 =	sadd.s32 $0xA000, s6;
	vm0 =	veq.s32 v1, $0x0  }
0xc7: {  	s4 =	sadd.s32 $0xA080, s6;
	s12 =	sor.u32 s1, s2;
	vm1 =	veq.s32 v1, $0x1;
	v2 =	vsel vm0, $0x3F800000, v0  }
0xc8: {  	s13 =	sor.u32 s1, s4;
	s10 =	sadd.s32 $0xA100, s6;
	vm0 =	veq.s32 v1, $0x2;
	[tilespmem:s12+$0x0] =	vst v2;
	v2 =	vsel vm1, $0x3F800000, v0  }
0xc9: {  	s16 =	sor.u32 s1, s10;
	s12 =	sadd.s32 $0xA180, s6;
	vm1 =	veq.s32 v1, $0x3;
	v1 =	vsel vm0, $0x3F800000, v0;
	[tilespmem:s13+$0x0] =	vst v2  }
0xca: {  	s17 =	sor.u32 $0x10, s1;
	s18 =	sor.u32 s1, s12;
	[tilespmem:s16+$0x0] =	vst v1;
	v1 =	vsel vm1, $0x3F800000, v0  }
0xcb: {  	s19 =	sor.u32 s17, s0;
	[tilespmem:s18+$0x0] =	vst v1  }
0xcc: {  	v1 =	vld [tilespmem:s19+$0x0];
	_ =	sdelay $0x4  }
0xcd: {  	vm0 =	veq.s32 v1, $0x0  }
0xce: {  	s20 =	sor.u32 s17, s14;
	vm1 =	veq.s32 v1, $0x1;
	v2 =	vsel vm0, $0x3F800000, v0  }
0xcf: {  	s21 =	sor.u32 s17, s5;
	vm0 =	veq.s32 v1, $0x2;
	[tilespmem:s20+$0x0] =	vst v2;
	v2 =	vsel vm1, $0x3F800000, v0  }
0xd0: {  	s22 =	sor.u32 s17, s3;
	vm1 =	veq.s32 v1, $0x3;
	v1 =	vsel vm0, $0x3F800000, v0;
	[tilespmem:s21+$0x0] =	vst v2  }
0xd1: {  	s23 =	sor.u32 s17, s11;
	[tilespmem:s22+$0x0] =	vst v1;
	v1 =	vsel vm1, $0x3F800000, v0  }
0xd2: {  	s24 =	sor.u32 s17, s15;
	[tilespmem:s23+$0x0] =	vst v1  }
0xd3: {  	v1 =	vld [tilespmem:s24+$0x0];
	_ =	sdelay $0x4  }
0xd4: {  	vm0 =	veq.s32 v1, $0x0  }
0xd5: {  	s26 =	sor.u32 s17, s2;
	vm1 =	veq.s32 v1, $0x1;
	v2 =	vsel vm0, $0x3F800000, v0  }
0xd6: {  	s28 =	sor.u32 s17, s4;
	vm0 =	veq.s32 v1, $0x2;
	[tilespmem:s26+$0x0] =	vst v2;
	v2 =	vsel vm1, $0x3F800000, v0  }
0xd7: {  	s29 =	sor.u32 s17, s10;
	vm1 =	veq.s32 v1, $0x3;
	v1 =	vsel vm0, $0x3F800000, v0;
	[tilespmem:s28+$0x0] =	vst v2  }
0xd8: {  	s30 =	sor.u32 $0x20, s1;
	s6 =	sor.u32 s17, s12;
	[tilespmem:s29+$0x0] =	vst v1;
	v1 =	vsel vm1, $0x3F800000, v0  }
0xd9: {  	s31 =	sor.u32 s30, s0;
	[tilespmem:s6+$0x0] =	vst v1  }
0xda: {  	v1 =	vld [tilespmem:s31+$0x0];
	_ =	sdelay $0x4  }
0xdb: {  	vm0 =	veq.s32 v1, $0x0  }
0xdc: {  	s8 =	sor.u32 s30, s14;
	vm1 =	veq.s32 v1, $0x1;
	v2 =	vsel vm0, $0x3F800000, v0  }
0xdd: {  	s13 =	sor.u32 s30, s5;
	vm0 =	veq.s32 v1, $0x2;
	[tilespmem:s8+$0x0] =	vst v2;
	v2 =	vsel vm1, $0x3F800000, v0  }
0xde: {  	s16 =	sor.u32 s30, s3;
	vm1 =	veq.s32 v1, $0x3;
	v1 =	vsel vm0, $0x3F800000, v0;
	[tilespmem:s13+$0x0] =	vst v2  }
0xdf: {  	s17 =	sor.u32 s30, s11;
	[tilespmem:s16+$0x0] =	vst v1;
	v1 =	vsel vm1, $0x3F800000, v0  }
0xe0: {  	s18 =	sor.u32 s30, s15;
	[tilespmem:s17+$0x0] =	vst v1  }
0xe1: {  	v1 =	vld [tilespmem:s18+$0x0];
	_ =	sdelay $0x4  }
0xe2: {  	vm0 =	veq.s32 v1, $0x0  }
0xe3: {  	s19 =	sor.u32 s30, s2;
	vm1 =	veq.s32 v1, $0x1;
	v2 =	vsel vm0, $0x3F800000, v0  }
0xe4: {  	s20 =	sor.u32 s30, s4;
	vm0 =	veq.s32 v1, $0x2;
	[tilespmem:s19+$0x0] =	vst v2;
	v2 =	vsel vm1, $0x3F800000, v0  }
0xe5: {  	s21 =	sor.u32 s30, s10;
	vm1 =	veq.s32 v1, $0x3;
	v1 =	vsel vm0, $0x3F800000, v0;
	[tilespmem:s20+$0x0] =	vst v2  }
0xe6: {  	s1 =	sor.u32 $0x30, s1;
	s22 =	sor.u32 s30, s12;
	[tilespmem:s21+$0x0] =	vst v1;
	v1 =	vsel vm1, $0x3F800000, v0  }
0xe7: {  	s0 =	sor.u32 s1, s0;
	[tilespmem:s22+$0x0] =	vst v1  }
0xe8: {  	v1 =	vld [tilespmem:s0+$0x0];
	_ =	sdelay $0x4  }
0xe9: {  	vm0 =	veq.s32 v1, $0x0  }
0xea: {  	s23 =	sor.u32 s1, s14;
	vm1 =	veq.s32 v1, $0x1;
	v2 =	vsel vm0, $0x3F800000, v0  }
0xeb: {  	s24 =	sor.u32 s1, s5;
	vm0 =	veq.s32 v1, $0x2;
	[tilespmem:s23+$0x0] =	vst v2;
	v2 =	vsel vm1, $0x3F800000, v0  }
0xec: {  	s26 =	sor.u32 s1, s3;
	vm1 =	veq.s32 v1, $0x3;
	v1 =	vsel vm0, $0x3F800000, v0;
	[tilespmem:s24+$0x0] =	vst v2  }
0xed: {  	s28 =	sor.u32 s1, s11;
	[tilespmem:s26+$0x0] =	vst v1;
	v1 =	vsel vm1, $0x3F800000, v0  }
0xee: {  	s29 =	sor.u32 s1, s15;
	[tilespmem:s28+$0x0] =	vst v1  }
0xef: {  	s31 =	sld [smem:$0x7F5];
	v1 =	vld [tilespmem:s29+$0x0];
	_ =	sdelay $0x1  }
0xf0: {  	[smem:$0x7ED] =	sst s25;
	s30 =	sshll.u32 s25, $0x3  }
0xf1: {  	s11 =	sor.u32 s1, s2;
	s18 =	sor.u32 s1, s4;
	s0 =	sadd.s32 s30, s31  }
0xf2: {  	s19 =	sor.u32 s1, s10;
	[smem:$0x7EE] =	sst s0;
	s0 =	sadd.s32 $0x2, s0  }
0xf3: {  	[smem:$0x7EF] =	sst s0;
	s0 =	sor.u32 s1, s12;
	s23 =	simm.s32 $0x0;
	vm2 =	veq.s32 v1, $0x0;
	vm1 =	veq.s32 v1, $0x1;
	vm0 =	veq.s32 v1, $0x2  }
.LBB2_5:
0xf4: {  	s23 =	sadd.s32 $0x4, s23;
	v2 =	vsel vm2, $0x3F800000, v0  }
0xf5: {  	vm2 =	veq.s32 v1, $0x3;
	v1 =	vsel vm1, $0x3F800000, v0;
	s2 =	sshll.u32 s23, $0x5;
	[tilespmem:s11+$0x0] =	vst v2  }
0xf6: {  	s5 =	sadd.s32 $0x40, s9;
	s2 =	sand.u32 $0x3FFFFF00, s2;
	[tilespmem:s18+$0x0] =	vst v1;
	v1 =	vsel vm0, $0x3F800000, v0  }
0xf7: {  	s14 =	sand.u32 $0x40, s5;
	s11 =	sadd.s32 $0x1000, s2;
	[tilespmem:s19+$0x0] =	vst v1;
	v1 =	vsel vm2, $0x3F800000, v0  }
0xf8: {  	s20 =	sor.u32 s14, s11;
	[tilespmem:s0+$0x0] =	vst v1  }
0xf9: {  	v1 =	vld [tilespmem:s20+$0x0];
	_ =	sdelay $0x2  }
0xfa: {  	s3 =	sshll.u32 s23, $0x6  }
0xfb: {  	s4 =	sand.u32 $0x3FFFFE00, s3  }
0xfc: {  	s18 =	sadd.s32 $0x8000, s4;
	vm0 =	veq.s32 v1, $0x0  }
0xfd: {  	s19 =	sadd.s32 $0x8080, s4;
	s10 =	sor.u32 s14, s18;
	vm1 =	veq.s32 v1, $0x1;
	v2 =	vsel vm0, $0x3F800000, v0  }
0xfe: {  	s12 =	sor.u32 s14, s19;
	s0 =	sadd.s32 $0x8100, s4;
	vm2 =	veq.s32 v1, $0x2;
	vm0 =	veq.s32 v1, $0x3;
	v1 =	vsel vm1, $0x3F800000, v0;
	[tilespmem:s10+$0x0] =	vst v2  }
0xff: {  	s30 =	sadd.s32 $0x8180, s4;
	s13 =	sor.u32 s14, s0;
	[tilespmem:s12+$0x0] =	vst v1;
	v1 =	vsel vm2, $0x3F800000, v0  }
0x100: {  	s16 =	sadd.s32 $0x1080, s2;
	s26 =	sor.u32 s14, s30;
	[tilespmem:s13+$0x0] =	vst v1;
	v1 =	vsel vm0, $0x3F800000, v0  }
0x101: {  	s2 =	sor.u32 s14, s16;
	[tilespmem:s26+$0x0] =	vst v1  }
0x102: {  	v1 =	vld [tilespmem:s2+$0x0];
	_ =	sdelay $0x4  }
0x103: {  	s17 =	sadd.s32 $0xA000, s4;
	vm0 =	veq.s32 v1, $0x0  }
0x104: {  	s3 =	sadd.s32 $0xA080, s4;
	s22 =	sor.u32 s14, s17;
	vm1 =	veq.s32 v1, $0x1;
	v2 =	vsel vm0, $0x3F800000, v0  }
0x105: {  	s9 =	sadd.s32 $0xA100, s4;
	s6 =	sor.u32 s14, s3;
	vm2 =	veq.s32 v1, $0x2;
	vm0 =	veq.s32 v1, $0x3;
	v1 =	vsel vm1, $0x3F800000, v0;
	[tilespmem:s22+$0x0] =	vst v2  }
0x106: {  	s1 =	sadd.s32 $0xA180, s4;
	s20 =	sor.u32 s14, s9;
	[tilespmem:s6+$0x0] =	vst v1;
	v1 =	vsel vm2, $0x3F800000, v0  }
0x107: {  	s4 =	sor.u32 $0x10, s14;
	s28 =	sor.u32 s14, s1;
	[tilespmem:s20+$0x0] =	vst v1;
	v1 =	vsel vm0, $0x3F800000, v0  }
0x108: {  	s24 =	sor.u32 s4, s11;
	[tilespmem:s28+$0x0] =	vst v1  }
0x109: {  	v1 =	vld [tilespmem:s24+$0x0];
	_ =	sdelay $0x4  }
0x10a: {  	vm0 =	veq.s32 v1, $0x0  }
0x10b: {  	s7 =	sor.u32 s4, s18;
	vm1 =	veq.s32 v1, $0x1;
	v2 =	vsel vm0, $0x3F800000, v0  }
0x10c: {  	s31 =	sor.u32 s4, s19;
	vm2 =	veq.s32 v1, $0x2;
	vm0 =	veq.s32 v1, $0x3;
	v1 =	vsel vm1, $0x3F800000, v0;
	[tilespmem:s7+$0x0] =	vst v2  }
0x10d: {  	s8 =	sor.u32 s4, s0;
	[tilespmem:s31+$0x0] =	vst v1;
	v1 =	vsel vm2, $0x3F800000, v0  }
0x10e: {  	s25 =	sor.u32 s4, s30;
	[tilespmem:s8+$0x0] =	vst v1;
	v1 =	vsel vm0, $0x3F800000, v0  }
0x10f: {  	s15 =	sor.u32 s4, s16;
	[tilespmem:s25+$0x0] =	vst v1  }
0x110: {  	v1 =	vld [tilespmem:s15+$0x0];
	_ =	sdelay $0x2  }
0x111: {  	s21 =	sor.u32 s4, s3  }
0x112: {  	[smem:$0x7EA] =	sst s21  }
0x113: {  	s8 =	sld [smem:$0x7EA];
	vm0 =	veq.s32 v1, $0x0  }
0x114: {  	s29 =	sor.u32 s4, s17;
	vm1 =	veq.s32 v1, $0x1;
	v2 =	vsel vm0, $0x3F800000, v0  }
0x115: {  	vm2 =	veq.s32 v1, $0x2;
	vm0 =	veq.s32 v1, $0x3;
	v1 =	vsel vm1, $0x3F800000, v0;
	[tilespmem:s29+$0x0] =	vst v2  }
0x116: {  	s10 =	sor.u32 s4, s9;
	[tilespmem:s8+$0x0] =	vst v1;
	v1 =	vsel vm2, $0x3F800000, v0  }
0x117: {  	s21 =	sor.u32 $0x20, s14;
	s12 =	sor.u32 s4, s1;
	[tilespmem:s10+$0x0] =	vst v1;
	v1 =	vsel vm0, $0x3F800000, v0  }
0x118: {  	s4 =	sor.u32 s21, s11;
	[tilespmem:s12+$0x0] =	vst v1  }
0x119: {  	v1 =	vld [tilespmem:s4+$0x0]  }
0x11a: {  	s13 =	sor.u32 s21, s18  }
0x11b: {  	[smem:$0x7EB] =	sst s13;
	s13 =	sor.u32 s21, s19  }
0x11c: {  	[dreg:$0x1e] =	wrdreg s13  }
0x11d: {  	s26 =	sor.u32 s21, s30;
	s15 =	sld [smem:$0x7EB]  }
0x11e: {  	[dreg:$0x1b] =	wrdreg s26;
	s26 =	sor.u32 s21, s16;
	vm0 =	veq.s32 v1, $0x0  }
0x11f: {  	s2 =	sor.u32 $0x30, s14;
	[dreg:$0x18] =	wrdreg s26;
	s26 =	sor.u32 s21, s17;
	vm1 =	veq.s32 v1, $0x1;
	v2 =	vsel vm0, $0x3F800000, v0  }
0x120: {  	s14 =	sor.u32 s2, s11;
	s11 =	sor.u32 s2, s17;
	s17 =	rddreg [dreg:$0x1e];
	vm2 =	veq.s32 v1, $0x2;
	vm0 =	veq.s32 v1, $0x3;
	v1 =	vsel vm1, $0x3F800000, v0;
	[tilespmem:s15+$0x0] =	vst v2  }
0x121: {  	s13 =	sor.u32 s21, s0;
	[tilespmem:s17+$0x0] =	vst v1;
	v1 =	vsel vm2, $0x3F800000, v0  }
0x122: {  	s20 =	rddreg [dreg:$0x1b];
	[tilespmem:s13+$0x0] =	vst v1;
	v1 =	vsel vm0, $0x3F800000, v0  }
0x123: {  	s22 =	rddreg [dreg:$0x18];
	[tilespmem:s20+$0x0] =	vst v1  }
0x124: {  	v1 =	vld [tilespmem:s22+$0x0]  }
0x125: {  	[dreg:$0x15] =	wrdreg s26;
	s26 =	sor.u32 s21, s3  }
0x126: {  	[dreg:$0x12] =	wrdreg s26;
	s26 =	sor.u32 s21, s9  }
0x127: {  	[dreg:$0xf] =	wrdreg s26;
	s26 =	sor.u32 s21, s1  }
0x128: {  	[dreg:$0xc] =	wrdreg s26;
	s26 =	sor.u32 s2, s19  }
0x129: {  	[dreg:$0x6] =	wrdreg s26;
	vm0 =	veq.s32 v1, $0x0  }
0x12a: {  	s24 =	rddreg [dreg:$0x15];
	vm1 =	veq.s32 v1, $0x1;
	v2 =	vsel vm0, $0x3F800000, v0  }
0x12b: {  	s25 =	rddreg [dreg:$0x12];
	vm2 =	veq.s32 v1, $0x2;
	vm0 =	veq.s32 v1, $0x3;
	v1 =	vsel vm1, $0x3F800000, v0;
	[tilespmem:s24+$0x0] =	vst v2  }
0x12c: {  	s26 =	rddreg [dreg:$0xf];
	[tilespmem:s25+$0x0] =	vst v1;
	v1 =	vsel vm2, $0x3F800000, v0  }
0x12d: {  	s28 =	rddreg [dreg:$0xc];
	[tilespmem:s26+$0x0] =	vst v1;
	v1 =	vsel vm0, $0x3F800000, v0  }
0x12e: {  	[tilespmem:s28+$0x0] =	vst v1  }
0x12f: {  	v1 =	vld [tilespmem:s14+$0x0];
	_ =	sdelay $0x2  }
0x130: {  	s0 =	sor.u32 s2, s0  }
0x131: {  	[dreg:$0x3] =	wrdreg s0;
	s21 =	sor.u32 s2, s18  }
0x132: {  	[dreg:$0x9] =	wrdreg s21;
	vm0 =	veq.s32 v1, $0x0  }
0x133: {  	s29 =	rddreg [dreg:$0x9];
	vm1 =	veq.s32 v1, $0x1;
	v2 =	vsel vm0, $0x3F800000, v0  }
0x134: {  	s21 =	sor.u32 s2, s30;
	s30 =	rddreg [dreg:$0x6];
	vm2 =	veq.s32 v1, $0x2;
	vm0 =	veq.s32 v1, $0x3;
	v1 =	vsel vm1, $0x3F800000, v0;
	[tilespmem:s29+$0x0] =	vst v2  }
0x135: {  	s31 =	rddreg [dreg:$0x3];
	[tilespmem:s30+$0x0] =	vst v1;
	v1 =	vsel vm2, $0x3F800000, v0  }
0x136: {  	[tilespmem:s31+$0x0] =	vst v1;
	v1 =	vsel vm0, $0x3F800000, v0  }
0x137: {  	s16 =	sor.u32 s2, s16;
	[tilespmem:s21+$0x0] =	vst v1  }
0x138: {  	p2 =	slt.u32 s23, $0x7C;
	v1 =	vld [tilespmem:s16+$0x0]  }
.Ltmp3:
0x139: {  	_ = 	snop;
	(pc) =	sbr.rel @p2 .LBB2_5-.Ltmp3, $3  }
0x13a: {  	_ =	sdelay $0x1  }
0x13b: {  	s0 =	sor.u32 s2, s1  }
0x13c: {  	s18 =	sor.u32 s2, s3;
	s19 =	sor.u32 s2, s9;
	s9 =	smov.u32 s5;
	vm2 =	veq.s32 v1, $0x0;
	vm1 =	veq.s32 v1, $0x1;
	vm0 =	veq.s32 v1, $0x2  }
0x13d: {  	s31 =	sld [smem:$0x7ED];
	_ =	sdelay $0x2  }
0x13e: {  	v2 =	vsel vm2, $0x3F800000, v0;
	s1 =	sld [smem:$0x7EF];
	p2 =	sne.s32 s31, $0xF  }
.Ltmp4:
0x13f: {  	[tilespmem:s11+$0x0] =	vst v2;
	v2 =	vsel vm1, $0x3F800000, v0;
	(pc) =	sbr.rel @p2 .LBB2_8-.Ltmp4, $4  }
0x140: {  	vm15 =	veq.s32 v1, $0x3;
	v1 =	vsel vm0, $0x3F800000, v0;
	[tilespmem:s18+$0x0] =	vst v2  }
0x141: {  	s29 =	rddreg [dreg:$0x1];
	[tilespmem:s19+$0x0] =	vst v1;
	v1 =	vsel vm15, $0x3F800000, v0;
	s1 =	sshll.u32 s1, $0xA  }
0x142: {  	s30 =	simm.s32 $0x0;
	s2 =	simm.s32 $0x8000;
	[tilespmem:s0+$0x0] =	vst v1;
	s0 =	sadd.s32 s29, s1  }
0x143: {  	[hbm4b:s0+s30] =	stream.linear.scatter [tilespmem:s2], [sflag:$0x6], $0x4000, $0x38;
	[tilespmem:$0x14000] =	vst v63  }
.Ltmp5:
0x144: {  	(pc) =	sbr.rel .LBB2_9-.Ltmp5, $4  }
0x145: {  	s0 =	simm.s32 $0x3  }
0x146: {  	_ =	swait.ge [sflag:s0], $0x1000  }
0x147: {  	[sflag:s0] =	ssyncset.done $0x0  }
0x148: {  	[sflag:s0] =	ssyncadd.s32 $0xFFFFF000  }
.LBB2_8:
0x149: {  	s0 =	sld [smem:$0x7F8]  }
0x14a: {  	s1 =	sld [smem:$0x7F0];
	_ =	sdelay $0x1  }
0x14b: {  	s30 =	simm.s32 $0x100;
	s2 =	simm.s32 $0x400;
	s3 =	simm.s32 $0x1000  }
.Ltmp6:
0x14c: {  	s31 =	simm.s32 $0x3;
	s0 =	sadd.s32 s1, s0;
	(pc) =	sbr.rel @p1 .LBB2_10-.Ltmp6, $4  }
0x14d: {  	[tilespmem:s3], [sflag:$0x2] =	stream.strided.gather [hbm4b:s0+s30], $0x1000, s2, s30, $0x38;
	[tilespmem:$0x14000] =	vst v63  }
0x14e: {  	_ =	swait.ge [sflag:s31], $0x1000  }
0x14f: {  	[sflag:s31] =	ssyncset.done $0x0  }
0x150: {  	[sflag:s31] =	ssyncadd.s32 $0xFFFFF000  }
.LBB2_9:
0x151: {  	s0 =	simm.s32 $0x7  }
0x152: {  	_ =	swait.ge [sflag:s0], $0x4000  }
0x153: {  	[sflag:s0] =	ssyncset.done $0x0  }
0x154: {  	[sflag:s0] =	ssyncadd.s32 $0xFFFFC000  }
.LBB2_10:
0x155: {  	s0 =	simm.s32 $0x0  }
0x156: {  	s9 =	simm.s32 $0x0;
	s2 =	sand.u32 $0x3FFFFF00, s0  }
0x157: {  	s11 =	sand.u32 $0x40, s9;
	s0 =	sadd.s32 $0x2000, s2  }
0x158: {  	s1 =	sor.u32 s11, s0  }
0x159: {  	v1 =	vld [tilespmem:s1+$0x0];
	_ =	sdelay $0x2  }
0x15a: {  	s15 =	simm.s32 $0x0  }
0x15b: {  	s7 =	sand.u32 $0x3FFFFE00, s15  }
0x15c: {  	s5 =	sadd.s32 $0xC000, s7;
	vm0 =	veq.s32 v1, $0x0  }
0x15d: {  	s3 =	sor.u32 s11, s5;
	s1 =	sadd.s32 $0xC080, s7;
	vm1 =	veq.s32 v1, $0x1;
	v2 =	vsel vm0, $0x3F800000, v0  }
0x15e: {  	s6 =	sadd.s32 $0xC100, s7;
	s4 =	sor.u32 s11, s1;
	vm0 =	veq.s32 v1, $0x2;
	[tilespmem:s3+$0x0] =	vst v2;
	v2 =	vsel vm1, $0x3F800000, v0  }
0x15f: {  	s8 =	sor.u32 s11, s6;
	s3 =	sadd.s32 $0xC180, s7;
	vm1 =	veq.s32 v1, $0x3;
	v1 =	vsel vm0, $0x3F800000, v0;
	[tilespmem:s4+$0x0] =	vst v2  }
0x160: {  	s10 =	sor.u32 s11, s3;
	s4 =	sadd.s32 $0x2080, s2;
	[tilespmem:s8+$0x0] =	vst v1;
	v1 =	vsel vm1, $0x3F800000, v0  }
0x161: {  	s2 =	sor.u32 s11, s4;
	[tilespmem:s10+$0x0] =	vst v1  }
0x162: {  	v1 =	vld [tilespmem:s2+$0x0];
	_ =	sdelay $0x4  }
0x163: {  	s17 =	sadd.s32 $0xE000, s7;
	vm0 =	veq.s32 v1, $0x0  }
0x164: {  	s18 =	sadd.s32 $0xE080, s7;
	s16 =	sor.u32 s11, s17;
	vm1 =	veq.s32 v1, $0x1;
	v2 =	vsel vm0, $0x3F800000, v0  }
0x165: {  	s19 =	sor.u32 s11, s18;
	s10 =	sadd.s32 $0xE100, s7;
	vm0 =	veq.s32 v1, $0x2;
	[tilespmem:s16+$0x0] =	vst v2;
	v2 =	vsel vm1, $0x3F800000, v0  }
0x166: {  	s12 =	sor.u32 s11, s10;
	s2 =	sadd.s32 $0xE180, s7;
	vm1 =	veq.s32 v1, $0x3;
	v1 =	vsel vm0, $0x3F800000, v0;
	[tilespmem:s19+$0x0] =	vst v2  }
0x167: {  	s20 =	sor.u32 $0x10, s11;
	s21 =	sor.u32 s11, s2;
	[tilespmem:s12+$0x0] =	vst v1;
	v1 =	vsel vm1, $0x3F800000, v0  }
0x168: {  	s22 =	sor.u32 s20, s0;
	[tilespmem:s21+$0x0] =	vst v1  }
0x169: {  	v1 =	vld [tilespmem:s22+$0x0];
	_ =	sdelay $0x4  }
0x16a: {  	vm0 =	veq.s32 v1, $0x0  }
0x16b: {  	s23 =	sor.u32 s20, s5;
	vm1 =	veq.s32 v1, $0x1;
	v2 =	vsel vm0, $0x3F800000, v0  }
0x16c: {  	s24 =	sor.u32 s20, s1;
	vm0 =	veq.s32 v1, $0x2;
	[tilespmem:s23+$0x0] =	vst v2;
	v2 =	vsel vm1, $0x3F800000, v0  }
0x16d: {  	s25 =	sor.u32 s20, s6;
	vm1 =	veq.s32 v1, $0x3;
	v1 =	vsel vm0, $0x3F800000, v0;
	[tilespmem:s24+$0x0] =	vst v2  }
0x16e: {  	s26 =	sor.u32 s20, s3;
	[tilespmem:s25+$0x0] =	vst v1;
	v1 =	vsel vm1, $0x3F800000, v0  }
0x16f: {  	s28 =	sor.u32 s20, s4;
	[tilespmem:s26+$0x0] =	vst v1  }
0x170: {  	v1 =	vld [tilespmem:s28+$0x0];
	_ =	sdelay $0x4  }
0x171: {  	vm0 =	veq.s32 v1, $0x0  }
0x172: {  	s29 =	sor.u32 s20, s17;
	vm1 =	veq.s32 v1, $0x1;
	v2 =	vsel vm0, $0x3F800000, v0  }
0x173: {  	s30 =	sor.u32 s20, s18;
	vm0 =	veq.s32 v1, $0x2;
	[tilespmem:s29+$0x0] =	vst v2;
	v2 =	vsel vm1, $0x3F800000, v0  }
0x174: {  	s31 =	sor.u32 s20, s10;
	vm1 =	veq.s32 v1, $0x3;
	v1 =	vsel vm0, $0x3F800000, v0;
	[tilespmem:s30+$0x0] =	vst v2  }
0x175: {  	s7 =	sor.u32 s20, s2;
	s12 =	sor.u32 $0x20, s11;
	[tilespmem:s31+$0x0] =	vst v1;
	v1 =	vsel vm1, $0x3F800000, v0  }
0x176: {  	s13 =	sor.u32 s12, s0;
	[tilespmem:s7+$0x0] =	vst v1  }
0x177: {  	v1 =	vld [tilespmem:s13+$0x0];
	_ =	sdelay $0x4  }
0x178: {  	vm0 =	veq.s32 v1, $0x0  }
0x179: {  	s14 =	sor.u32 s12, s5;
	vm1 =	veq.s32 v1, $0x1;
	v2 =	vsel vm0, $0x3F800000, v0  }
0x17a: {  	s15 =	sor.u32 s12, s1;
	vm0 =	veq.s32 v1, $0x2;
	[tilespmem:s14+$0x0] =	vst v2;
	v2 =	vsel vm1, $0x3F800000, v0  }
0x17b: {  	s16 =	sor.u32 s12, s6;
	vm1 =	veq.s32 v1, $0x3;
	v1 =	vsel vm0, $0x3F800000, v0;
	[tilespmem:s15+$0x0] =	vst v2  }
0x17c: {  	s19 =	sor.u32 s12, s3;
	[tilespmem:s16+$0x0] =	vst v1;
	v1 =	vsel vm1, $0x3F800000, v0  }
0x17d: {  	s20 =	sor.u32 s12, s4;
	[tilespmem:s19+$0x0] =	vst v1  }
0x17e: {  	v1 =	vld [tilespmem:s20+$0x0];
	_ =	sdelay $0x4  }
0x17f: {  	vm0 =	veq.s32 v1, $0x0  }
0x180: {  	s21 =	sor.u32 s12, s17;
	vm1 =	veq.s32 v1, $0x1;
	v2 =	vsel vm0, $0x3F800000, v0  }
0x181: {  	s22 =	sor.u32 s12, s18;
	vm0 =	veq.s32 v1, $0x2;
	[tilespmem:s21+$0x0] =	vst v2;
	v2 =	vsel vm1, $0x3F800000, v0  }
0x182: {  	s23 =	sor.u32 s12, s10;
	vm1 =	veq.s32 v1, $0x3;
	v1 =	vsel vm0, $0x3F800000, v0;
	[tilespmem:s22+$0x0] =	vst v2  }
0x183: {  	s24 =	sor.u32 s12, s2;
	s25 =	sor.u32 $0x30, s11;
	[tilespmem:s23+$0x0] =	vst v1;
	v1 =	vsel vm1, $0x3F800000, v0  }
0x184: {  	s0 =	sor.u32 s25, s0;
	[tilespmem:s24+$0x0] =	vst v1  }
0x185: {  	v1 =	vld [tilespmem:s0+$0x0];
	_ =	sdelay $0x4  }
0x186: {  	vm0 =	veq.s32 v1, $0x0  }
0x187: {  	s26 =	sor.u32 s25, s5;
	vm1 =	veq.s32 v1, $0x1;
	v2 =	vsel vm0, $0x3F800000, v0  }
0x188: {  	s28 =	sor.u32 s25, s1;
	vm0 =	veq.s32 v1, $0x2;
	[tilespmem:s26+$0x0] =	vst v2;
	v2 =	vsel vm1, $0x3F800000, v0  }
0x189: {  	s29 =	sor.u32 s25, s6;
	vm1 =	veq.s32 v1, $0x3;
	v1 =	vsel vm0, $0x3F800000, v0;
	[tilespmem:s28+$0x0] =	vst v2  }
0x18a: {  	s30 =	sor.u32 s25, s3;
	[tilespmem:s29+$0x0] =	vst v1;
	v1 =	vsel vm1, $0x3F800000, v0  }
0x18b: {  	s31 =	sor.u32 s25, s4;
	[tilespmem:s30+$0x0] =	vst v1  }
0x18c: {  	v1 =	vld [tilespmem:s31+$0x0];
	_ =	sdelay $0x3  }
0x18d: {  	s11 =	sor.u32 s25, s17;
	s18 =	sor.u32 s25, s18  }
0x18e: {  	s19 =	sor.u32 s25, s10;
	s23 =	simm.s32 $0x0;
	s0 =	sor.u32 s25, s2;
	vm2 =	veq.s32 v1, $0x0;
	vm1 =	veq.s32 v1, $0x1;
	vm0 =	veq.s32 v1, $0x2  }
.LBB2_11:
0x18f: {  	s23 =	sadd.s32 $0x4, s23;
	v2 =	vsel vm2, $0x3F800000, v0  }
0x190: {  	vm2 =	veq.s32 v1, $0x3;
	v1 =	vsel vm1, $0x3F800000, v0;
	s2 =	sshll.u32 s23, $0x5;
	[tilespmem:s11+$0x0] =	vst v2  }
0x191: {  	s5 =	sadd.s32 $0x40, s9;
	s2 =	sand.u32 $0x3FFFFF00, s2;
	[tilespmem:s18+$0x0] =	vst v1;
	v1 =	vsel vm0, $0x3F800000, v0  }
0x192: {  	s17 =	sand.u32 $0x40, s5;
	s11 =	sadd.s32 $0x2000, s2;
	[tilespmem:s19+$0x0] =	vst v1;
	v1 =	vsel vm2, $0x3F800000, v0  }
0x193: {  	s25 =	sor.u32 s17, s11;
	[tilespmem:s0+$0x0] =	vst v1  }
0x194: {  	v1 =	vld [tilespmem:s25+$0x0];
	_ =	sdelay $0x2  }
0x195: {  	s3 =	sshll.u32 s23, $0x6  }
0x196: {  	s4 =	sand.u32 $0x3FFFFE00, s3  }
0x197: {  	s18 =	sadd.s32 $0xC000, s4;
	vm0 =	veq.s32 v1, $0x0  }
0x198: {  	s19 =	sadd.s32 $0xC080, s4;
	s10 =	sor.u32 s17, s18;
	vm1 =	veq.s32 v1, $0x1;
	v2 =	vsel vm0, $0x3F800000, v0  }
0x199: {  	s12 =	sor.u32 s17, s19;
	s0 =	sadd.s32 $0xC100, s4;
	vm2 =	veq.s32 v1, $0x2;
	vm0 =	veq.s32 v1, $0x3;
	v1 =	vsel vm1, $0x3F800000, v0;
	[tilespmem:s10+$0x0] =	vst v2  }
0x19a: {  	s30 =	sadd.s32 $0xC180, s4;
	s13 =	sor.u32 s17, s0;
	[tilespmem:s12+$0x0] =	vst v1;
	v1 =	vsel vm2, $0x3F800000, v0  }
0x19b: {  	s16 =	sadd.s32 $0x2080, s2;
	s26 =	sor.u32 s17, s30;
	[tilespmem:s13+$0x0] =	vst v1;
	v1 =	vsel vm0, $0x3F800000, v0  }
0x19c: {  	s2 =	sor.u32 s17, s16;
	[tilespmem:s26+$0x0] =	vst v1  }
0x19d: {  	v1 =	vld [tilespmem:s2+$0x0];
	_ =	sdelay $0x4  }
0x19e: {  	s14 =	sadd.s32 $0xE000, s4;
	vm0 =	veq.s32 v1, $0x0  }
0x19f: {  	s3 =	sadd.s32 $0xE080, s4;
	s22 =	sor.u32 s17, s14;
	vm1 =	veq.s32 v1, $0x1;
	v2 =	vsel vm0, $0x3F800000, v0  }
0x1a0: {  	s9 =	sadd.s32 $0xE100, s4;
	s6 =	sor.u32 s17, s3;
	vm2 =	veq.s32 v1, $0x2;
	vm0 =	veq.s32 v1, $0x3;
	v1 =	vsel vm1, $0x3F800000, v0;
	[tilespmem:s22+$0x0] =	vst v2  }
0x1a1: {  	s1 =	sadd.s32 $0xE180, s4;
	s20 =	sor.u32 s17, s9;
	[tilespmem:s6+$0x0] =	vst v1;
	v1 =	vsel vm2, $0x3F800000, v0  }
0x1a2: {  	s29 =	sor.u32 $0x10, s17;
	s28 =	sor.u32 s17, s1;
	[tilespmem:s20+$0x0] =	vst v1;
	v1 =	vsel vm0, $0x3F800000, v0  }
0x1a3: {  	s24 =	sor.u32 s29, s11;
	[tilespmem:s28+$0x0] =	vst v1  }
0x1a4: {  	v1 =	vld [tilespmem:s24+$0x0];
	_ =	sdelay $0x4  }
0x1a5: {  	vm0 =	veq.s32 v1, $0x0  }
0x1a6: {  	s4 =	sor.u32 s29, s18;
	vm1 =	veq.s32 v1, $0x1;
	v2 =	vsel vm0, $0x3F800000, v0  }
0x1a7: {  	s31 =	sor.u32 s29, s19;
	vm2 =	veq.s32 v1, $0x2;
	vm0 =	veq.s32 v1, $0x3;
	v1 =	vsel vm1, $0x3F800000, v0;
	[tilespmem:s4+$0x0] =	vst v2  }
0x1a8: {  	s8 =	sor.u32 s29, s0;
	[tilespmem:s31+$0x0] =	vst v1;
	v1 =	vsel vm2, $0x3F800000, v0  }
0x1a9: {  	s7 =	sor.u32 s29, s30;
	[tilespmem:s8+$0x0] =	vst v1;
	v1 =	vsel vm0, $0x3F800000, v0  }
0x1aa: {  	s15 =	sor.u32 s29, s16;
	[tilespmem:s7+$0x0] =	vst v1  }
0x1ab: {  	v1 =	vld [tilespmem:s15+$0x0];
	_ =	sdelay $0x4  }
0x1ac: {  	s21 =	sor.u32 s29, s3;
	vm0 =	veq.s32 v1, $0x0  }
0x1ad: {  	[smem:$0x7E8] =	sst s21;
	s10 =	sor.u32 s29, s14;
	v2 =	vsel vm0, $0x3F800000, v0  }
0x1ae: {  	[tilespmem:s10+$0x0] =	vst v2;
	s10 =	sld [smem:$0x7E8]  }
0x1af: {  	vm1 =	veq.s32 v1, $0x1  }
0x1b0: {  	vm2 =	veq.s32 v1, $0x2;
	vm0 =	veq.s32 v1, $0x3;
	v1 =	vsel vm1, $0x3F800000, v0  }
0x1b1: {  	s25 =	sor.u32 s29, s9;
	[tilespmem:s10+$0x0] =	vst v1;
	v1 =	vsel vm2, $0x3F800000, v0  }
0x1b2: {  	s21 =	sor.u32 $0x20, s17;
	s12 =	sor.u32 s29, s1;
	[tilespmem:s25+$0x0] =	vst v1;
	v1 =	vsel vm0, $0x3F800000, v0  }
0x1b3: {  	s29 =	sor.u32 s21, s11;
	[tilespmem:s12+$0x0] =	vst v1  }
0x1b4: {  	s13 =	sor.u32 s21, s18;
	v1 =	vld [tilespmem:s29+$0x0]  }
0x1b5: {  	[smem:$0x7E9] =	sst s13;
	s26 =	sor.u32 s21, s30  }
0x1b6: {  	[dreg:$0x1c] =	wrdreg s26;
	s26 =	sor.u32 s21, s16  }
0x1b7: {  	s2 =	sor.u32 $0x30, s17;
	[dreg:$0x19] =	wrdreg s26;
	s26 =	sor.u32 s21, s14  }
0x1b8: {  	s17 =	sor.u32 s2, s11;
	s11 =	sor.u32 s2, s14;
	s14 =	sld [smem:$0x7E9]  }
0x1b9: {  	s13 =	sor.u32 s21, s19;
	vm0 =	veq.s32 v1, $0x0  }
0x1ba: {  	[dreg:$0x1f] =	wrdreg s13;
	vm1 =	veq.s32 v1, $0x1;
	v2 =	vsel vm0, $0x3F800000, v0  }
0x1bb: {  	s15 =	rddreg [dreg:$0x1f];
	vm2 =	veq.s32 v1, $0x2;
	vm0 =	veq.s32 v1, $0x3;
	v1 =	vsel vm1, $0x3F800000, v0;
	[tilespmem:s14+$0x0] =	vst v2  }
0x1bc: {  	s13 =	sor.u32 s21, s0;
	[tilespmem:s15+$0x0] =	vst v1;
	v1 =	vsel vm2, $0x3F800000, v0  }
0x1bd: {  	s20 =	rddreg [dreg:$0x1c];
	[tilespmem:s13+$0x0] =	vst v1;
	v1 =	vsel vm0, $0x3F800000, v0  }
0x1be: {  	s22 =	rddreg [dreg:$0x19];
	[tilespmem:s20+$0x0] =	vst v1  }
0x1bf: {  	v1 =	vld [tilespmem:s22+$0x0]  }
0x1c0: {  	[dreg:$0x16] =	wrdreg s26;
	s26 =	sor.u32 s21, s3  }
0x1c1: {  	[dreg:$0x13] =	wrdreg s26;
	s26 =	sor.u32 s21, s9  }
0x1c2: {  	[dreg:$0x10] =	wrdreg s26;
	s26 =	sor.u32 s21, s1  }
0x1c3: {  	[dreg:$0xd] =	wrdreg s26;
	s26 =	sor.u32 s2, s19  }
0x1c4: {  	[dreg:$0x7] =	wrdreg s26;
	vm0 =	veq.s32 v1, $0x0  }
0x1c5: {  	s24 =	rddreg [dreg:$0x16];
	vm1 =	veq.s32 v1, $0x1;
	v2 =	vsel vm0, $0x3F800000, v0  }
0x1c6: {  	s25 =	rddreg [dreg:$0x13];
	vm2 =	veq.s32 v1, $0x2;
	vm0 =	veq.s32 v1, $0x3;
	v1 =	vsel vm1, $0x3F800000, v0;
	[tilespmem:s24+$0x0] =	vst v2  }
0x1c7: {  	s26 =	rddreg [dreg:$0x10];
	[tilespmem:s25+$0x0] =	vst v1;
	v1 =	vsel vm2, $0x3F800000, v0  }
0x1c8: {  	s28 =	rddreg [dreg:$0xd];
	[tilespmem:s26+$0x0] =	vst v1;
	v1 =	vsel vm0, $0x3F800000, v0  }
0x1c9: {  	[tilespmem:s28+$0x0] =	vst v1  }
0x1ca: {  	v1 =	vld [tilespmem:s17+$0x0];
	_ =	sdelay $0x2  }
0x1cb: {  	s0 =	sor.u32 s2, s0  }
0x1cc: {  	[dreg:$0x4] =	wrdreg s0;
	s21 =	sor.u32 s2, s18  }
0x1cd: {  	[dreg:$0xa] =	wrdreg s21;
	vm0 =	veq.s32 v1, $0x0  }
0x1ce: {  	s29 =	rddreg [dreg:$0xa];
	vm1 =	veq.s32 v1, $0x1;
	v2 =	vsel vm0, $0x3F800000, v0  }
0x1cf: {  	s21 =	sor.u32 s2, s30;
	s30 =	rddreg [dreg:$0x7];
	vm2 =	veq.s32 v1, $0x2;
	vm0 =	veq.s32 v1, $0x3;
	v1 =	vsel vm1, $0x3F800000, v0;
	[tilespmem:s29+$0x0] =	vst v2  }
0x1d0: {  	s31 =	rddreg [dreg:$0x4];
	[tilespmem:s30+$0x0] =	vst v1;
	v1 =	vsel vm2, $0x3F800000, v0  }
0x1d1: {  	[tilespmem:s31+$0x0] =	vst v1;
	v1 =	vsel vm0, $0x3F800000, v0  }
0x1d2: {  	s16 =	sor.u32 s2, s16;
	[tilespmem:s21+$0x0] =	vst v1  }
0x1d3: {  	p2 =	slt.u32 s23, $0x7C;
	v1 =	vld [tilespmem:s16+$0x0]  }
.Ltmp7:
0x1d4: {  	_ = 	snop;
	(pc) =	sbr.rel @p2 .LBB2_11-.Ltmp7, $3  }
0x1d5: {  	_ =	sdelay $0x1  }
0x1d6: {  	s0 =	sor.u32 s2, s1  }
0x1d7: {  	s18 =	sor.u32 s2, s3;
	s19 =	sor.u32 s2, s9;
	s9 =	smov.u32 s5;
	vm2 =	veq.s32 v1, $0x0;
	vm1 =	veq.s32 v1, $0x1;
	vm0 =	veq.s32 v1, $0x2  }
0x1d8: {  	v2 =	vsel vm2, $0x3F800000, v0;
	s12 =	sld [smem:$0x7F9]  }
0x1d9: {  	s1 =	sld [smem:$0x7EC];
	[tilespmem:s11+$0x0] =	vst v2;
	v2 =	vsel vm1, $0x3F800000, v0  }
0x1da: {  	vm1 =	veq.s32 v1, $0x3;
	v1 =	vsel vm0, $0x3F800000, v0;
	[tilespmem:s18+$0x0] =	vst v2  }
0x1db: {  	s13 =	simm.s32 $0x0;
	[tilespmem:s19+$0x0] =	vst v1;
	v1 =	vsel vm1, $0x3F800000, v0  }
0x1dc: {  	s2 =	simm.s32 $0xC000;
	[tilespmem:s0+$0x0] =	vst v1;
	s0 =	sadd.s32 s1, s12;
	s1 =	sld [smem:$0x7F0]  }
0x1dd: {  	[hbm4b:s0+s13] =	stream.linear.scatter [tilespmem:s2], [sflag:$0x7], $0x4000, $0x38;
	[tilespmem:$0x14000] =	vst v63  }
0x1de: {  	s0 =	sld [smem:$0x7FA];
	_ =	sdelay $0x1  }
0x1df: {  	s3 =	simm.s32 @!p0 $0x2000;
	s14 =	simm.s32 $0x4  }
0x1e0: {  	s2 =	simm.s32 @!p0 $0x400;
	s0 =	sadd.s32 @!p0 s1, s0;
	s1 =	simm.s32 @!p0 $0x100  }
0x1e1: {  	[tilespmem:s3], [sflag:$0x3] =	stream.strided.gather @!p0 [hbm4b:s0+s1], $0x1000, s2, s1, $0x38;
	[tilespmem:$0x14000] =	vst v63  }
0x1e2: {  	_ =	swait.ge [sflag:s14], $0x1000  }
0x1e3: {  	[sflag:s14] =	ssyncset.done $0x0  }
0x1e4: {  	s15 =	simm.s32 $0x0;
	s2 =	simm.s32 @!p1 $0x8;
	[sflag:s14] =	ssyncadd.s32 $0xFFFFF000  }
0x1e5: {  	s9 =	simm.s32 $0x0;
	s4 =	sand.u32 $0x3FFFFF00, s15;
	_ =	swait.ge @!p1 [sflag:s2], $0x4000  }
0x1e6: {  	s1 =	sand.u32 $0x40, s9;
	s0 =	sadd.s32 $0x3000, s4;
	[sflag:s2] =	ssyncset.done @!p1 $0x0  }
0x1e7: {  	s16 =	sor.u32 s1, s0;
	[sflag:s2] =	ssyncadd.s32 @!p1 $0xFFFFC000  }
0x1e8: {  	v1 =	vld [tilespmem:s16+$0x0];
	_ =	sdelay $0x2  }
0x1e9: {  	s17 =	simm.s32 $0x0  }
0x1ea: {  	s2 =	sand.u32 $0x3FFFFE00, s17  }
0x1eb: {  	s11 =	sadd.s32 $0x10000, s2;
	vm0 =	veq.s32 v1, $0x0  }
0x1ec: {  	s6 =	sadd.s32 $0x10080, s2;
	s18 =	sor.u32 s1, s11;
	vm1 =	veq.s32 v1, $0x1;
	v2 =	vsel vm0, $0x3F800000, v0  }
0x1ed: {  	s8 =	sadd.s32 $0x10100, s2;
	s5 =	sor.u32 s1, s6;
	vm0 =	veq.s32 v1, $0x2;
	[tilespmem:s18+$0x0] =	vst v2;
	v2 =	vsel vm1, $0x3F800000, v0  }
0x1ee: {  	s3 =	sadd.s32 $0x10180, s2;
	s7 =	sor.u32 s1, s8;
	vm1 =	veq.s32 v1, $0x3;
	v1 =	vsel vm0, $0x3F800000, v0;
	[tilespmem:s5+$0x0] =	vst v2  }
0x1ef: {  	s10 =	sor.u32 s1, s3;
	s5 =	sadd.s32 $0x3080, s4;
	[tilespmem:s7+$0x0] =	vst v1;
	v1 =	vsel vm1, $0x3F800000, v0  }
0x1f0: {  	s4 =	sor.u32 s1, s5;
	[tilespmem:s10+$0x0] =	vst v1  }
0x1f1: {  	v1 =	vld [tilespmem:s4+$0x0];
	_ =	sdelay $0x4  }
0x1f2: {  	s4 =	sadd.s32 $0x12000, s2;
	vm0 =	veq.s32 v1, $0x0  }
0x1f3: {  	s17 =	sadd.s32 $0x12080, s2;
	s19 =	sor.u32 s1, s4;
	vm1 =	veq.s32 v1, $0x1;
	v2 =	vsel vm0, $0x3F800000, v0  }
0x1f4: {  	s12 =	sor.u32 s1, s17;
	s10 =	sadd.s32 $0x12100, s2;
	vm0 =	veq.s32 v1, $0x2;
	[tilespmem:s19+$0x0] =	vst v2;
	v2 =	vsel vm1, $0x3F800000, v0  }
0x1f5: {  	s20 =	sor.u32 s1, s10;
	s2 =	sadd.s32 $0x12180, s2;
	vm1 =	veq.s32 v1, $0x3;
	v1 =	vsel vm0, $0x3F800000, v0;
	[tilespmem:s12+$0x0] =	vst v2  }
0x1f6: {  	s21 =	sor.u32 $0x10, s1;
	s22 =	sor.u32 s1, s2;
	[tilespmem:s20+$0x0] =	vst v1;
	v1 =	vsel vm1, $0x3F800000, v0  }
0x1f7: {  	s23 =	sor.u32 s21, s0;
	[tilespmem:s22+$0x0] =	vst v1  }
0x1f8: {  	v1 =	vld [tilespmem:s23+$0x0];
	_ =	sdelay $0x4  }
0x1f9: {  	vm0 =	veq.s32 v1, $0x0  }
0x1fa: {  	s24 =	sor.u32 s21, s11;
	vm1 =	veq.s32 v1, $0x1;
	v2 =	vsel vm0, $0x3F800000, v0  }
0x1fb: {  	s25 =	sor.u32 s21, s6;
	vm0 =	veq.s32 v1, $0x2;
	[tilespmem:s24+$0x0] =	vst v2;
	v2 =	vsel vm1, $0x3F800000, v0  }
0x1fc: {  	s26 =	sor.u32 s21, s8;
	vm1 =	veq.s32 v1, $0x3;
	v1 =	vsel vm0, $0x3F800000, v0;
	[tilespmem:s25+$0x0] =	vst v2  }
0x1fd: {  	s28 =	sor.u32 s21, s3;
	[tilespmem:s26+$0x0] =	vst v1;
	v1 =	vsel vm1, $0x3F800000, v0  }
0x1fe: {  	s29 =	sor.u32 s21, s5;
	[tilespmem:s28+$0x0] =	vst v1  }
0x1ff: {  	v1 =	vld [tilespmem:s29+$0x0];
	_ =	sdelay $0x4  }
0x200: {  	vm0 =	veq.s32 v1, $0x0  }
0x201: {  	s30 =	sor.u32 s21, s4;
	vm1 =	veq.s32 v1, $0x1;
	v2 =	vsel vm0, $0x3F800000, v0  }
0x202: {  	s31 =	sor.u32 s21, s17;
	vm0 =	veq.s32 v1, $0x2;
	[tilespmem:s30+$0x0] =	vst v2;
	v2 =	vsel vm1, $0x3F800000, v0  }
0x203: {  	s13 =	sor.u32 s21, s10;
	vm1 =	veq.s32 v1, $0x3;
	v1 =	vsel vm0, $0x3F800000, v0;
	[tilespmem:s31+$0x0] =	vst v2  }
0x204: {  	s14 =	sor.u32 $0x20, s1;
	s12 =	sor.u32 s21, s2;
	[tilespmem:s13+$0x0] =	vst v1;
	v1 =	vsel vm1, $0x3F800000, v0  }
0x205: {  	s15 =	sor.u32 s14, s0;
	[tilespmem:s12+$0x0] =	vst v1  }
0x206: {  	v1 =	vld [tilespmem:s15+$0x0];
	_ =	sdelay $0x4  }
0x207: {  	vm0 =	veq.s32 v1, $0x0  }
0x208: {  	s16 =	sor.u32 s14, s11;
	vm1 =	veq.s32 v1, $0x1;
	v2 =	vsel vm0, $0x3F800000, v0  }
0x209: {  	s18 =	sor.u32 s14, s6;
	vm0 =	veq.s32 v1, $0x2;
	[tilespmem:s16+$0x0] =	vst v2;
	v2 =	vsel vm1, $0x3F800000, v0  }
0x20a: {  	s19 =	sor.u32 s14, s8;
	vm1 =	veq.s32 v1, $0x3;
	v1 =	vsel vm0, $0x3F800000, v0;
	[tilespmem:s18+$0x0] =	vst v2  }
0x20b: {  	s20 =	sor.u32 s14, s3;
	[tilespmem:s19+$0x0] =	vst v1;
	v1 =	vsel vm1, $0x3F800000, v0  }
0x20c: {  	s21 =	sor.u32 s14, s5;
	[tilespmem:s20+$0x0] =	vst v1  }
0x20d: {  	v1 =	vld [tilespmem:s21+$0x0];
	_ =	sdelay $0x4  }
0x20e: {  	vm0 =	veq.s32 v1, $0x0  }
0x20f: {  	s22 =	sor.u32 s14, s4;
	vm1 =	veq.s32 v1, $0x1;
	v2 =	vsel vm0, $0x3F800000, v0  }
0x210: {  	s23 =	sor.u32 s14, s17;
	vm0 =	veq.s32 v1, $0x2;
	[tilespmem:s22+$0x0] =	vst v2;
	v2 =	vsel vm1, $0x3F800000, v0  }
0x211: {  	s24 =	sor.u32 s14, s10;
	vm1 =	veq.s32 v1, $0x3;
	v1 =	vsel vm0, $0x3F800000, v0;
	[tilespmem:s23+$0x0] =	vst v2  }
0x212: {  	s7 =	sor.u32 s14, s2;
	s1 =	sor.u32 $0x30, s1;
	[tilespmem:s24+$0x0] =	vst v1;
	v1 =	vsel vm1, $0x3F800000, v0  }
0x213: {  	s0 =	sor.u32 s1, s0;
	[tilespmem:s7+$0x0] =	vst v1  }
0x214: {  	v1 =	vld [tilespmem:s0+$0x0];
	_ =	sdelay $0x4  }
0x215: {  	vm0 =	veq.s32 v1, $0x0  }
0x216: {  	s25 =	sor.u32 s1, s11;
	vm1 =	veq.s32 v1, $0x1;
	v2 =	vsel vm0, $0x3F800000, v0  }
0x217: {  	s26 =	sor.u32 s1, s6;
	vm0 =	veq.s32 v1, $0x2;
	[tilespmem:s25+$0x0] =	vst v2;
	v2 =	vsel vm1, $0x3F800000, v0  }
0x218: {  	s28 =	sor.u32 s1, s8;
	vm1 =	veq.s32 v1, $0x3;
	v1 =	vsel vm0, $0x3F800000, v0;
	[tilespmem:s26+$0x0] =	vst v2  }
0x219: {  	s29 =	sor.u32 s1, s3;
	[tilespmem:s28+$0x0] =	vst v1;
	v1 =	vsel vm1, $0x3F800000, v0  }
0x21a: {  	s30 =	sor.u32 s1, s5;
	[tilespmem:s29+$0x0] =	vst v1  }
0x21b: {  	v1 =	vld [tilespmem:s30+$0x0]  }
0x21c: {  	s31 =	sld [smem:$0x7EE];
	_ =	sdelay $0x1  }
0x21d: {  	s11 =	sor.u32 s1, s4  }
0x21e: {  	s15 =	sor.u32 s1, s10;
	s18 =	sor.u32 s1, s17;
	s0 =	sadd.s32 $0x6, s31  }
0x21f: {  	s23 =	simm.s32 $0x0;
	[smem:$0x7E7] =	sst s0;
	s0 =	sor.u32 s1, s2;
	vm2 =	veq.s32 v1, $0x0;
	vm1 =	veq.s32 v1, $0x1;
	vm0 =	veq.s32 v1, $0x2  }
.LBB2_13:
0x220: {  	s23 =	sadd.s32 $0x4, s23;
	v2 =	vsel vm2, $0x3F800000, v0  }
0x221: {  	vm2 =	veq.s32 v1, $0x3;
	v1 =	vsel vm1, $0x3F800000, v0;
	s2 =	sshll.u32 s23, $0x5;
	[tilespmem:s11+$0x0] =	vst v2  }
0x222: {  	s5 =	sadd.s32 $0x40, s9;
	s2 =	sand.u32 $0x3FFFFF00, s2;
	[tilespmem:s18+$0x0] =	vst v1;
	v1 =	vsel vm0, $0x3F800000, v0  }
0x223: {  	s17 =	sand.u32 $0x40, s5;
	s11 =	sadd.s32 $0x3000, s2;
	[tilespmem:s15+$0x0] =	vst v1;
	v1 =	vsel vm2, $0x3F800000, v0  }
0x224: {  	s25 =	sor.u32 s17, s11;
	[tilespmem:s0+$0x0] =	vst v1  }
0x225: {  	v1 =	vld [tilespmem:s25+$0x0];
	_ =	sdelay $0x2  }
0x226: {  	s3 =	sshll.u32 s23, $0x6  }
0x227: {  	s4 =	sand.u32 $0x3FFFFE00, s3  }
0x228: {  	s18 =	sadd.s32 $0x10000, s4;
	vm0 =	veq.s32 v1, $0x0  }
0x229: {  	s15 =	sadd.s32 $0x10080, s4;
	s10 =	sor.u32 s17, s18;
	vm1 =	veq.s32 v1, $0x1;
	v2 =	vsel vm0, $0x3F800000, v0  }
0x22a: {  	s12 =	sor.u32 s17, s15;
	s0 =	sadd.s32 $0x10100, s4;
	vm2 =	veq.s32 v1, $0x2;
	vm0 =	veq.s32 v1, $0x3;
	v1 =	vsel vm1, $0x3F800000, v0;
	[tilespmem:s10+$0x0] =	vst v2  }
0x22b: {  	s28 =	sadd.s32 $0x10180, s4;
	s13 =	sor.u32 s17, s0;
	[tilespmem:s12+$0x0] =	vst v1;
	v1 =	vsel vm2, $0x3F800000, v0  }
0x22c: {  	s16 =	sadd.s32 $0x3080, s2;
	s26 =	sor.u32 s17, s28;
	[tilespmem:s13+$0x0] =	vst v1;
	v1 =	vsel vm0, $0x3F800000, v0  }
0x22d: {  	s2 =	sor.u32 s17, s16;
	[tilespmem:s26+$0x0] =	vst v1  }
0x22e: {  	v1 =	vld [tilespmem:s2+$0x0];
	_ =	sdelay $0x4  }
0x22f: {  	s14 =	sadd.s32 $0x12000, s4;
	vm0 =	veq.s32 v1, $0x0  }
0x230: {  	s3 =	sadd.s32 $0x12080, s4;
	s20 =	sor.u32 s17, s14;
	vm1 =	veq.s32 v1, $0x1;
	v2 =	vsel vm0, $0x3F800000, v0  }
0x231: {  	s9 =	sadd.s32 $0x12100, s4;
	s6 =	sor.u32 s17, s3;
	vm2 =	veq.s32 v1, $0x2;
	vm0 =	veq.s32 v1, $0x3;
	v1 =	vsel vm1, $0x3F800000, v0;
	[tilespmem:s20+$0x0] =	vst v2  }
0x232: {  	s1 =	sadd.s32 $0x12180, s4;
	s19 =	sor.u32 s17, s9;
	[tilespmem:s6+$0x0] =	vst v1;
	v1 =	vsel vm2, $0x3F800000, v0  }
0x233: {  	s29 =	sor.u32 $0x10, s17;
	s24 =	sor.u32 s17, s1;
	[tilespmem:s19+$0x0] =	vst v1;
	v1 =	vsel vm0, $0x3F800000, v0  }
0x234: {  	s22 =	sor.u32 s29, s11;
	[tilespmem:s24+$0x0] =	vst v1  }
0x235: {  	v1 =	vld [tilespmem:s22+$0x0];
	_ =	sdelay $0x4  }
0x236: {  	vm0 =	veq.s32 v1, $0x0  }
0x237: {  	s4 =	sor.u32 s29, s18;
	vm1 =	veq.s32 v1, $0x1;
	v2 =	vsel vm0, $0x3F800000, v0  }
0x238: {  	s8 =	sor.u32 s29, s15;
	vm2 =	veq.s32 v1, $0x2;
	vm0 =	veq.s32 v1, $0x3;
	v1 =	vsel vm1, $0x3F800000, v0;
	[tilespmem:s4+$0x0] =	vst v2  }
0x239: {  	s30 =	sor.u32 s29, s0;
	[tilespmem:s8+$0x0] =	vst v1;
	v1 =	vsel vm2, $0x3F800000, v0  }
0x23a: {  	s7 =	sor.u32 s29, s28;
	[tilespmem:s30+$0x0] =	vst v1;
	v1 =	vsel vm0, $0x3F800000, v0  }
0x23b: {  	s31 =	sor.u32 s29, s16;
	[tilespmem:s7+$0x0] =	vst v1  }
0x23c: {  	v1 =	vld [tilespmem:s31+$0x0];
	_ =	sdelay $0x4  }
0x23d: {  	s21 =	sor.u32 s29, s3;
	vm0 =	veq.s32 v1, $0x0  }
0x23e: {  	[smem:$0x7E4] =	sst s21;
	s10 =	sor.u32 s29, s14;
	v2 =	vsel vm0, $0x3F800000, v0  }
0x23f: {  	[tilespmem:s10+$0x0] =	vst v2;
	s10 =	sld [smem:$0x7E4]  }
0x240: {  	vm1 =	veq.s32 v1, $0x1  }
0x241: {  	vm2 =	veq.s32 v1, $0x2;
	vm0 =	veq.s32 v1, $0x3;
	v1 =	vsel vm1, $0x3F800000, v0  }
0x242: {  	s25 =	sor.u32 s29, s9;
	[tilespmem:s10+$0x0] =	vst v1;
	v1 =	vsel vm2, $0x3F800000, v0  }
0x243: {  	s21 =	sor.u32 $0x20, s17;
	s12 =	sor.u32 s29, s1;
	[tilespmem:s25+$0x0] =	vst v1;
	v1 =	vsel vm0, $0x3F800000, v0  }
0x244: {  	s29 =	sor.u32 s21, s11;
	s13 =	sor.u32 s21, s18;
	[tilespmem:s12+$0x0] =	vst v1  }
0x245: {  	[smem:$0x7E5] =	sst s13;
	s13 =	sor.u32 s21, s15;
	v1 =	vld [tilespmem:s29+$0x0]  }
0x246: {  	s26 =	sor.u32 s21, s28;
	[smem:$0x7E6] =	sst s13  }
0x247: {  	[dreg:$0x1d] =	wrdreg s26;
	s26 =	sor.u32 s21, s16  }
0x248: {  	s2 =	sor.u32 $0x30, s17;
	[dreg:$0x1a] =	wrdreg s26;
	s26 =	sor.u32 s21, s14  }
0x249: {  	s17 =	sor.u32 s2, s11;
	s11 =	sor.u32 s2, s14;
	s14 =	sld [smem:$0x7E5]  }
0x24a: {  	s19 =	sld [smem:$0x7E6];
	vm0 =	veq.s32 v1, $0x0  }
0x24b: {  	vm1 =	veq.s32 v1, $0x1;
	v2 =	vsel vm0, $0x3F800000, v0  }
0x24c: {  	vm2 =	veq.s32 v1, $0x2;
	vm0 =	veq.s32 v1, $0x3;
	v1 =	vsel vm1, $0x3F800000, v0;
	[tilespmem:s14+$0x0] =	vst v2  }
0x24d: {  	s13 =	sor.u32 s21, s0;
	[tilespmem:s19+$0x0] =	vst v1;
	v1 =	vsel vm2, $0x3F800000, v0  }
0x24e: {  	s20 =	rddreg [dreg:$0x1d];
	[tilespmem:s13+$0x0] =	vst v1;
	v1 =	vsel vm0, $0x3F800000, v0  }
0x24f: {  	s22 =	rddreg [dreg:$0x1a];
	[tilespmem:s20+$0x0] =	vst v1  }
0x250: {  	[dreg:$0x17] =	wrdreg s26;
	s26 =	sor.u32 s21, s3;
	v1 =	vld [tilespmem:s22+$0x0]  }
0x251: {  	[dreg:$0x14] =	wrdreg s26;
	s26 =	sor.u32 s21, s9  }
0x252: {  	[dreg:$0x11] =	wrdreg s26;
	s26 =	sor.u32 s21, s1  }
0x253: {  	s21 =	sor.u32 s2, s18;
	[dreg:$0xe] =	wrdreg s26  }
0x254: {  	[dreg:$0xb] =	wrdreg s21;
	s26 =	sor.u32 s2, s15  }
0x255: {  	[dreg:$0x8] =	wrdreg s26;
	vm0 =	veq.s32 v1, $0x0  }
0x256: {  	s24 =	rddreg [dreg:$0x17];
	vm1 =	veq.s32 v1, $0x1;
	v2 =	vsel vm0, $0x3F800000, v0  }
0x257: {  	s25 =	rddreg [dreg:$0x14];
	vm2 =	veq.s32 v1, $0x2;
	vm0 =	veq.s32 v1, $0x3;
	v1 =	vsel vm1, $0x3F800000, v0;
	[tilespmem:s24+$0x0] =	vst v2  }
0x258: {  	s26 =	rddreg [dreg:$0x11];
	[tilespmem:s25+$0x0] =	vst v1;
	v1 =	vsel vm2, $0x3F800000, v0  }
0x259: {  	s21 =	sor.u32 s2, s28;
	s28 =	rddreg [dreg:$0xe];
	[tilespmem:s26+$0x0] =	vst v1;
	v1 =	vsel vm0, $0x3F800000, v0  }
0x25a: {  	[tilespmem:s28+$0x0] =	vst v1  }
0x25b: {  	v1 =	vld [tilespmem:s17+$0x0];
	_ =	sdelay $0x3  }
0x25c: {  	s0 =	sor.u32 s2, s0  }
0x25d: {  	[dreg:$0x5] =	wrdreg s0;
	vm0 =	veq.s32 v1, $0x0  }
0x25e: {  	s29 =	rddreg [dreg:$0xb];
	vm1 =	veq.s32 v1, $0x1;
	v2 =	vsel vm0, $0x3F800000, v0  }
0x25f: {  	s30 =	rddreg [dreg:$0x8];
	vm2 =	veq.s32 v1, $0x2;
	vm0 =	veq.s32 v1, $0x3;
	v1 =	vsel vm1, $0x3F800000, v0;
	[tilespmem:s29+$0x0] =	vst v2  }
0x260: {  	s31 =	rddreg [dreg:$0x5];
	[tilespmem:s30+$0x0] =	vst v1;
	v1 =	vsel vm2, $0x3F800000, v0  }
0x261: {  	[tilespmem:s31+$0x0] =	vst v1;
	v1 =	vsel vm0, $0x3F800000, v0  }
0x262: {  	s16 =	sor.u32 s2, s16;
	[tilespmem:s21+$0x0] =	vst v1  }
0x263: {  	p1 =	slt.u32 s23, $0x7C;
	v1 =	vld [tilespmem:s16+$0x0]  }
.Ltmp8:
0x264: {  	_ = 	snop;
	(pc) =	sbr.rel @p1 .LBB2_13-.Ltmp8, $3  }
0x265: {  	_ =	sdelay $0x1  }
0x266: {  	s0 =	sor.u32 s2, s1  }
0x267: {  	s18 =	sor.u32 s2, s3;
	s15 =	sor.u32 s2, s9;
	s9 =	smov.u32 s5;
	vm2 =	veq.s32 v1, $0x0;
	vm1 =	veq.s32 v1, $0x1;
	vm0 =	veq.s32 v1, $0x2  }
0x268: {  	v2 =	vsel vm2, $0x3F800000, v0;
	s1 =	sld [smem:$0x7E7]  }
.Ltmp9:
0x269: {  	[tilespmem:s11+$0x0] =	vst v2;
	v2 =	vsel vm1, $0x3F800000, v0;
	(pc) =	sbr.rel @p0 .LBB2_16-.Ltmp9, $4  }
0x26a: {  	vm15 =	veq.s32 v1, $0x3;
	v1 =	vsel vm0, $0x3F800000, v0;
	[tilespmem:s18+$0x0] =	vst v2  }
0x26b: {  	s30 =	rddreg [dreg:$0x1];
	[tilespmem:s15+$0x0] =	vst v1;
	v1 =	vsel vm15, $0x3F800000, v0;
	s1 =	sshll.u32 s1, $0xA  }
0x26c: {  	s31 =	simm.s32 $0x0;
	s2 =	simm.s32 $0x10000;
	[tilespmem:s0+$0x0] =	vst v1;
	s0 =	sadd.s32 s30, s1  }
0x26d: {  	[hbm4b:s0+s31] =	stream.linear.scatter [tilespmem:s2], [sflag:$0x8], $0x4000, $0x38;
	[tilespmem:$0x14000] =	vst v63  }
0x26e: {  	s0 =	sld [smem:$0x7FC]  }
0x26f: {  	s1 =	sld [smem:$0x7F0]  }
.Ltmp10:
0x270: {  	s25 =	sld [smem:$0x7ED];
	(pc) =	sbr.rel .LBB2_2-.Ltmp10, $4  }
0x271: {  	_ = 	snop  }
0x272: {  	s31 =	simm.s32 $0x100;
	s2 =	simm.s32 $0x400  }
0x273: {  	s3 =	simm.s32 $0x3000;
	s0 =	sadd.s32 s1, s0;
	s25 =	sadd.s32 $0x1, s25  }
0x274: {  	[tilespmem:s3], [sflag:$0x4] =	stream.strided.gather [hbm4b:s0+s31], $0x1000, s2, s31, $0x38;
	[tilespmem:$0x14000] =	vst v63  }
.LBB2_17:
0x275: {  	_ =	sfence.sel $0x180000  }
0x276: {  	[bflag:$0x0] =	sbarrier.arrive $0xFFFF  }
0x277: {  	_ =	strace $0x90000047  }
0x278: {  	s0 =	stileid.u32;
	[bflag:$0x2] =	sbarrier.arrive $0xFFFF  }
0x279: {  	p0 =	sne.s32 s0, $0x0;
	s0 =	rddreg [dreg:$0x2]  }
0x27a: {  	s0 =	sadd.s32 @!p0 $0x100000, s0  }
0x27b: {  	[sflag:s0] =	ssyncadd.tile.s32 @!p0 $0x1;
	_ =	shalt  }
.Lfunc_end2:
_tile_overlayer_lowered:
.L_overlay_start_2:
0x27c: {  	(tag) =	ssettag $0x2  }
0x27d: {  	s0 =	rddreg [dreg:$0x0];
	s2 =	stileid.u32  }
0x27e: {  	s1 =	rddreg [dreg:$0x1];
	p0 =	sne.s32 s2, $0x0  }
0x27f: {  	s3 =	rddreg [dreg:$0x2];
	[bflag:$0x3] =	sbarrier.arrive $0xFFFF;
	s2 =	simm.s32 @!p0 $0x1C09  }
0x280: {  	[timem:s3], [sflag:s2] =	dma.local @!p0 [hbm:s0], s1  }
0x281: {  	s0 =	simm.s32 @!p0 $0x9  }
0x282: {  	_ =	swait.ge @!p0 [sflag:s0], s1  }
0x283: {  	s1 =	ssub.s32 @!p0 $0x0, s1;
	[sflag:s0] =	ssyncset.done @!p0 $0x0  }
0x284: {  	[sflag:s0] =	ssyncadd.s32 @!p0 s1  }
0x285: {  	[bflag:$0x3] =	sbarrier.arrive $0xFFFF  }
0x286: {  	_ =	shalt  }

</sc_bundles>
